<compile_context>
chip_gen: v7x
topology: tpu7x:2x2x1
jax: 0.10.2.dev20260603
libtpu: 0.0.44.dev20260713+nightly
codegen_flags: <defaults>
</compile_context>

<pallas_src>
import functools

import jax
import jax.numpy as jnp
from jax import lax
from jax.experimental import pallas as pl
from jax.experimental.pallas import tpu as pltpu
from jax.experimental.pallas import tpu_sc as plsc

E = 100000
EP = 102400
D = 64
N = 204800
NC = 2
NS = 16
L = 16
GU = 32
UNITS_PER_TILE = N // NS
QU = 1600
NQ = UNITS_PER_TILE // QU
QITER = QU // GU
NCHUNK = 8
CH = EP // NCHUNK
W = CH // NS
TRASH = CH
ACC_ROWS = CH + 8
SUB = 8


def _scatter_body(grad_hbm, idx_hbm, zero_hbm, out_hbm,
                  ibuf, lbuf, gbuf, bufa, bufc, sem, gsem, acc):
    c = lax.axis_index("c")
    s = lax.axis_index("s")

    lo = s * W
    u0t = s * UNITS_PER_TILE
    for k in range(NCHUNK // NC):
        base = c * (NCHUNK // NC * CH) + k * CH

        pltpu.sync_copy(zero_hbm.at[pl.ds(0, W)], acc.at[pl.ds(lo, W)])
        plsc.subcore_barrier()

        def compute_offsets(i, par):
            for j in range(GU // L):
                v = ibuf[pl.ds(i * GU + j * L, L)]
                ok = jnp.logical_and(
                    v != 0,
                    jnp.logical_and(v >= base, v < base + CH))
                lbuf[par, pl.ds(j * L, L)] = jnp.where(
                    ok, v - base, TRASH)

        def batch(q, carry):
            uq = u0t + q * QU
            pltpu.sync_copy(idx_hbm.at[pl.ds(uq, QU)], ibuf)
            compute_offsets(0, 0)
            pltpu.async_copy(grad_hbm.at[pl.ds(uq, GU)], gbuf.at[0], gsem)
            pltpu.make_async_copy(grad_hbm.at[pl.ds(uq, GU)],
                                  gbuf.at[0], gsem).wait()
            pltpu.async_copy(gbuf.at[0], acc.at[lbuf.at[0]], sem,
                             add=True)
            pltpu.async_copy(grad_hbm.at[pl.ds(uq + GU, GU)],
                             gbuf.at[1], gsem)
            compute_offsets(1, 1)

            def step(i, carry2):
                par = lax.rem(i, 2)
                inext = jnp.minimum(i + 1, QITER - 1)
                pltpu.make_async_copy(grad_hbm.at[pl.ds(uq, GU)],
                                      gbuf.at[1 - par], sem).wait()
                pltpu.async_copy(grad_hbm.at[pl.ds(uq + inext * GU, GU)],
                                 gbuf.at[1 - par], gsem)
                compute_offsets(inext, 1 - par)
                pltpu.make_async_copy(grad_hbm.at[pl.ds(uq, GU)],
                                      gbuf.at[par], gsem).wait()
                pltpu.async_copy(gbuf.at[par], acc.at[lbuf.at[par]],
                                 sem, add=True)
                return carry2

            lax.fori_loop(1, QITER, step, 0)
            pltpu.make_async_copy(grad_hbm.at[pl.ds(uq, GU)],
                                  gbuf.at[0], sem).wait()
            pltpu.make_async_copy(grad_hbm.at[pl.ds(uq, GU)],
                                  gbuf.at[0], gsem).wait()
            return carry

        lax.fori_loop(0, NQ, batch, 0)
        plsc.subcore_barrier()

        def comb(t, carry):
            r0 = lo + t * SUB
            pltpu.sync_copy(acc.at[pl.ds(r0, SUB)], bufa)
            for r in range(SUB):
                for qq in range(D // L):
                    bufc[r, pl.ds(qq * L, L)] = bufa[r, pl.ds(qq * L, L)]
            pltpu.sync_copy(bufc, out_hbm.at[pl.ds(base + r0, SUB)])
            return carry

        lax.fori_loop(0, W // SUB, comb, 0)
        plsc.subcore_barrier()


_scatter = functools.partial(
    pl.kernel,
    mesh=plsc.VectorSubcoreMesh(core_axis_name="c", subcore_axis_name="s"),
    out_type=jax.ShapeDtypeStruct((EP, D), jnp.float32),
    scratch_types=[
        pltpu.VMEM((QU,), jnp.int32),
        pltpu.VMEM((2, GU), jnp.int32),
        pltpu.VMEM((2, GU, 2 * D), jnp.float32),
        pltpu.VMEM((SUB, 2 * D), jnp.float32),
        pltpu.VMEM((SUB, D), jnp.float32),
        pltpu.SemaphoreType.DMA,
        pltpu.SemaphoreType.DMA,
        pltpu.VMEM_SHARED((ACC_ROWS, 2 * D), jnp.float32),
    ],
)(_scatter_body)


@jax.jit
def _run(grad2, flat_idx):
    zero = jnp.zeros((W, 2 * D), jnp.float32)
    padded = _scatter(grad2, flat_idx, zero)
    return padded[:E]


def kernel(grad_output, indices, num_embeddings):
    flat_grad = grad_output.reshape(N, D)
    grad2 = jnp.concatenate([flat_grad, flat_grad], axis=1)
    flat_idx = indices.reshape(N).astype(jnp.int32)
    return _run(grad2, flat_idx)

# --- scband reference (transcript-rebuilt; emitter-appended) ---
"""Pipeline reference for scband-model-48911087567432 (READ-ONLY COPY).

The authoritative reference and input builder live on the scoring server;
editing this copy changes nothing except your own understanding.
"""

import jax, jax.numpy as jnp
import numpy as np

PADDING_IDX = 0
NUM_EMBEDDINGS = 100000

def setup_inputs(seed: int = 0) -> dict:
    key = jax.random.key(seed)
    k1, k2 = jax.random.split(key)
    grad_output = jax.random.normal(k1, (4096, 50, 64), dtype=jnp.float32)
    indices = jax.random.randint(k2, (4096, 50), 0, 100000, dtype=jnp.int64)
    return {"grad_output": grad_output, "indices": indices, "num_embeddings": 100000}

def reference(grad_output, indices, num_embeddings):
    embedding_dim = grad_output.shape[-1]
    flat_indices = indices.reshape(-1)
    flat_grad = grad_output.reshape(-1, embedding_dim)
    # zero out contributions from padding_idx rows instead of skipping them
    mask = (flat_indices != PADDING_IDX).astype(flat_grad.dtype)
    masked_grad = flat_grad * mask[:, None]
    dense_grad = jnp.zeros((NUM_EMBEDDINGS, embedding_dim), dtype=jnp.float32)
    dense_grad = dense_grad.at[flat_indices].add(masked_grad)
    one = (jnp.asarray(num_embeddings) * 0 + 1).astype(jnp.float32)
    return dense_grad * one

if __name__ == "__main__":
    import jax
    _d = setup_inputs()
    print(jax.jit(kernel)(*tuple(_d.values())))

</pallas_src>

<mosaic_0001>
#map = affine_map<(d0, d1) -> (0, 0)>
#map1 = affine_map<(d0, d1) -> (0)>
module attributes {stable_mosaic.version = 14 : i64} {
  func.func @_scatter_body(%arg0: i32, %arg1: i32, %arg2: memref<204800x128xf32, #tpu.memory_space<hbm>>, %arg3: memref<204800xi32, #tpu.memory_space<hbm>>, %arg4: memref<800x128xf32, #tpu.memory_space<hbm>>, %arg5: memref<102400x64xf32, #tpu.memory_space<hbm>>, %arg6: memref<1600xi32, #tpu.memory_space<vmem>>, %arg7: memref<2x32xi32, #tpu.memory_space<vmem>>, %arg8: memref<2x32x128xf32, #tpu.memory_space<vmem>>, %arg9: memref<8x128xf32, #tpu.memory_space<vmem>>, %arg10: memref<8x64xf32, #tpu.memory_space<vmem>>, %arg11: memref<!tpu.dma_semaphore, #tpu.memory_space<semaphore_mem>>, %arg12: memref<!tpu.dma_semaphore, #tpu.memory_space<semaphore_mem>>, %arg13: memref<12808x128xf32, #tpu.memory_space<vmem_shared>>) attributes {dimension_semantics = [#tpu.dimension_semantics<core_parallel>, #tpu.dimension_semantics<subcore_parallel>], iteration_bounds = array<i64: 2, 16>, scalar_prefetch = 0 : i64, scratch_operands = 8 : i64, tpu.core_type = #tpu.core_type<sc_vector_subcore>, window_params = [{transform_indices = #map}, {transform_indices = #map1}, {transform_indices = #map}, {transform_indices = #map}]} {
    %mul3A = arith.constant 800 : i32
    %mul3A_0 = arith.muli %arg1, %mul3A : i32
    %mul3A_1 = arith.constant 12800 : i32
    %mul3A_2 = arith.muli %arg1, %mul3A_1 : i32
    %mul3A_3 = arith.constant 51200 : i32
    %mul3A_4 = arith.muli %arg0, %mul3A_3 : i32
    %add3A = arith.constant 0 : i32
    %add3A_5 = arith.addi %mul3A_4, %add3A : i32
    "tpu.region"() ({
      %run_scoped3A = tpu.sem_alloc : memref<!tpu.dma_semaphore, #tpu.memory_space<semaphore_mem>>
      %dma_start3A = arith.constant 0 : i32
      %dma_start3A_76 = tpu.memref_slice %arg13[%mul3A_0, %dma_start3A] : memref<12808x128xf32, #tpu.memory_space<vmem_shared>> -> memref<800x128xf32, #tpu.memory_space<vmem_shared>>
      %dma_start3A_77 = arith.constant 0 : i32
      %dma_start3A_78 = arith.constant 0 : i32
      %dma_start3A_79 = tpu.memref_slice %arg4[%dma_start3A_77, %dma_start3A_78] : memref<800x128xf32, #tpu.memory_space<hbm>> -> memref<800x128xf32, #tpu.memory_space<hbm>>
      tpu.enqueue_dma source(%dma_start3A_79 : memref<800x128xf32, #tpu.memory_space<hbm>>) target(%dma_start3A_76 : memref<800x128xf32, #tpu.memory_space<vmem_shared>>) target_semaphore(%run_scoped3A : memref<!tpu.dma_semaphore, #tpu.memory_space<semaphore_mem>>)
      %dma_wait3A = arith.constant 0 : i32
      %dma_wait3A_80 = tpu.memref_slice %arg13[%mul3A_0, %dma_wait3A] : memref<12808x128xf32, #tpu.memory_space<vmem_shared>> -> memref<800x128xf32, #tpu.memory_space<vmem_shared>>
      %dma_wait3A_81 = arith.constant 0 : i32
      %dma_wait3A_82 = arith.constant 0 : i32
      %dma_wait3A_83 = tpu.memref_slice %arg4[%dma_wait3A_81, %dma_wait3A_82] : memref<800x128xf32, #tpu.memory_space<hbm>> -> memref<800x128xf32, #tpu.memory_space<hbm>>
      tpu.wait_dma2 semaphore(%run_scoped3A : memref<!tpu.dma_semaphore, #tpu.memory_space<semaphore_mem>>) src(%dma_wait3A_83 : memref<800x128xf32, #tpu.memory_space<hbm>>) dst(%dma_wait3A_80 : memref<800x128xf32, #tpu.memory_space<vmem_shared>>)
      tpu.yield
    }) : () -> ()
    %barrier3A = arith.constant 0 : index
    tpu.barrier barrier_id(%barrier3A)
    %scan3A = arith.constant 0 : i32
    %scan3A_6 = arith.constant 0 : i32
    %scan3A_7 = arith.constant 8 : i32
    %scan3A_8 = arith.addi %scan3A_6, %scan3A_7 : i32
    %scan3A_9 = arith.constant 1 : i32
    scf.for %scan3A_76 = %scan3A_6 to %scan3A_8 step %scan3A_9  : i32 {
      %mul3A_77 = arith.constant 1600 : i32
      %mul3A_78 = arith.muli %scan3A_76, %mul3A_77 : i32
      %add3A_79 = arith.addi %mul3A_2, %mul3A_78 : i32
      "tpu.region"() ({
        %run_scoped3A = tpu.sem_alloc : memref<!tpu.dma_semaphore, #tpu.memory_space<semaphore_mem>>
        %dma_start3A_253 = tpu.memref_slice %arg3[%add3A_79] : memref<204800xi32, #tpu.memory_space<hbm>> -> memref<1600xi32, #tpu.memory_space<hbm>>
        %dma_start3A_254 = tpu.memref_slice %arg3[%add3A_79] : memref<204800xi32, #tpu.memory_space<hbm>> -> memref<1600xi32, #tpu.memory_space<hbm>>
        tpu.enqueue_dma source(%dma_start3A_254 : memref<1600xi32, #tpu.memory_space<hbm>>) target(%arg6 : memref<1600xi32, #tpu.memory_space<vmem>>) target_semaphore(%run_scoped3A : memref<!tpu.dma_semaphore, #tpu.memory_space<semaphore_mem>>)
        %dma_wait3A_255 = tpu.memref_slice %arg3[%add3A_79] : memref<204800xi32, #tpu.memory_space<hbm>> -> memref<1600xi32, #tpu.memory_space<hbm>>
        %dma_wait3A_256 = tpu.memref_slice %arg3[%add3A_79] : memref<204800xi32, #tpu.memory_space<hbm>> -> memref<1600xi32, #tpu.memory_space<hbm>>
        tpu.wait_dma2 semaphore(%run_scoped3A : memref<!tpu.dma_semaphore, #tpu.memory_space<semaphore_mem>>) src(%dma_wait3A_256 : memref<1600xi32, #tpu.memory_space<hbm>>) dst(%arg6 : memref<1600xi32, #tpu.memory_space<vmem>>)
        tpu.yield
      }) : () -> ()
      %get3A = arith.constant 0 : index
      %get3A_80 = tpu.vector_load %arg6[%get3A] {strides = array<i32>} : memref<1600xi32, #tpu.memory_space<vmem>>, vector<16xi32>,
      %get3A_81 = vector.shape_cast %get3A_80 : vector<16xi32> to vector<16xi32>
      %ne3A = arith.constant 0 : i32
      %ne3A_82 = vector.broadcast %ne3A : i32 to vector<16xi32>
      %ne3A_83 = arith.cmpi ne, %get3A_81, %ne3A_82 : vector<16xi32>
      %ge3A = vector.broadcast %add3A_5 : i32 to vector<16xi32>
      %ge3A_84 = arith.cmpi sge, %get3A_81, %ge3A : vector<16xi32>
      %add3A_85 = arith.constant 12800 : i32
      %add3A_86 = arith.addi %add3A_5, %add3A_85 : i32
      %lt3A = vector.broadcast %add3A_86 : i32 to vector<16xi32>
      %lt3A_87 = arith.cmpi slt, %get3A_81, %lt3A : vector<16xi32>
      %and3A = arith.andi %ge3A_84, %lt3A_87 : vector<16xi1>
      %and3A_88 = arith.andi %ne3A_83, %and3A : vector<16xi1>
      %sub3A = vector.broadcast %add3A_5 : i32 to vector<16xi32>
      %sub3A_89 = arith.subi %get3A_81, %sub3A : vector<16xi32>
      %jit3A = arith.constant 12800 : i32
      %broadcast_in_dim3A = vector.broadcast %jit3A : i32 to vector<16xi32>
      %select_n3A = arith.select %and3A_88, %sub3A_89, %broadcast_in_dim3A : vector<16xi1>, vector<16xi32>
      %swap3A = arith.constant 0 : i32
      %swap3A_90 = arith.index_cast %swap3A : i32 to index
      %swap3A_91 = arith.constant 0 : index
      %swap3A_92 = tpu.vector_load %arg7[%swap3A_90, %swap3A_91] {strides = array<i32>} : memref<2x32xi32, #tpu.memory_space<vmem>>, vector<1x16xi32>,
      %swap3A_93 = vector.shape_cast %swap3A_92 : vector<1x16xi32> to vector<16xi32>
      %swap3A_94 = vector.shape_cast %select_n3A : vector<16xi32> to vector<1x16xi32>
      tpu.vector_store %arg7[%swap3A_90, %swap3A_91], %swap3A_94 {strides = array<i32>} : memref<2x32xi32, #tpu.memory_space<vmem>>, vector<1x16xi32>,
      %get3A_95 = arith.constant 16 : index
      %get3A_96 = tpu.vector_load %arg6[%get3A_95] {strides = array<i32>} : memref<1600xi32, #tpu.memory_space<vmem>>, vector<16xi32>,
      %get3A_97 = vector.shape_cast %get3A_96 : vector<16xi32> to vector<16xi32>
      %ne3A_98 = arith.constant 0 : i32
      %ne3A_99 = vector.broadcast %ne3A_98 : i32 to vector<16xi32>
      %ne3A_100 = arith.cmpi ne, %get3A_97, %ne3A_99 : vector<16xi32>
      %ge3A_101 = vector.broadcast %add3A_5 : i32 to vector<16xi32>
      %ge3A_102 = arith.cmpi sge, %get3A_97, %ge3A_101 : vector<16xi32>
      %add3A_103 = arith.constant 12800 : i32
      %add3A_104 = arith.addi %add3A_5, %add3A_103 : i32
      %lt3A_105 = vector.broadcast %add3A_104 : i32 to vector<16xi32>
      %lt3A_106 = arith.cmpi slt, %get3A_97, %lt3A_105 : vector<16xi32>
      %and3A_107 = arith.andi %ge3A_102, %lt3A_106 : vector<16xi1>
      %and3A_108 = arith.andi %ne3A_100, %and3A_107 : vector<16xi1>
      %sub3A_109 = vector.broadcast %add3A_5 : i32 to vector<16xi32>
      %sub3A_110 = arith.subi %get3A_97, %sub3A_109 : vector<16xi32>
      %jit3A_111 = arith.constant 12800 : i32
      %broadcast_in_dim3A_112 = vector.broadcast %jit3A_111 : i32 to vector<16xi32>
      %select_n3A_113 = arith.select %and3A_108, %sub3A_110, %broadcast_in_dim3A_112 : vector<16xi1>, vector<16xi32>
      %swap3A_114 = arith.constant 0 : i32
      %swap3A_115 = arith.index_cast %swap3A_114 : i32 to index
      %swap3A_116 = arith.constant 16 : index
      %swap3A_117 = tpu.vector_load %arg7[%swap3A_115, %swap3A_116] {strides = array<i32>} : memref<2x32xi32, #tpu.memory_space<vmem>>, vector<1x16xi32>,
      %swap3A_118 = vector.shape_cast %swap3A_117 : vector<1x16xi32> to vector<16xi32>
      %swap3A_119 = vector.shape_cast %select_n3A_113 : vector<16xi32> to vector<1x16xi32>
      tpu.vector_store %arg7[%swap3A_115, %swap3A_116], %swap3A_119 {strides = array<i32>} : memref<2x32xi32, #tpu.memory_space<vmem>>, vector<1x16xi32>,
      %dma_start3A = arith.constant 0 : i32
      %dma_start3A_120 = arith.constant 0 : i32
      %dma_start3A_121 = arith.constant 0 : i32
      %dma_start3A_122 = tpu.memref_slice %arg8[%dma_start3A, %dma_start3A_120, %dma_start3A_121] : memref<2x32x128xf32, #tpu.memory_space<vmem>> -> memref<1x32x128xf32, #tpu.memory_space<vmem>>
      %dma_start3A_123 = tpu.memref_squeeze %dma_start3A_122 : memref<1x32x128xf32, #tpu.memory_space<vmem>> -> memref<32x128xf32, #tpu.memory_space<vmem>>
      %dma_start3A_124 = arith.constant 0 : i32
      %dma_start3A_125 = tpu.memref_slice %arg2[%add3A_79, %dma_start3A_124] : memref<204800x128xf32, #tpu.memory_space<hbm>> -> memref<32x128xf32, #tpu.memory_space<hbm>>
      %dma_start3A_126 = arith.constant 0 : i32
      %dma_start3A_127 = arith.constant 0 : i32
      %dma_start3A_128 = tpu.memref_slice %arg8[%dma_start3A, %dma_start3A_126, %dma_start3A_127] : memref<2x32x128xf32, #tpu.memory_space<vmem>> -> memref<1x32x128xf32, #tpu.memory_space<vmem>>
      %dma_start3A_129 = tpu.memref_squeeze %dma_start3A_128 : memref<1x32x128xf32, #tpu.memory_space<vmem>> -> memref<32x128xf32, #tpu.memory_space<vmem>>
      %dma_start3A_130 = arith.constant 0 : i32
      %dma_start3A_131 = tpu.memref_slice %arg2[%add3A_79, %dma_start3A_130] : memref<204800x128xf32, #tpu.memory_space<hbm>> -> memref<32x128xf32, #tpu.memory_space<hbm>>
      tpu.enqueue_dma source(%dma_start3A_131 : memref<32x128xf32, #tpu.memory_space<hbm>>) target(%dma_start3A_129 : memref<32x128xf32, #tpu.memory_space<vmem>>) target_semaphore(%arg12 : memref<!tpu.dma_semaphore, #tpu.memory_space<semaphore_mem>>)
      %dma_wait3A = arith.constant 0 : i32
      %dma_wait3A_132 = arith.constant 0 : i32
      %dma_wait3A_133 = arith.constant 0 : i32
      %dma_wait3A_134 = tpu.memref_slice %arg8[%dma_wait3A, %dma_wait3A_132, %dma_wait3A_133] : memref<2x32x128xf32, #tpu.memory_space<vmem>> -> memref<1x32x128xf32, #tpu.memory_space<vmem>>
      %dma_wait3A_135 = tpu.memref_squeeze %dma_wait3A_134 : memref<1x32x128xf32, #tpu.memory_space<vmem>> -> memref<32x128xf32, #tpu.memory_space<vmem>>
      %dma_wait3A_136 = arith.constant 0 : i32
      %dma_wait3A_137 = tpu.memref_slice %arg2[%add3A_79, %dma_wait3A_136] : memref<204800x128xf32, #tpu.memory_space<hbm>> -> memref<32x128xf32, #tpu.memory_space<hbm>>
      %dma_wait3A_138 = arith.constant 0 : i32
      %dma_wait3A_139 = arith.constant 0 : i32
      %dma_wait3A_140 = tpu.memref_slice %arg8[%dma_wait3A, %dma_wait3A_138, %dma_wait3A_139] : memref<2x32x128xf32, #tpu.memory_space<vmem>> -> memref<1x32x128xf32, #tpu.memory_space<vmem>>
      %dma_wait3A_141 = tpu.memref_squeeze %dma_wait3A_140 : memref<1x32x128xf32, #tpu.memory_space<vmem>> -> memref<32x128xf32, #tpu.memory_space<vmem>>
      %dma_wait3A_142 = arith.constant 0 : i32
      %dma_wait3A_143 = tpu.memref_slice %arg2[%add3A_79, %dma_wait3A_142] : memref<204800x128xf32, #tpu.memory_space<hbm>> -> memref<32x128xf32, #tpu.memory_space<hbm>>
      tpu.wait_dma2 semaphore(%arg12 : memref<!tpu.dma_semaphore, #tpu.memory_space<semaphore_mem>>) src(%dma_wait3A_143 : memref<32x128xf32, #tpu.memory_space<hbm>>) dst(%dma_wait3A_141 : memref<32x128xf32, #tpu.memory_space<vmem>>)
      %dma_start3A_144 = arith.constant 0 : i32
      %dma_start3A_145 = arith.constant 0 : i32
      %dma_start3A_146 = arith.constant 0 : i32
      %dma_start3A_147 = arith.constant 0 : i32
      %dma_start3A_148 = tpu.memref_slice %arg8[%dma_start3A_144, %dma_start3A_146, %dma_start3A_147] : memref<2x32x128xf32, #tpu.memory_space<vmem>> -> memref<1x32x128xf32, #tpu.memory_space<vmem>>
      %dma_start3A_149 = tpu.memref_squeeze %dma_start3A_148 : memref<1x32x128xf32, #tpu.memory_space<vmem>> -> memref<32x128xf32, #tpu.memory_space<vmem>>
      %dma_start3A_150 = arith.constant 0 : i32
      %dma_start3A_151 = tpu.memref_slice %arg7[%dma_start3A_145, %dma_start3A_150] : memref<2x32xi32, #tpu.memory_space<vmem>> -> memref<1x32xi32, #tpu.memory_space<vmem>>
      %dma_start3A_152 = tpu.memref_squeeze %dma_start3A_151 : memref<1x32xi32, #tpu.memory_space<vmem>> -> memref<32xi32, #tpu.memory_space<vmem>>
      %dma_start3A_153 = arith.constant 0 : i32
      %dma_start3A_154 = arith.constant 0 : i32
      %dma_start3A_155 = tpu.memref_slice %arg13[%dma_start3A_153, %dma_start3A_154] : memref<12808x128xf32, #tpu.memory_space<vmem_shared>> -> memref<12808x128xf32, #tpu.memory_space<vmem_shared>>
      tpu.enqueue_indirect_dma source(%dma_start3A_149 : memref<32x128xf32, #tpu.memory_space<vmem>>) target(%dma_start3A_155 : memref<12808x128xf32, #tpu.memory_space<vmem_shared>>) offsets(%dma_start3A_152 : memref<32xi32, #tpu.memory_space<vmem>>) semaphore(%arg11 : memref<!tpu.dma_semaphore, #tpu.memory_space<semaphore_mem>>) {add = true}
      %add3A_156 = arith.constant 32 : i32
      %add3A_157 = arith.addi %add3A_79, %add3A_156 : i32
      %dma_start3A_158 = arith.constant 1 : i32
      %dma_start3A_159 = arith.constant 0 : i32
      %dma_start3A_160 = arith.constant 0 : i32
      %dma_start3A_161 = tpu.memref_slice %arg8[%dma_start3A_158, %dma_start3A_159, %dma_start3A_160] : memref<2x32x128xf32, #tpu.memory_space<vmem>> -> memref<1x32x128xf32, #tpu.memory_space<vmem>>
      %dma_start3A_162 = tpu.memref_squeeze %dma_start3A_161 : memref<1x32x128xf32, #tpu.memory_space<vmem>> -> memref<32x128xf32, #tpu.memory_space<vmem>>
      %dma_start3A_163 = arith.constant 0 : i32
      %dma_start3A_164 = tpu.memref_slice %arg2[%add3A_157, %dma_start3A_163] : memref<204800x128xf32, #tpu.memory_space<hbm>> -> memref<32x128xf32, #tpu.memory_space<hbm>>
      %dma_start3A_165 = arith.constant 0 : i32
      %dma_start3A_166 = arith.constant 0 : i32
      %dma_start3A_167 = tpu.memref_slice %arg8[%dma_start3A_158, %dma_start3A_165, %dma_start3A_166] : memref<2x32x128xf32, #tpu.memory_space<vmem>> -> memref<1x32x128xf32, #tpu.memory_space<vmem>>
      %dma_start3A_168 = tpu.memref_squeeze %dma_start3A_167 : memref<1x32x128xf32, #tpu.memory_space<vmem>> -> memref<32x128xf32, #tpu.memory_space<vmem>>
      %dma_start3A_169 = arith.constant 0 : i32
      %dma_start3A_170 = tpu.memref_slice %arg2[%add3A_157, %dma_start3A_169] : memref<204800x128xf32, #tpu.memory_space<hbm>> -> memref<32x128xf32, #tpu.memory_space<hbm>>
      tpu.enqueue_dma source(%dma_start3A_170 : memref<32x128xf32, #tpu.memory_space<hbm>>) target(%dma_start3A_168 : memref<32x128xf32, #tpu.memory_space<vmem>>) target_semaphore(%arg12 : memref<!tpu.dma_semaphore, #tpu.memory_space<semaphore_mem>>)
      %get3A_171 = arith.constant 32 : index
      %get3A_172 = tpu.vector_load %arg6[%get3A_171] {strides = array<i32>} : memref<1600xi32, #tpu.memory_space<vmem>>, vector<16xi32>,
      %get3A_173 = vector.shape_cast %get3A_172 : vector<16xi32> to vector<16xi32>
      %ne3A_174 = arith.constant 0 : i32
      %ne3A_175 = vector.broadcast %ne3A_174 : i32 to vector<16xi32>
      %ne3A_176 = arith.cmpi ne, %get3A_173, %ne3A_175 : vector<16xi32>
      %ge3A_177 = vector.broadcast %add3A_5 : i32 to vector<16xi32>
      %ge3A_178 = arith.cmpi sge, %get3A_173, %ge3A_177 : vector<16xi32>
      %add3A_179 = arith.constant 12800 : i32
      %add3A_180 = arith.addi %add3A_5, %add3A_179 : i32
      %lt3A_181 = vector.broadcast %add3A_180 : i32 to vector<16xi32>
      %lt3A_182 = arith.cmpi slt, %get3A_173, %lt3A_181 : vector<16xi32>
      %and3A_183 = arith.andi %ge3A_178, %lt3A_182 : vector<16xi1>
      %and3A_184 = arith.andi %ne3A_176, %and3A_183 : vector<16xi1>
      %sub3A_185 = vector.broadcast %add3A_5 : i32 to vector<16xi32>
      %sub3A_186 = arith.subi %get3A_173, %sub3A_185 : vector<16xi32>
      %jit3A_187 = arith.constant 12800 : i32
      %broadcast_in_dim3A_188 = vector.broadcast %jit3A_187 : i32 to vector<16xi32>
      %select_n3A_189 = arith.select %and3A_184, %sub3A_186, %broadcast_in_dim3A_188 : vector<16xi1>, vector<16xi32>
      %swap3A_190 = arith.constant 1 : i32
      %swap3A_191 = arith.index_cast %swap3A_190 : i32 to index
      %swap3A_192 = arith.constant 0 : index
      %swap3A_193 = tpu.vector_load %arg7[%swap3A_191, %swap3A_192] {strides = array<i32>} : memref<2x32xi32, #tpu.memory_space<vmem>>, vector<1x16xi32>,
      %swap3A_194 = vector.shape_cast %swap3A_193 : vector<1x16xi32> to vector<16xi32>
      %swap3A_195 = vector.shape_cast %select_n3A_189 : vector<16xi32> to vector<1x16xi32>
      tpu.vector_store %arg7[%swap3A_191, %swap3A_192], %swap3A_195 {strides = array<i32>} : memref<2x32xi32, #tpu.memory_space<vmem>>, vector<1x16xi32>,
      %get3A_196 = arith.constant 48 : index
      %get3A_197 = tpu.vector_load %arg6[%get3A_196] {strides = array<i32>} : memref<1600xi32, #tpu.memory_space<vmem>>, vector<16xi32>,
      %get3A_198 = vector.shape_cast %get3A_197 : vector<16xi32> to vector<16xi32>
      %ne3A_199 = arith.constant 0 : i32
      %ne3A_200 = vector.broadcast %ne3A_199 : i32 to vector<16xi32>
      %ne3A_201 = arith.cmpi ne, %get3A_198, %ne3A_200 : vector<16xi32>
      %ge3A_202 = vector.broadcast %add3A_5 : i32 to vector<16xi32>
      %ge3A_203 = arith.cmpi sge, %get3A_198, %ge3A_202 : vector<16xi32>
      %add3A_204 = arith.constant 12800 : i32
      %add3A_205 = arith.addi %add3A_5, %add3A_204 : i32
      %lt3A_206 = vector.broadcast %add3A_205 : i32 to vector<16xi32>
      %lt3A_207 = arith.cmpi slt, %get3A_198, %lt3A_206 : vector<16xi32>
      %and3A_208 = arith.andi %ge3A_203, %lt3A_207 : vector<16xi1>
      %and3A_209 = arith.andi %ne3A_201, %and3A_208 : vector<16xi1>
      %sub3A_210 = vector.broadcast %add3A_5 : i32 to vector<16xi32>
      %sub3A_211 = arith.subi %get3A_198, %sub3A_210 : vector<16xi32>
      %jit3A_212 = arith.constant 12800 : i32
      %broadcast_in_dim3A_213 = vector.broadcast %jit3A_212 : i32 to vector<16xi32>
      %select_n3A_214 = arith.select %and3A_209, %sub3A_211, %broadcast_in_dim3A_213 : vector<16xi1>, vector<16xi32>
      %swap3A_215 = arith.constant 1 : i32
      %swap3A_216 = arith.index_cast %swap3A_215 : i32 to index
      %swap3A_217 = arith.constant 16 : index
      %swap3A_218 = tpu.vector_load %arg7[%swap3A_216, %swap3A_217] {strides = array<i32>} : memref<2x32xi32, #tpu.memory_space<vmem>>, vector<1x16xi32>,
      %swap3A_219 = vector.shape_cast %swap3A_218 : vector<1x16xi32> to vector<16xi32>
      %swap3A_220 = vector.shape_cast %select_n3A_214 : vector<16xi32> to vector<1x16xi32>
      tpu.vector_store %arg7[%swap3A_216, %swap3A_217], %swap3A_220 {strides = array<i32>} : memref<2x32xi32, #tpu.memory_space<vmem>>, vector<1x16xi32>,
      %scan3A_221 = arith.constant 0 : i32
      %scan3A_222 = arith.constant 1 : i32
      %scan3A_223 = arith.constant 49 : i32
      %scan3A_224 = arith.addi %scan3A_222, %scan3A_223 : i32
      %scan3A_225 = arith.constant 1 : i32
      scf.for %scan3A_253 = %scan3A_222 to %scan3A_224 step %scan3A_225  : i32 {
        %rem3A = arith.constant 2 : i32
        %rem3A_254 = arith.remsi %scan3A_253, %rem3A : i32
        %add3A_255 = arith.constant 1 : i32
        %add3A_256 = arith.addi %scan3A_253, %add3A_255 : i32
        %min3A = arith.constant 49 : i32
        %min3A_257 = arith.minsi %add3A_256, %min3A : i32
        %sub3A_258 = arith.constant 1 : i32
        %sub3A_259 = arith.subi %sub3A_258, %rem3A_254 : i32
        %dma_wait3A_260 = arith.constant 0 : i32
        %dma_wait3A_261 = arith.constant 0 : i32
        %dma_wait3A_262 = tpu.memref_slice %arg8[%sub3A_259, %dma_wait3A_260, %dma_wait3A_261] : memref<2x32x128xf32, #tpu.memory_space<vmem>> -> memref<1x32x128xf32, #tpu.memory_space<vmem>>
        %dma_wait3A_263 = tpu.memref_squeeze %dma_wait3A_262 : memref<1x32x128xf32, #tpu.memory_space<vmem>> -> memref<32x128xf32, #tpu.memory_space<vmem>>
        %dma_wait3A_264 = arith.constant 0 : i32
        %dma_wait3A_265 = tpu.memref_slice %arg2[%add3A_79, %dma_wait3A_264] : memref<204800x128xf32, #tpu.memory_space<hbm>> -> memref<32x128xf32, #tpu.memory_space<hbm>>
        %dma_wait3A_266 = arith.constant 0 : i32
        %dma_wait3A_267 = arith.constant 0 : i32
        %dma_wait3A_268 = tpu.memref_slice %arg8[%sub3A_259, %dma_wait3A_266, %dma_wait3A_267] : memref<2x32x128xf32, #tpu.memory_space<vmem>> -> memref<1x32x128xf32, #tpu.memory_space<vmem>>
        %dma_wait3A_269 = tpu.memref_squeeze %dma_wait3A_268 : memref<1x32x128xf32, #tpu.memory_space<vmem>> -> memref<32x128xf32, #tpu.memory_space<vmem>>
        %dma_wait3A_270 = arith.constant 0 : i32
        %dma_wait3A_271 = tpu.memref_slice %arg2[%add3A_79, %dma_wait3A_270] : memref<204800x128xf32, #tpu.memory_space<hbm>> -> memref<32x128xf32, #tpu.memory_space<hbm>>
        tpu.wait_dma2 semaphore(%arg11 : memref<!tpu.dma_semaphore, #tpu.memory_space<semaphore_mem>>) src(%dma_wait3A_271 : memref<32x128xf32, #tpu.memory_space<hbm>>) dst(%dma_wait3A_269 : memref<32x128xf32, #tpu.memory_space<vmem>>)
        %mul3A_272 = arith.constant 32 : i32
        %mul3A_273 = arith.muli %min3A_257, %mul3A_272 : i32
        %add3A_274 = arith.addi %add3A_79, %mul3A_273 : i32
        %sub3A_275 = arith.constant 1 : i32
        %sub3A_276 = arith.subi %sub3A_275, %rem3A_254 : i32
        %dma_start3A_277 = arith.constant 0 : i32
        %dma_start3A_278 = arith.constant 0 : i32
        %dma_start3A_279 = tpu.memref_slice %arg8[%sub3A_276, %dma_start3A_277, %dma_start3A_278] : memref<2x32x128xf32, #tpu.memory_space<vmem>> -> memref<1x32x128xf32, #tpu.memory_space<vmem>>
        %dma_start3A_280 = tpu.memref_squeeze %dma_start3A_279 : memref<1x32x128xf32, #tpu.memory_space<vmem>> -> memref<32x128xf32, #tpu.memory_space<vmem>>
        %dma_start3A_281 = arith.constant 0 : i32
        %dma_start3A_282 = tpu.memref_slice %arg2[%add3A_274, %dma_start3A_281] : memref<204800x128xf32, #tpu.memory_space<hbm>> -> memref<32x128xf32, #tpu.memory_space<hbm>>
        %dma_start3A_283 = arith.constant 0 : i32
        %dma_start3A_284 = arith.constant 0 : i32
        %dma_start3A_285 = tpu.memref_slice %arg8[%sub3A_276, %dma_start3A_283, %dma_start3A_284] : memref<2x32x128xf32, #tpu.memory_space<vmem>> -> memref<1x32x128xf32, #tpu.memory_space<vmem>>
        %dma_start3A_286 = tpu.memref_squeeze %dma_start3A_285 : memref<1x32x128xf32, #tpu.memory_space<vmem>> -> memref<32x128xf32, #tpu.memory_space<vmem>>
        %dma_start3A_287 = arith.constant 0 : i32
        %dma_start3A_288 = tpu.memref_slice %arg2[%add3A_274, %dma_start3A_287] : memref<204800x128xf32, #tpu.memory_space<hbm>> -> memref<32x128xf32, #tpu.memory_space<hbm>>
        tpu.enqueue_dma source(%dma_start3A_288 : memref<32x128xf32, #tpu.memory_space<hbm>>) target(%dma_start3A_286 : memref<32x128xf32, #tpu.memory_space<vmem>>) target_semaphore(%arg12 : memref<!tpu.dma_semaphore, #tpu.memory_space<semaphore_mem>>)
        %sub3A_289 = arith.constant 1 : i32
        %sub3A_290 = arith.subi %sub3A_289, %rem3A_254 : i32
        %mul3A_291 = arith.constant 32 : i32
        %mul3A_292 = arith.muli %min3A_257, %mul3A_291 : i32
        %add3A_293 = arith.constant 0 : i32
        %add3A_294 = arith.addi %mul3A_292, %add3A_293 : i32
        %get3A_295 = arith.index_cast %add3A_294 : i32 to index
        %get3A_296 = tpu.vector_load %arg6[%get3A_295] {strides = array<i32>} : memref<1600xi32, #tpu.memory_space<vmem>>, vector<16xi32>,
        %get3A_297 = vector.shape_cast %get3A_296 : vector<16xi32> to vector<16xi32>
        %ne3A_298 = arith.constant 0 : i32
        %ne3A_299 = vector.broadcast %ne3A_298 : i32 to vector<16xi32>
        %ne3A_300 = arith.cmpi ne, %get3A_297, %ne3A_299 : vector<16xi32>
        %ge3A_301 = vector.broadcast %add3A_5 : i32 to vector<16xi32>
        %ge3A_302 = arith.cmpi sge, %get3A_297, %ge3A_301 : vector<16xi32>
        %add3A_303 = arith.constant 12800 : i32
        %add3A_304 = arith.addi %add3A_5, %add3A_303 : i32
        %lt3A_305 = vector.broadcast %add3A_304 : i32 to vector<16xi32>
        %lt3A_306 = arith.cmpi slt, %get3A_297, %lt3A_305 : vector<16xi32>
        %and3A_307 = arith.andi %ge3A_302, %lt3A_306 : vector<16xi1>
        %and3A_308 = arith.andi %ne3A_300, %and3A_307 : vector<16xi1>
        %sub3A_309 = vector.broadcast %add3A_5 : i32 to vector<16xi32>
        %sub3A_310 = arith.subi %get3A_297, %sub3A_309 : vector<16xi32>
        %jit3A_311 = arith.constant 12800 : i32
        %broadcast_in_dim3A_312 = vector.broadcast %jit3A_311 : i32 to vector<16xi32>
        %select_n3A_313 = arith.select %and3A_308, %sub3A_310, %broadcast_in_dim3A_312 : vector<16xi1>, vector<16xi32>
        %swap3A_314 = arith.index_cast %sub3A_290 : i32 to index
        %swap3A_315 = arith.constant 0 : index
        %swap3A_316 = tpu.vector_load %arg7[%swap3A_314, %swap3A_315] {strides = array<i32>} : memref<2x32xi32, #tpu.memory_space<vmem>>, vector<1x16xi32>,
        %swap3A_317 = vector.shape_cast %swap3A_316 : vector<1x16xi32> to vector<16xi32>
        %swap3A_318 = vector.shape_cast %select_n3A_313 : vector<16xi32> to vector<1x16xi32>
        tpu.vector_store %arg7[%swap3A_314, %swap3A_315], %swap3A_318 {strides = array<i32>} : memref<2x32xi32, #tpu.memory_space<vmem>>, vector<1x16xi32>,
        %mul3A_319 = arith.constant 32 : i32
        %mul3A_320 = arith.muli %min3A_257, %mul3A_319 : i32
        %add3A_321 = arith.constant 16 : i32
        %add3A_322 = arith.addi %mul3A_320, %add3A_321 : i32
        %get3A_323 = arith.index_cast %add3A_322 : i32 to index
        %get3A_324 = tpu.vector_load %arg6[%get3A_323] {strides = array<i32>} : memref<1600xi32, #tpu.memory_space<vmem>>, vector<16xi32>,
        %get3A_325 = vector.shape_cast %get3A_324 : vector<16xi32> to vector<16xi32>
        %ne3A_326 = arith.constant 0 : i32
        %ne3A_327 = vector.broadcast %ne3A_326 : i32 to vector<16xi32>
        %ne3A_328 = arith.cmpi ne, %get3A_325, %ne3A_327 : vector<16xi32>
        %ge3A_329 = vector.broadcast %add3A_5 : i32 to vector<16xi32>
        %ge3A_330 = arith.cmpi sge, %get3A_325, %ge3A_329 : vector<16xi32>
        %add3A_331 = arith.constant 12800 : i32
        %add3A_332 = arith.addi %add3A_5, %add3A_331 : i32
        %lt3A_333 = vector.broadcast %add3A_332 : i32 to vector<16xi32>
        %lt3A_334 = arith.cmpi slt, %get3A_325, %lt3A_333 : vector<16xi32>
        %and3A_335 = arith.andi %ge3A_330, %lt3A_334 : vector<16xi1>
        %and3A_336 = arith.andi %ne3A_328, %and3A_335 : vector<16xi1>
        %sub3A_337 = vector.broadcast %add3A_5 : i32 to vector<16xi32>
        %sub3A_338 = arith.subi %get3A_325, %sub3A_337 : vector<16xi32>
        %jit3A_339 = arith.constant 12800 : i32
        %broadcast_in_dim3A_340 = vector.broadcast %jit3A_339 : i32 to vector<16xi32>
        %select_n3A_341 = arith.select %and3A_336, %sub3A_338, %broadcast_in_dim3A_340 : vector<16xi1>, vector<16xi32>
        %swap3A_342 = arith.index_cast %sub3A_290 : i32 to index
        %swap3A_343 = arith.constant 16 : index
        %swap3A_344 = tpu.vector_load %arg7[%swap3A_342, %swap3A_343] {strides = array<i32>} : memref<2x32xi32, #tpu.memory_space<vmem>>, vector<1x16xi32>,
        %swap3A_345 = vector.shape_cast %swap3A_344 : vector<1x16xi32> to vector<16xi32>
        %swap3A_346 = vector.shape_cast %select_n3A_341 : vector<16xi32> to vector<1x16xi32>
        tpu.vector_store %arg7[%swap3A_342, %swap3A_343], %swap3A_346 {strides = array<i32>} : memref<2x32xi32, #tpu.memory_space<vmem>>, vector<1x16xi32>,
        %dma_wait3A_347 = arith.constant 0 : i32
        %dma_wait3A_348 = arith.constant 0 : i32
        %dma_wait3A_349 = tpu.memref_slice %arg8[%rem3A_254, %dma_wait3A_347, %dma_wait3A_348] : memref<2x32x128xf32, #tpu.memory_space<vmem>> -> memref<1x32x128xf32, #tpu.memory_space<vmem>>
        %dma_wait3A_350 = tpu.memref_squeeze %dma_wait3A_349 : memref<1x32x128xf32, #tpu.memory_space<vmem>> -> memref<32x128xf32, #tpu.memory_space<vmem>>
        %dma_wait3A_351 = arith.constant 0 : i32
        %dma_wait3A_352 = tpu.memref_slice %arg2[%add3A_79, %dma_wait3A_351] : memref<204800x128xf32, #tpu.memory_space<hbm>> -> memref<32x128xf32, #tpu.memory_space<hbm>>
        %dma_wait3A_353 = arith.constant 0 : i32
        %dma_wait3A_354 = arith.constant 0 : i32
        %dma_wait3A_355 = tpu.memref_slice %arg8[%rem3A_254, %dma_wait3A_353, %dma_wait3A_354] : memref<2x32x128xf32, #tpu.memory_space<vmem>> -> memref<1x32x128xf32, #tpu.memory_space<vmem>>
        %dma_wait3A_356 = tpu.memref_squeeze %dma_wait3A_355 : memref<1x32x128xf32, #tpu.memory_space<vmem>> -> memref<32x128xf32, #tpu.memory_space<vmem>>
        %dma_wait3A_357 = arith.constant 0 : i32
        %dma_wait3A_358 = tpu.memref_slice %arg2[%add3A_79, %dma_wait3A_357] : memref<204800x128xf32, #tpu.memory_space<hbm>> -> memref<32x128xf32, #tpu.memory_space<hbm>>
        tpu.wait_dma2 semaphore(%arg12 : memref<!tpu.dma_semaphore, #tpu.memory_space<semaphore_mem>>) src(%dma_wait3A_358 : memref<32x128xf32, #tpu.memory_space<hbm>>) dst(%dma_wait3A_356 : memref<32x128xf32, #tpu.memory_space<vmem>>)
        %dma_start3A_359 = arith.constant 0 : i32
        %dma_start3A_360 = arith.constant 0 : i32
        %dma_start3A_361 = tpu.memref_slice %arg8[%rem3A_254, %dma_start3A_359, %dma_start3A_360] : memref<2x32x128xf32, #tpu.memory_space<vmem>> -> memref<1x32x128xf32, #tpu.memory_space<vmem>>
        %dma_start3A_362 = tpu.memref_squeeze %dma_start3A_361 : memref<1x32x128xf32, #tpu.memory_space<vmem>> -> memref<32x128xf32, #tpu.memory_space<vmem>>
        %dma_start3A_363 = arith.constant 0 : i32
        %dma_start3A_364 = tpu.memref_slice %arg7[%rem3A_254, %dma_start3A_363] : memref<2x32xi32, #tpu.memory_space<vmem>> -> memref<1x32xi32, #tpu.memory_space<vmem>>
        %dma_start3A_365 = tpu.memref_squeeze %dma_start3A_364 : memref<1x32xi32, #tpu.memory_space<vmem>> -> memref<32xi32, #tpu.memory_space<vmem>>
        %dma_start3A_366 = arith.constant 0 : i32
        %dma_start3A_367 = arith.constant 0 : i32
        %dma_start3A_368 = tpu.memref_slice %arg13[%dma_start3A_366, %dma_start3A_367] : memref<12808x128xf32, #tpu.memory_space<vmem_shared>> -> memref<12808x128xf32, #tpu.memory_space<vmem_shared>>
        tpu.enqueue_indirect_dma source(%dma_start3A_362 : memref<32x128xf32, #tpu.memory_space<vmem>>) target(%dma_start3A_368 : memref<12808x128xf32, #tpu.memory_space<vmem_shared>>) offsets(%dma_start3A_365 : memref<32xi32, #tpu.memory_space<vmem>>) semaphore(%arg11 : memref<!tpu.dma_semaphore, #tpu.memory_space<semaphore_mem>>) {add = true}
      }
      %scan3A_226 = arith.constant 49 : i32
      %dma_wait3A_227 = arith.constant 0 : i32
      %dma_wait3A_228 = arith.constant 0 : i32
      %dma_wait3A_229 = arith.constant 0 : i32
      %dma_wait3A_230 = tpu.memref_slice %arg8[%dma_wait3A_227, %dma_wait3A_228, %dma_wait3A_229] : memref<2x32x128xf32, #tpu.memory_space<vmem>> -> memref<1x32x128xf32, #tpu.memory_space<vmem>>
      %dma_wait3A_231 = tpu.memref_squeeze %dma_wait3A_230 : memref<1x32x128xf32, #tpu.memory_space<vmem>> -> memref<32x128xf32, #tpu.memory_space<vmem>>
      %dma_wait3A_232 = arith.constant 0 : i32
      %dma_wait3A_233 = tpu.memref_slice %arg2[%add3A_79, %dma_wait3A_232] : memref<204800x128xf32, #tpu.memory_space<hbm>> -> memref<32x128xf32, #tpu.memory_space<hbm>>
      %dma_wait3A_234 = arith.constant 0 : i32
      %dma_wait3A_235 = arith.constant 0 : i32
      %dma_wait3A_236 = tpu.memref_slice %arg8[%dma_wait3A_227, %dma_wait3A_234, %dma_wait3A_235] : memref<2x32x128xf32, #tpu.memory_space<vmem>> -> memref<1x32x128xf32, #tpu.memory_space<vmem>>
      %dma_wait3A_237 = tpu.memref_squeeze %dma_wait3A_236 : memref<1x32x128xf32, #tpu.memory_space<vmem>> -> memref<32x128xf32, #tpu.memory_space<vmem>>
      %dma_wait3A_238 = arith.constant 0 : i32
      %dma_wait3A_239 = tpu.memref_slice %arg2[%add3A_79, %dma_wait3A_238] : memref<204800x128xf32, #tpu.memory_space<hbm>> -> memref<32x128xf32, #tpu.memory_space<hbm>>
      tpu.wait_dma2 semaphore(%arg11 : memref<!tpu.dma_semaphore, #tpu.memory_space<semaphore_mem>>) src(%dma_wait3A_239 : memref<32x128xf32, #tpu.memory_space<hbm>>) dst(%dma_wait3A_237 : memref<32x128xf32, #tpu.memory_space<vmem>>)
      %dma_wait3A_240 = arith.constant 0 : i32
      %dma_wait3A_241 = arith.constant 0 : i32
      %dma_wait3A_242 = arith.constant 0 : i32
      %dma_wait3A_243 = tpu.memref_slice %arg8[%dma_wait3A_240, %dma_wait3A_241, %dma_wait3A_242] : memref<2x32x128xf32, #tpu.memory_space<vmem>> -> memref<1x32x128xf32, #tpu.memory_space<vmem>>
      %dma_wait3A_244 = tpu.memref_squeeze %dma_wait3A_243 : memref<1x32x128xf32, #tpu.memory_space<vmem>> -> memref<32x128xf32, #tpu.memory_space<vmem>>
      %dma_wait3A_245 = arith.constant 0 : i32
      %dma_wait3A_246 = tpu.memref_slice %arg2[%add3A_79, %dma_wait3A_245] : memref<204800x128xf32, #tpu.memory_space<hbm>> -> memref<32x128xf32, #tpu.memory_space<hbm>>
      %dma_wait3A_247 = arith.constant 0 : i32
      %dma_wait3A_248 = arith.constant 0 : i32
      %dma_wait3A_249 = tpu.memref_slice %arg8[%dma_wait3A_240, %dma_wait3A_247, %dma_wait3A_248] : memref<2x32x128xf32, #tpu.memory_space<vmem>> -> memref<1x32x128xf32, #tpu.memory_space<vmem>>
      %dma_wait3A_250 = tpu.memref_squeeze %dma_wait3A_249 : memref<1x32x128xf32, #tpu.memory_space<vmem>> -> memref<32x128xf32, #tpu.memory_space<vmem>>
      %dma_wait3A_251 = arith.constant 0 : i32
      %dma_wait3A_252 = tpu.memref_slice %arg2[%add3A_79, %dma_wait3A_251] : memref<204800x128xf32, #tpu.memory_space<hbm>> -> memref<32x128xf32, #tpu.memory_space<hbm>>
      tpu.wait_dma2 semaphore(%arg12 : memref<!tpu.dma_semaphore, #tpu.memory_space<semaphore_mem>>) src(%dma_wait3A_252 : memref<32x128xf32, #tpu.memory_space<hbm>>) dst(%dma_wait3A_250 : memref<32x128xf32, #tpu.memory_space<vmem>>)
    }
    %scan3A_10 = arith.constant 8 : i32
    %barrier3A_11 = arith.constant 0 : index
    tpu.barrier barrier_id(%barrier3A_11)
    %scan3A_12 = arith.constant 0 : i32
    %scan3A_13 = arith.constant 0 : i32
    %scan3A_14 = arith.constant 100 : i32
    %scan3A_15 = arith.addi %scan3A_13, %scan3A_14 : i32
    %scan3A_16 = arith.constant 1 : i32
    scf.for %scan3A_76 = %scan3A_13 to %scan3A_15 step %scan3A_16  : i32 {
      %mul3A_77 = arith.constant 8 : i32
      %mul3A_78 = arith.muli %scan3A_76, %mul3A_77 : i32
      %add3A_79 = arith.addi %mul3A_0, %mul3A_78 : i32
      "tpu.region"() ({
        %run_scoped3A = tpu.sem_alloc : memref<!tpu.dma_semaphore, #tpu.memory_space<semaphore_mem>>
        %dma_start3A = arith.constant 0 : i32
        %dma_start3A_431 = tpu.memref_slice %arg13[%add3A_79, %dma_start3A] : memref<12808x128xf32, #tpu.memory_space<vmem_shared>> -> memref<8x128xf32, #tpu.memory_space<vmem_shared>>
        %dma_start3A_432 = arith.constant 0 : i32
        %dma_start3A_433 = tpu.memref_slice %arg13[%add3A_79, %dma_start3A_432] : memref<12808x128xf32, #tpu.memory_space<vmem_shared>> -> memref<8x128xf32, #tpu.memory_space<vmem_shared>>
        tpu.enqueue_dma source(%dma_start3A_433 : memref<8x128xf32, #tpu.memory_space<vmem_shared>>) target(%arg9 : memref<8x128xf32, #tpu.memory_space<vmem>>) target_semaphore(%run_scoped3A : memref<!tpu.dma_semaphore, #tpu.memory_space<semaphore_mem>>)
        %dma_wait3A = arith.constant 0 : i32
        %dma_wait3A_434 = tpu.memref_slice %arg13[%add3A_79, %dma_wait3A] : memref<12808x128xf32, #tpu.memory_space<vmem_shared>> -> memref<8x128xf32, #tpu.memory_space<vmem_shared>>
        %dma_wait3A_435 = arith.constant 0 : i32
        %dma_wait3A_436 = tpu.memref_slice %arg13[%add3A_79, %dma_wait3A_435] : memref<12808x128xf32, #tpu.memory_space<vmem_shared>> -> memref<8x128xf32, #tpu.memory_space<vmem_shared>>
        tpu.wait_dma2 semaphore(%run_scoped3A : memref<!tpu.dma_semaphore, #tpu.memory_space<semaphore_mem>>) src(%dma_wait3A_436 : memref<8x128xf32, #tpu.memory_space<vmem_shared>>) dst(%arg9 : memref<8x128xf32, #tpu.memory_space<vmem>>)
        tpu.yield
      }) : () -> ()
      %get3A = arith.constant 0 : i32
      %get3A_80 = arith.index_cast %get3A : i32 to index
      %get3A_81 = arith.constant 0 : index
      %get3A_82 = tpu.vector_load %arg9[%get3A_80, %get3A_81] {strides = array<i32>} : memref<8x128xf32, #tpu.memory_space<vmem>>, vector<1x16xf32>,
      %get3A_83 = vector.shape_cast %get3A_82 : vector<1x16xf32> to vector<16xf32>
      %swap3A = arith.constant 0 : i32
      %swap3A_84 = arith.index_cast %swap3A : i32 to index
      %swap3A_85 = arith.constant 0 : index
      %swap3A_86 = tpu.vector_load %arg10[%swap3A_84, %swap3A_85] {strides = array<i32>} : memref<8x64xf32, #tpu.memory_space<vmem>>, vector<1x16xf32>,
      %swap3A_87 = vector.shape_cast %swap3A_86 : vector<1x16xf32> to vector<16xf32>
      %swap3A_88 = vector.shape_cast %get3A_83 : vector<16xf32> to vector<1x16xf32>
      tpu.vector_store %arg10[%swap3A_84, %swap3A_85], %swap3A_88 {strides = array<i32>} : memref<8x64xf32, #tpu.memory_space<vmem>>, vector<1x16xf32>,
      %get3A_89 = arith.constant 0 : i32
      %get3A_90 = arith.index_cast %get3A_89 : i32 to index
      %get3A_91 = arith.constant 16 : index
      %get3A_92 = tpu.vector_load %arg9[%get3A_90, %get3A_91] {strides = array<i32>} : memref<8x128xf32, #tpu.memory_space<vmem>>, vector<1x16xf32>,
      %get3A_93 = vector.shape_cast %get3A_92 : vector<1x16xf32> to vector<16xf32>
      %swap3A_94 = arith.constant 0 : i32
      %swap3A_95 = arith.index_cast %swap3A_94 : i32 to index
      %swap3A_96 = arith.constant 16 : index
      %swap3A_97 = tpu.vector_load %arg10[%swap3A_95, %swap3A_96] {strides = array<i32>} : memref<8x64xf32, #tpu.memory_space<vmem>>, vector<1x16xf32>,
      %swap3A_98 = vector.shape_cast %swap3A_97 : vector<1x16xf32> to vector<16xf32>
      %swap3A_99 = vector.shape_cast %get3A_93 : vector<16xf32> to vector<1x16xf32>
      tpu.vector_store %arg10[%swap3A_95, %swap3A_96], %swap3A_99 {strides = array<i32>} : memref<8x64xf32, #tpu.memory_space<vmem>>, vector<1x16xf32>,
      %get3A_100 = arith.constant 0 : i32
      %get3A_101 = arith.index_cast %get3A_100 : i32 to index
      %get3A_102 = arith.constant 32 : index
      %get3A_103 = tpu.vector_load %arg9[%get3A_101, %get3A_102] {strides = array<i32>} : memref<8x128xf32, #tpu.memory_space<vmem>>, vector<1x16xf32>,
      %get3A_104 = vector.shape_cast %get3A_103 : vector<1x16xf32> to vector<16xf32>
      %swap3A_105 = arith.constant 0 : i32
      %swap3A_106 = arith.index_cast %swap3A_105 : i32 to index
      %swap3A_107 = arith.constant 32 : index
      %swap3A_108 = tpu.vector_load %arg10[%swap3A_106, %swap3A_107] {strides = array<i32>} : memref<8x64xf32, #tpu.memory_space<vmem>>, vector<1x16xf32>,
      %swap3A_109 = vector.shape_cast %swap3A_108 : vector<1x16xf32> to vector<16xf32>
      %swap3A_110 = vector.shape_cast %get3A_104 : vector<16xf32> to vector<1x16xf32>
      tpu.vector_store %arg10[%swap3A_106, %swap3A_107], %swap3A_110 {strides = array<i32>} : memref<8x64xf32, #tpu.memory_space<vmem>>, vector<1x16xf32>,
      %get3A_111 = arith.constant 0 : i32
      %get3A_112 = arith.index_cast %get3A_111 : i32 to index
      %get3A_113 = arith.constant 48 : index
      %get3A_114 = tpu.vector_load %arg9[%get3A_112, %get3A_113] {strides = array<i32>} : memref<8x128xf32, #tpu.memory_space<vmem>>, vector<1x16xf32>,
      %get3A_115 = vector.shape_cast %get3A_114 : vector<1x16xf32> to vector<16xf32>
      %swap3A_116 = arith.constant 0 : i32
      %swap3A_117 = arith.index_cast %swap3A_116 : i32 to index
      %swap3A_118 = arith.constant 48 : index
      %swap3A_119 = tpu.vector_load %arg10[%swap3A_117, %swap3A_118] {strides = array<i32>} : memref<8x64xf32, #tpu.memory_space<vmem>>, vector<1x16xf32>,
      %swap3A_120 = vector.shape_cast %swap3A_119 : vector<1x16xf32> to vector<16xf32>
      %swap3A_121 = vector.shape_cast %get3A_115 : vector<16xf32> to vector<1x16xf32>
      tpu.vector_store %arg10[%swap3A_117, %swap3A_118], %swap3A_121 {strides = array<i32>} : memref<8x64xf32, #tpu.memory_space<vmem>>, vector<1x16xf32>,
      %get3A_122 = arith.constant 1 : i32
      %get3A_123 = arith.index_cast %get3A_122 : i32 to index
      %get3A_124 = arith.constant 0 : index
      %get3A_125 = tpu.vector_load %arg9[%get3A_123, %get3A_124] {strides = array<i32>} : memref<8x128xf32, #tpu.memory_space<vmem>>, vector<1x16xf32>,
      %get3A_126 = vector.shape_cast %get3A_125 : vector<1x16xf32> to vector<16xf32>
      %swap3A_127 = arith.constant 1 : i32
      %swap3A_128 = arith.index_cast %swap3A_127 : i32 to index
      %swap3A_129 = arith.constant 0 : index
      %swap3A_130 = tpu.vector_load %arg10[%swap3A_128, %swap3A_129] {strides = array<i32>} : memref<8x64xf32, #tpu.memory_space<vmem>>, vector<1x16xf32>,
      %swap3A_131 = vector.shape_cast %swap3A_130 : vector<1x16xf32> to vector<16xf32>
      %swap3A_132 = vector.shape_cast %get3A_126 : vector<16xf32> to vector<1x16xf32>
      tpu.vector_store %arg10[%swap3A_128, %swap3A_129], %swap3A_132 {strides = array<i32>} : memref<8x64xf32, #tpu.memory_space<vmem>>, vector<1x16xf32>,
      %get3A_133 = arith.constant 1 : i32
      %get3A_134 = arith.index_cast %get3A_133 : i32 to index
      %get3A_135 = arith.constant 16 : index
      %get3A_136 = tpu.vector_load %arg9[%get3A_134, %get3A_135] {strides = array<i32>} : memref<8x128xf32, #tpu.memory_space<vmem>>, vector<1x16xf32>,
      %get3A_137 = vector.shape_cast %get3A_136 : vector<1x16xf32> to vector<16xf32>
      %swap3A_138 = arith.constant 1 : i32
      %swap3A_139 = arith.index_cast %swap3A_138 : i32 to index
      %swap3A_140 = arith.constant 16 : index
      %swap3A_141 = tpu.vector_load %arg10[%swap3A_139, %swap3A_140] {strides = array<i32>} : memref<8x64xf32, #tpu.memory_space<vmem>>, vector<1x16xf32>,
      %swap3A_142 = vector.shape_cast %swap3A_141 : vector<1x16xf32> to vector<16xf32>
      %swap3A_143 = vector.shape_cast %get3A_137 : vector<16xf32> to vector<1x16xf32>
      tpu.vector_store %arg10[%swap3A_139, %swap3A_140], %swap3A_143 {strides = array<i32>} : memref<8x64xf32, #tpu.memory_space<vmem>>, vector<1x16xf32>,
      %get3A_144 = arith.constant 1 : i32
      %get3A_145 = arith.index_cast %get3A_144 : i32 to index
      %get3A_146 = arith.constant 32 : index
      %get3A_147 = tpu.vector_load %arg9[%get3A_145, %get3A_146] {strides = array<i32>} : memref<8x128xf32, #tpu.memory_space<vmem>>, vector<1x16xf32>,
      %get3A_148 = vector.shape_cast %get3A_147 : vector<1x16xf32> to vector<16xf32>
      %swap3A_149 = arith.constant 1 : i32
      %swap3A_150 = arith.index_cast %swap3A_149 : i32 to index
      %swap3A_151 = arith.constant 32 : index
      %swap3A_152 = tpu.vector_load %arg10[%swap3A_150, %swap3A_151] {strides = array<i32>} : memref<8x64xf32, #tpu.memory_space<vmem>>, vector<1x16xf32>,
      %swap3A_153 = vector.shape_cast %swap3A_152 : vector<1x16xf32> to vector<16xf32>
      %swap3A_154 = vector.shape_cast %get3A_148 : vector<16xf32> to vector<1x16xf32>
      tpu.vector_store %arg10[%swap3A_150, %swap3A_151], %swap3A_154 {strides = array<i32>} : memref<8x64xf32, #tpu.memory_space<vmem>>, vector<1x16xf32>,
      %get3A_155 = arith.constant 1 : i32
      %get3A_156 = arith.index_cast %get3A_155 : i32 to index
      %get3A_157 = arith.constant 48 : index
      %get3A_158 = tpu.vector_load %arg9[%get3A_156, %get3A_157] {strides = array<i32>} : memref<8x128xf32, #tpu.memory_space<vmem>>, vector<1x16xf32>,
      %get3A_159 = vector.shape_cast %get3A_158 : vector<1x16xf32> to vector<16xf32>
      %swap3A_160 = arith.constant 1 : i32
      %swap3A_161 = arith.index_cast %swap3A_160 : i32 to index
      %swap3A_162 = arith.constant 48 : index
      %swap3A_163 = tpu.vector_load %arg10[%swap3A_161, %swap3A_162] {strides = array<i32>} : memref<8x64xf32, #tpu.memory_space<vmem>>, vector<1x16xf32>,
      %swap3A_164 = vector.shape_cast %swap3A_163 : vector<1x16xf32> to vector<16xf32>
      %swap3A_165 = vector.shape_cast %get3A_159 : vector<16xf32> to vector<1x16xf32>
      tpu.vector_store %arg10[%swap3A_161, %swap3A_162], %swap3A_165 {strides = array<i32>} : memref<8x64xf32, #tpu.memory_space<vmem>>, vector<1x16xf32>,
      %get3A_166 = arith.constant 2 : i32
      %get3A_167 = arith.index_cast %get3A_166 : i32 to index
      %get3A_168 = arith.constant 0 : index
      %get3A_169 = tpu.vector_load %arg9[%get3A_167, %get3A_168] {strides = array<i32>} : memref<8x128xf32, #tpu.memory_space<vmem>>, vector<1x16xf32>,
      %get3A_170 = vector.shape_cast %get3A_169 : vector<1x16xf32> to vector<16xf32>
      %swap3A_171 = arith.constant 2 : i32
      %swap3A_172 = arith.index_cast %swap3A_171 : i32 to index
      %swap3A_173 = arith.constant 0 : index
      %swap3A_174 = tpu.vector_load %arg10[%swap3A_172, %swap3A_173] {strides = array<i32>} : memref<8x64xf32, #tpu.memory_space<vmem>>, vector<1x16xf32>,
      %swap3A_175 = vector.shape_cast %swap3A_174 : vector<1x16xf32> to vector<16xf32>
      %swap3A_176 = vector.shape_cast %get3A_170 : vector<16xf32> to vector<1x16xf32>
      tpu.vector_store %arg10[%swap3A_172, %swap3A_173], %swap3A_176 {strides = array<i32>} : memref<8x64xf32, #tpu.memory_space<vmem>>, vector<1x16xf32>,
      %get3A_177 = arith.constant 2 : i32
      %get3A_178 = arith.index_cast %get3A_177 : i32 to index
      %get3A_179 = arith.constant 16 : index
      %get3A_180 = tpu.vector_load %arg9[%get3A_178, %get3A_179] {strides = array<i32>} : memref<8x128xf32, #tpu.memory_space<vmem>>, vector<1x16xf32>,
      %get3A_181 = vector.shape_cast %get3A_180 : vector<1x16xf32> to vector<16xf32>
      %swap3A_182 = arith.constant 2 : i32
      %swap3A_183 = arith.index_cast %swap3A_182 : i32 to index
      %swap3A_184 = arith.constant 16 : index
      %swap3A_185 = tpu.vector_load %arg10[%swap3A_183, %swap3A_184] {strides = array<i32>} : memref<8x64xf32, #tpu.memory_space<vmem>>, vector<1x16xf32>,
      %swap3A_186 = vector.shape_cast %swap3A_185 : vector<1x16xf32> to vector<16xf32>
      %swap3A_187 = vector.shape_cast %get3A_181 : vector<16xf32> to vector<1x16xf32>
      tpu.vector_store %arg10[%swap3A_183, %swap3A_184], %swap3A_187 {strides = array<i32>} : memref<8x64xf32, #tpu.memory_space<vmem>>, vector<1x16xf32>,
      %get3A_188 = arith.constant 2 : i32
      %get3A_189 = arith.index_cast %get3A_188 : i32 to index
      %get3A_190 = arith.constant 32 : index
      %get3A_191 = tpu.vector_load %arg9[%get3A_189, %get3A_190] {strides = array<i32>} : memref<8x128xf32, #tpu.memory_space<vmem>>, vector<1x16xf32>,
      %get3A_192 = vector.shape_cast %get3A_191 : vector<1x16xf32> to vector<16xf32>
      %swap3A_193 = arith.constant 2 : i32
      %swap3A_194 = arith.index_cast %swap3A_193 : i32 to index
      %swap3A_195 = arith.constant 32 : index
      %swap3A_196 = tpu.vector_load %arg10[%swap3A_194, %swap3A_195] {strides = array<i32>} : memref<8x64xf32, #tpu.memory_space<vmem>>, vector<1x16xf32>,
      %swap3A_197 = vector.shape_cast %swap3A_196 : vector<1x16xf32> to vector<16xf32>
      %swap3A_198 = vector.shape_cast %get3A_192 : vector<16xf32> to vector<1x16xf32>
      tpu.vector_store %arg10[%swap3A_194, %swap3A_195], %swap3A_198 {strides = array<i32>} : memref<8x64xf32, #tpu.memory_space<vmem>>, vector<1x16xf32>,
      %get3A_199 = arith.constant 2 : i32
      %get3A_200 = arith.index_cast %get3A_199 : i32 to index
      %get3A_201 = arith.constant 48 : index
      %get3A_202 = tpu.vector_load %arg9[%get3A_200, %get3A_201] {strides = array<i32>} : memref<8x128xf32, #tpu.memory_space<vmem>>, vector<1x16xf32>,
      %get3A_203 = vector.shape_cast %get3A_202 : vector<1x16xf32> to vector<16xf32>
      %swap3A_204 = arith.constant 2 : i32
      %swap3A_205 = arith.index_cast %swap3A_204 : i32 to index
      %swap3A_206 = arith.constant 48 : index
      %swap3A_207 = tpu.vector_load %arg10[%swap3A_205, %swap3A_206] {strides = array<i32>} : memref<8x64xf32, #tpu.memory_space<vmem>>, vector<1x16xf32>,
      %swap3A_208 = vector.shape_cast %swap3A_207 : vector<1x16xf32> to vector<16xf32>
      %swap3A_209 = vector.shape_cast %get3A_203 : vector<16xf32> to vector<1x16xf32>
      tpu.vector_store %arg10[%swap3A_205, %swap3A_206], %swap3A_209 {strides = array<i32>} : memref<8x64xf32, #tpu.memory_space<vmem>>, vector<1x16xf32>,
      %get3A_210 = arith.constant 3 : i32
      %get3A_211 = arith.index_cast %get3A_210 : i32 to index
      %get3A_212 = arith.constant 0 : index
      %get3A_213 = tpu.vector_load %arg9[%get3A_211, %get3A_212] {strides = array<i32>} : memref<8x128xf32, #tpu.memory_space<vmem>>, vector<1x16xf32>,
      %get3A_214 = vector.shape_cast %get3A_213 : vector<1x16xf32> to vector<16xf32>
      %swap3A_215 = arith.constant 3 : i32
      %swap3A_216 = arith.index_cast %swap3A_215 : i32 to index
      %swap3A_217 = arith.constant 0 : index
      %swap3A_218 = tpu.vector_load %arg10[%swap3A_216, %swap3A_217] {strides = array<i32>} : memref<8x64xf32, #tpu.memory_space<vmem>>, vector<1x16xf32>,
      %swap3A_219 = vector.shape_cast %swap3A_218 : vector<1x16xf32> to vector<16xf32>
      %swap3A_220 = vector.shape_cast %get3A_214 : vector<16xf32> to vector<1x16xf32>
      tpu.vector_store %arg10[%swap3A_216, %swap3A_217], %swap3A_220 {strides = array<i32>} : memref<8x64xf32, #tpu.memory_space<vmem>>, vector<1x16xf32>,
      %get3A_221 = arith.constant 3 : i32
      %get3A_222 = arith.index_cast %get3A_221 : i32 to index
      %get3A_223 = arith.constant 16 : index
      %get3A_224 = tpu.vector_load %arg9[%get3A_222, %get3A_223] {strides = array<i32>} : memref<8x128xf32, #tpu.memory_space<vmem>>, vector<1x16xf32>,
      %get3A_225 = vector.shape_cast %get3A_224 : vector<1x16xf32> to vector<16xf32>
      %swap3A_226 = arith.constant 3 : i32
      %swap3A_227 = arith.index_cast %swap3A_226 : i32 to index
      %swap3A_228 = arith.constant 16 : index
      %swap3A_229 = tpu.vector_load %arg10[%swap3A_227, %swap3A_228] {strides = array<i32>} : memref<8x64xf32, #tpu.memory_space<vmem>>, vector<1x16xf32>,
      %swap3A_230 = vector.shape_cast %swap3A_229 : vector<1x16xf32> to vector<16xf32>
      %swap3A_231 = vector.shape_cast %get3A_225 : vector<16xf32> to vector<1x16xf32>
      tpu.vector_store %arg10[%swap3A_227, %swap3A_228], %swap3A_231 {strides = array<i32>} : memref<8x64xf32, #tpu.memory_space<vmem>>, vector<1x16xf32>,
      %get3A_232 = arith.constant 3 : i32
      %get3A_233 = arith.index_cast %get3A_232 : i32 to index
      %get3A_234 = arith.constant 32 : index
      %get3A_235 = tpu.vector_load %arg9[%get3A_233, %get3A_234] {strides = array<i32>} : memref<8x128xf32, #tpu.memory_space<vmem>>, vector<1x16xf32>,
      %get3A_236 = vector.shape_cast %get3A_235 : vector<1x16xf32> to vector<16xf32>
      %swap3A_237 = arith.constant 3 : i32
      %swap3A_238 = arith.index_cast %swap3A_237 : i32 to index
      %swap3A_239 = arith.constant 32 : index
      %swap3A_240 = tpu.vector_load %arg10[%swap3A_238, %swap3A_239] {strides = array<i32>} : memref<8x64xf32, #tpu.memory_space<vmem>>, vector<1x16xf32>,
      %swap3A_241 = vector.shape_cast %swap3A_240 : vector<1x16xf32> to vector<16xf32>
      %swap3A_242 = vector.shape_cast %get3A_236 : vector<16xf32> to vector<1x16xf32>
      tpu.vector_store %arg10[%swap3A_238, %swap3A_239], %swap3A_242 {strides = array<i32>} : memref<8x64xf32, #tpu.memory_space<vmem>>, vector<1x16xf32>,
      %get3A_243 = arith.constant 3 : i32
      %get3A_244 = arith.index_cast %get3A_243 : i32 to index
      %get3A_245 = arith.constant 48 : index
      %get3A_246 = tpu.vector_load %arg9[%get3A_244, %get3A_245] {strides = array<i32>} : memref<8x128xf32, #tpu.memory_space<vmem>>, vector<1x16xf32>,
      %get3A_247 = vector.shape_cast %get3A_246 : vector<1x16xf32> to vector<16xf32>
      %swap3A_248 = arith.constant 3 : i32
      %swap3A_249 = arith.index_cast %swap3A_248 : i32 to index
      %swap3A_250 = arith.constant 48 : index
      %swap3A_251 = tpu.vector_load %arg10[%swap3A_249, %swap3A_250] {strides = array<i32>} : memref<8x64xf32, #tpu.memory_space<vmem>>, vector<1x16xf32>,
      %swap3A_252 = vector.shape_cast %swap3A_251 : vector<1x16xf32> to vector<16xf32>
      %swap3A_253 = vector.shape_cast %get3A_247 : vector<16xf32> to vector<1x16xf32>
      tpu.vector_store %arg10[%swap3A_249, %swap3A_250], %swap3A_253 {strides = array<i32>} : memref<8x64xf32, #tpu.memory_space<vmem>>, vector<1x16xf32>,
      %get3A_254 = arith.constant 4 : i32
      %get3A_255 = arith.index_cast %get3A_254 : i32 to index
      %get3A_256 = arith.constant 0 : index
      %get3A_257 = tpu.vector_load %arg9[%get3A_255, %get3A_256] {strides = array<i32>} : memref<8x128xf32, #tpu.memory_space<vmem>>, vector<1x16xf32>,
      %get3A_258 = vector.shape_cast %get3A_257 : vector<1x16xf32> to vector<16xf32>
      %swap3A_259 = arith.constant 4 : i32
      %swap3A_260 = arith.index_cast %swap3A_259 : i32 to index
      %swap3A_261 = arith.constant 0 : index
      %swap3A_262 = tpu.vector_load %arg10[%swap3A_260, %swap3A_261] {strides = array<i32>} : memref<8x64xf32, #tpu.memory_space<vmem>>, vector<1x16xf32>,
      %swap3A_263 = vector.shape_cast %swap3A_262 : vector<1x16xf32> to vector<16xf32>
      %swap3A_264 = vector.shape_cast %get3A_258 : vector<16xf32> to vector<1x16xf32>
      tpu.vector_store %arg10[%swap3A_260, %swap3A_261], %swap3A_264 {strides = array<i32>} : memref<8x64xf32, #tpu.memory_space<vmem>>, vector<1x16xf32>,
      %get3A_265 = arith.constant 4 : i32
      %get3A_266 = arith.index_cast %get3A_265 : i32 to index
      %get3A_267 = arith.constant 16 : index
      %get3A_268 = tpu.vector_load %arg9[%get3A_266, %get3A_267] {strides = array<i32>} : memref<8x128xf32, #tpu.memory_space<vmem>>, vector<1x16xf32>,
      %get3A_269 = vector.shape_cast %get3A_268 : vector<1x16xf32> to vector<16xf32>
      %swap3A_270 = arith.constant 4 : i32
      %swap3A_271 = arith.index_cast %swap3A_270 : i32 to index
      %swap3A_272 = arith.constant 16 : index
      %swap3A_273 = tpu.vector_load %arg10[%swap3A_271, %swap3A_272] {strides = array<i32>} : memref<8x64xf32, #tpu.memory_space<vmem>>, vector<1x16xf32>,
      %swap3A_274 = vector.shape_cast %swap3A_273 : vector<1x16xf32> to vector<16xf32>
      %swap3A_275 = vector.shape_cast %get3A_269 : vector<16xf32> to vector<1x16xf32>
      tpu.vector_store %arg10[%swap3A_271, %swap3A_272], %swap3A_275 {strides = array<i32>} : memref<8x64xf32, #tpu.memory_space<vmem>>, vector<1x16xf32>,
      %get3A_276 = arith.constant 4 : i32
      %get3A_277 = arith.index_cast %get3A_276 : i32 to index
      %get3A_278 = arith.constant 32 : index
      %get3A_279 = tpu.vector_load %arg9[%get3A_277, %get3A_278] {strides = array<i32>} : memref<8x128xf32, #tpu.memory_space<vmem>>, vector<1x16xf32>,
      %get3A_280 = vector.shape_cast %get3A_279 : vector<1x16xf32> to vector<16xf32>
      %swap3A_281 = arith.constant 4 : i32
      %swap3A_282 = arith.index_cast %swap3A_281 : i32 to index
      %swap3A_283 = arith.constant 32 : index
      %swap3A_284 = tpu.vector_load %arg10[%swap3A_282, %swap3A_283] {strides = array<i32>} : memref<8x64xf32, #tpu.memory_space<vmem>>, vector<1x16xf32>,
      %swap3A_285 = vector.shape_cast %swap3A_284 : vector<1x16xf32> to vector<16xf32>
      %swap3A_286 = vector.shape_cast %get3A_280 : vector<16xf32> to vector<1x16xf32>
      tpu.vector_store %arg10[%swap3A_282, %swap3A_283], %swap3A_286 {strides = array<i32>} : memref<8x64xf32, #tpu.memory_space<vmem>>, vector<1x16xf32>,
      %get3A_287 = arith.constant 4 : i32
      %get3A_288 = arith.index_cast %get3A_287 : i32 to index
      %get3A_289 = arith.constant 48 : index
      %get3A_290 = tpu.vector_load %arg9[%get3A_288, %get3A_289] {strides = array<i32>} : memref<8x128xf32, #tpu.memory_space<vmem>>, vector<1x16xf32>,
      %get3A_291 = vector.shape_cast %get3A_290 : vector<1x16xf32> to vector<16xf32>
      %swap3A_292 = arith.constant 4 : i32
      %swap3A_293 = arith.index_cast %swap3A_292 : i32 to index
      %swap3A_294 = arith.constant 48 : index
      %swap3A_295 = tpu.vector_load %arg10[%swap3A_293, %swap3A_294] {strides = array<i32>} : memref<8x64xf32, #tpu.memory_space<vmem>>, vector<1x16xf32>,
      %swap3A_296 = vector.shape_cast %swap3A_295 : vector<1x16xf32> to vector<16xf32>
      %swap3A_297 = vector.shape_cast %get3A_291 : vector<16xf32> to vector<1x16xf32>
      tpu.vector_store %arg10[%swap3A_293, %swap3A_294], %swap3A_297 {strides = array<i32>} : memref<8x64xf32, #tpu.memory_space<vmem>>, vector<1x16xf32>,
      %get3A_298 = arith.constant 5 : i32
      %get3A_299 = arith.index_cast %get3A_298 : i32 to index
      %get3A_300 = arith.constant 0 : index
      %get3A_301 = tpu.vector_load %arg9[%get3A_299, %get3A_300] {strides = array<i32>} : memref<8x128xf32, #tpu.memory_space<vmem>>, vector<1x16xf32>,
      %get3A_302 = vector.shape_cast %get3A_301 : vector<1x16xf32> to vector<16xf32>
      %swap3A_303 = arith.constant 5 : i32
      %swap3A_304 = arith.index_cast %swap3A_303 : i32 to index
      %swap3A_305 = arith.constant 0 : index
      %swap3A_306 = tpu.vector_load %arg10[%swap3A_304, %swap3A_305] {strides = array<i32>} : memref<8x64xf32, #tpu.memory_space<vmem>>, vector<1x16xf32>,
      %swap3A_307 = vector.shape_cast %swap3A_306 : vector<1x16xf32> to vector<16xf32>
      %swap3A_308 = vector.shape_cast %get3A_302 : vector<16xf32> to vector<1x16xf32>
      tpu.vector_store %arg10[%swap3A_304, %swap3A_305], %swap3A_308 {strides = array<i32>} : memref<8x64xf32, #tpu.memory_space<vmem>>, vector<1x16xf32>,
      %get3A_309 = arith.constant 5 : i32
      %get3A_310 = arith.index_cast %get3A_309 : i32 to index
      %get3A_311 = arith.constant 16 : index
      %get3A_312 = tpu.vector_load %arg9[%get3A_310, %get3A_311] {strides = array<i32>} : memref<8x128xf32, #tpu.memory_space<vmem>>, vector<1x16xf32>,
      %get3A_313 = vector.shape_cast %get3A_312 : vector<1x16xf32> to vector<16xf32>
      %swap3A_314 = arith.constant 5 : i32
      %swap3A_315 = arith.index_cast %swap3A_314 : i32 to index
      %swap3A_316 = arith.constant 16 : index
      %swap3A_317 = tpu.vector_load %arg10[%swap3A_315, %swap3A_316] {strides = array<i32>} : memref<8x64xf32, #tpu.memory_space<vmem>>, vector<1x16xf32>,
      %swap3A_318 = vector.shape_cast %swap3A_317 : vector<1x16xf32> to vector<16xf32>
      %swap3A_319 = vector.shape_cast %get3A_313 : vector<16xf32> to vector<1x16xf32>
      tpu.vector_store %arg10[%swap3A_315, %swap3A_316], %swap3A_319 {strides = array<i32>} : memref<8x64xf32, #tpu.memory_space<vmem>>, vector<1x16xf32>,
      %get3A_320 = arith.constant 5 : i32
      %get3A_321 = arith.index_cast %get3A_320 : i32 to index
      %get3A_322 = arith.constant 32 : index
      %get3A_323 = tpu.vector_load %arg9[%get3A_321, %get3A_322] {strides = array<i32>} : memref<8x128xf32, #tpu.memory_space<vmem>>, vector<1x16xf32>,
      %get3A_324 = vector.shape_cast %get3A_323 : vector<1x16xf32> to vector<16xf32>
      %swap3A_325 = arith.constant 5 : i32
      %swap3A_326 = arith.index_cast %swap3A_325 : i32 to index
      %swap3A_327 = arith.constant 32 : index
      %swap3A_328 = tpu.vector_load %arg10[%swap3A_326, %swap3A_327] {strides = array<i32>} : memref<8x64xf32, #tpu.memory_space<vmem>>, vector<1x16xf32>,
      %swap3A_329 = vector.shape_cast %swap3A_328 : vector<1x16xf32> to vector<16xf32>
      %swap3A_330 = vector.shape_cast %get3A_324 : vector<16xf32> to vector<1x16xf32>
      tpu.vector_store %arg10[%swap3A_326, %swap3A_327], %swap3A_330 {strides = array<i32>} : memref<8x64xf32, #tpu.memory_space<vmem>>, vector<1x16xf32>,
      %get3A_331 = arith.constant 5 : i32
      %get3A_332 = arith.index_cast %get3A_331 : i32 to index
      %get3A_333 = arith.constant 48 : index
      %get3A_334 = tpu.vector_load %arg9[%get3A_332, %get3A_333] {strides = array<i32>} : memref<8x128xf32, #tpu.memory_space<vmem>>, vector<1x16xf32>,
      %get3A_335 = vector.shape_cast %get3A_334 : vector<1x16xf32> to vector<16xf32>
      %swap3A_336 = arith.constant 5 : i32
      %swap3A_337 = arith.index_cast %swap3A_336 : i32 to index
      %swap3A_338 = arith.constant 48 : index
      %swap3A_339 = tpu.vector_load %arg10[%swap3A_337, %swap3A_338] {strides = array<i32>} : memref<8x64xf32, #tpu.memory_space<vmem>>, vector<1x16xf32>,
      %swap3A_340 = vector.shape_cast %swap3A_339 : vector<1x16xf32> to vector<16xf32>
      %swap3A_341 = vector.shape_cast %get3A_335 : vector<16xf32> to vector<1x16xf32>
      tpu.vector_store %arg10[%swap3A_337, %swap3A_338], %swap3A_341 {strides = array<i32>} : memref<8x64xf32, #tpu.memory_space<vmem>>, vector<1x16xf32>,
      %get3A_342 = arith.constant 6 : i32
      %get3A_343 = arith.index_cast %get3A_342 : i32 to index
      %get3A_344 = arith.constant 0 : index
      %get3A_345 = tpu.vector_load %arg9[%get3A_343, %get3A_344] {strides = array<i32>} : memref<8x128xf32, #tpu.memory_space<vmem>>, vector<1x16xf32>,
      %get3A_346 = vector.shape_cast %get3A_345 : vector<1x16xf32> to vector<16xf32>
      %swap3A_347 = arith.constant 6 : i32
      %swap3A_348 = arith.index_cast %swap3A_347 : i32 to index
      %swap3A_349 = arith.constant 0 : index
      %swap3A_350 = tpu.vector_load %arg10[%swap3A_348, %swap3A_349] {strides = array<i32>} : memref<8x64xf32, #tpu.memory_space<vmem>>, vector<1x16xf32>,
      %swap3A_351 = vector.shape_cast %swap3A_350 : vector<1x16xf32> to vector<16xf32>
      %swap3A_352 = vector.shape_cast %get3A_346 : vector<16xf32> to vector<1x16xf32>
      tpu.vector_store %arg10[%swap3A_348, %swap3A_349], %swap3A_352 {strides = array<i32>} : memref<8x64xf32, #tpu.memory_space<vmem>>, vector<1x16xf32>,
      %get3A_353 = arith.constant 6 : i32
      %get3A_354 = arith.index_cast %get3A_353 : i32 to index
      %get3A_355 = arith.constant 16 : index
      %get3A_356 = tpu.vector_load %arg9[%get3A_354, %get3A_355] {strides = array<i32>} : memref<8x128xf32, #tpu.memory_space<vmem>>, vector<1x16xf32>,
      %get3A_357 = vector.shape_cast %get3A_356 : vector<1x16xf32> to vector<16xf32>
      %swap3A_358 = arith.constant 6 : i32
      %swap3A_359 = arith.index_cast %swap3A_358 : i32 to index
      %swap3A_360 = arith.constant 16 : index
      %swap3A_361 = tpu.vector_load %arg10[%swap3A_359, %swap3A_360] {strides = array<i32>} : memref<8x64xf32, #tpu.memory_space<vmem>>, vector<1x16xf32>,
      %swap3A_362 = vector.shape_cast %swap3A_361 : vector<1x16xf32> to vector<16xf32>
      %swap3A_363 = vector.shape_cast %get3A_357 : vector<16xf32> to vector<1x16xf32>
      tpu.vector_store %arg10[%swap3A_359, %swap3A_360], %swap3A_363 {strides = array<i32>} : memref<8x64xf32, #tpu.memory_space<vmem>>, vector<1x16xf32>,
      %get3A_364 = arith.constant 6 : i32
      %get3A_365 = arith.index_cast %get3A_364 : i32 to index
      %get3A_366 = arith.constant 32 : index
      %get3A_367 = tpu.vector_load %arg9[%get3A_365, %get3A_366] {strides = array<i32>} : memref<8x128xf32, #tpu.memory_space<vmem>>, vector<1x16xf32>,
      %get3A_368 = vector.shape_cast %get3A_367 : vector<1x16xf32> to vector<16xf32>
      %swap3A_369 = arith.constant 6 : i32
      %swap3A_370 = arith.index_cast %swap3A_369 : i32 to index
      %swap3A_371 = arith.constant 32 : index
      %swap3A_372 = tpu.vector_load %arg10[%swap3A_370, %swap3A_371] {strides = array<i32>} : memref<8x64xf32, #tpu.memory_space<vmem>>, vector<1x16xf32>,
      %swap3A_373 = vector.shape_cast %swap3A_372 : vector<1x16xf32> to vector<16xf32>
      %swap3A_374 = vector.shape_cast %get3A_368 : vector<16xf32> to vector<1x16xf32>
      tpu.vector_store %arg10[%swap3A_370, %swap3A_371], %swap3A_374 {strides = array<i32>} : memref<8x64xf32, #tpu.memory_space<vmem>>, vector<1x16xf32>,
      %get3A_375 = arith.constant 6 : i32
      %get3A_376 = arith.index_cast %get3A_375 : i32 to index
      %get3A_377 = arith.constant 48 : index
      %get3A_378 = tpu.vector_load %arg9[%get3A_376, %get3A_377] {strides = array<i32>} : memref<8x128xf32, #tpu.memory_space<vmem>>, vector<1x16xf32>,
      %get3A_379 = vector.shape_cast %get3A_378 : vector<1x16xf32> to vector<16xf32>
      %swap3A_380 = arith.constant 6 : i32
      %swap3A_381 = arith.index_cast %swap3A_380 : i32 to index
      %swap3A_382 = arith.constant 48 : index
      %swap3A_383 = tpu.vector_load %arg10[%swap3A_381, %swap3A_382] {strides = array<i32>} : memref<8x64xf32, #tpu.memory_space<vmem>>, vector<1x16xf32>,
      %swap3A_384 = vector.shape_cast %swap3A_383 : vector<1x16xf32> to vector<16xf32>
      %swap3A_385 = vector.shape_cast %get3A_379 : vector<16xf32> to vector<1x16xf32>
      tpu.vector_store %arg10[%swap3A_381, %swap3A_382], %swap3A_385 {strides = array<i32>} : memref<8x64xf32, #tpu.memory_space<vmem>>, vector<1x16xf32>,
      %get3A_386 = arith.constant 7 : i32
      %get3A_387 = arith.index_cast %get3A_386 : i32 to index
      %get3A_388 = arith.constant 0 : index
      %get3A_389 = tpu.vector_load %arg9[%get3A_387, %get3A_388] {strides = array<i32>} : memref<8x128xf32, #tpu.memory_space<vmem>>, vector<1x16xf32>,
      %get3A_390 = vector.shape_cast %get3A_389 : vector<1x16xf32> to vector<16xf32>
      %swap3A_391 = arith.constant 7 : i32
      %swap3A_392 = arith.index_cast %swap3A_391 : i32 to index
      %swap3A_393 = arith.constant 0 : index
      %swap3A_394 = tpu.vector_load %arg10[%swap3A_392, %swap3A_393] {strides = array<i32>} : memref<8x64xf32, #tpu.memory_space<vmem>>, vector<1x16xf32>,
      %swap3A_395 = vector.shape_cast %swap3A_394 : vector<1x16xf32> to vector<16xf32>
      %swap3A_396 = vector.shape_cast %get3A_390 : vector<16xf32> to vector<1x16xf32>
      tpu.vector_store %arg10[%swap3A_392, %swap3A_393], %swap3A_396 {strides = array<i32>} : memref<8x64xf32, #tpu.memory_space<vmem>>, vector<1x16xf32>,
      %get3A_397 = arith.constant 7 : i32
      %get3A_398 = arith.index_cast %get3A_397 : i32 to index
      %get3A_399 = arith.constant 16 : index
      %get3A_400 = tpu.vector_load %arg9[%get3A_398, %get3A_399] {strides = array<i32>} : memref<8x128xf32, #tpu.memory_space<vmem>>, vector<1x16xf32>,
      %get3A_401 = vector.shape_cast %get3A_400 : vector<1x16xf32> to vector<16xf32>
      %swap3A_402 = arith.constant 7 : i32
      %swap3A_403 = arith.index_cast %swap3A_402 : i32 to index
      %swap3A_404 = arith.constant 16 : index
      %swap3A_405 = tpu.vector_load %arg10[%swap3A_403, %swap3A_404] {strides = array<i32>} : memref<8x64xf32, #tpu.memory_space<vmem>>, vector<1x16xf32>,
      %swap3A_406 = vector.shape_cast %swap3A_405 : vector<1x16xf32> to vector<16xf32>
      %swap3A_407 = vector.shape_cast %get3A_401 : vector<16xf32> to vector<1x16xf32>
      tpu.vector_store %arg10[%swap3A_403, %swap3A_404], %swap3A_407 {strides = array<i32>} : memref<8x64xf32, #tpu.memory_space<vmem>>, vector<1x16xf32>,
      %get3A_408 = arith.constant 7 : i32
      %get3A_409 = arith.index_cast %get3A_408 : i32 to index
      %get3A_410 = arith.constant 32 : index
      %get3A_411 = tpu.vector_load %arg9[%get3A_409, %get3A_410] {strides = array<i32>} : memref<8x128xf32, #tpu.memory_space<vmem>>, vector<1x16xf32>,
      %get3A_412 = vector.shape_cast %get3A_411 : vector<1x16xf32> to vector<16xf32>
      %swap3A_413 = arith.constant 7 : i32
      %swap3A_414 = arith.index_cast %swap3A_413 : i32 to index
      %swap3A_415 = arith.constant 32 : index
      %swap3A_416 = tpu.vector_load %arg10[%swap3A_414, %swap3A_415] {strides = array<i32>} : memref<8x64xf32, #tpu.memory_space<vmem>>, vector<1x16xf32>,
      %swap3A_417 = vector.shape_cast %swap3A_416 : vector<1x16xf32> to vector<16xf32>
      %swap3A_418 = vector.shape_cast %get3A_412 : vector<16xf32> to vector<1x16xf32>
      tpu.vector_store %arg10[%swap3A_414, %swap3A_415], %swap3A_418 {strides = array<i32>} : memref<8x64xf32, #tpu.memory_space<vmem>>, vector<1x16xf32>,
      %get3A_419 = arith.constant 7 : i32
      %get3A_420 = arith.index_cast %get3A_419 : i32 to index
      %get3A_421 = arith.constant 48 : index
      %get3A_422 = tpu.vector_load %arg9[%get3A_420, %get3A_421] {strides = array<i32>} : memref<8x128xf32, #tpu.memory_space<vmem>>, vector<1x16xf32>,
      %get3A_423 = vector.shape_cast %get3A_422 : vector<1x16xf32> to vector<16xf32>
      %swap3A_424 = arith.constant 7 : i32
      %swap3A_425 = arith.index_cast %swap3A_424 : i32 to index
      %swap3A_426 = arith.constant 48 : index
      %swap3A_427 = tpu.vector_load %arg10[%swap3A_425, %swap3A_426] {strides = array<i32>} : memref<8x64xf32, #tpu.memory_space<vmem>>, vector<1x16xf32>,
      %swap3A_428 = vector.shape_cast %swap3A_427 : vector<1x16xf32> to vector<16xf32>
      %swap3A_429 = vector.shape_cast %get3A_423 : vector<16xf32> to vector<1x16xf32>
      tpu.vector_store %arg10[%swap3A_425, %swap3A_426], %swap3A_429 {strides = array<i32>} : memref<8x64xf32, #tpu.memory_space<vmem>>, vector<1x16xf32>,
      %add3A_430 = arith.addi %add3A_5, %add3A_79 : i32
      "tpu.region"() ({
        %run_scoped3A = tpu.sem_alloc : memref<!tpu.dma_semaphore, #tpu.memory_space<semaphore_mem>>
        %dma_start3A = arith.constant 0 : i32
        %dma_start3A_431 = tpu.memref_slice %arg5[%add3A_430, %dma_start3A] : memref<102400x64xf32, #tpu.memory_space<hbm>> -> memref<8x64xf32, #tpu.memory_space<hbm>>
        %dma_start3A_432 = arith.constant 0 : i32
        %dma_start3A_433 = tpu.memref_slice %arg5[%add3A_430, %dma_start3A_432] : memref<102400x64xf32, #tpu.memory_space<hbm>> -> memref<8x64xf32, #tpu.memory_space<hbm>>
        tpu.enqueue_dma source(%arg10 : memref<8x64xf32, #tpu.memory_space<vmem>>) target(%dma_start3A_433 : memref<8x64xf32, #tpu.memory_space<hbm>>) target_semaphore(%run_scoped3A : memref<!tpu.dma_semaphore, #tpu.memory_space<semaphore_mem>>)
        %dma_wait3A = arith.constant 0 : i32
        %dma_wait3A_434 = tpu.memref_slice %arg5[%add3A_430, %dma_wait3A] : memref<102400x64xf32, #tpu.memory_space<hbm>> -> memref<8x64xf32, #tpu.memory_space<hbm>>
        %dma_wait3A_435 = arith.constant 0 : i32
        %dma_wait3A_436 = tpu.memref_slice %arg5[%add3A_430, %dma_wait3A_435] : memref<102400x64xf32, #tpu.memory_space<hbm>> -> memref<8x64xf32, #tpu.memory_space<hbm>>
        tpu.wait_dma2 semaphore(%run_scoped3A : memref<!tpu.dma_semaphore, #tpu.memory_space<semaphore_mem>>) src(%arg10 : memref<8x64xf32, #tpu.memory_space<vmem>>) dst(%dma_wait3A_436 : memref<8x64xf32, #tpu.memory_space<hbm>>)
        tpu.yield
      }) : () -> ()
    }
    %scan3A_17 = arith.constant 100 : i32
    %barrier3A_18 = arith.constant 0 : index
    tpu.barrier barrier_id(%barrier3A_18)
    %mul3A_19 = arith.constant 51200 : i32
    %mul3A_20 = arith.muli %arg0, %mul3A_19 : i32
    %add3A_21 = arith.constant 12800 : i32
    %add3A_22 = arith.addi %mul3A_20, %add3A_21 : i32
    "tpu.region"() ({
      %run_scoped3A = tpu.sem_alloc : memref<!tpu.dma_semaphore, #tpu.memory_space<semaphore_mem>>
      %dma_start3A = arith.constant 0 : i32
      %dma_start3A_76 = tpu.memref_slice %arg13[%mul3A_0, %dma_start3A] : memref<12808x128xf32, #tpu.memory_space<vmem_shared>> -> memref<800x128xf32, #tpu.memory_space<vmem_shared>>
      %dma_start3A_77 = arith.constant 0 : i32
      %dma_start3A_78 = arith.constant 0 : i32
      %dma_start3A_79 = tpu.memref_slice %arg4[%dma_start3A_77, %dma_start3A_78] : memref<800x128xf32, #tpu.memory_space<hbm>> -> memref<800x128xf32, #tpu.memory_space<hbm>>
      tpu.enqueue_dma source(%dma_start3A_79 : memref<800x128xf32, #tpu.memory_space<hbm>>) target(%dma_start3A_76 : memref<800x128xf32, #tpu.memory_space<vmem_shared>>) target_semaphore(%run_scoped3A : memref<!tpu.dma_semaphore, #tpu.memory_space<semaphore_mem>>)
      %dma_wait3A = arith.constant 0 : i32
      %dma_wait3A_80 = tpu.memref_slice %arg13[%mul3A_0, %dma_wait3A] : memref<12808x128xf32, #tpu.memory_space<vmem_shared>> -> memref<800x128xf32, #tpu.memory_space<vmem_shared>>
      %dma_wait3A_81 = arith.constant 0 : i32
      %dma_wait3A_82 = arith.constant 0 : i32
      %dma_wait3A_83 = tpu.memref_slice %arg4[%dma_wait3A_81, %dma_wait3A_82] : memref<800x128xf32, #tpu.memory_space<hbm>> -> memref<800x128xf32, #tpu.memory_space<hbm>>
      tpu.wait_dma2 semaphore(%run_scoped3A : memref<!tpu.dma_semaphore, #tpu.memory_space<semaphore_mem>>) src(%dma_wait3A_83 : memref<800x128xf32, #tpu.memory_space<hbm>>) dst(%dma_wait3A_80 : memref<800x128xf32, #tpu.memory_space<vmem_shared>>)
      tpu.yield
    }) : () -> ()
    %barrier3A_23 = arith.constant 0 : index
    tpu.barrier barrier_id(%barrier3A_23)
    %scan3A_24 = arith.constant 0 : i32
    %scan3A_25 = arith.constant 0 : i32
    %scan3A_26 = arith.constant 8 : i32
    %scan3A_27 = arith.addi %scan3A_25, %scan3A_26 : i32
    %scan3A_28 = arith.constant 1 : i32
    scf.for %scan3A_76 = %scan3A_25 to %scan3A_27 step %scan3A_28  : i32 {
      %mul3A_77 = arith.constant 1600 : i32
      %mul3A_78 = arith.muli %scan3A_76, %mul3A_77 : i32
      %add3A_79 = arith.addi %mul3A_2, %mul3A_78 : i32
      "tpu.region"() ({
        %run_scoped3A = tpu.sem_alloc : memref<!tpu.dma_semaphore, #tpu.memory_space<semaphore_mem>>
        %dma_start3A_253 = tpu.memref_slice %arg3[%add3A_79] : memref<204800xi32, #tpu.memory_space<hbm>> -> memref<1600xi32, #tpu.memory_space<hbm>>
        %dma_start3A_254 = tpu.memref_slice %arg3[%add3A_79] : memref<204800xi32, #tpu.memory_space<hbm>> -> memref<1600xi32, #tpu.memory_space<hbm>>
        tpu.enqueue_dma source(%dma_start3A_254 : memref<1600xi32, #tpu.memory_space<hbm>>) target(%arg6 : memref<1600xi32, #tpu.memory_space<vmem>>) target_semaphore(%run_scoped3A : memref<!tpu.dma_semaphore, #tpu.memory_space<semaphore_mem>>)
        %dma_wait3A_255 = tpu.memref_slice %arg3[%add3A_79] : memref<204800xi32, #tpu.memory_space<hbm>> -> memref<1600xi32, #tpu.memory_space<hbm>>
        %dma_wait3A_256 = tpu.memref_slice %arg3[%add3A_79] : memref<204800xi32, #tpu.memory_space<hbm>> -> memref<1600xi32, #tpu.memory_space<hbm>>
        tpu.wait_dma2 semaphore(%run_scoped3A : memref<!tpu.dma_semaphore, #tpu.memory_space<semaphore_mem>>) src(%dma_wait3A_256 : memref<1600xi32, #tpu.memory_space<hbm>>) dst(%arg6 : memref<1600xi32, #tpu.memory_space<vmem>>)
        tpu.yield
      }) : () -> ()
      %get3A = arith.constant 0 : index
      %get3A_80 = tpu.vector_load %arg6[%get3A] {strides = array<i32>} : memref<1600xi32, #tpu.memory_space<vmem>>, vector<16xi32>,
      %get3A_81 = vector.shape_cast %get3A_80 : vector<16xi32> to vector<16xi32>
      %ne3A = arith.constant 0 : i32
      %ne3A_82 = vector.broadcast %ne3A : i32 to vector<16xi32>
      %ne3A_83 = arith.cmpi ne, %get3A_81, %ne3A_82 : vector<16xi32>
      %ge3A = vector.broadcast %add3A_22 : i32 to vector<16xi32>
      %ge3A_84 = arith.cmpi sge, %get3A_81, %ge3A : vector<16xi32>
      %add3A_85 = arith.constant 12800 : i32
      %add3A_86 = arith.addi %add3A_22, %add3A_85 : i32
      %lt3A = vector.broadcast %add3A_86 : i32 to vector<16xi32>
      %lt3A_87 = arith.cmpi slt, %get3A_81, %lt3A : vector<16xi32>
      %and3A = arith.andi %ge3A_84, %lt3A_87 : vector<16xi1>
      %and3A_88 = arith.andi %ne3A_83, %and3A : vector<16xi1>
      %sub3A = vector.broadcast %add3A_22 : i32 to vector<16xi32>
      %sub3A_89 = arith.subi %get3A_81, %sub3A : vector<16xi32>
      %jit3A = arith.constant 12800 : i32
      %broadcast_in_dim3A = vector.broadcast %jit3A : i32 to vector<16xi32>
      %select_n3A = arith.select %and3A_88, %sub3A_89, %broadcast_in_dim3A : vector<16xi1>, vector<16xi32>
      %swap3A = arith.constant 0 : i32
      %swap3A_90 = arith.index_cast %swap3A : i32 to index
      %swap3A_91 = arith.constant 0 : index
      %swap3A_92 = tpu.vector_load %arg7[%swap3A_90, %swap3A_91] {strides = array<i32>} : memref<2x32xi32, #tpu.memory_space<vmem>>, vector<1x16xi32>,
      %swap3A_93 = vector.shape_cast %swap3A_92 : vector<1x16xi32> to vector<16xi32>
      %swap3A_94 = vector.shape_cast %select_n3A : vector<16xi32> to vector<1x16xi32>
      tpu.vector_store %arg7[%swap3A_90, %swap3A_91], %swap3A_94 {strides = array<i32>} : memref<2x32xi32, #tpu.memory_space<vmem>>, vector<1x16xi32>,
      %get3A_95 = arith.constant 16 : index
      %get3A_96 = tpu.vector_load %arg6[%get3A_95] {strides = array<i32>} : memref<1600xi32, #tpu.memory_space<vmem>>, vector<16xi32>,
      %get3A_97 = vector.shape_cast %get3A_96 : vector<16xi32> to vector<16xi32>
      %ne3A_98 = arith.constant 0 : i32
      %ne3A_99 = vector.broadcast %ne3A_98 : i32 to vector<16xi32>
      %ne3A_100 = arith.cmpi ne, %get3A_97, %ne3A_99 : vector<16xi32>
      %ge3A_101 = vector.broadcast %add3A_22 : i32 to vector<16xi32>
      %ge3A_102 = arith.cmpi sge, %get3A_97, %ge3A_101 : vector<16xi32>
      %add3A_103 = arith.constant 12800 : i32
      %add3A_104 = arith.addi %add3A_22, %add3A_103 : i32
      %lt3A_105 = vector.broadcast %add3A_104 : i32 to vector<16xi32>
      %lt3A_106 = arith.cmpi slt, %get3A_97, %lt3A_105 : vector<16xi32>
      %and3A_107 = arith.andi %ge3A_102, %lt3A_106 : vector<16xi1>
      %and3A_108 = arith.andi %ne3A_100, %and3A_107 : vector<16xi1>
      %sub3A_109 = vector.broadcast %add3A_22 : i32 to vector<16xi32>
      %sub3A_110 = arith.subi %get3A_97, %sub3A_109 : vector<16xi32>
      %jit3A_111 = arith.constant 12800 : i32
      %broadcast_in_dim3A_112 = vector.broadcast %jit3A_111 : i32 to vector<16xi32>
      %select_n3A_113 = arith.select %and3A_108, %sub3A_110, %broadcast_in_dim3A_112 : vector<16xi1>, vector<16xi32>
      %swap3A_114 = arith.constant 0 : i32
      %swap3A_115 = arith.index_cast %swap3A_114 : i32 to index
      %swap3A_116 = arith.constant 16 : index
      %swap3A_117 = tpu.vector_load %arg7[%swap3A_115, %swap3A_116] {strides = array<i32>} : memref<2x32xi32, #tpu.memory_space<vmem>>, vector<1x16xi32>,
      %swap3A_118 = vector.shape_cast %swap3A_117 : vector<1x16xi32> to vector<16xi32>
      %swap3A_119 = vector.shape_cast %select_n3A_113 : vector<16xi32> to vector<1x16xi32>
      tpu.vector_store %arg7[%swap3A_115, %swap3A_116], %swap3A_119 {strides = array<i32>} : memref<2x32xi32, #tpu.memory_space<vmem>>, vector<1x16xi32>,
      %dma_start3A = arith.constant 0 : i32
      %dma_start3A_120 = arith.constant 0 : i32
      %dma_start3A_121 = arith.constant 0 : i32
      %dma_start3A_122 = tpu.memref_slice %arg8[%dma_start3A, %dma_start3A_120, %dma_start3A_121] : memref<2x32x128xf32, #tpu.memory_space<vmem>> -> memref<1x32x128xf32, #tpu.memory_space<vmem>>
      %dma_start3A_123 = tpu.memref_squeeze %dma_start3A_122 : memref<1x32x128xf32, #tpu.memory_space<vmem>> -> memref<32x128xf32, #tpu.memory_space<vmem>>
      %dma_start3A_124 = arith.constant 0 : i32
      %dma_start3A_125 = tpu.memref_slice %arg2[%add3A_79, %dma_start3A_124] : memref<204800x128xf32, #tpu.memory_space<hbm>> -> memref<32x128xf32, #tpu.memory_space<hbm>>
      %dma_start3A_126 = arith.constant 0 : i32
      %dma_start3A_127 = arith.constant 0 : i32
      %dma_start3A_128 = tpu.memref_slice %arg8[%dma_start3A, %dma_start3A_126, %dma_start3A_127] : memref<2x32x128xf32, #tpu.memory_space<vmem>> -> memref<1x32x128xf32, #tpu.memory_space<vmem>>
      %dma_start3A_129 = tpu.memref_squeeze %dma_start3A_128 : memref<1x32x128xf32, #tpu.memory_space<vmem>> -> memref<32x128xf32, #tpu.memory_space<vmem>>
      %dma_start3A_130 = arith.constant 0 : i32
      %dma_start3A_131 = tpu.memref_slice %arg2[%add3A_79, %dma_start3A_130] : memref<204800x128xf32, #tpu.memory_space<hbm>> -> memref<32x128xf32, #tpu.memory_space<hbm>>
      tpu.enqueue_dma source(%dma_start3A_131 : memref<32x128xf32, #tpu.memory_space<hbm>>) target(%dma_start3A_129 : memref<32x128xf32, #tpu.memory_space<vmem>>) target_semaphore(%arg12 : memref<!tpu.dma_semaphore, #tpu.memory_space<semaphore_mem>>)
      %dma_wait3A = arith.constant 0 : i32
      %dma_wait3A_132 = arith.constant 0 : i32
      %dma_wait3A_133 = arith.constant 0 : i32
      %dma_wait3A_134 = tpu.memref_slice %arg8[%dma_wait3A, %dma_wait3A_132, %dma_wait3A_133] : memref<2x32x128xf32, #tpu.memory_space<vmem>> -> memref<1x32x128xf32, #tpu.memory_space<vmem>>
      %dma_wait3A_135 = tpu.memref_squeeze %dma_wait3A_134 : memref<1x32x128xf32, #tpu.memory_space<vmem>> -> memref<32x128xf32, #tpu.memory_space<vmem>>
      %dma_wait3A_136 = arith.constant 0 : i32
      %dma_wait3A_137 = tpu.memref_slice %arg2[%add3A_79, %dma_wait3A_136] : memref<204800x128xf32, #tpu.memory_space<hbm>> -> memref<32x128xf32, #tpu.memory_space<hbm>>
      %dma_wait3A_138 = arith.constant 0 : i32
      %dma_wait3A_139 = arith.constant 0 : i32
      %dma_wait3A_140 = tpu.memref_slice %arg8[%dma_wait3A, %dma_wait3A_138, %dma_wait3A_139] : memref<2x32x128xf32, #tpu.memory_space<vmem>> -> memref<1x32x128xf32, #tpu.memory_space<vmem>>
      %dma_wait3A_141 = tpu.memref_squeeze %dma_wait3A_140 : memref<1x32x128xf32, #tpu.memory_space<vmem>> -> memref<32x128xf32, #tpu.memory_space<vmem>>
      %dma_wait3A_142 = arith.constant 0 : i32
      %dma_wait3A_143 = tpu.memref_slice %arg2[%add3A_79, %dma_wait3A_142] : memref<204800x128xf32, #tpu.memory_space<hbm>> -> memref<32x128xf32, #tpu.memory_space<hbm>>
      tpu.wait_dma2 semaphore(%arg12 : memref<!tpu.dma_semaphore, #tpu.memory_space<semaphore_mem>>) src(%dma_wait3A_143 : memref<32x128xf32, #tpu.memory_space<hbm>>) dst(%dma_wait3A_141 : memref<32x128xf32, #tpu.memory_space<vmem>>)
      %dma_start3A_144 = arith.constant 0 : i32
      %dma_start3A_145 = arith.constant 0 : i32
      %dma_start3A_146 = arith.constant 0 : i32
      %dma_start3A_147 = arith.constant 0 : i32
      %dma_start3A_148 = tpu.memref_slice %arg8[%dma_start3A_144, %dma_start3A_146, %dma_start3A_147] : memref<2x32x128xf32, #tpu.memory_space<vmem>> -> memref<1x32x128xf32, #tpu.memory_space<vmem>>
      %dma_start3A_149 = tpu.memref_squeeze %dma_start3A_148 : memref<1x32x128xf32, #tpu.memory_space<vmem>> -> memref<32x128xf32, #tpu.memory_space<vmem>>
      %dma_start3A_150 = arith.constant 0 : i32
      %dma_start3A_151 = tpu.memref_slice %arg7[%dma_start3A_145, %dma_start3A_150] : memref<2x32xi32, #tpu.memory_space<vmem>> -> memref<1x32xi32, #tpu.memory_space<vmem>>
      %dma_start3A_152 = tpu.memref_squeeze %dma_start3A_151 : memref<1x32xi32, #tpu.memory_space<vmem>> -> memref<32xi32, #tpu.memory_space<vmem>>
      %dma_start3A_153 = arith.constant 0 : i32
      %dma_start3A_154 = arith.constant 0 : i32
      %dma_start3A_155 = tpu.memref_slice %arg13[%dma_start3A_153, %dma_start3A_154] : memref<12808x128xf32, #tpu.memory_space<vmem_shared>> -> memref<12808x128xf32, #tpu.memory_space<vmem_shared>>
      tpu.enqueue_indirect_dma source(%dma_start3A_149 : memref<32x128xf32, #tpu.memory_space<vmem>>) target(%dma_start3A_155 : memref<12808x128xf32, #tpu.memory_space<vmem_shared>>) offsets(%dma_start3A_152 : memref<32xi32, #tpu.memory_space<vmem>>) semaphore(%arg11 : memref<!tpu.dma_semaphore, #tpu.memory_space<semaphore_mem>>) {add = true}
      %add3A_156 = arith.constant 32 : i32
      %add3A_157 = arith.addi %add3A_79, %add3A_156 : i32
      %dma_start3A_158 = arith.constant 1 : i32
      %dma_start3A_159 = arith.constant 0 : i32
      %dma_start3A_160 = arith.constant 0 : i32
      %dma_start3A_161 = tpu.memref_slice %arg8[%dma_start3A_158, %dma_start3A_159, %dma_start3A_160] : memref<2x32x128xf32, #tpu.memory_space<vmem>> -> memref<1x32x128xf32, #tpu.memory_space<vmem>>
      %dma_start3A_162 = tpu.memref_squeeze %dma_start3A_161 : memref<1x32x128xf32, #tpu.memory_space<vmem>> -> memref<32x128xf32, #tpu.memory_space<vmem>>
      %dma_start3A_163 = arith.constant 0 : i32
      %dma_start3A_164 = tpu.memref_slice %arg2[%add3A_157, %dma_start3A_163] : memref<204800x128xf32, #tpu.memory_space<hbm>> -> memref<32x128xf32, #tpu.memory_space<hbm>>
      %dma_start3A_165 = arith.constant 0 : i32
      %dma_start3A_166 = arith.constant 0 : i32
      %dma_start3A_167 = tpu.memref_slice %arg8[%dma_start3A_158, %dma_start3A_165, %dma_start3A_166] : memref<2x32x128xf32, #tpu.memory_space<vmem>> -> memref<1x32x128xf32, #tpu.memory_space<vmem>>
      %dma_start3A_168 = tpu.memref_squeeze %dma_start3A_167 : memref<1x32x128xf32, #tpu.memory_space<vmem>> -> memref<32x128xf32, #tpu.memory_space<vmem>>
      %dma_start3A_169 = arith.constant 0 : i32
      %dma_start3A_170 = tpu.memref_slice %arg2[%add3A_157, %dma_start3A_169] : memref<204800x128xf32, #tpu.memory_space<hbm>> -> memref<32x128xf32, #tpu.memory_space<hbm>>
      tpu.enqueue_dma source(%dma_start3A_170 : memref<32x128xf32, #tpu.memory_space<hbm>>) target(%dma_start3A_168 : memref<32x128xf32, #tpu.memory_space<vmem>>) target_semaphore(%arg12 : memref<!tpu.dma_semaphore, #tpu.memory_space<semaphore_mem>>)
      %get3A_171 = arith.constant 32 : index
      %get3A_172 = tpu.vector_load %arg6[%get3A_171] {strides = array<i32>} : memref<1600xi32, #tpu.memory_space<vmem>>, vector<16xi32>,
      %get3A_173 = vector.shape_cast %get3A_172 : vector<16xi32> to vector<16xi32>
      %ne3A_174 = arith.constant 0 : i32
      %ne3A_175 = vector.broadcast %ne3A_174 : i32 to vector<16xi32>
      %ne3A_176 = arith.cmpi ne, %get3A_173, %ne3A_175 : vector<16xi32>
      %ge3A_177 = vector.broadcast %add3A_22 : i32 to vector<16xi32>
      %ge3A_178 = arith.cmpi sge, %get3A_173, %ge3A_177 : vector<16xi32>
      %add3A_179 = arith.constant 12800 : i32
      %add3A_180 = arith.addi %add3A_22, %add3A_179 : i32
      %lt3A_181 = vector.broadcast %add3A_180 : i32 to vector<16xi32>
      %lt3A_182 = arith.cmpi slt, %get3A_173, %lt3A_181 : vector<16xi32>
      %and3A_183 = arith.andi %ge3A_178, %lt3A_182 : vector<16xi1>
      %and3A_184 = arith.andi %ne3A_176, %and3A_183 : vector<16xi1>
      %sub3A_185 = vector.broadcast %add3A_22 : i32 to vector<16xi32>
      %sub3A_186 = arith.subi %get3A_173, %sub3A_185 : vector<16xi32>
      %jit3A_187 = arith.constant 12800 : i32
      %broadcast_in_dim3A_188 = vector.broadcast %jit3A_187 : i32 to vector<16xi32>
      %select_n3A_189 = arith.select %and3A_184, %sub3A_186, %broadcast_in_dim3A_188 : vector<16xi1>, vector<16xi32>
      %swap3A_190 = arith.constant 1 : i32
      %swap3A_191 = arith.index_cast %swap3A_190 : i32 to index
      %swap3A_192 = arith.constant 0 : index
      %swap3A_193 = tpu.vector_load %arg7[%swap3A_191, %swap3A_192] {strides = array<i32>} : memref<2x32xi32, #tpu.memory_space<vmem>>, vector<1x16xi32>,
      %swap3A_194 = vector.shape_cast %swap3A_193 : vector<1x16xi32> to vector<16xi32>
      %swap3A_195 = vector.shape_cast %select_n3A_189 : vector<16xi32> to vector<1x16xi32>
      tpu.vector_store %arg7[%swap3A_191, %swap3A_192], %swap3A_195 {strides = array<i32>} : memref<2x32xi32, #tpu.memory_space<vmem>>, vector<1x16xi32>,
      %get3A_196 = arith.constant 48 : index
      %get3A_197 = tpu.vector_load %arg6[%get3A_196] {strides = array<i32>} : memref<1600xi32, #tpu.memory_space<vmem>>, vector<16xi32>,
      %get3A_198 = vector.shape_cast %get3A_197 : vector<16xi32> to vector<16xi32>
      %ne3A_199 = arith.constant 0 : i32
      %ne3A_200 = vector.broadcast %ne3A_199 : i32 to vector<16xi32>
      %ne3A_201 = arith.cmpi ne, %get3A_198, %ne3A_200 : vector<16xi32>
      %ge3A_202 = vector.broadcast %add3A_22 : i32 to vector<16xi32>
      %ge3A_203 = arith.cmpi sge, %get3A_198, %ge3A_202 : vector<16xi32>
      %add3A_204 = arith.constant 12800 : i32
      %add3A_205 = arith.addi %add3A_22, %add3A_204 : i32
      %lt3A_206 = vector.broadcast %add3A_205 : i32 to vector<16xi32>
      %lt3A_207 = arith.cmpi slt, %get3A_198, %lt3A_206 : vector<16xi32>
      %and3A_208 = arith.andi %ge3A_203, %lt3A_207 : vector<16xi1>
      %and3A_209 = arith.andi %ne3A_201, %and3A_208 : vector<16xi1>
      %sub3A_210 = vector.broadcast %add3A_22 : i32 to vector<16xi32>
      %sub3A_211 = arith.subi %get3A_198, %sub3A_210 : vector<16xi32>
      %jit3A_212 = arith.constant 12800 : i32
      %broadcast_in_dim3A_213 = vector.broadcast %jit3A_212 : i32 to vector<16xi32>
      %select_n3A_214 = arith.select %and3A_209, %sub3A_211, %broadcast_in_dim3A_213 : vector<16xi1>, vector<16xi32>
      %swap3A_215 = arith.constant 1 : i32
      %swap3A_216 = arith.index_cast %swap3A_215 : i32 to index
      %swap3A_217 = arith.constant 16 : index
      %swap3A_218 = tpu.vector_load %arg7[%swap3A_216, %swap3A_217] {strides = array<i32>} : memref<2x32xi32, #tpu.memory_space<vmem>>, vector<1x16xi32>,
      %swap3A_219 = vector.shape_cast %swap3A_218 : vector<1x16xi32> to vector<16xi32>
      %swap3A_220 = vector.shape_cast %select_n3A_214 : vector<16xi32> to vector<1x16xi32>
      tpu.vector_store %arg7[%swap3A_216, %swap3A_217], %swap3A_220 {strides = array<i32>} : memref<2x32xi32, #tpu.memory_space<vmem>>, vector<1x16xi32>,
      %scan3A_221 = arith.constant 0 : i32
      %scan3A_222 = arith.constant 1 : i32
      %scan3A_223 = arith.constant 49 : i32
      %scan3A_224 = arith.addi %scan3A_222, %scan3A_223 : i32
      %scan3A_225 = arith.constant 1 : i32
      scf.for %scan3A_253 = %scan3A_222 to %scan3A_224 step %scan3A_225  : i32 {
        %rem3A = arith.constant 2 : i32
        %rem3A_254 = arith.remsi %scan3A_253, %rem3A : i32
        %add3A_255 = arith.constant 1 : i32
        %add3A_256 = arith.addi %scan3A_253, %add3A_255 : i32
        %min3A = arith.constant 49 : i32
        %min3A_257 = arith.minsi %add3A_256, %min3A : i32
        %sub3A_258 = arith.constant 1 : i32
        %sub3A_259 = arith.subi %sub3A_258, %rem3A_254 : i32
        %dma_wait3A_260 = arith.constant 0 : i32
        %dma_wait3A_261 = arith.constant 0 : i32
        %dma_wait3A_262 = tpu.memref_slice %arg8[%sub3A_259, %dma_wait3A_260, %dma_wait3A_261] : memref<2x32x128xf32, #tpu.memory_space<vmem>> -> memref<1x32x128xf32, #tpu.memory_space<vmem>>
        %dma_wait3A_263 = tpu.memref_squeeze %dma_wait3A_262 : memref<1x32x128xf32, #tpu.memory_space<vmem>> -> memref<32x128xf32, #tpu.memory_space<vmem>>
        %dma_wait3A_264 = arith.constant 0 : i32
        %dma_wait3A_265 = tpu.memref_slice %arg2[%add3A_79, %dma_wait3A_264] : memref<204800x128xf32, #tpu.memory_space<hbm>> -> memref<32x128xf32, #tpu.memory_space<hbm>>
        %dma_wait3A_266 = arith.constant 0 : i32
        %dma_wait3A_267 = arith.constant 0 : i32
        %dma_wait3A_268 = tpu.memref_slice %arg8[%sub3A_259, %dma_wait3A_266, %dma_wait3A_267] : memref<2x32x128xf32, #tpu.memory_space<vmem>> -> memref<1x32x128xf32, #tpu.memory_space<vmem>>
        %dma_wait3A_269 = tpu.memref_squeeze %dma_wait3A_268 : memref<1x32x128xf32, #tpu.memory_space<vmem>> -> memref<32x128xf32, #tpu.memory_space<vmem>>
        %dma_wait3A_270 = arith.constant 0 : i32
        %dma_wait3A_271 = tpu.memref_slice %arg2[%add3A_79, %dma_wait3A_270] : memref<204800x128xf32, #tpu.memory_space<hbm>> -> memref<32x128xf32, #tpu.memory_space<hbm>>
        tpu.wait_dma2 semaphore(%arg11 : memref<!tpu.dma_semaphore, #tpu.memory_space<semaphore_mem>>) src(%dma_wait3A_271 : memref<32x128xf32, #tpu.memory_space<hbm>>) dst(%dma_wait3A_269 : memref<32x128xf32, #tpu.memory_space<vmem>>)
        %mul3A_272 = arith.constant 32 : i32
        %mul3A_273 = arith.muli %min3A_257, %mul3A_272 : i32
        %add3A_274 = arith.addi %add3A_79, %mul3A_273 : i32
        %sub3A_275 = arith.constant 1 : i32
        %sub3A_276 = arith.subi %sub3A_275, %rem3A_254 : i32
        %dma_start3A_277 = arith.constant 0 : i32
        %dma_start3A_278 = arith.constant 0 : i32
        %dma_start3A_279 = tpu.memref_slice %arg8[%sub3A_276, %dma_start3A_277, %dma_start3A_278] : memref<2x32x128xf32, #tpu.memory_space<vmem>> -> memref<1x32x128xf32, #tpu.memory_space<vmem>>
        %dma_start3A_280 = tpu.memref_squeeze %dma_start3A_279 : memref<1x32x128xf32, #tpu.memory_space<vmem>> -> memref<32x128xf32, #tpu.memory_space<vmem>>
        %dma_start3A_281 = arith.constant 0 : i32
        %dma_start3A_282 = tpu.memref_slice %arg2[%add3A_274, %dma_start3A_281] : memref<204800x128xf32, #tpu.memory_space<hbm>> -> memref<32x128xf32, #tpu.memory_space<hbm>>
        %dma_start3A_283 = arith.constant 0 : i32
        %dma_start3A_284 = arith.constant 0 : i32
        %dma_start3A_285 = tpu.memref_slice %arg8[%sub3A_276, %dma_start3A_283, %dma_start3A_284] : memref<2x32x128xf32, #tpu.memory_space<vmem>> -> memref<1x32x128xf32, #tpu.memory_space<vmem>>
        %dma_start3A_286 = tpu.memref_squeeze %dma_start3A_285 : memref<1x32x128xf32, #tpu.memory_space<vmem>> -> memref<32x128xf32, #tpu.memory_space<vmem>>
        %dma_start3A_287 = arith.constant 0 : i32
        %dma_start3A_288 = tpu.memref_slice %arg2[%add3A_274, %dma_start3A_287] : memref<204800x128xf32, #tpu.memory_space<hbm>> -> memref<32x128xf32, #tpu.memory_space<hbm>>
        tpu.enqueue_dma source(%dma_start3A_288 : memref<32x128xf32, #tpu.memory_space<hbm>>) target(%dma_start3A_286 : memref<32x128xf32, #tpu.memory_space<vmem>>) target_semaphore(%arg12 : memref<!tpu.dma_semaphore, #tpu.memory_space<semaphore_mem>>)
        %sub3A_289 = arith.constant 1 : i32
        %sub3A_290 = arith.subi %sub3A_289, %rem3A_254 : i32
        %mul3A_291 = arith.constant 32 : i32
        %mul3A_292 = arith.muli %min3A_257, %mul3A_291 : i32
        %add3A_293 = arith.constant 0 : i32
        %add3A_294 = arith.addi %mul3A_292, %add3A_293 : i32
        %get3A_295 = arith.index_cast %add3A_294 : i32 to index
        %get3A_296 = tpu.vector_load %arg6[%get3A_295] {strides = array<i32>} : memref<1600xi32, #tpu.memory_space<vmem>>, vector<16xi32>,
        %get3A_297 = vector.shape_cast %get3A_296 : vector<16xi32> to vector<16xi32>
        %ne3A_298 = arith.constant 0 : i32
        %ne3A_299 = vector.broadcast %ne3A_298 : i32 to vector<16xi32>
        %ne3A_300 = arith.cmpi ne, %get3A_297, %ne3A_299 : vector<16xi32>
        %ge3A_301 = vector.broadcast %add3A_22 : i32 to vector<16xi32>
        %ge3A_302 = arith.cmpi sge, %get3A_297, %ge3A_301 : vector<16xi32>
        %add3A_303 = arith.constant 12800 : i32
        %add3A_304 = arith.addi %add3A_22, %add3A_303 : i32
        %lt3A_305 = vector.broadcast %add3A_304 : i32 to vector<16xi32>
        %lt3A_306 = arith.cmpi slt, %get3A_297, %lt3A_305 : vector<16xi32>
        %and3A_307 = arith.andi %ge3A_302, %lt3A_306 : vector<16xi1>
        %and3A_308 = arith.andi %ne3A_300, %and3A_307 : vector<16xi1>
        %sub3A_309 = vector.broadcast %add3A_22 : i32 to vector<16xi32>
        %sub3A_310 = arith.subi %get3A_297, %sub3A_309 : vector<16xi32>
        %jit3A_311 = arith.constant 12800 : i32
        %broadcast_in_dim3A_312 = vector.broadcast %jit3A_311 : i32 to vector<16xi32>
        %select_n3A_313 = arith.select %and3A_308, %sub3A_310, %broadcast_in_dim3A_312 : vector<16xi1>, vector<16xi32>
        %swap3A_314 = arith.index_cast %sub3A_290 : i32 to index
        %swap3A_315 = arith.constant 0 : index
        %swap3A_316 = tpu.vector_load %arg7[%swap3A_314, %swap3A_315] {strides = array<i32>} : memref<2x32xi32, #tpu.memory_space<vmem>>, vector<1x16xi32>,
        %swap3A_317 = vector.shape_cast %swap3A_316 : vector<1x16xi32> to vector<16xi32>
        %swap3A_318 = vector.shape_cast %select_n3A_313 : vector<16xi32> to vector<1x16xi32>
        tpu.vector_store %arg7[%swap3A_314, %swap3A_315], %swap3A_318 {strides = array<i32>} : memref<2x32xi32, #tpu.memory_space<vmem>>, vector<1x16xi32>,
        %mul3A_319 = arith.constant 32 : i32
        %mul3A_320 = arith.muli %min3A_257, %mul3A_319 : i32
        %add3A_321 = arith.constant 16 : i32
        %add3A_322 = arith.addi %mul3A_320, %add3A_321 : i32
        %get3A_323 = arith.index_cast %add3A_322 : i32 to index
        %get3A_324 = tpu.vector_load %arg6[%get3A_323] {strides = array<i32>} : memref<1600xi32, #tpu.memory_space<vmem>>, vector<16xi32>,
        %get3A_325 = vector.shape_cast %get3A_324 : vector<16xi32> to vector<16xi32>
        %ne3A_326 = arith.constant 0 : i32
        %ne3A_327 = vector.broadcast %ne3A_326 : i32 to vector<16xi32>
        %ne3A_328 = arith.cmpi ne, %get3A_325, %ne3A_327 : vector<16xi32>
        %ge3A_329 = vector.broadcast %add3A_22 : i32 to vector<16xi32>
        %ge3A_330 = arith.cmpi sge, %get3A_325, %ge3A_329 : vector<16xi32>
        %add3A_331 = arith.constant 12800 : i32
        %add3A_332 = arith.addi %add3A_22, %add3A_331 : i32
        %lt3A_333 = vector.broadcast %add3A_332 : i32 to vector<16xi32>
        %lt3A_334 = arith.cmpi slt, %get3A_325, %lt3A_333 : vector<16xi32>
        %and3A_335 = arith.andi %ge3A_330, %lt3A_334 : vector<16xi1>
        %and3A_336 = arith.andi %ne3A_328, %and3A_335 : vector<16xi1>
        %sub3A_337 = vector.broadcast %add3A_22 : i32 to vector<16xi32>
        %sub3A_338 = arith.subi %get3A_325, %sub3A_337 : vector<16xi32>
        %jit3A_339 = arith.constant 12800 : i32
        %broadcast_in_dim3A_340 = vector.broadcast %jit3A_339 : i32 to vector<16xi32>
        %select_n3A_341 = arith.select %and3A_336, %sub3A_338, %broadcast_in_dim3A_340 : vector<16xi1>, vector<16xi32>
        %swap3A_342 = arith.index_cast %sub3A_290 : i32 to index
        %swap3A_343 = arith.constant 16 : index
        %swap3A_344 = tpu.vector_load %arg7[%swap3A_342, %swap3A_343] {strides = array<i32>} : memref<2x32xi32, #tpu.memory_space<vmem>>, vector<1x16xi32>,
        %swap3A_345 = vector.shape_cast %swap3A_344 : vector<1x16xi32> to vector<16xi32>
        %swap3A_346 = vector.shape_cast %select_n3A_341 : vector<16xi32> to vector<1x16xi32>
        tpu.vector_store %arg7[%swap3A_342, %swap3A_343], %swap3A_346 {strides = array<i32>} : memref<2x32xi32, #tpu.memory_space<vmem>>, vector<1x16xi32>,
        %dma_wait3A_347 = arith.constant 0 : i32
        %dma_wait3A_348 = arith.constant 0 : i32
        %dma_wait3A_349 = tpu.memref_slice %arg8[%rem3A_254, %dma_wait3A_347, %dma_wait3A_348] : memref<2x32x128xf32, #tpu.memory_space<vmem>> -> memref<1x32x128xf32, #tpu.memory_space<vmem>>
        %dma_wait3A_350 = tpu.memref_squeeze %dma_wait3A_349 : memref<1x32x128xf32, #tpu.memory_space<vmem>> -> memref<32x128xf32, #tpu.memory_space<vmem>>
        %dma_wait3A_351 = arith.constant 0 : i32
        %dma_wait3A_352 = tpu.memref_slice %arg2[%add3A_79, %dma_wait3A_351] : memref<204800x128xf32, #tpu.memory_space<hbm>> -> memref<32x128xf32, #tpu.memory_space<hbm>>
        %dma_wait3A_353 = arith.constant 0 : i32
        %dma_wait3A_354 = arith.constant 0 : i32
        %dma_wait3A_355 = tpu.memref_slice %arg8[%rem3A_254, %dma_wait3A_353, %dma_wait3A_354] : memref<2x32x128xf32, #tpu.memory_space<vmem>> -> memref<1x32x128xf32, #tpu.memory_space<vmem>>
        %dma_wait3A_356 = tpu.memref_squeeze %dma_wait3A_355 : memref<1x32x128xf32, #tpu.memory_space<vmem>> -> memref<32x128xf32, #tpu.memory_space<vmem>>
        %dma_wait3A_357 = arith.constant 0 : i32
        %dma_wait3A_358 = tpu.memref_slice %arg2[%add3A_79, %dma_wait3A_357] : memref<204800x128xf32, #tpu.memory_space<hbm>> -> memref<32x128xf32, #tpu.memory_space<hbm>>
        tpu.wait_dma2 semaphore(%arg12 : memref<!tpu.dma_semaphore, #tpu.memory_space<semaphore_mem>>) src(%dma_wait3A_358 : memref<32x128xf32, #tpu.memory_space<hbm>>) dst(%dma_wait3A_356 : memref<32x128xf32, #tpu.memory_space<vmem>>)
        %dma_start3A_359 = arith.constant 0 : i32
        %dma_start3A_360 = arith.constant 0 : i32
        %dma_start3A_361 = tpu.memref_slice %arg8[%rem3A_254, %dma_start3A_359, %dma_start3A_360] : memref<2x32x128xf32, #tpu.memory_space<vmem>> -> memref<1x32x128xf32, #tpu.memory_space<vmem>>
        %dma_start3A_362 = tpu.memref_squeeze %dma_start3A_361 : memref<1x32x128xf32, #tpu.memory_space<vmem>> -> memref<32x128xf32, #tpu.memory_space<vmem>>
        %dma_start3A_363 = arith.constant 0 : i32
        %dma_start3A_364 = tpu.memref_slice %arg7[%rem3A_254, %dma_start3A_363] : memref<2x32xi32, #tpu.memory_space<vmem>> -> memref<1x32xi32, #tpu.memory_space<vmem>>
        %dma_start3A_365 = tpu.memref_squeeze %dma_start3A_364 : memref<1x32xi32, #tpu.memory_space<vmem>> -> memref<32xi32, #tpu.memory_space<vmem>>
        %dma_start3A_366 = arith.constant 0 : i32
        %dma_start3A_367 = arith.constant 0 : i32
        %dma_start3A_368 = tpu.memref_slice %arg13[%dma_start3A_366, %dma_start3A_367] : memref<12808x128xf32, #tpu.memory_space<vmem_shared>> -> memref<12808x128xf32, #tpu.memory_space<vmem_shared>>
        tpu.enqueue_indirect_dma source(%dma_start3A_362 : memref<32x128xf32, #tpu.memory_space<vmem>>) target(%dma_start3A_368 : memref<12808x128xf32, #tpu.memory_space<vmem_shared>>) offsets(%dma_start3A_365 : memref<32xi32, #tpu.memory_space<vmem>>) semaphore(%arg11 : memref<!tpu.dma_semaphore, #tpu.memory_space<semaphore_mem>>) {add = true}
      }
      %scan3A_226 = arith.constant 49 : i32
      %dma_wait3A_227 = arith.constant 0 : i32
      %dma_wait3A_228 = arith.constant 0 : i32
      %dma_wait3A_229 = arith.constant 0 : i32
      %dma_wait3A_230 = tpu.memref_slice %arg8[%dma_wait3A_227, %dma_wait3A_228, %dma_wait3A_229] : memref<2x32x128xf32, #tpu.memory_space<vmem>> -> memref<1x32x128xf32, #tpu.memory_space<vmem>>
      %dma_wait3A_231 = tpu.memref_squeeze %dma_wait3A_230 : memref<1x32x128xf32, #tpu.memory_space<vmem>> -> memref<32x128xf32, #tpu.memory_space<vmem>>
      %dma_wait3A_232 = arith.constant 0 : i32
      %dma_wait3A_233 = tpu.memref_slice %arg2[%add3A_79, %dma_wait3A_232] : memref<204800x128xf32, #tpu.memory_space<hbm>> -> memref<32x128xf32, #tpu.memory_space<hbm>>
      %dma_wait3A_234 = arith.constant 0 : i32
      %dma_wait3A_235 = arith.constant 0 : i32
      %dma_wait3A_236 = tpu.memref_slice %arg8[%dma_wait3A_227, %dma_wait3A_234, %dma_wait3A_235] : memref<2x32x128xf32, #tpu.memory_space<vmem>> -> memref<1x32x128xf32, #tpu.memory_space<vmem>>
      %dma_wait3A_237 = tpu.memref_squeeze %dma_wait3A_236 : memref<1x32x128xf32, #tpu.memory_space<vmem>> -> memref<32x128xf32, #tpu.memory_space<vmem>>
      %dma_wait3A_238 = arith.constant 0 : i32
      %dma_wait3A_239 = tpu.memref_slice %arg2[%add3A_79, %dma_wait3A_238] : memref<204800x128xf32, #tpu.memory_space<hbm>> -> memref<32x128xf32, #tpu.memory_space<hbm>>
      tpu.wait_dma2 semaphore(%arg11 : memref<!tpu.dma_semaphore, #tpu.memory_space<semaphore_mem>>) src(%dma_wait3A_239 : memref<32x128xf32, #tpu.memory_space<hbm>>) dst(%dma_wait3A_237 : memref<32x128xf32, #tpu.memory_space<vmem>>)
      %dma_wait3A_240 = arith.constant 0 : i32
      %dma_wait3A_241 = arith.constant 0 : i32
      %dma_wait3A_242 = arith.constant 0 : i32
      %dma_wait3A_243 = tpu.memref_slice %arg8[%dma_wait3A_240, %dma_wait3A_241, %dma_wait3A_242] : memref<2x32x128xf32, #tpu.memory_space<vmem>> -> memref<1x32x128xf32, #tpu.memory_space<vmem>>
      %dma_wait3A_244 = tpu.memref_squeeze %dma_wait3A_243 : memref<1x32x128xf32, #tpu.memory_space<vmem>> -> memref<32x128xf32, #tpu.memory_space<vmem>>
      %dma_wait3A_245 = arith.constant 0 : i32
      %dma_wait3A_246 = tpu.memref_slice %arg2[%add3A_79, %dma_wait3A_245] : memref<204800x128xf32, #tpu.memory_space<hbm>> -> memref<32x128xf32, #tpu.memory_space<hbm>>
      %dma_wait3A_247 = arith.constant 0 : i32
      %dma_wait3A_248 = arith.constant 0 : i32
      %dma_wait3A_249 = tpu.memref_slice %arg8[%dma_wait3A_240, %dma_wait3A_247, %dma_wait3A_248] : memref<2x32x128xf32, #tpu.memory_space<vmem>> -> memref<1x32x128xf32, #tpu.memory_space<vmem>>
      %dma_wait3A_250 = tpu.memref_squeeze %dma_wait3A_249 : memref<1x32x128xf32, #tpu.memory_space<vmem>> -> memref<32x128xf32, #tpu.memory_space<vmem>>
      %dma_wait3A_251 = arith.constant 0 : i32
      %dma_wait3A_252 = tpu.memref_slice %arg2[%add3A_79, %dma_wait3A_251] : memref<204800x128xf32, #tpu.memory_space<hbm>> -> memref<32x128xf32, #tpu.memory_space<hbm>>
      tpu.wait_dma2 semaphore(%arg12 : memref<!tpu.dma_semaphore, #tpu.memory_space<semaphore_mem>>) src(%dma_wait3A_252 : memref<32x128xf32, #tpu.memory_space<hbm>>) dst(%dma_wait3A_250 : memref<32x128xf32, #tpu.memory_space<vmem>>)
    }
    %scan3A_29 = arith.constant 8 : i32
    %barrier3A_30 = arith.constant 0 : index
    tpu.barrier barrier_id(%barrier3A_30)
    %scan3A_31 = arith.constant 0 : i32
    %scan3A_32 = arith.constant 0 : i32
    %scan3A_33 = arith.constant 100 : i32
    %scan3A_34 = arith.addi %scan3A_32, %scan3A_33 : i32
    %scan3A_35 = arith.constant 1 : i32
    scf.for %scan3A_76 = %scan3A_32 to %scan3A_34 step %scan3A_35  : i32 {
      %mul3A_77 = arith.constant 8 : i32
      %mul3A_78 = arith.muli %scan3A_76, %mul3A_77 : i32
      %add3A_79 = arith.addi %mul3A_0, %mul3A_78 : i32
      "tpu.region"() ({
        %run_scoped3A = tpu.sem_alloc : memref<!tpu.dma_semaphore, #tpu.memory_space<semaphore_mem>>
        %dma_start3A = arith.constant 0 : i32
        %dma_start3A_431 = tpu.memref_slice %arg13[%add3A_79, %dma_start3A] : memref<12808x128xf32, #tpu.memory_space<vmem_shared>> -> memref<8x128xf32, #tpu.memory_space<vmem_shared>>
        %dma_start3A_432 = arith.constant 0 : i32
        %dma_start3A_433 = tpu.memref_slice %arg13[%add3A_79, %dma_start3A_432] : memref<12808x128xf32, #tpu.memory_space<vmem_shared>> -> memref<8x128xf32, #tpu.memory_space<vmem_shared>>
        tpu.enqueue_dma source(%dma_start3A_433 : memref<8x128xf32, #tpu.memory_space<vmem_shared>>) target(%arg9 : memref<8x128xf32, #tpu.memory_space<vmem>>) target_semaphore(%run_scoped3A : memref<!tpu.dma_semaphore, #tpu.memory_space<semaphore_mem>>)
        %dma_wait3A = arith.constant 0 : i32
        %dma_wait3A_434 = tpu.memref_slice %arg13[%add3A_79, %dma_wait3A] : memref<12808x128xf32, #tpu.memory_space<vmem_shared>> -> memref<8x128xf32, #tpu.memory_space<vmem_shared>>
        %dma_wait3A_435 = arith.constant 0 : i32
        %dma_wait3A_436 = tpu.memref_slice %arg13[%add3A_79, %dma_wait3A_435] : memref<12808x128xf32, #tpu.memory_space<vmem_shared>> -> memref<8x128xf32, #tpu.memory_space<vmem_shared>>
        tpu.wait_dma2 semaphore(%run_scoped3A : memref<!tpu.dma_semaphore, #tpu.memory_space<semaphore_mem>>) src(%dma_wait3A_436 : memref<8x128xf32, #tpu.memory_space<vmem_shared>>) dst(%arg9 : memref<8x128xf32, #tpu.memory_space<vmem>>)
        tpu.yield
      }) : () -> ()
      %get3A = arith.constant 0 : i32
      %get3A_80 = arith.index_cast %get3A : i32 to index
      %get3A_81 = arith.constant 0 : index
      %get3A_82 = tpu.vector_load %arg9[%get3A_80, %get3A_81] {strides = array<i32>} : memref<8x128xf32, #tpu.memory_space<vmem>>, vector<1x16xf32>,
      %get3A_83 = vector.shape_cast %get3A_82 : vector<1x16xf32> to vector<16xf32>
      %swap3A = arith.constant 0 : i32
      %swap3A_84 = arith.index_cast %swap3A : i32 to index
      %swap3A_85 = arith.constant 0 : index
      %swap3A_86 = tpu.vector_load %arg10[%swap3A_84, %swap3A_85] {strides = array<i32>} : memref<8x64xf32, #tpu.memory_space<vmem>>, vector<1x16xf32>,
      %swap3A_87 = vector.shape_cast %swap3A_86 : vector<1x16xf32> to vector<16xf32>
      %swap3A_88 = vector.shape_cast %get3A_83 : vector<16xf32> to vector<1x16xf32>
      tpu.vector_store %arg10[%swap3A_84, %swap3A_85], %swap3A_88 {strides = array<i32>} : memref<8x64xf32, #tpu.memory_space<vmem>>, vector<1x16xf32>,
      %get3A_89 = arith.constant 0 : i32
      %get3A_90 = arith.index_cast %get3A_89 : i32 to index
      %get3A_91 = arith.constant 16 : index
      %get3A_92 = tpu.vector_load %arg9[%get3A_90, %get3A_91] {strides = array<i32>} : memref<8x128xf32, #tpu.memory_space<vmem>>, vector<1x16xf32>,
      %get3A_93 = vector.shape_cast %get3A_92 : vector<1x16xf32> to vector<16xf32>
      %swap3A_94 = arith.constant 0 : i32
      %swap3A_95 = arith.index_cast %swap3A_94 : i32 to index
      %swap3A_96 = arith.constant 16 : index
      %swap3A_97 = tpu.vector_load %arg10[%swap3A_95, %swap3A_96] {strides = array<i32>} : memref<8x64xf32, #tpu.memory_space<vmem>>, vector<1x16xf32>,
      %swap3A_98 = vector.shape_cast %swap3A_97 : vector<1x16xf32> to vector<16xf32>
      %swap3A_99 = vector.shape_cast %get3A_93 : vector<16xf32> to vector<1x16xf32>
      tpu.vector_store %arg10[%swap3A_95, %swap3A_96], %swap3A_99 {strides = array<i32>} : memref<8x64xf32, #tpu.memory_space<vmem>>, vector<1x16xf32>,
      %get3A_100 = arith.constant 0 : i32
      %get3A_101 = arith.index_cast %get3A_100 : i32 to index
      %get3A_102 = arith.constant 32 : index
      %get3A_103 = tpu.vector_load %arg9[%get3A_101, %get3A_102] {strides = array<i32>} : memref<8x128xf32, #tpu.memory_space<vmem>>, vector<1x16xf32>,
      %get3A_104 = vector.shape_cast %get3A_103 : vector<1x16xf32> to vector<16xf32>
      %swap3A_105 = arith.constant 0 : i32
      %swap3A_106 = arith.index_cast %swap3A_105 : i32 to index
      %swap3A_107 = arith.constant 32 : index
      %swap3A_108 = tpu.vector_load %arg10[%swap3A_106, %swap3A_107] {strides = array<i32>} : memref<8x64xf32, #tpu.memory_space<vmem>>, vector<1x16xf32>,
      %swap3A_109 = vector.shape_cast %swap3A_108 : vector<1x16xf32> to vector<16xf32>
      %swap3A_110 = vector.shape_cast %get3A_104 : vector<16xf32> to vector<1x16xf32>
      tpu.vector_store %arg10[%swap3A_106, %swap3A_107], %swap3A_110 {strides = array<i32>} : memref<8x64xf32, #tpu.memory_space<vmem>>, vector<1x16xf32>,
      %get3A_111 = arith.constant 0 : i32
      %get3A_112 = arith.index_cast %get3A_111 : i32 to index
      %get3A_113 = arith.constant 48 : index
      %get3A_114 = tpu.vector_load %arg9[%get3A_112, %get3A_113] {strides = array<i32>} : memref<8x128xf32, #tpu.memory_space<vmem>>, vector<1x16xf32>,
      %get3A_115 = vector.shape_cast %get3A_114 : vector<1x16xf32> to vector<16xf32>
      %swap3A_116 = arith.constant 0 : i32
      %swap3A_117 = arith.index_cast %swap3A_116 : i32 to index
      %swap3A_118 = arith.constant 48 : index
      %swap3A_119 = tpu.vector_load %arg10[%swap3A_117, %swap3A_118] {strides = array<i32>} : memref<8x64xf32, #tpu.memory_space<vmem>>, vector<1x16xf32>,
      %swap3A_120 = vector.shape_cast %swap3A_119 : vector<1x16xf32> to vector<16xf32>
      %swap3A_121 = vector.shape_cast %get3A_115 : vector<16xf32> to vector<1x16xf32>
      tpu.vector_store %arg10[%swap3A_117, %swap3A_118], %swap3A_121 {strides = array<i32>} : memref<8x64xf32, #tpu.memory_space<vmem>>, vector<1x16xf32>,
      %get3A_122 = arith.constant 1 : i32
      %get3A_123 = arith.index_cast %get3A_122 : i32 to index
      %get3A_124 = arith.constant 0 : index
      %get3A_125 = tpu.vector_load %arg9[%get3A_123, %get3A_124] {strides = array<i32>} : memref<8x128xf32, #tpu.memory_space<vmem>>, vector<1x16xf32>,
      %get3A_126 = vector.shape_cast %get3A_125 : vector<1x16xf32> to vector<16xf32>
      %swap3A_127 = arith.constant 1 : i32
      %swap3A_128 = arith.index_cast %swap3A_127 : i32 to index
      %swap3A_129 = arith.constant 0 : index
      %swap3A_130 = tpu.vector_load %arg10[%swap3A_128, %swap3A_129] {strides = array<i32>} : memref<8x64xf32, #tpu.memory_space<vmem>>, vector<1x16xf32>,
      %swap3A_131 = vector.shape_cast %swap3A_130 : vector<1x16xf32> to vector<16xf32>
      %swap3A_132 = vector.shape_cast %get3A_126 : vector<16xf32> to vector<1x16xf32>
      tpu.vector_store %arg10[%swap3A_128, %swap3A_129], %swap3A_132 {strides = array<i32>} : memref<8x64xf32, #tpu.memory_space<vmem>>, vector<1x16xf32>,
      %get3A_133 = arith.constant 1 : i32
      %get3A_134 = arith.index_cast %get3A_133 : i32 to index
      %get3A_135 = arith.constant 16 : index
      %get3A_136 = tpu.vector_load %arg9[%get3A_134, %get3A_135] {strides = array<i32>} : memref<8x128xf32, #tpu.memory_space<vmem>>, vector<1x16xf32>,
      %get3A_137 = vector.shape_cast %get3A_136 : vector<1x16xf32> to vector<16xf32>
      %swap3A_138 = arith.constant 1 : i32
      %swap3A_139 = arith.index_cast %swap3A_138 : i32 to index
      %swap3A_140 = arith.constant 16 : index
      %swap3A_141 = tpu.vector_load %arg10[%swap3A_139, %swap3A_140] {strides = array<i32>} : memref<8x64xf32, #tpu.memory_space<vmem>>, vector<1x16xf32>,
      %swap3A_142 = vector.shape_cast %swap3A_141 : vector<1x16xf32> to vector<16xf32>
      %swap3A_143 = vector.shape_cast %get3A_137 : vector<16xf32> to vector<1x16xf32>
      tpu.vector_store %arg10[%swap3A_139, %swap3A_140], %swap3A_143 {strides = array<i32>} : memref<8x64xf32, #tpu.memory_space<vmem>>, vector<1x16xf32>,
      %get3A_144 = arith.constant 1 : i32
      %get3A_145 = arith.index_cast %get3A_144 : i32 to index
      %get3A_146 = arith.constant 32 : index
      %get3A_147 = tpu.vector_load %arg9[%get3A_145, %get3A_146] {strides = array<i32>} : memref<8x128xf32, #tpu.memory_space<vmem>>, vector<1x16xf32>,
      %get3A_148 = vector.shape_cast %get3A_147 : vector<1x16xf32> to vector<16xf32>
      %swap3A_149 = arith.constant 1 : i32
      %swap3A_150 = arith.index_cast %swap3A_149 : i32 to index
      %swap3A_151 = arith.constant 32 : index
      %swap3A_152 = tpu.vector_load %arg10[%swap3A_150, %swap3A_151] {strides = array<i32>} : memref<8x64xf32, #tpu.memory_space<vmem>>, vector<1x16xf32>,
      %swap3A_153 = vector.shape_cast %swap3A_152 : vector<1x16xf32> to vector<16xf32>
      %swap3A_154 = vector.shape_cast %get3A_148 : vector<16xf32> to vector<1x16xf32>
      tpu.vector_store %arg10[%swap3A_150, %swap3A_151], %swap3A_154 {strides = array<i32>} : memref<8x64xf32, #tpu.memory_space<vmem>>, vector<1x16xf32>,
      %get3A_155 = arith.constant 1 : i32
      %get3A_156 = arith.index_cast %get3A_155 : i32 to index
      %get3A_157 = arith.constant 48 : index
      %get3A_158 = tpu.vector_load %arg9[%get3A_156, %get3A_157] {strides = array<i32>} : memref<8x128xf32, #tpu.memory_space<vmem>>, vector<1x16xf32>,
      %get3A_159 = vector.shape_cast %get3A_158 : vector<1x16xf32> to vector<16xf32>
      %swap3A_160 = arith.constant 1 : i32
      %swap3A_161 = arith.index_cast %swap3A_160 : i32 to index
      %swap3A_162 = arith.constant 48 : index
      %swap3A_163 = tpu.vector_load %arg10[%swap3A_161, %swap3A_162] {strides = array<i32>} : memref<8x64xf32, #tpu.memory_space<vmem>>, vector<1x16xf32>,
      %swap3A_164 = vector.shape_cast %swap3A_163 : vector<1x16xf32> to vector<16xf32>
      %swap3A_165 = vector.shape_cast %get3A_159 : vector<16xf32> to vector<1x16xf32>
      tpu.vector_store %arg10[%swap3A_161, %swap3A_162], %swap3A_165 {strides = array<i32>} : memref<8x64xf32, #tpu.memory_space<vmem>>, vector<1x16xf32>,
      %get3A_166 = arith.constant 2 : i32
      %get3A_167 = arith.index_cast %get3A_166 : i32 to index
      %get3A_168 = arith.constant 0 : index
      %get3A_169 = tpu.vector_load %arg9[%get3A_167, %get3A_168] {strides = array<i32>} : memref<8x128xf32, #tpu.memory_space<vmem>>, vector<1x16xf32>,
      %get3A_170 = vector.shape_cast %get3A_169 : vector<1x16xf32> to vector<16xf32>
      %swap3A_171 = arith.constant 2 : i32
      %swap3A_172 = arith.index_cast %swap3A_171 : i32 to index
      %swap3A_173 = arith.constant 0 : index
      %swap3A_174 = tpu.vector_load %arg10[%swap3A_172, %swap3A_173] {strides = array<i32>} : memref<8x64xf32, #tpu.memory_space<vmem>>, vector<1x16xf32>,
      %swap3A_175 = vector.shape_cast %swap3A_174 : vector<1x16xf32> to vector<16xf32>
      %swap3A_176 = vector.shape_cast %get3A_170 : vector<16xf32> to vector<1x16xf32>
      tpu.vector_store %arg10[%swap3A_172, %swap3A_173], %swap3A_176 {strides = array<i32>} : memref<8x64xf32, #tpu.memory_space<vmem>>, vector<1x16xf32>,
      %get3A_177 = arith.constant 2 : i32
      %get3A_178 = arith.index_cast %get3A_177 : i32 to index
      %get3A_179 = arith.constant 16 : index
      %get3A_180 = tpu.vector_load %arg9[%get3A_178, %get3A_179] {strides = array<i32>} : memref<8x128xf32, #tpu.memory_space<vmem>>, vector<1x16xf32>,
      %get3A_181 = vector.shape_cast %get3A_180 : vector<1x16xf32> to vector<16xf32>
      %swap3A_182 = arith.constant 2 : i32
      %swap3A_183 = arith.index_cast %swap3A_182 : i32 to index
      %swap3A_184 = arith.constant 16 : index
      %swap3A_185 = tpu.vector_load %arg10[%swap3A_183, %swap3A_184] {strides = array<i32>} : memref<8x64xf32, #tpu.memory_space<vmem>>, vector<1x16xf32>,
      %swap3A_186 = vector.shape_cast %swap3A_185 : vector<1x16xf32> to vector<16xf32>
      %swap3A_187 = vector.shape_cast %get3A_181 : vector<16xf32> to vector<1x16xf32>
      tpu.vector_store %arg10[%swap3A_183, %swap3A_184], %swap3A_187 {strides = array<i32>} : memref<8x64xf32, #tpu.memory_space<vmem>>, vector<1x16xf32>,
      %get3A_188 = arith.constant 2 : i32
      %get3A_189 = arith.index_cast %get3A_188 : i32 to index
      %get3A_190 = arith.constant 32 : index
      %get3A_191 = tpu.vector_load %arg9[%get3A_189, %get3A_190] {strides = array<i32>} : memref<8x128xf32, #tpu.memory_space<vmem>>, vector<1x16xf32>,
      %get3A_192 = vector.shape_cast %get3A_191 : vector<1x16xf32> to vector<16xf32>
      %swap3A_193 = arith.constant 2 : i32
      %swap3A_194 = arith.index_cast %swap3A_193 : i32 to index
      %swap3A_195 = arith.constant 32 : index
      %swap3A_196 = tpu.vector_load %arg10[%swap3A_194, %swap3A_195] {strides = array<i32>} : memref<8x64xf32, #tpu.memory_space<vmem>>, vector<1x16xf32>,
      %swap3A_197 = vector.shape_cast %swap3A_196 : vector<1x16xf32> to vector<16xf32>
      %swap3A_198 = vector.shape_cast %get3A_192 : vector<16xf32> to vector<1x16xf32>
      tpu.vector_store %arg10[%swap3A_194, %swap3A_195], %swap3A_198 {strides = array<i32>} : memref<8x64xf32, #tpu.memory_space<vmem>>, vector<1x16xf32>,
      %get3A_199 = arith.constant 2 : i32
      %get3A_200 = arith.index_cast %get3A_199 : i32 to index
      %get3A_201 = arith.constant 48 : index
      %get3A_202 = tpu.vector_load %arg9[%get3A_200, %get3A_201] {strides = array<i32>} : memref<8x128xf32, #tpu.memory_space<vmem>>, vector<1x16xf32>,
      %get3A_203 = vector.shape_cast %get3A_202 : vector<1x16xf32> to vector<16xf32>
      %swap3A_204 = arith.constant 2 : i32
      %swap3A_205 = arith.index_cast %swap3A_204 : i32 to index
      %swap3A_206 = arith.constant 48 : index
      %swap3A_207 = tpu.vector_load %arg10[%swap3A_205, %swap3A_206] {strides = array<i32>} : memref<8x64xf32, #tpu.memory_space<vmem>>, vector<1x16xf32>,
      %swap3A_208 = vector.shape_cast %swap3A_207 : vector<1x16xf32> to vector<16xf32>
      %swap3A_209 = vector.shape_cast %get3A_203 : vector<16xf32> to vector<1x16xf32>
      tpu.vector_store %arg10[%swap3A_205, %swap3A_206], %swap3A_209 {strides = array<i32>} : memref<8x64xf32, #tpu.memory_space<vmem>>, vector<1x16xf32>,
      %get3A_210 = arith.constant 3 : i32
      %get3A_211 = arith.index_cast %get3A_210 : i32 to index
      %get3A_212 = arith.constant 0 : index
      %get3A_213 = tpu.vector_load %arg9[%get3A_211, %get3A_212] {strides = array<i32>} : memref<8x128xf32, #tpu.memory_space<vmem>>, vector<1x16xf32>,
      %get3A_214 = vector.shape_cast %get3A_213 : vector<1x16xf32> to vector<16xf32>
      %swap3A_215 = arith.constant 3 : i32
      %swap3A_216 = arith.index_cast %swap3A_215 : i32 to index
      %swap3A_217 = arith.constant 0 : index
      %swap3A_218 = tpu.vector_load %arg10[%swap3A_216, %swap3A_217] {strides = array<i32>} : memref<8x64xf32, #tpu.memory_space<vmem>>, vector<1x16xf32>,
      %swap3A_219 = vector.shape_cast %swap3A_218 : vector<1x16xf32> to vector<16xf32>
      %swap3A_220 = vector.shape_cast %get3A_214 : vector<16xf32> to vector<1x16xf32>
      tpu.vector_store %arg10[%swap3A_216, %swap3A_217], %swap3A_220 {strides = array<i32>} : memref<8x64xf32, #tpu.memory_space<vmem>>, vector<1x16xf32>,
      %get3A_221 = arith.constant 3 : i32
      %get3A_222 = arith.index_cast %get3A_221 : i32 to index
      %get3A_223 = arith.constant 16 : index
      %get3A_224 = tpu.vector_load %arg9[%get3A_222, %get3A_223] {strides = array<i32>} : memref<8x128xf32, #tpu.memory_space<vmem>>, vector<1x16xf32>,
      %get3A_225 = vector.shape_cast %get3A_224 : vector<1x16xf32> to vector<16xf32>
      %swap3A_226 = arith.constant 3 : i32
      %swap3A_227 = arith.index_cast %swap3A_226 : i32 to index
      %swap3A_228 = arith.constant 16 : index
      %swap3A_229 = tpu.vector_load %arg10[%swap3A_227, %swap3A_228] {strides = array<i32>} : memref<8x64xf32, #tpu.memory_space<vmem>>, vector<1x16xf32>,
      %swap3A_230 = vector.shape_cast %swap3A_229 : vector<1x16xf32> to vector<16xf32>
      %swap3A_231 = vector.shape_cast %get3A_225 : vector<16xf32> to vector<1x16xf32>
      tpu.vector_store %arg10[%swap3A_227, %swap3A_228], %swap3A_231 {strides = array<i32>} : memref<8x64xf32, #tpu.memory_space<vmem>>, vector<1x16xf32>,
      %get3A_232 = arith.constant 3 : i32
      %get3A_233 = arith.index_cast %get3A_232 : i32 to index
      %get3A_234 = arith.constant 32 : index
      %get3A_235 = tpu.vector_load %arg9[%get3A_233, %get3A_234] {strides = array<i32>} : memref<8x128xf32, #tpu.memory_space<vmem>>, vector<1x16xf32>,
      %get3A_236 = vector.shape_cast %get3A_235 : vector<1x16xf32> to vector<16xf32>
      %swap3A_237 = arith.constant 3 : i32
      %swap3A_238 = arith.index_cast %swap3A_237 : i32 to index
      %swap3A_239 = arith.constant 32 : index
      %swap3A_240 = tpu.vector_load %arg10[%swap3A_238, %swap3A_239] {strides = array<i32>} : memref<8x64xf32, #tpu.memory_space<vmem>>, vector<1x16xf32>,
      %swap3A_241 = vector.shape_cast %swap3A_240 : vector<1x16xf32> to vector<16xf32>
      %swap3A_242 = vector.shape_cast %get3A_236 : vector<16xf32> to vector<1x16xf32>
      tpu.vector_store %arg10[%swap3A_238, %swap3A_239], %swap3A_242 {strides = array<i32>} : memref<8x64xf32, #tpu.memory_space<vmem>>, vector<1x16xf32>,
      %get3A_243 = arith.constant 3 : i32
      %get3A_244 = arith.index_cast %get3A_243 : i32 to index
      %get3A_245 = arith.constant 48 : index
      %get3A_246 = tpu.vector_load %arg9[%get3A_244, %get3A_245] {strides = array<i32>} : memref<8x128xf32, #tpu.memory_space<vmem>>, vector<1x16xf32>,
      %get3A_247 = vector.shape_cast %get3A_246 : vector<1x16xf32> to vector<16xf32>
      %swap3A_248 = arith.constant 3 : i32
      %swap3A_249 = arith.index_cast %swap3A_248 : i32 to index
      %swap3A_250 = arith.constant 48 : index
      %swap3A_251 = tpu.vector_load %arg10[%swap3A_249, %swap3A_250] {strides = array<i32>} : memref<8x64xf32, #tpu.memory_space<vmem>>, vector<1x16xf32>,
      %swap3A_252 = vector.shape_cast %swap3A_251 : vector<1x16xf32> to vector<16xf32>
      %swap3A_253 = vector.shape_cast %get3A_247 : vector<16xf32> to vector<1x16xf32>
      tpu.vector_store %arg10[%swap3A_249, %swap3A_250], %swap3A_253 {strides = array<i32>} : memref<8x64xf32, #tpu.memory_space<vmem>>, vector<1x16xf32>,
      %get3A_254 = arith.constant 4 : i32
      %get3A_255 = arith.index_cast %get3A_254 : i32 to index
      %get3A_256 = arith.constant 0 : index
      %get3A_257 = tpu.vector_load %arg9[%get3A_255, %get3A_256] {strides = array<i32>} : memref<8x128xf32, #tpu.memory_space<vmem>>, vector<1x16xf32>,
      %get3A_258 = vector.shape_cast %get3A_257 : vector<1x16xf32> to vector<16xf32>
      %swap3A_259 = arith.constant 4 : i32
      %swap3A_260 = arith.index_cast %swap3A_259 : i32 to index
      %swap3A_261 = arith.constant 0 : index
      %swap3A_262 = tpu.vector_load %arg10[%swap3A_260, %swap3A_261] {strides = array<i32>} : memref<8x64xf32, #tpu.memory_space<vmem>>, vector<1x16xf32>,
      %swap3A_263 = vector.shape_cast %swap3A_262 : vector<1x16xf32> to vector<16xf32>
      %swap3A_264 = vector.shape_cast %get3A_258 : vector<16xf32> to vector<1x16xf32>
      tpu.vector_store %arg10[%swap3A_260, %swap3A_261], %swap3A_264 {strides = array<i32>} : memref<8x64xf32, #tpu.memory_space<vmem>>, vector<1x16xf32>,
      %get3A_265 = arith.constant 4 : i32
      %get3A_266 = arith.index_cast %get3A_265 : i32 to index
      %get3A_267 = arith.constant 16 : index
      %get3A_268 = tpu.vector_load %arg9[%get3A_266, %get3A_267] {strides = array<i32>} : memref<8x128xf32, #tpu.memory_space<vmem>>, vector<1x16xf32>,
      %get3A_269 = vector.shape_cast %get3A_268 : vector<1x16xf32> to vector<16xf32>
      %swap3A_270 = arith.constant 4 : i32
      %swap3A_271 = arith.index_cast %swap3A_270 : i32 to index
      %swap3A_272 = arith.constant 16 : index
      %swap3A_273 = tpu.vector_load %arg10[%swap3A_271, %swap3A_272] {strides = array<i32>} : memref<8x64xf32, #tpu.memory_space<vmem>>, vector<1x16xf32>,
      %swap3A_274 = vector.shape_cast %swap3A_273 : vector<1x16xf32> to vector<16xf32>
      %swap3A_275 = vector.shape_cast %get3A_269 : vector<16xf32> to vector<1x16xf32>
      tpu.vector_store %arg10[%swap3A_271, %swap3A_272], %swap3A_275 {strides = array<i32>} : memref<8x64xf32, #tpu.memory_space<vmem>>, vector<1x16xf32>,
      %get3A_276 = arith.constant 4 : i32
      %get3A_277 = arith.index_cast %get3A_276 : i32 to index
      %get3A_278 = arith.constant 32 : index
      %get3A_279 = tpu.vector_load %arg9[%get3A_277, %get3A_278] {strides = array<i32>} : memref<8x128xf32, #tpu.memory_space<vmem>>, vector<1x16xf32>,
      %get3A_280 = vector.shape_cast %get3A_279 : vector<1x16xf32> to vector<16xf32>
      %swap3A_281 = arith.constant 4 : i32
      %swap3A_282 = arith.index_cast %swap3A_281 : i32 to index
      %swap3A_283 = arith.constant 32 : index
      %swap3A_284 = tpu.vector_load %arg10[%swap3A_282, %swap3A_283] {strides = array<i32>} : memref<8x64xf32, #tpu.memory_space<vmem>>, vector<1x16xf32>,
      %swap3A_285 = vector.shape_cast %swap3A_284 : vector<1x16xf32> to vector<16xf32>
      %swap3A_286 = vector.shape_cast %get3A_280 : vector<16xf32> to vector<1x16xf32>
      tpu.vector_store %arg10[%swap3A_282, %swap3A_283], %swap3A_286 {strides = array<i32>} : memref<8x64xf32, #tpu.memory_space<vmem>>, vector<1x16xf32>,
      %get3A_287 = arith.constant 4 : i32
      %get3A_288 = arith.index_cast %get3A_287 : i32 to index
      %get3A_289 = arith.constant 48 : index
      %get3A_290 = tpu.vector_load %arg9[%get3A_288, %get3A_289] {strides = array<i32>} : memref<8x128xf32, #tpu.memory_space<vmem>>, vector<1x16xf32>,
      %get3A_291 = vector.shape_cast %get3A_290 : vector<1x16xf32> to vector<16xf32>
      %swap3A_292 = arith.constant 4 : i32
      %swap3A_293 = arith.index_cast %swap3A_292 : i32 to index
      %swap3A_294 = arith.constant 48 : index
      %swap3A_295 = tpu.vector_load %arg10[%swap3A_293, %swap3A_294] {strides = array<i32>} : memref<8x64xf32, #tpu.memory_space<vmem>>, vector<1x16xf32>,
      %swap3A_296 = vector.shape_cast %swap3A_295 : vector<1x16xf32> to vector<16xf32>
      %swap3A_297 = vector.shape_cast %get3A_291 : vector<16xf32> to vector<1x16xf32>
      tpu.vector_store %arg10[%swap3A_293, %swap3A_294], %swap3A_297 {strides = array<i32>} : memref<8x64xf32, #tpu.memory_space<vmem>>, vector<1x16xf32>,
      %get3A_298 = arith.constant 5 : i32
      %get3A_299 = arith.index_cast %get3A_298 : i32 to index
      %get3A_300 = arith.constant 0 : index
      %get3A_301 = tpu.vector_load %arg9[%get3A_299, %get3A_300] {strides = array<i32>} : memref<8x128xf32, #tpu.memory_space<vmem>>, vector<1x16xf32>,
      %get3A_302 = vector.shape_cast %get3A_301 : vector<1x16xf32> to vector<16xf32>
      %swap3A_303 = arith.constant 5 : i32
      %swap3A_304 = arith.index_cast %swap3A_303 : i32 to index
      %swap3A_305 = arith.constant 0 : index
      %swap3A_306 = tpu.vector_load %arg10[%swap3A_304, %swap3A_305] {strides = array<i32>} : memref<8x64xf32, #tpu.memory_space<vmem>>, vector<1x16xf32>,
      %swap3A_307 = vector.shape_cast %swap3A_306 : vector<1x16xf32> to vector<16xf32>
      %swap3A_308 = vector.shape_cast %get3A_302 : vector<16xf32> to vector<1x16xf32>
      tpu.vector_store %arg10[%swap3A_304, %swap3A_305], %swap3A_308 {strides = array<i32>} : memref<8x64xf32, #tpu.memory_space<vmem>>, vector<1x16xf32>,
      %get3A_309 = arith.constant 5 : i32
      %get3A_310 = arith.index_cast %get3A_309 : i32 to index
      %get3A_311 = arith.constant 16 : index
      %get3A_312 = tpu.vector_load %arg9[%get3A_310, %get3A_311] {strides = array<i32>} : memref<8x128xf32, #tpu.memory_space<vmem>>, vector<1x16xf32>,
      %get3A_313 = vector.shape_cast %get3A_312 : vector<1x16xf32> to vector<16xf32>
      %swap3A_314 = arith.constant 5 : i32
      %swap3A_315 = arith.index_cast %swap3A_314 : i32 to index
      %swap3A_316 = arith.constant 16 : index
      %swap3A_317 = tpu.vector_load %arg10[%swap3A_315, %swap3A_316] {strides = array<i32>} : memref<8x64xf32, #tpu.memory_space<vmem>>, vector<1x16xf32>,
      %swap3A_318 = vector.shape_cast %swap3A_317 : vector<1x16xf32> to vector<16xf32>
      %swap3A_319 = vector.shape_cast %get3A_313 : vector<16xf32> to vector<1x16xf32>
      tpu.vector_store %arg10[%swap3A_315, %swap3A_316], %swap3A_319 {strides = array<i32>} : memref<8x64xf32, #tpu.memory_space<vmem>>, vector<1x16xf32>,
      %get3A_320 = arith.constant 5 : i32
      %get3A_321 = arith.index_cast %get3A_320 : i32 to index
      %get3A_322 = arith.constant 32 : index
      %get3A_323 = tpu.vector_load %arg9[%get3A_321, %get3A_322] {strides = array<i32>} : memref<8x128xf32, #tpu.memory_space<vmem>>, vector<1x16xf32>,
      %get3A_324 = vector.shape_cast %get3A_323 : vector<1x16xf32> to vector<16xf32>
      %swap3A_325 = arith.constant 5 : i32
      %swap3A_326 = arith.index_cast %swap3A_325 : i32 to index
      %swap3A_327 = arith.constant 32 : index
      %swap3A_328 = tpu.vector_load %arg10[%swap3A_326, %swap3A_327] {strides = array<i32>} : memref<8x64xf32, #tpu.memory_space<vmem>>, vector<1x16xf32>,
      %swap3A_329 = vector.shape_cast %swap3A_328 : vector<1x16xf32> to vector<16xf32>
      %swap3A_330 = vector.shape_cast %get3A_324 : vector<16xf32> to vector<1x16xf32>
      tpu.vector_store %arg10[%swap3A_326, %swap3A_327], %swap3A_330 {strides = array<i32>} : memref<8x64xf32, #tpu.memory_space<vmem>>, vector<1x16xf32>,
      %get3A_331 = arith.constant 5 : i32
      %get3A_332 = arith.index_cast %get3A_331 : i32 to index
      %get3A_333 = arith.constant 48 : index
      %get3A_334 = tpu.vector_load %arg9[%get3A_332, %get3A_333] {strides = array<i32>} : memref<8x128xf32, #tpu.memory_space<vmem>>, vector<1x16xf32>,
      %get3A_335 = vector.shape_cast %get3A_334 : vector<1x16xf32> to vector<16xf32>
      %swap3A_336 = arith.constant 5 : i32
      %swap3A_337 = arith.index_cast %swap3A_336 : i32 to index
      %swap3A_338 = arith.constant 48 : index
      %swap3A_339 = tpu.vector_load %arg10[%swap3A_337, %swap3A_338] {strides = array<i32>} : memref<8x64xf32, #tpu.memory_space<vmem>>, vector<1x16xf32>,
      %swap3A_340 = vector.shape_cast %swap3A_339 : vector<1x16xf32> to vector<16xf32>
      %swap3A_341 = vector.shape_cast %get3A_335 : vector<16xf32> to vector<1x16xf32>
      tpu.vector_store %arg10[%swap3A_337, %swap3A_338], %swap3A_341 {strides = array<i32>} : memref<8x64xf32, #tpu.memory_space<vmem>>, vector<1x16xf32>,
      %get3A_342 = arith.constant 6 : i32
      %get3A_343 = arith.index_cast %get3A_342 : i32 to index
      %get3A_344 = arith.constant 0 : index
      %get3A_345 = tpu.vector_load %arg9[%get3A_343, %get3A_344] {strides = array<i32>} : memref<8x128xf32, #tpu.memory_space<vmem>>, vector<1x16xf32>,
      %get3A_346 = vector.shape_cast %get3A_345 : vector<1x16xf32> to vector<16xf32>
      %swap3A_347 = arith.constant 6 : i32
      %swap3A_348 = arith.index_cast %swap3A_347 : i32 to index
      %swap3A_349 = arith.constant 0 : index
      %swap3A_350 = tpu.vector_load %arg10[%swap3A_348, %swap3A_349] {strides = array<i32>} : memref<8x64xf32, #tpu.memory_space<vmem>>, vector<1x16xf32>,
      %swap3A_351 = vector.shape_cast %swap3A_350 : vector<1x16xf32> to vector<16xf32>
      %swap3A_352 = vector.shape_cast %get3A_346 : vector<16xf32> to vector<1x16xf32>
      tpu.vector_store %arg10[%swap3A_348, %swap3A_349], %swap3A_352 {strides = array<i32>} : memref<8x64xf32, #tpu.memory_space<vmem>>, vector<1x16xf32>,
      %get3A_353 = arith.constant 6 : i32
      %get3A_354 = arith.index_cast %get3A_353 : i32 to index
      %get3A_355 = arith.constant 16 : index
      %get3A_356 = tpu.vector_load %arg9[%get3A_354, %get3A_355] {strides = array<i32>} : memref<8x128xf32, #tpu.memory_space<vmem>>, vector<1x16xf32>,
      %get3A_357 = vector.shape_cast %get3A_356 : vector<1x16xf32> to vector<16xf32>
      %swap3A_358 = arith.constant 6 : i32
      %swap3A_359 = arith.index_cast %swap3A_358 : i32 to index
      %swap3A_360 = arith.constant 16 : index
      %swap3A_361 = tpu.vector_load %arg10[%swap3A_359, %swap3A_360] {strides = array<i32>} : memref<8x64xf32, #tpu.memory_space<vmem>>, vector<1x16xf32>,
      %swap3A_362 = vector.shape_cast %swap3A_361 : vector<1x16xf32> to vector<16xf32>
      %swap3A_363 = vector.shape_cast %get3A_357 : vector<16xf32> to vector<1x16xf32>
      tpu.vector_store %arg10[%swap3A_359, %swap3A_360], %swap3A_363 {strides = array<i32>} : memref<8x64xf32, #tpu.memory_space<vmem>>, vector<1x16xf32>,
      %get3A_364 = arith.constant 6 : i32
      %get3A_365 = arith.index_cast %get3A_364 : i32 to index
      %get3A_366 = arith.constant 32 : index
      %get3A_367 = tpu.vector_load %arg9[%get3A_365, %get3A_366] {strides = array<i32>} : memref<8x128xf32, #tpu.memory_space<vmem>>, vector<1x16xf32>,
      %get3A_368 = vector.shape_cast %get3A_367 : vector<1x16xf32> to vector<16xf32>
      %swap3A_369 = arith.constant 6 : i32
      %swap3A_370 = arith.index_cast %swap3A_369 : i32 to index
      %swap3A_371 = arith.constant 32 : index
      %swap3A_372 = tpu.vector_load %arg10[%swap3A_370, %swap3A_371] {strides = array<i32>} : memref<8x64xf32, #tpu.memory_space<vmem>>, vector<1x16xf32>,
      %swap3A_373 = vector.shape_cast %swap3A_372 : vector<1x16xf32> to vector<16xf32>
      %swap3A_374 = vector.shape_cast %get3A_368 : vector<16xf32> to vector<1x16xf32>
      tpu.vector_store %arg10[%swap3A_370, %swap3A_371], %swap3A_374 {strides = array<i32>} : memref<8x64xf32, #tpu.memory_space<vmem>>, vector<1x16xf32>,
      %get3A_375 = arith.constant 6 : i32
      %get3A_376 = arith.index_cast %get3A_375 : i32 to index
      %get3A_377 = arith.constant 48 : index
      %get3A_378 = tpu.vector_load %arg9[%get3A_376, %get3A_377] {strides = array<i32>} : memref<8x128xf32, #tpu.memory_space<vmem>>, vector<1x16xf32>,
      %get3A_379 = vector.shape_cast %get3A_378 : vector<1x16xf32> to vector<16xf32>
      %swap3A_380 = arith.constant 6 : i32
      %swap3A_381 = arith.index_cast %swap3A_380 : i32 to index
      %swap3A_382 = arith.constant 48 : index
      %swap3A_383 = tpu.vector_load %arg10[%swap3A_381, %swap3A_382] {strides = array<i32>} : memref<8x64xf32, #tpu.memory_space<vmem>>, vector<1x16xf32>,
      %swap3A_384 = vector.shape_cast %swap3A_383 : vector<1x16xf32> to vector<16xf32>
      %swap3A_385 = vector.shape_cast %get3A_379 : vector<16xf32> to vector<1x16xf32>
      tpu.vector_store %arg10[%swap3A_381, %swap3A_382], %swap3A_385 {strides = array<i32>} : memref<8x64xf32, #tpu.memory_space<vmem>>, vector<1x16xf32>,
      %get3A_386 = arith.constant 7 : i32
      %get3A_387 = arith.index_cast %get3A_386 : i32 to index
      %get3A_388 = arith.constant 0 : index
      %get3A_389 = tpu.vector_load %arg9[%get3A_387, %get3A_388] {strides = array<i32>} : memref<8x128xf32, #tpu.memory_space<vmem>>, vector<1x16xf32>,
      %get3A_390 = vector.shape_cast %get3A_389 : vector<1x16xf32> to vector<16xf32>
      %swap3A_391 = arith.constant 7 : i32
      %swap3A_392 = arith.index_cast %swap3A_391 : i32 to index
      %swap3A_393 = arith.constant 0 : index
      %swap3A_394 = tpu.vector_load %arg10[%swap3A_392, %swap3A_393] {strides = array<i32>} : memref<8x64xf32, #tpu.memory_space<vmem>>, vector<1x16xf32>,
      %swap3A_395 = vector.shape_cast %swap3A_394 : vector<1x16xf32> to vector<16xf32>
      %swap3A_396 = vector.shape_cast %get3A_390 : vector<16xf32> to vector<1x16xf32>
      tpu.vector_store %arg10[%swap3A_392, %swap3A_393], %swap3A_396 {strides = array<i32>} : memref<8x64xf32, #tpu.memory_space<vmem>>, vector<1x16xf32>,
      %get3A_397 = arith.constant 7 : i32
      %get3A_398 = arith.index_cast %get3A_397 : i32 to index
      %get3A_399 = arith.constant 16 : index
      %get3A_400 = tpu.vector_load %arg9[%get3A_398, %get3A_399] {strides = array<i32>} : memref<8x128xf32, #tpu.memory_space<vmem>>, vector<1x16xf32>,
      %get3A_401 = vector.shape_cast %get3A_400 : vector<1x16xf32> to vector<16xf32>
      %swap3A_402 = arith.constant 7 : i32
      %swap3A_403 = arith.index_cast %swap3A_402 : i32 to index
      %swap3A_404 = arith.constant 16 : index
      %swap3A_405 = tpu.vector_load %arg10[%swap3A_403, %swap3A_404] {strides = array<i32>} : memref<8x64xf32, #tpu.memory_space<vmem>>, vector<1x16xf32>,
      %swap3A_406 = vector.shape_cast %swap3A_405 : vector<1x16xf32> to vector<16xf32>
      %swap3A_407 = vector.shape_cast %get3A_401 : vector<16xf32> to vector<1x16xf32>
      tpu.vector_store %arg10[%swap3A_403, %swap3A_404], %swap3A_407 {strides = array<i32>} : memref<8x64xf32, #tpu.memory_space<vmem>>, vector<1x16xf32>,
      %get3A_408 = arith.constant 7 : i32
      %get3A_409 = arith.index_cast %get3A_408 : i32 to index
      %get3A_410 = arith.constant 32 : index
      %get3A_411 = tpu.vector_load %arg9[%get3A_409, %get3A_410] {strides = array<i32>} : memref<8x128xf32, #tpu.memory_space<vmem>>, vector<1x16xf32>,
      %get3A_412 = vector.shape_cast %get3A_411 : vector<1x16xf32> to vector<16xf32>
      %swap3A_413 = arith.constant 7 : i32
      %swap3A_414 = arith.index_cast %swap3A_413 : i32 to index
      %swap3A_415 = arith.constant 32 : index
      %swap3A_416 = tpu.vector_load %arg10[%swap3A_414, %swap3A_415] {strides = array<i32>} : memref<8x64xf32, #tpu.memory_space<vmem>>, vector<1x16xf32>,
      %swap3A_417 = vector.shape_cast %swap3A_416 : vector<1x16xf32> to vector<16xf32>
      %swap3A_418 = vector.shape_cast %get3A_412 : vector<16xf32> to vector<1x16xf32>
      tpu.vector_store %arg10[%swap3A_414, %swap3A_415], %swap3A_418 {strides = array<i32>} : memref<8x64xf32, #tpu.memory_space<vmem>>, vector<1x16xf32>,
      %get3A_419 = arith.constant 7 : i32
      %get3A_420 = arith.index_cast %get3A_419 : i32 to index
      %get3A_421 = arith.constant 48 : index
      %get3A_422 = tpu.vector_load %arg9[%get3A_420, %get3A_421] {strides = array<i32>} : memref<8x128xf32, #tpu.memory_space<vmem>>, vector<1x16xf32>,
      %get3A_423 = vector.shape_cast %get3A_422 : vector<1x16xf32> to vector<16xf32>
      %swap3A_424 = arith.constant 7 : i32
      %swap3A_425 = arith.index_cast %swap3A_424 : i32 to index
      %swap3A_426 = arith.constant 48 : index
      %swap3A_427 = tpu.vector_load %arg10[%swap3A_425, %swap3A_426] {strides = array<i32>} : memref<8x64xf32, #tpu.memory_space<vmem>>, vector<1x16xf32>,
      %swap3A_428 = vector.shape_cast %swap3A_427 : vector<1x16xf32> to vector<16xf32>
      %swap3A_429 = vector.shape_cast %get3A_423 : vector<16xf32> to vector<1x16xf32>
      tpu.vector_store %arg10[%swap3A_425, %swap3A_426], %swap3A_429 {strides = array<i32>} : memref<8x64xf32, #tpu.memory_space<vmem>>, vector<1x16xf32>,
      %add3A_430 = arith.addi %add3A_22, %add3A_79 : i32
      "tpu.region"() ({
        %run_scoped3A = tpu.sem_alloc : memref<!tpu.dma_semaphore, #tpu.memory_space<semaphore_mem>>
        %dma_start3A = arith.constant 0 : i32
        %dma_start3A_431 = tpu.memref_slice %arg5[%add3A_430, %dma_start3A] : memref<102400x64xf32, #tpu.memory_space<hbm>> -> memref<8x64xf32, #tpu.memory_space<hbm>>
        %dma_start3A_432 = arith.constant 0 : i32
        %dma_start3A_433 = tpu.memref_slice %arg5[%add3A_430, %dma_start3A_432] : memref<102400x64xf32, #tpu.memory_space<hbm>> -> memref<8x64xf32, #tpu.memory_space<hbm>>
        tpu.enqueue_dma source(%arg10 : memref<8x64xf32, #tpu.memory_space<vmem>>) target(%dma_start3A_433 : memref<8x64xf32, #tpu.memory_space<hbm>>) target_semaphore(%run_scoped3A : memref<!tpu.dma_semaphore, #tpu.memory_space<semaphore_mem>>)
        %dma_wait3A = arith.constant 0 : i32
        %dma_wait3A_434 = tpu.memref_slice %arg5[%add3A_430, %dma_wait3A] : memref<102400x64xf32, #tpu.memory_space<hbm>> -> memref<8x64xf32, #tpu.memory_space<hbm>>
        %dma_wait3A_435 = arith.constant 0 : i32
        %dma_wait3A_436 = tpu.memref_slice %arg5[%add3A_430, %dma_wait3A_435] : memref<102400x64xf32, #tpu.memory_space<hbm>> -> memref<8x64xf32, #tpu.memory_space<hbm>>
        tpu.wait_dma2 semaphore(%run_scoped3A : memref<!tpu.dma_semaphore, #tpu.memory_space<semaphore_mem>>) src(%arg10 : memref<8x64xf32, #tpu.memory_space<vmem>>) dst(%dma_wait3A_436 : memref<8x64xf32, #tpu.memory_space<hbm>>)
        tpu.yield
      }) : () -> ()
    }
    %scan3A_36 = arith.constant 100 : i32
    %barrier3A_37 = arith.constant 0 : index
    tpu.barrier barrier_id(%barrier3A_37)
    %mul3A_38 = arith.constant 51200 : i32
    %mul3A_39 = arith.muli %arg0, %mul3A_38 : i32
    %add3A_40 = arith.constant 25600 : i32
    %add3A_41 = arith.addi %mul3A_39, %add3A_40 : i32
    "tpu.region"() ({
      %run_scoped3A = tpu.sem_alloc : memref<!tpu.dma_semaphore, #tpu.memory_space<semaphore_mem>>
      %dma_start3A = arith.constant 0 : i32
      %dma_start3A_76 = tpu.memref_slice %arg13[%mul3A_0, %dma_start3A] : memref<12808x128xf32, #tpu.memory_space<vmem_shared>> -> memref<800x128xf32, #tpu.memory_space<vmem_shared>>
      %dma_start3A_77 = arith.constant 0 : i32
      %dma_start3A_78 = arith.constant 0 : i32
      %dma_start3A_79 = tpu.memref_slice %arg4[%dma_start3A_77, %dma_start3A_78] : memref<800x128xf32, #tpu.memory_space<hbm>> -> memref<800x128xf32, #tpu.memory_space<hbm>>
      tpu.enqueue_dma source(%dma_start3A_79 : memref<800x128xf32, #tpu.memory_space<hbm>>) target(%dma_start3A_76 : memref<800x128xf32, #tpu.memory_space<vmem_shared>>) target_semaphore(%run_scoped3A : memref<!tpu.dma_semaphore, #tpu.memory_space<semaphore_mem>>)
      %dma_wait3A = arith.constant 0 : i32
      %dma_wait3A_80 = tpu.memref_slice %arg13[%mul3A_0, %dma_wait3A] : memref<12808x128xf32, #tpu.memory_space<vmem_shared>> -> memref<800x128xf32, #tpu.memory_space<vmem_shared>>
      %dma_wait3A_81 = arith.constant 0 : i32
      %dma_wait3A_82 = arith.constant 0 : i32
      %dma_wait3A_83 = tpu.memref_slice %arg4[%dma_wait3A_81, %dma_wait3A_82] : memref<800x128xf32, #tpu.memory_space<hbm>> -> memref<800x128xf32, #tpu.memory_space<hbm>>
      tpu.wait_dma2 semaphore(%run_scoped3A : memref<!tpu.dma_semaphore, #tpu.memory_space<semaphore_mem>>) src(%dma_wait3A_83 : memref<800x128xf32, #tpu.memory_space<hbm>>) dst(%dma_wait3A_80 : memref<800x128xf32, #tpu.memory_space<vmem_shared>>)
      tpu.yield
    }) : () -> ()
    %barrier3A_42 = arith.constant 0 : index
    tpu.barrier barrier_id(%barrier3A_42)
    %scan3A_43 = arith.constant 0 : i32
    %scan3A_44 = arith.constant 0 : i32
    %scan3A_45 = arith.constant 8 : i32
    %scan3A_46 = arith.addi %scan3A_44, %scan3A_45 : i32
    %scan3A_47 = arith.constant 1 : i32
    scf.for %scan3A_76 = %scan3A_44 to %scan3A_46 step %scan3A_47  : i32 {
      %mul3A_77 = arith.constant 1600 : i32
      %mul3A_78 = arith.muli %scan3A_76, %mul3A_77 : i32
      %add3A_79 = arith.addi %mul3A_2, %mul3A_78 : i32
      "tpu.region"() ({
        %run_scoped3A = tpu.sem_alloc : memref<!tpu.dma_semaphore, #tpu.memory_space<semaphore_mem>>
        %dma_start3A_253 = tpu.memref_slice %arg3[%add3A_79] : memref<204800xi32, #tpu.memory_space<hbm>> -> memref<1600xi32, #tpu.memory_space<hbm>>
        %dma_start3A_254 = tpu.memref_slice %arg3[%add3A_79] : memref<204800xi32, #tpu.memory_space<hbm>> -> memref<1600xi32, #tpu.memory_space<hbm>>
        tpu.enqueue_dma source(%dma_start3A_254 : memref<1600xi32, #tpu.memory_space<hbm>>) target(%arg6 : memref<1600xi32, #tpu.memory_space<vmem>>) target_semaphore(%run_scoped3A : memref<!tpu.dma_semaphore, #tpu.memory_space<semaphore_mem>>)
        %dma_wait3A_255 = tpu.memref_slice %arg3[%add3A_79] : memref<204800xi32, #tpu.memory_space<hbm>> -> memref<1600xi32, #tpu.memory_space<hbm>>
        %dma_wait3A_256 = tpu.memref_slice %arg3[%add3A_79] : memref<204800xi32, #tpu.memory_space<hbm>> -> memref<1600xi32, #tpu.memory_space<hbm>>
        tpu.wait_dma2 semaphore(%run_scoped3A : memref<!tpu.dma_semaphore, #tpu.memory_space<semaphore_mem>>) src(%dma_wait3A_256 : memref<1600xi32, #tpu.memory_space<hbm>>) dst(%arg6 : memref<1600xi32, #tpu.memory_space<vmem>>)
        tpu.yield
      }) : () -> ()
      %get3A = arith.constant 0 : index
      %get3A_80 = tpu.vector_load %arg6[%get3A] {strides = array<i32>} : memref<1600xi32, #tpu.memory_space<vmem>>, vector<16xi32>,
      %get3A_81 = vector.shape_cast %get3A_80 : vector<16xi32> to vector<16xi32>
      %ne3A = arith.constant 0 : i32
      %ne3A_82 = vector.broadcast %ne3A : i32 to vector<16xi32>
      %ne3A_83 = arith.cmpi ne, %get3A_81, %ne3A_82 : vector<16xi32>
      %ge3A = vector.broadcast %add3A_41 : i32 to vector<16xi32>
      %ge3A_84 = arith.cmpi sge, %get3A_81, %ge3A : vector<16xi32>
      %add3A_85 = arith.constant 12800 : i32
      %add3A_86 = arith.addi %add3A_41, %add3A_85 : i32
      %lt3A = vector.broadcast %add3A_86 : i32 to vector<16xi32>
      %lt3A_87 = arith.cmpi slt, %get3A_81, %lt3A : vector<16xi32>
      %and3A = arith.andi %ge3A_84, %lt3A_87 : vector<16xi1>
      %and3A_88 = arith.andi %ne3A_83, %and3A : vector<16xi1>
      %sub3A = vector.broadcast %add3A_41 : i32 to vector<16xi32>
      %sub3A_89 = arith.subi %get3A_81, %sub3A : vector<16xi32>
      %jit3A = arith.constant 12800 : i32
      %broadcast_in_dim3A = vector.broadcast %jit3A : i32 to vector<16xi32>
      %select_n3A = arith.select %and3A_88, %sub3A_89, %broadcast_in_dim3A : vector<16xi1>, vector<16xi32>
      %swap3A = arith.constant 0 : i32
      %swap3A_90 = arith.index_cast %swap3A : i32 to index
      %swap3A_91 = arith.constant 0 : index
      %swap3A_92 = tpu.vector_load %arg7[%swap3A_90, %swap3A_91] {strides = array<i32>} : memref<2x32xi32, #tpu.memory_space<vmem>>, vector<1x16xi32>,
      %swap3A_93 = vector.shape_cast %swap3A_92 : vector<1x16xi32> to vector<16xi32>
      %swap3A_94 = vector.shape_cast %select_n3A : vector<16xi32> to vector<1x16xi32>
      tpu.vector_store %arg7[%swap3A_90, %swap3A_91], %swap3A_94 {strides = array<i32>} : memref<2x32xi32, #tpu.memory_space<vmem>>, vector<1x16xi32>,
      %get3A_95 = arith.constant 16 : index
      %get3A_96 = tpu.vector_load %arg6[%get3A_95] {strides = array<i32>} : memref<1600xi32, #tpu.memory_space<vmem>>, vector<16xi32>,
      %get3A_97 = vector.shape_cast %get3A_96 : vector<16xi32> to vector<16xi32>
      %ne3A_98 = arith.constant 0 : i32
      %ne3A_99 = vector.broadcast %ne3A_98 : i32 to vector<16xi32>
      %ne3A_100 = arith.cmpi ne, %get3A_97, %ne3A_99 : vector<16xi32>
      %ge3A_101 = vector.broadcast %add3A_41 : i32 to vector<16xi32>
      %ge3A_102 = arith.cmpi sge, %get3A_97, %ge3A_101 : vector<16xi32>
      %add3A_103 = arith.constant 12800 : i32
      %add3A_104 = arith.addi %add3A_41, %add3A_103 : i32
      %lt3A_105 = vector.broadcast %add3A_104 : i32 to vector<16xi32>
      %lt3A_106 = arith.cmpi slt, %get3A_97, %lt3A_105 : vector<16xi32>
      %and3A_107 = arith.andi %ge3A_102, %lt3A_106 : vector<16xi1>
      %and3A_108 = arith.andi %ne3A_100, %and3A_107 : vector<16xi1>
      %sub3A_109 = vector.broadcast %add3A_41 : i32 to vector<16xi32>
      %sub3A_110 = arith.subi %get3A_97, %sub3A_109 : vector<16xi32>
      %jit3A_111 = arith.constant 12800 : i32
      %broadcast_in_dim3A_112 = vector.broadcast %jit3A_111 : i32 to vector<16xi32>
      %select_n3A_113 = arith.select %and3A_108, %sub3A_110, %broadcast_in_dim3A_112 : vector<16xi1>, vector<16xi32>
      %swap3A_114 = arith.constant 0 : i32
      %swap3A_115 = arith.index_cast %swap3A_114 : i32 to index
      %swap3A_116 = arith.constant 16 : index
      %swap3A_117 = tpu.vector_load %arg7[%swap3A_115, %swap3A_116] {strides = array<i32>} : memref<2x32xi32, #tpu.memory_space<vmem>>, vector<1x16xi32>,
      %swap3A_118 = vector.shape_cast %swap3A_117 : vector<1x16xi32> to vector<16xi32>
      %swap3A_119 = vector.shape_cast %select_n3A_113 : vector<16xi32> to vector<1x16xi32>
      tpu.vector_store %arg7[%swap3A_115, %swap3A_116], %swap3A_119 {strides = array<i32>} : memref<2x32xi32, #tpu.memory_space<vmem>>, vector<1x16xi32>,
      %dma_start3A = arith.constant 0 : i32
      %dma_start3A_120 = arith.constant 0 : i32
      %dma_start3A_121 = arith.constant 0 : i32
      %dma_start3A_122 = tpu.memref_slice %arg8[%dma_start3A, %dma_start3A_120, %dma_start3A_121] : memref<2x32x128xf32, #tpu.memory_space<vmem>> -> memref<1x32x128xf32, #tpu.memory_space<vmem>>
      %dma_start3A_123 = tpu.memref_squeeze %dma_start3A_122 : memref<1x32x128xf32, #tpu.memory_space<vmem>> -> memref<32x128xf32, #tpu.memory_space<vmem>>
      %dma_start3A_124 = arith.constant 0 : i32
      %dma_start3A_125 = tpu.memref_slice %arg2[%add3A_79, %dma_start3A_124] : memref<204800x128xf32, #tpu.memory_space<hbm>> -> memref<32x128xf32, #tpu.memory_space<hbm>>
      %dma_start3A_126 = arith.constant 0 : i32
      %dma_start3A_127 = arith.constant 0 : i32
      %dma_start3A_128 = tpu.memref_slice %arg8[%dma_start3A, %dma_start3A_126, %dma_start3A_127] : memref<2x32x128xf32, #tpu.memory_space<vmem>> -> memref<1x32x128xf32, #tpu.memory_space<vmem>>
      %dma_start3A_129 = tpu.memref_squeeze %dma_start3A_128 : memref<1x32x128xf32, #tpu.memory_space<vmem>> -> memref<32x128xf32, #tpu.memory_space<vmem>>
      %dma_start3A_130 = arith.constant 0 : i32
      %dma_start3A_131 = tpu.memref_slice %arg2[%add3A_79, %dma_start3A_130] : memref<204800x128xf32, #tpu.memory_space<hbm>> -> memref<32x128xf32, #tpu.memory_space<hbm>>
      tpu.enqueue_dma source(%dma_start3A_131 : memref<32x128xf32, #tpu.memory_space<hbm>>) target(%dma_start3A_129 : memref<32x128xf32, #tpu.memory_space<vmem>>) target_semaphore(%arg12 : memref<!tpu.dma_semaphore, #tpu.memory_space<semaphore_mem>>)
      %dma_wait3A = arith.constant 0 : i32
      %dma_wait3A_132 = arith.constant 0 : i32
      %dma_wait3A_133 = arith.constant 0 : i32
      %dma_wait3A_134 = tpu.memref_slice %arg8[%dma_wait3A, %dma_wait3A_132, %dma_wait3A_133] : memref<2x32x128xf32, #tpu.memory_space<vmem>> -> memref<1x32x128xf32, #tpu.memory_space<vmem>>
      %dma_wait3A_135 = tpu.memref_squeeze %dma_wait3A_134 : memref<1x32x128xf32, #tpu.memory_space<vmem>> -> memref<32x128xf32, #tpu.memory_space<vmem>>
      %dma_wait3A_136 = arith.constant 0 : i32
      %dma_wait3A_137 = tpu.memref_slice %arg2[%add3A_79, %dma_wait3A_136] : memref<204800x128xf32, #tpu.memory_space<hbm>> -> memref<32x128xf32, #tpu.memory_space<hbm>>
      %dma_wait3A_138 = arith.constant 0 : i32
      %dma_wait3A_139 = arith.constant 0 : i32
      %dma_wait3A_140 = tpu.memref_slice %arg8[%dma_wait3A, %dma_wait3A_138, %dma_wait3A_139] : memref<2x32x128xf32, #tpu.memory_space<vmem>> -> memref<1x32x128xf32, #tpu.memory_space<vmem>>
      %dma_wait3A_141 = tpu.memref_squeeze %dma_wait3A_140 : memref<1x32x128xf32, #tpu.memory_space<vmem>> -> memref<32x128xf32, #tpu.memory_space<vmem>>
      %dma_wait3A_142 = arith.constant 0 : i32
      %dma_wait3A_143 = tpu.memref_slice %arg2[%add3A_79, %dma_wait3A_142] : memref<204800x128xf32, #tpu.memory_space<hbm>> -> memref<32x128xf32, #tpu.memory_space<hbm>>
      tpu.wait_dma2 semaphore(%arg12 : memref<!tpu.dma_semaphore, #tpu.memory_space<semaphore_mem>>) src(%dma_wait3A_143 : memref<32x128xf32, #tpu.memory_space<hbm>>) dst(%dma_wait3A_141 : memref<32x128xf32, #tpu.memory_space<vmem>>)
      %dma_start3A_144 = arith.constant 0 : i32
      %dma_start3A_145 = arith.constant 0 : i32
      %dma_start3A_146 = arith.constant 0 : i32
      %dma_start3A_147 = arith.constant 0 : i32
      %dma_start3A_148 = tpu.memref_slice %arg8[%dma_start3A_144, %dma_start3A_146, %dma_start3A_147] : memref<2x32x128xf32, #tpu.memory_space<vmem>> -> memref<1x32x128xf32, #tpu.memory_space<vmem>>
      %dma_start3A_149 = tpu.memref_squeeze %dma_start3A_148 : memref<1x32x128xf32, #tpu.memory_space<vmem>> -> memref<32x128xf32, #tpu.memory_space<vmem>>
      %dma_start3A_150 = arith.constant 0 : i32
      %dma_start3A_151 = tpu.memref_slice %arg7[%dma_start3A_145, %dma_start3A_150] : memref<2x32xi32, #tpu.memory_space<vmem>> -> memref<1x32xi32, #tpu.memory_space<vmem>>
      %dma_start3A_152 = tpu.memref_squeeze %dma_start3A_151 : memref<1x32xi32, #tpu.memory_space<vmem>> -> memref<32xi32, #tpu.memory_space<vmem>>
      %dma_start3A_153 = arith.constant 0 : i32
      %dma_start3A_154 = arith.constant 0 : i32
      %dma_start3A_155 = tpu.memref_slice %arg13[%dma_start3A_153, %dma_start3A_154] : memref<12808x128xf32, #tpu.memory_space<vmem_shared>> -> memref<12808x128xf32, #tpu.memory_space<vmem_shared>>
      tpu.enqueue_indirect_dma source(%dma_start3A_149 : memref<32x128xf32, #tpu.memory_space<vmem>>) target(%dma_start3A_155 : memref<12808x128xf32, #tpu.memory_space<vmem_shared>>) offsets(%dma_start3A_152 : memref<32xi32, #tpu.memory_space<vmem>>) semaphore(%arg11 : memref<!tpu.dma_semaphore, #tpu.memory_space<semaphore_mem>>) {add = true}
      %add3A_156 = arith.constant 32 : i32
      %add3A_157 = arith.addi %add3A_79, %add3A_156 : i32
      %dma_start3A_158 = arith.constant 1 : i32
      %dma_start3A_159 = arith.constant 0 : i32
      %dma_start3A_160 = arith.constant 0 : i32
      %dma_start3A_161 = tpu.memref_slice %arg8[%dma_start3A_158, %dma_start3A_159, %dma_start3A_160] : memref<2x32x128xf32, #tpu.memory_space<vmem>> -> memref<1x32x128xf32, #tpu.memory_space<vmem>>
      %dma_start3A_162 = tpu.memref_squeeze %dma_start3A_161 : memref<1x32x128xf32, #tpu.memory_space<vmem>> -> memref<32x128xf32, #tpu.memory_space<vmem>>
      %dma_start3A_163 = arith.constant 0 : i32
      %dma_start3A_164 = tpu.memref_slice %arg2[%add3A_157, %dma_start3A_163] : memref<204800x128xf32, #tpu.memory_space<hbm>> -> memref<32x128xf32, #tpu.memory_space<hbm>>
      %dma_start3A_165 = arith.constant 0 : i32
      %dma_start3A_166 = arith.constant 0 : i32
      %dma_start3A_167 = tpu.memref_slice %arg8[%dma_start3A_158, %dma_start3A_165, %dma_start3A_166] : memref<2x32x128xf32, #tpu.memory_space<vmem>> -> memref<1x32x128xf32, #tpu.memory_space<vmem>>
      %dma_start3A_168 = tpu.memref_squeeze %dma_start3A_167 : memref<1x32x128xf32, #tpu.memory_space<vmem>> -> memref<32x128xf32, #tpu.memory_space<vmem>>
      %dma_start3A_169 = arith.constant 0 : i32
      %dma_start3A_170 = tpu.memref_slice %arg2[%add3A_157, %dma_start3A_169] : memref<204800x128xf32, #tpu.memory_space<hbm>> -> memref<32x128xf32, #tpu.memory_space<hbm>>
      tpu.enqueue_dma source(%dma_start3A_170 : memref<32x128xf32, #tpu.memory_space<hbm>>) target(%dma_start3A_168 : memref<32x128xf32, #tpu.memory_space<vmem>>) target_semaphore(%arg12 : memref<!tpu.dma_semaphore, #tpu.memory_space<semaphore_mem>>)
      %get3A_171 = arith.constant 32 : index
      %get3A_172 = tpu.vector_load %arg6[%get3A_171] {strides = array<i32>} : memref<1600xi32, #tpu.memory_space<vmem>>, vector<16xi32>,
      %get3A_173 = vector.shape_cast %get3A_172 : vector<16xi32> to vector<16xi32>
      %ne3A_174 = arith.constant 0 : i32
      %ne3A_175 = vector.broadcast %ne3A_174 : i32 to vector<16xi32>
      %ne3A_176 = arith.cmpi ne, %get3A_173, %ne3A_175 : vector<16xi32>
      %ge3A_177 = vector.broadcast %add3A_41 : i32 to vector<16xi32>
      %ge3A_178 = arith.cmpi sge, %get3A_173, %ge3A_177 : vector<16xi32>
      %add3A_179 = arith.constant 12800 : i32
      %add3A_180 = arith.addi %add3A_41, %add3A_179 : i32
      %lt3A_181 = vector.broadcast %add3A_180 : i32 to vector<16xi32>
      %lt3A_182 = arith.cmpi slt, %get3A_173, %lt3A_181 : vector<16xi32>
      %and3A_183 = arith.andi %ge3A_178, %lt3A_182 : vector<16xi1>
      %and3A_184 = arith.andi %ne3A_176, %and3A_183 : vector<16xi1>
      %sub3A_185 = vector.broadcast %add3A_41 : i32 to vector<16xi32>
      %sub3A_186 = arith.subi %get3A_173, %sub3A_185 : vector<16xi32>
      %jit3A_187 = arith.constant 12800 : i32
      %broadcast_in_dim3A_188 = vector.broadcast %jit3A_187 : i32 to vector<16xi32>
      %select_n3A_189 = arith.select %and3A_184, %sub3A_186, %broadcast_in_dim3A_188 : vector<16xi1>, vector<16xi32>
      %swap3A_190 = arith.constant 1 : i32
      %swap3A_191 = arith.index_cast %swap3A_190 : i32 to index
      %swap3A_192 = arith.constant 0 : index
      %swap3A_193 = tpu.vector_load %arg7[%swap3A_191, %swap3A_192] {strides = array<i32>} : memref<2x32xi32, #tpu.memory_space<vmem>>, vector<1x16xi32>,
      %swap3A_194 = vector.shape_cast %swap3A_193 : vector<1x16xi32> to vector<16xi32>
      %swap3A_195 = vector.shape_cast %select_n3A_189 : vector<16xi32> to vector<1x16xi32>
      tpu.vector_store %arg7[%swap3A_191, %swap3A_192], %swap3A_195 {strides = array<i32>} : memref<2x32xi32, #tpu.memory_space<vmem>>, vector<1x16xi32>,
      %get3A_196 = arith.constant 48 : index
      %get3A_197 = tpu.vector_load %arg6[%get3A_196] {strides = array<i32>} : memref<1600xi32, #tpu.memory_space<vmem>>, vector<16xi32>,
      %get3A_198 = vector.shape_cast %get3A_197 : vector<16xi32> to vector<16xi32>
      %ne3A_199 = arith.constant 0 : i32
      %ne3A_200 = vector.broadcast %ne3A_199 : i32 to vector<16xi32>
      %ne3A_201 = arith.cmpi ne, %get3A_198, %ne3A_200 : vector<16xi32>
      %ge3A_202 = vector.broadcast %add3A_41 : i32 to vector<16xi32>
      %ge3A_203 = arith.cmpi sge, %get3A_198, %ge3A_202 : vector<16xi32>
      %add3A_204 = arith.constant 12800 : i32
      %add3A_205 = arith.addi %add3A_41, %add3A_204 : i32
      %lt3A_206 = vector.broadcast %add3A_205 : i32 to vector<16xi32>
      %lt3A_207 = arith.cmpi slt, %get3A_198, %lt3A_206 : vector<16xi32>
      %and3A_208 = arith.andi %ge3A_203, %lt3A_207 : vector<16xi1>
      %and3A_209 = arith.andi %ne3A_201, %and3A_208 : vector<16xi1>
      %sub3A_210 = vector.broadcast %add3A_41 : i32 to vector<16xi32>
      %sub3A_211 = arith.subi %get3A_198, %sub3A_210 : vector<16xi32>
      %jit3A_212 = arith.constant 12800 : i32
      %broadcast_in_dim3A_213 = vector.broadcast %jit3A_212 : i32 to vector<16xi32>
      %select_n3A_214 = arith.select %and3A_209, %sub3A_211, %broadcast_in_dim3A_213 : vector<16xi1>, vector<16xi32>
      %swap3A_215 = arith.constant 1 : i32
      %swap3A_216 = arith.index_cast %swap3A_215 : i32 to index
      %swap3A_217 = arith.constant 16 : index
      %swap3A_218 = tpu.vector_load %arg7[%swap3A_216, %swap3A_217] {strides = array<i32>} : memref<2x32xi32, #tpu.memory_space<vmem>>, vector<1x16xi32>,
      %swap3A_219 = vector.shape_cast %swap3A_218 : vector<1x16xi32> to vector<16xi32>
      %swap3A_220 = vector.shape_cast %select_n3A_214 : vector<16xi32> to vector<1x16xi32>
      tpu.vector_store %arg7[%swap3A_216, %swap3A_217], %swap3A_220 {strides = array<i32>} : memref<2x32xi32, #tpu.memory_space<vmem>>, vector<1x16xi32>,
      %scan3A_221 = arith.constant 0 : i32
      %scan3A_222 = arith.constant 1 : i32
      %scan3A_223 = arith.constant 49 : i32
      %scan3A_224 = arith.addi %scan3A_222, %scan3A_223 : i32
      %scan3A_225 = arith.constant 1 : i32
      scf.for %scan3A_253 = %scan3A_222 to %scan3A_224 step %scan3A_225  : i32 {
        %rem3A = arith.constant 2 : i32
        %rem3A_254 = arith.remsi %scan3A_253, %rem3A : i32
        %add3A_255 = arith.constant 1 : i32
        %add3A_256 = arith.addi %scan3A_253, %add3A_255 : i32
        %min3A = arith.constant 49 : i32
        %min3A_257 = arith.minsi %add3A_256, %min3A : i32
        %sub3A_258 = arith.constant 1 : i32
        %sub3A_259 = arith.subi %sub3A_258, %rem3A_254 : i32
        %dma_wait3A_260 = arith.constant 0 : i32
        %dma_wait3A_261 = arith.constant 0 : i32
        %dma_wait3A_262 = tpu.memref_slice %arg8[%sub3A_259, %dma_wait3A_260, %dma_wait3A_261] : memref<2x32x128xf32, #tpu.memory_space<vmem>> -> memref<1x32x128xf32, #tpu.memory_space<vmem>>
        %dma_wait3A_263 = tpu.memref_squeeze %dma_wait3A_262 : memref<1x32x128xf32, #tpu.memory_space<vmem>> -> memref<32x128xf32, #tpu.memory_space<vmem>>
        %dma_wait3A_264 = arith.constant 0 : i32
        %dma_wait3A_265 = tpu.memref_slice %arg2[%add3A_79, %dma_wait3A_264] : memref<204800x128xf32, #tpu.memory_space<hbm>> -> memref<32x128xf32, #tpu.memory_space<hbm>>
        %dma_wait3A_266 = arith.constant 0 : i32
        %dma_wait3A_267 = arith.constant 0 : i32
        %dma_wait3A_268 = tpu.memref_slice %arg8[%sub3A_259, %dma_wait3A_266, %dma_wait3A_267] : memref<2x32x128xf32, #tpu.memory_space<vmem>> -> memref<1x32x128xf32, #tpu.memory_space<vmem>>
        %dma_wait3A_269 = tpu.memref_squeeze %dma_wait3A_268 : memref<1x32x128xf32, #tpu.memory_space<vmem>> -> memref<32x128xf32, #tpu.memory_space<vmem>>
        %dma_wait3A_270 = arith.constant 0 : i32
        %dma_wait3A_271 = tpu.memref_slice %arg2[%add3A_79, %dma_wait3A_270] : memref<204800x128xf32, #tpu.memory_space<hbm>> -> memref<32x128xf32, #tpu.memory_space<hbm>>
        tpu.wait_dma2 semaphore(%arg11 : memref<!tpu.dma_semaphore, #tpu.memory_space<semaphore_mem>>) src(%dma_wait3A_271 : memref<32x128xf32, #tpu.memory_space<hbm>>) dst(%dma_wait3A_269 : memref<32x128xf32, #tpu.memory_space<vmem>>)
        %mul3A_272 = arith.constant 32 : i32
        %mul3A_273 = arith.muli %min3A_257, %mul3A_272 : i32
        %add3A_274 = arith.addi %add3A_79, %mul3A_273 : i32
        %sub3A_275 = arith.constant 1 : i32
        %sub3A_276 = arith.subi %sub3A_275, %rem3A_254 : i32
        %dma_start3A_277 = arith.constant 0 : i32
        %dma_start3A_278 = arith.constant 0 : i32
        %dma_start3A_279 = tpu.memref_slice %arg8[%sub3A_276, %dma_start3A_277, %dma_start3A_278] : memref<2x32x128xf32, #tpu.memory_space<vmem>> -> memref<1x32x128xf32, #tpu.memory_space<vmem>>
        %dma_start3A_280 = tpu.memref_squeeze %dma_start3A_279 : memref<1x32x128xf32, #tpu.memory_space<vmem>> -> memref<32x128xf32, #tpu.memory_space<vmem>>
        %dma_start3A_281 = arith.constant 0 : i32
        %dma_start3A_282 = tpu.memref_slice %arg2[%add3A_274, %dma_start3A_281] : memref<204800x128xf32, #tpu.memory_space<hbm>> -> memref<32x128xf32, #tpu.memory_space<hbm>>
        %dma_start3A_283 = arith.constant 0 : i32
        %dma_start3A_284 = arith.constant 0 : i32
        %dma_start3A_285 = tpu.memref_slice %arg8[%sub3A_276, %dma_start3A_283, %dma_start3A_284] : memref<2x32x128xf32, #tpu.memory_space<vmem>> -> memref<1x32x128xf32, #tpu.memory_space<vmem>>
        %dma_start3A_286 = tpu.memref_squeeze %dma_start3A_285 : memref<1x32x128xf32, #tpu.memory_space<vmem>> -> memref<32x128xf32, #tpu.memory_space<vmem>>
        %dma_start3A_287 = arith.constant 0 : i32
        %dma_start3A_288 = tpu.memref_slice %arg2[%add3A_274, %dma_start3A_287] : memref<204800x128xf32, #tpu.memory_space<hbm>> -> memref<32x128xf32, #tpu.memory_space<hbm>>
        tpu.enqueue_dma source(%dma_start3A_288 : memref<32x128xf32, #tpu.memory_space<hbm>>) target(%dma_start3A_286 : memref<32x128xf32, #tpu.memory_space<vmem>>) target_semaphore(%arg12 : memref<!tpu.dma_semaphore, #tpu.memory_space<semaphore_mem>>)
        %sub3A_289 = arith.constant 1 : i32
        %sub3A_290 = arith.subi %sub3A_289, %rem3A_254 : i32
        %mul3A_291 = arith.constant 32 : i32
        %mul3A_292 = arith.muli %min3A_257, %mul3A_291 : i32
        %add3A_293 = arith.constant 0 : i32
        %add3A_294 = arith.addi %mul3A_292, %add3A_293 : i32
        %get3A_295 = arith.index_cast %add3A_294 : i32 to index
        %get3A_296 = tpu.vector_load %arg6[%get3A_295] {strides = array<i32>} : memref<1600xi32, #tpu.memory_space<vmem>>, vector<16xi32>,
        %get3A_297 = vector.shape_cast %get3A_296 : vector<16xi32> to vector<16xi32>
        %ne3A_298 = arith.constant 0 : i32
        %ne3A_299 = vector.broadcast %ne3A_298 : i32 to vector<16xi32>
        %ne3A_300 = arith.cmpi ne, %get3A_297, %ne3A_299 : vector<16xi32>
        %ge3A_301 = vector.broadcast %add3A_41 : i32 to vector<16xi32>
        %ge3A_302 = arith.cmpi sge, %get3A_297, %ge3A_301 : vector<16xi32>
        %add3A_303 = arith.constant 12800 : i32
        %add3A_304 = arith.addi %add3A_41, %add3A_303 : i32
        %lt3A_305 = vector.broadcast %add3A_304 : i32 to vector<16xi32>
        %lt3A_306 = arith.cmpi slt, %get3A_297, %lt3A_305 : vector<16xi32>
        %and3A_307 = arith.andi %ge3A_302, %lt3A_306 : vector<16xi1>
        %and3A_308 = arith.andi %ne3A_300, %and3A_307 : vector<16xi1>
        %sub3A_309 = vector.broadcast %add3A_41 : i32 to vector<16xi32>
        %sub3A_310 = arith.subi %get3A_297, %sub3A_309 : vector<16xi32>
        %jit3A_311 = arith.constant 12800 : i32
        %broadcast_in_dim3A_312 = vector.broadcast %jit3A_311 : i32 to vector<16xi32>
        %select_n3A_313 = arith.select %and3A_308, %sub3A_310, %broadcast_in_dim3A_312 : vector<16xi1>, vector<16xi32>
        %swap3A_314 = arith.index_cast %sub3A_290 : i32 to index
        %swap3A_315 = arith.constant 0 : index
        %swap3A_316 = tpu.vector_load %arg7[%swap3A_314, %swap3A_315] {strides = array<i32>} : memref<2x32xi32, #tpu.memory_space<vmem>>, vector<1x16xi32>,
        %swap3A_317 = vector.shape_cast %swap3A_316 : vector<1x16xi32> to vector<16xi32>
        %swap3A_318 = vector.shape_cast %select_n3A_313 : vector<16xi32> to vector<1x16xi32>
        tpu.vector_store %arg7[%swap3A_314, %swap3A_315], %swap3A_318 {strides = array<i32>} : memref<2x32xi32, #tpu.memory_space<vmem>>, vector<1x16xi32>,
        %mul3A_319 = arith.constant 32 : i32
        %mul3A_320 = arith.muli %min3A_257, %mul3A_319 : i32
        %add3A_321 = arith.constant 16 : i32
        %add3A_322 = arith.addi %mul3A_320, %add3A_321 : i32
        %get3A_323 = arith.index_cast %add3A_322 : i32 to index
        %get3A_324 = tpu.vector_load %arg6[%get3A_323] {strides = array<i32>} : memref<1600xi32, #tpu.memory_space<vmem>>, vector<16xi32>,
        %get3A_325 = vector.shape_cast %get3A_324 : vector<16xi32> to vector<16xi32>
        %ne3A_326 = arith.constant 0 : i32
        %ne3A_327 = vector.broadcast %ne3A_326 : i32 to vector<16xi32>
        %ne3A_328 = arith.cmpi ne, %get3A_325, %ne3A_327 : vector<16xi32>
        %ge3A_329 = vector.broadcast %add3A_41 : i32 to vector<16xi32>
        %ge3A_330 = arith.cmpi sge, %get3A_325, %ge3A_329 : vector<16xi32>
        %add3A_331 = arith.constant 12800 : i32
        %add3A_332 = arith.addi %add3A_41, %add3A_331 : i32
        %lt3A_333 = vector.broadcast %add3A_332 : i32 to vector<16xi32>
        %lt3A_334 = arith.cmpi slt, %get3A_325, %lt3A_333 : vector<16xi32>
        %and3A_335 = arith.andi %ge3A_330, %lt3A_334 : vector<16xi1>
        %and3A_336 = arith.andi %ne3A_328, %and3A_335 : vector<16xi1>
        %sub3A_337 = vector.broadcast %add3A_41 : i32 to vector<16xi32>
        %sub3A_338 = arith.subi %get3A_325, %sub3A_337 : vector<16xi32>
        %jit3A_339 = arith.constant 12800 : i32
        %broadcast_in_dim3A_340 = vector.broadcast %jit3A_339 : i32 to vector<16xi32>
        %select_n3A_341 = arith.select %and3A_336, %sub3A_338, %broadcast_in_dim3A_340 : vector<16xi1>, vector<16xi32>
        %swap3A_342 = arith.index_cast %sub3A_290 : i32 to index
        %swap3A_343 = arith.constant 16 : index
        %swap3A_344 = tpu.vector_load %arg7[%swap3A_342, %swap3A_343] {strides = array<i32>} : memref<2x32xi32, #tpu.memory_space<vmem>>, vector<1x16xi32>,
        %swap3A_345 = vector.shape_cast %swap3A_344 : vector<1x16xi32> to vector<16xi32>
        %swap3A_346 = vector.shape_cast %select_n3A_341 : vector<16xi32> to vector<1x16xi32>
        tpu.vector_store %arg7[%swap3A_342, %swap3A_343], %swap3A_346 {strides = array<i32>} : memref<2x32xi32, #tpu.memory_space<vmem>>, vector<1x16xi32>,
        %dma_wait3A_347 = arith.constant 0 : i32
        %dma_wait3A_348 = arith.constant 0 : i32
        %dma_wait3A_349 = tpu.memref_slice %arg8[%rem3A_254, %dma_wait3A_347, %dma_wait3A_348] : memref<2x32x128xf32, #tpu.memory_space<vmem>> -> memref<1x32x128xf32, #tpu.memory_space<vmem>>
        %dma_wait3A_350 = tpu.memref_squeeze %dma_wait3A_349 : memref<1x32x128xf32, #tpu.memory_space<vmem>> -> memref<32x128xf32, #tpu.memory_space<vmem>>
        %dma_wait3A_351 = arith.constant 0 : i32
        %dma_wait3A_352 = tpu.memref_slice %arg2[%add3A_79, %dma_wait3A_351] : memref<204800x128xf32, #tpu.memory_space<hbm>> -> memref<32x128xf32, #tpu.memory_space<hbm>>
        %dma_wait3A_353 = arith.constant 0 : i32
        %dma_wait3A_354 = arith.constant 0 : i32
        %dma_wait3A_355 = tpu.memref_slice %arg8[%rem3A_254, %dma_wait3A_353, %dma_wait3A_354] : memref<2x32x128xf32, #tpu.memory_space<vmem>> -> memref<1x32x128xf32, #tpu.memory_space<vmem>>
        %dma_wait3A_356 = tpu.memref_squeeze %dma_wait3A_355 : memref<1x32x128xf32, #tpu.memory_space<vmem>> -> memref<32x128xf32, #tpu.memory_space<vmem>>
        %dma_wait3A_357 = arith.constant 0 : i32
        %dma_wait3A_358 = tpu.memref_slice %arg2[%add3A_79, %dma_wait3A_357] : memref<204800x128xf32, #tpu.memory_space<hbm>> -> memref<32x128xf32, #tpu.memory_space<hbm>>
        tpu.wait_dma2 semaphore(%arg12 : memref<!tpu.dma_semaphore, #tpu.memory_space<semaphore_mem>>) src(%dma_wait3A_358 : memref<32x128xf32, #tpu.memory_space<hbm>>) dst(%dma_wait3A_356 : memref<32x128xf32, #tpu.memory_space<vmem>>)
        %dma_start3A_359 = arith.constant 0 : i32
        %dma_start3A_360 = arith.constant 0 : i32
        %dma_start3A_361 = tpu.memref_slice %arg8[%rem3A_254, %dma_start3A_359, %dma_start3A_360] : memref<2x32x128xf32, #tpu.memory_space<vmem>> -> memref<1x32x128xf32, #tpu.memory_space<vmem>>
        %dma_start3A_362 = tpu.memref_squeeze %dma_start3A_361 : memref<1x32x128xf32, #tpu.memory_space<vmem>> -> memref<32x128xf32, #tpu.memory_space<vmem>>
        %dma_start3A_363 = arith.constant 0 : i32
        %dma_start3A_364 = tpu.memref_slice %arg7[%rem3A_254, %dma_start3A_363] : memref<2x32xi32, #tpu.memory_space<vmem>> -> memref<1x32xi32, #tpu.memory_space<vmem>>
        %dma_start3A_365 = tpu.memref_squeeze %dma_start3A_364 : memref<1x32xi32, #tpu.memory_space<vmem>> -> memref<32xi32, #tpu.memory_space<vmem>>
        %dma_start3A_366 = arith.constant 0 : i32
        %dma_start3A_367 = arith.constant 0 : i32
        %dma_start3A_368 = tpu.memref_slice %arg13[%dma_start3A_366, %dma_start3A_367] : memref<12808x128xf32, #tpu.memory_space<vmem_shared>> -> memref<12808x128xf32, #tpu.memory_space<vmem_shared>>
        tpu.enqueue_indirect_dma source(%dma_start3A_362 : memref<32x128xf32, #tpu.memory_space<vmem>>) target(%dma_start3A_368 : memref<12808x128xf32, #tpu.memory_space<vmem_shared>>) offsets(%dma_start3A_365 : memref<32xi32, #tpu.memory_space<vmem>>) semaphore(%arg11 : memref<!tpu.dma_semaphore, #tpu.memory_space<semaphore_mem>>) {add = true}
      }
      %scan3A_226 = arith.constant 49 : i32
      %dma_wait3A_227 = arith.constant 0 : i32
      %dma_wait3A_228 = arith.constant 0 : i32
      %dma_wait3A_229 = arith.constant 0 : i32
      %dma_wait3A_230 = tpu.memref_slice %arg8[%dma_wait3A_227, %dma_wait3A_228, %dma_wait3A_229] : memref<2x32x128xf32, #tpu.memory_space<vmem>> -> memref<1x32x128xf32, #tpu.memory_space<vmem>>
      %dma_wait3A_231 = tpu.memref_squeeze %dma_wait3A_230 : memref<1x32x128xf32, #tpu.memory_space<vmem>> -> memref<32x128xf32, #tpu.memory_space<vmem>>
      %dma_wait3A_232 = arith.constant 0 : i32
      %dma_wait3A_233 = tpu.memref_slice %arg2[%add3A_79, %dma_wait3A_232] : memref<204800x128xf32, #tpu.memory_space<hbm>> -> memref<32x128xf32, #tpu.memory_space<hbm>>
      %dma_wait3A_234 = arith.constant 0 : i32
      %dma_wait3A_235 = arith.constant 0 : i32
      %dma_wait3A_236 = tpu.memref_slice %arg8[%dma_wait3A_227, %dma_wait3A_234, %dma_wait3A_235] : memref<2x32x128xf32, #tpu.memory_space<vmem>> -> memref<1x32x128xf32, #tpu.memory_space<vmem>>
      %dma_wait3A_237 = tpu.memref_squeeze %dma_wait3A_236 : memref<1x32x128xf32, #tpu.memory_space<vmem>> -> memref<32x128xf32, #tpu.memory_space<vmem>>
      %dma_wait3A_238 = arith.constant 0 : i32
      %dma_wait3A_239 = tpu.memref_slice %arg2[%add3A_79, %dma_wait3A_238] : memref<204800x128xf32, #tpu.memory_space<hbm>> -> memref<32x128xf32, #tpu.memory_space<hbm>>
      tpu.wait_dma2 semaphore(%arg11 : memref<!tpu.dma_semaphore, #tpu.memory_space<semaphore_mem>>) src(%dma_wait3A_239 : memref<32x128xf32, #tpu.memory_space<hbm>>) dst(%dma_wait3A_237 : memref<32x128xf32, #tpu.memory_space<vmem>>)
      %dma_wait3A_240 = arith.constant 0 : i32
      %dma_wait3A_241 = arith.constant 0 : i32
      %dma_wait3A_242 = arith.constant 0 : i32
      %dma_wait3A_243 = tpu.memref_slice %arg8[%dma_wait3A_240, %dma_wait3A_241, %dma_wait3A_242] : memref<2x32x128xf32, #tpu.memory_space<vmem>> -> memref<1x32x128xf32, #tpu.memory_space<vmem>>
      %dma_wait3A_244 = tpu.memref_squeeze %dma_wait3A_243 : memref<1x32x128xf32, #tpu.memory_space<vmem>> -> memref<32x128xf32, #tpu.memory_space<vmem>>
      %dma_wait3A_245 = arith.constant 0 : i32
      %dma_wait3A_246 = tpu.memref_slice %arg2[%add3A_79, %dma_wait3A_245] : memref<204800x128xf32, #tpu.memory_space<hbm>> -> memref<32x128xf32, #tpu.memory_space<hbm>>
      %dma_wait3A_247 = arith.constant 0 : i32
      %dma_wait3A_248 = arith.constant 0 : i32
      %dma_wait3A_249 = tpu.memref_slice %arg8[%dma_wait3A_240, %dma_wait3A_247, %dma_wait3A_248] : memref<2x32x128xf32, #tpu.memory_space<vmem>> -> memref<1x32x128xf32, #tpu.memory_space<vmem>>
      %dma_wait3A_250 = tpu.memref_squeeze %dma_wait3A_249 : memref<1x32x128xf32, #tpu.memory_space<vmem>> -> memref<32x128xf32, #tpu.memory_space<vmem>>
      %dma_wait3A_251 = arith.constant 0 : i32
      %dma_wait3A_252 = tpu.memref_slice %arg2[%add3A_79, %dma_wait3A_251] : memref<204800x128xf32, #tpu.memory_space<hbm>> -> memref<32x128xf32, #tpu.memory_space<hbm>>
      tpu.wait_dma2 semaphore(%arg12 : memref<!tpu.dma_semaphore, #tpu.memory_space<semaphore_mem>>) src(%dma_wait3A_252 : memref<32x128xf32, #tpu.memory_space<hbm>>) dst(%dma_wait3A_250 : memref<32x128xf32, #tpu.memory_space<vmem>>)
    }
    %scan3A_48 = arith.constant 8 : i32
    %barrier3A_49 = arith.constant 0 : index
    tpu.barrier barrier_id(%barrier3A_49)
    %scan3A_50 = arith.constant 0 : i32
    %scan3A_51 = arith.constant 0 : i32
    %scan3A_52 = arith.constant 100 : i32
    %scan3A_53 = arith.addi %scan3A_51, %scan3A_52 : i32
    %scan3A_54 = arith.constant 1 : i32
    scf.for %scan3A_76 = %scan3A_51 to %scan3A_53 step %scan3A_54  : i32 {
      %mul3A_77 = arith.constant 8 : i32
      %mul3A_78 = arith.muli %scan3A_76, %mul3A_77 : i32
      %add3A_79 = arith.addi %mul3A_0, %mul3A_78 : i32
      "tpu.region"() ({
        %run_scoped3A = tpu.sem_alloc : memref<!tpu.dma_semaphore, #tpu.memory_space<semaphore_mem>>
        %dma_start3A = arith.constant 0 : i32
        %dma_start3A_431 = tpu.memref_slice %arg13[%add3A_79, %dma_start3A] : memref<12808x128xf32, #tpu.memory_space<vmem_shared>> -> memref<8x128xf32, #tpu.memory_space<vmem_shared>>
        %dma_start3A_432 = arith.constant 0 : i32
        %dma_start3A_433 = tpu.memref_slice %arg13[%add3A_79, %dma_start3A_432] : memref<12808x128xf32, #tpu.memory_space<vmem_shared>> -> memref<8x128xf32, #tpu.memory_space<vmem_shared>>
        tpu.enqueue_dma source(%dma_start3A_433 : memref<8x128xf32, #tpu.memory_space<vmem_shared>>) target(%arg9 : memref<8x128xf32, #tpu.memory_space<vmem>>) target_semaphore(%run_scoped3A : memref<!tpu.dma_semaphore, #tpu.memory_space<semaphore_mem>>)
        %dma_wait3A = arith.constant 0 : i32
        %dma_wait3A_434 = tpu.memref_slice %arg13[%add3A_79, %dma_wait3A] : memref<12808x128xf32, #tpu.memory_space<vmem_shared>> -> memref<8x128xf32, #tpu.memory_space<vmem_shared>>
        %dma_wait3A_435 = arith.constant 0 : i32
        %dma_wait3A_436 = tpu.memref_slice %arg13[%add3A_79, %dma_wait3A_435] : memref<12808x128xf32, #tpu.memory_space<vmem_shared>> -> memref<8x128xf32, #tpu.memory_space<vmem_shared>>
        tpu.wait_dma2 semaphore(%run_scoped3A : memref<!tpu.dma_semaphore, #tpu.memory_space<semaphore_mem>>) src(%dma_wait3A_436 : memref<8x128xf32, #tpu.memory_space<vmem_shared>>) dst(%arg9 : memref<8x128xf32, #tpu.memory_space<vmem>>)
        tpu.yield
      }) : () -> ()
      %get3A = arith.constant 0 : i32
      %get3A_80 = arith.index_cast %get3A : i32 to index
      %get3A_81 = arith.constant 0 : index
      %get3A_82 = tpu.vector_load %arg9[%get3A_80, %get3A_81] {strides = array<i32>} : memref<8x128xf32, #tpu.memory_space<vmem>>, vector<1x16xf32>,
      %get3A_83 = vector.shape_cast %get3A_82 : vector<1x16xf32> to vector<16xf32>
      %swap3A = arith.constant 0 : i32
      %swap3A_84 = arith.index_cast %swap3A : i32 to index
      %swap3A_85 = arith.constant 0 : index
      %swap3A_86 = tpu.vector_load %arg10[%swap3A_84, %swap3A_85] {strides = array<i32>} : memref<8x64xf32, #tpu.memory_space<vmem>>, vector<1x16xf32>,
      %swap3A_87 = vector.shape_cast %swap3A_86 : vector<1x16xf32> to vector<16xf32>
      %swap3A_88 = vector.shape_cast %get3A_83 : vector<16xf32> to vector<1x16xf32>
      tpu.vector_store %arg10[%swap3A_84, %swap3A_85], %swap3A_88 {strides = array<i32>} : memref<8x64xf32, #tpu.memory_space<vmem>>, vector<1x16xf32>,
      %get3A_89 = arith.constant 0 : i32
      %get3A_90 = arith.index_cast %get3A_89 : i32 to index
      %get3A_91 = arith.constant 16 : index
      %get3A_92 = tpu.vector_load %arg9[%get3A_90, %get3A_91] {strides = array<i32>} : memref<8x128xf32, #tpu.memory_space<vmem>>, vector<1x16xf32>,
      %get3A_93 = vector.shape_cast %get3A_92 : vector<1x16xf32> to vector<16xf32>
      %swap3A_94 = arith.constant 0 : i32
      %swap3A_95 = arith.index_cast %swap3A_94 : i32 to index
      %swap3A_96 = arith.constant 16 : index
      %swap3A_97 = tpu.vector_load %arg10[%swap3A_95, %swap3A_96] {strides = array<i32>} : memref<8x64xf32, #tpu.memory_space<vmem>>, vector<1x16xf32>,
      %swap3A_98 = vector.shape_cast %swap3A_97 : vector<1x16xf32> to vector<16xf32>
      %swap3A_99 = vector.shape_cast %get3A_93 : vector<16xf32> to vector<1x16xf32>
      tpu.vector_store %arg10[%swap3A_95, %swap3A_96], %swap3A_99 {strides = array<i32>} : memref<8x64xf32, #tpu.memory_space<vmem>>, vector<1x16xf32>,
      %get3A_100 = arith.constant 0 : i32
      %get3A_101 = arith.index_cast %get3A_100 : i32 to index
      %get3A_102 = arith.constant 32 : index
      %get3A_103 = tpu.vector_load %arg9[%get3A_101, %get3A_102] {strides = array<i32>} : memref<8x128xf32, #tpu.memory_space<vmem>>, vector<1x16xf32>,
      %get3A_104 = vector.shape_cast %get3A_103 : vector<1x16xf32> to vector<16xf32>
      %swap3A_105 = arith.constant 0 : i32
      %swap3A_106 = arith.index_cast %swap3A_105 : i32 to index
      %swap3A_107 = arith.constant 32 : index
      %swap3A_108 = tpu.vector_load %arg10[%swap3A_106, %swap3A_107] {strides = array<i32>} : memref<8x64xf32, #tpu.memory_space<vmem>>, vector<1x16xf32>,
      %swap3A_109 = vector.shape_cast %swap3A_108 : vector<1x16xf32> to vector<16xf32>
      %swap3A_110 = vector.shape_cast %get3A_104 : vector<16xf32> to vector<1x16xf32>
      tpu.vector_store %arg10[%swap3A_106, %swap3A_107], %swap3A_110 {strides = array<i32>} : memref<8x64xf32, #tpu.memory_space<vmem>>, vector<1x16xf32>,
      %get3A_111 = arith.constant 0 : i32
      %get3A_112 = arith.index_cast %get3A_111 : i32 to index
      %get3A_113 = arith.constant 48 : index
      %get3A_114 = tpu.vector_load %arg9[%get3A_112, %get3A_113] {strides = array<i32>} : memref<8x128xf32, #tpu.memory_space<vmem>>, vector<1x16xf32>,
      %get3A_115 = vector.shape_cast %get3A_114 : vector<1x16xf32> to vector<16xf32>
      %swap3A_116 = arith.constant 0 : i32
      %swap3A_117 = arith.index_cast %swap3A_116 : i32 to index
      %swap3A_118 = arith.constant 48 : index
      %swap3A_119 = tpu.vector_load %arg10[%swap3A_117, %swap3A_118] {strides = array<i32>} : memref<8x64xf32, #tpu.memory_space<vmem>>, vector<1x16xf32>,
      %swap3A_120 = vector.shape_cast %swap3A_119 : vector<1x16xf32> to vector<16xf32>
      %swap3A_121 = vector.shape_cast %get3A_115 : vector<16xf32> to vector<1x16xf32>
      tpu.vector_store %arg10[%swap3A_117, %swap3A_118], %swap3A_121 {strides = array<i32>} : memref<8x64xf32, #tpu.memory_space<vmem>>, vector<1x16xf32>,
      %get3A_122 = arith.constant 1 : i32
      %get3A_123 = arith.index_cast %get3A_122 : i32 to index
      %get3A_124 = arith.constant 0 : index
      %get3A_125 = tpu.vector_load %arg9[%get3A_123, %get3A_124] {strides = array<i32>} : memref<8x128xf32, #tpu.memory_space<vmem>>, vector<1x16xf32>,
      %get3A_126 = vector.shape_cast %get3A_125 : vector<1x16xf32> to vector<16xf32>
      %swap3A_127 = arith.constant 1 : i32
      %swap3A_128 = arith.index_cast %swap3A_127 : i32 to index
      %swap3A_129 = arith.constant 0 : index
      %swap3A_130 = tpu.vector_load %arg10[%swap3A_128, %swap3A_129] {strides = array<i32>} : memref<8x64xf32, #tpu.memory_space<vmem>>, vector<1x16xf32>,
      %swap3A_131 = vector.shape_cast %swap3A_130 : vector<1x16xf32> to vector<16xf32>
      %swap3A_132 = vector.shape_cast %get3A_126 : vector<16xf32> to vector<1x16xf32>
      tpu.vector_store %arg10[%swap3A_128, %swap3A_129], %swap3A_132 {strides = array<i32>} : memref<8x64xf32, #tpu.memory_space<vmem>>, vector<1x16xf32>,
      %get3A_133 = arith.constant 1 : i32
      %get3A_134 = arith.index_cast %get3A_133 : i32 to index
      %get3A_135 = arith.constant 16 : index
      %get3A_136 = tpu.vector_load %arg9[%get3A_134, %get3A_135] {strides = array<i32>} : memref<8x128xf32, #tpu.memory_space<vmem>>, vector<1x16xf32>,
      %get3A_137 = vector.shape_cast %get3A_136 : vector<1x16xf32> to vector<16xf32>
      %swap3A_138 = arith.constant 1 : i32
      %swap3A_139 = arith.index_cast %swap3A_138 : i32 to index
      %swap3A_140 = arith.constant 16 : index
      %swap3A_141 = tpu.vector_load %arg10[%swap3A_139, %swap3A_140] {strides = array<i32>} : memref<8x64xf32, #tpu.memory_space<vmem>>, vector<1x16xf32>,
      %swap3A_142 = vector.shape_cast %swap3A_141 : vector<1x16xf32> to vector<16xf32>
      %swap3A_143 = vector.shape_cast %get3A_137 : vector<16xf32> to vector<1x16xf32>
      tpu.vector_store %arg10[%swap3A_139, %swap3A_140], %swap3A_143 {strides = array<i32>} : memref<8x64xf32, #tpu.memory_space<vmem>>, vector<1x16xf32>,
      %get3A_144 = arith.constant 1 : i32
      %get3A_145 = arith.index_cast %get3A_144 : i32 to index
      %get3A_146 = arith.constant 32 : index
      %get3A_147 = tpu.vector_load %arg9[%get3A_145, %get3A_146] {strides = array<i32>} : memref<8x128xf32, #tpu.memory_space<vmem>>, vector<1x16xf32>,
      %get3A_148 = vector.shape_cast %get3A_147 : vector<1x16xf32> to vector<16xf32>
      %swap3A_149 = arith.constant 1 : i32
      %swap3A_150 = arith.index_cast %swap3A_149 : i32 to index
      %swap3A_151 = arith.constant 32 : index
      %swap3A_152 = tpu.vector_load %arg10[%swap3A_150, %swap3A_151] {strides = array<i32>} : memref<8x64xf32, #tpu.memory_space<vmem>>, vector<1x16xf32>,
      %swap3A_153 = vector.shape_cast %swap3A_152 : vector<1x16xf32> to vector<16xf32>
      %swap3A_154 = vector.shape_cast %get3A_148 : vector<16xf32> to vector<1x16xf32>
      tpu.vector_store %arg10[%swap3A_150, %swap3A_151], %swap3A_154 {strides = array<i32>} : memref<8x64xf32, #tpu.memory_space<vmem>>, vector<1x16xf32>,
      %get3A_155 = arith.constant 1 : i32
      %get3A_156 = arith.index_cast %get3A_155 : i32 to index
      %get3A_157 = arith.constant 48 : index
      %get3A_158 = tpu.vector_load %arg9[%get3A_156, %get3A_157] {strides = array<i32>} : memref<8x128xf32, #tpu.memory_space<vmem>>, vector<1x16xf32>,
      %get3A_159 = vector.shape_cast %get3A_158 : vector<1x16xf32> to vector<16xf32>
      %swap3A_160 = arith.constant 1 : i32
      %swap3A_161 = arith.index_cast %swap3A_160 : i32 to index
      %swap3A_162 = arith.constant 48 : index
      %swap3A_163 = tpu.vector_load %arg10[%swap3A_161, %swap3A_162] {strides = array<i32>} : memref<8x64xf32, #tpu.memory_space<vmem>>, vector<1x16xf32>,
      %swap3A_164 = vector.shape_cast %swap3A_163 : vector<1x16xf32> to vector<16xf32>
      %swap3A_165 = vector.shape_cast %get3A_159 : vector<16xf32> to vector<1x16xf32>
      tpu.vector_store %arg10[%swap3A_161, %swap3A_162], %swap3A_165 {strides = array<i32>} : memref<8x64xf32, #tpu.memory_space<vmem>>, vector<1x16xf32>,
      %get3A_166 = arith.constant 2 : i32
      %get3A_167 = arith.index_cast %get3A_166 : i32 to index
      %get3A_168 = arith.constant 0 : index
      %get3A_169 = tpu.vector_load %arg9[%get3A_167, %get3A_168] {strides = array<i32>} : memref<8x128xf32, #tpu.memory_space<vmem>>, vector<1x16xf32>,
      %get3A_170 = vector.shape_cast %get3A_169 : vector<1x16xf32> to vector<16xf32>
      %swap3A_171 = arith.constant 2 : i32
      %swap3A_172 = arith.index_cast %swap3A_171 : i32 to index
      %swap3A_173 = arith.constant 0 : index
      %swap3A_174 = tpu.vector_load %arg10[%swap3A_172, %swap3A_173] {strides = array<i32>} : memref<8x64xf32, #tpu.memory_space<vmem>>, vector<1x16xf32>,
      %swap3A_175 = vector.shape_cast %swap3A_174 : vector<1x16xf32> to vector<16xf32>
      %swap3A_176 = vector.shape_cast %get3A_170 : vector<16xf32> to vector<1x16xf32>
      tpu.vector_store %arg10[%swap3A_172, %swap3A_173], %swap3A_176 {strides = array<i32>} : memref<8x64xf32, #tpu.memory_space<vmem>>, vector<1x16xf32>,
      %get3A_177 = arith.constant 2 : i32
      %get3A_178 = arith.index_cast %get3A_177 : i32 to index
      %get3A_179 = arith.constant 16 : index
      %get3A_180 = tpu.vector_load %arg9[%get3A_178, %get3A_179] {strides = array<i32>} : memref<8x128xf32, #tpu.memory_space<vmem>>, vector<1x16xf32>,
      %get3A_181 = vector.shape_cast %get3A_180 : vector<1x16xf32> to vector<16xf32>
      %swap3A_182 = arith.constant 2 : i32
      %swap3A_183 = arith.index_cast %swap3A_182 : i32 to index
      %swap3A_184 = arith.constant 16 : index
      %swap3A_185 = tpu.vector_load %arg10[%swap3A_183, %swap3A_184] {strides = array<i32>} : memref<8x64xf32, #tpu.memory_space<vmem>>, vector<1x16xf32>,
      %swap3A_186 = vector.shape_cast %swap3A_185 : vector<1x16xf32> to vector<16xf32>
      %swap3A_187 = vector.shape_cast %get3A_181 : vector<16xf32> to vector<1x16xf32>
      tpu.vector_store %arg10[%swap3A_183, %swap3A_184], %swap3A_187 {strides = array<i32>} : memref<8x64xf32, #tpu.memory_space<vmem>>, vector<1x16xf32>,
      %get3A_188 = arith.constant 2 : i32
      %get3A_189 = arith.index_cast %get3A_188 : i32 to index
      %get3A_190 = arith.constant 32 : index
      %get3A_191 = tpu.vector_load %arg9[%get3A_189, %get3A_190] {strides = array<i32>} : memref<8x128xf32, #tpu.memory_space<vmem>>, vector<1x16xf32>,
      %get3A_192 = vector.shape_cast %get3A_191 : vector<1x16xf32> to vector<16xf32>
      %swap3A_193 = arith.constant 2 : i32
      %swap3A_194 = arith.index_cast %swap3A_193 : i32 to index
      %swap3A_195 = arith.constant 32 : index
      %swap3A_196 = tpu.vector_load %arg10[%swap3A_194, %swap3A_195] {strides = array<i32>} : memref<8x64xf32, #tpu.memory_space<vmem>>, vector<1x16xf32>,
      %swap3A_197 = vector.shape_cast %swap3A_196 : vector<1x16xf32> to vector<16xf32>
      %swap3A_198 = vector.shape_cast %get3A_192 : vector<16xf32> to vector<1x16xf32>
      tpu.vector_store %arg10[%swap3A_194, %swap3A_195], %swap3A_198 {strides = array<i32>} : memref<8x64xf32, #tpu.memory_space<vmem>>, vector<1x16xf32>,
      %get3A_199 = arith.constant 2 : i32
      %get3A_200 = arith.index_cast %get3A_199 : i32 to index
      %get3A_201 = arith.constant 48 : index
      %get3A_202 = tpu.vector_load %arg9[%get3A_200, %get3A_201] {strides = array<i32>} : memref<8x128xf32, #tpu.memory_space<vmem>>, vector<1x16xf32>,
      %get3A_203 = vector.shape_cast %get3A_202 : vector<1x16xf32> to vector<16xf32>
      %swap3A_204 = arith.constant 2 : i32
      %swap3A_205 = arith.index_cast %swap3A_204 : i32 to index
      %swap3A_206 = arith.constant 48 : index
      %swap3A_207 = tpu.vector_load %arg10[%swap3A_205, %swap3A_206] {strides = array<i32>} : memref<8x64xf32, #tpu.memory_space<vmem>>, vector<1x16xf32>,
      %swap3A_208 = vector.shape_cast %swap3A_207 : vector<1x16xf32> to vector<16xf32>
      %swap3A_209 = vector.shape_cast %get3A_203 : vector<16xf32> to vector<1x16xf32>
      tpu.vector_store %arg10[%swap3A_205, %swap3A_206], %swap3A_209 {strides = array<i32>} : memref<8x64xf32, #tpu.memory_space<vmem>>, vector<1x16xf32>,
      %get3A_210 = arith.constant 3 : i32
      %get3A_211 = arith.index_cast %get3A_210 : i32 to index
      %get3A_212 = arith.constant 0 : index
      %get3A_213 = tpu.vector_load %arg9[%get3A_211, %get3A_212] {strides = array<i32>} : memref<8x128xf32, #tpu.memory_space<vmem>>, vector<1x16xf32>,
      %get3A_214 = vector.shape_cast %get3A_213 : vector<1x16xf32> to vector<16xf32>
      %swap3A_215 = arith.constant 3 : i32
      %swap3A_216 = arith.index_cast %swap3A_215 : i32 to index
      %swap3A_217 = arith.constant 0 : index
      %swap3A_218 = tpu.vector_load %arg10[%swap3A_216, %swap3A_217] {strides = array<i32>} : memref<8x64xf32, #tpu.memory_space<vmem>>, vector<1x16xf32>,
      %swap3A_219 = vector.shape_cast %swap3A_218 : vector<1x16xf32> to vector<16xf32>
      %swap3A_220 = vector.shape_cast %get3A_214 : vector<16xf32> to vector<1x16xf32>
      tpu.vector_store %arg10[%swap3A_216, %swap3A_217], %swap3A_220 {strides = array<i32>} : memref<8x64xf32, #tpu.memory_space<vmem>>, vector<1x16xf32>,
      %get3A_221 = arith.constant 3 : i32
      %get3A_222 = arith.index_cast %get3A_221 : i32 to index
      %get3A_223 = arith.constant 16 : index
      %get3A_224 = tpu.vector_load %arg9[%get3A_222, %get3A_223] {strides = array<i32>} : memref<8x128xf32, #tpu.memory_space<vmem>>, vector<1x16xf32>,
      %get3A_225 = vector.shape_cast %get3A_224 : vector<1x16xf32> to vector<16xf32>
      %swap3A_226 = arith.constant 3 : i32
      %swap3A_227 = arith.index_cast %swap3A_226 : i32 to index
      %swap3A_228 = arith.constant 16 : index
      %swap3A_229 = tpu.vector_load %arg10[%swap3A_227, %swap3A_228] {strides = array<i32>} : memref<8x64xf32, #tpu.memory_space<vmem>>, vector<1x16xf32>,
      %swap3A_230 = vector.shape_cast %swap3A_229 : vector<1x16xf32> to vector<16xf32>
      %swap3A_231 = vector.shape_cast %get3A_225 : vector<16xf32> to vector<1x16xf32>
      tpu.vector_store %arg10[%swap3A_227, %swap3A_228], %swap3A_231 {strides = array<i32>} : memref<8x64xf32, #tpu.memory_space<vmem>>, vector<1x16xf32>,
      %get3A_232 = arith.constant 3 : i32
      %get3A_233 = arith.index_cast %get3A_232 : i32 to index
      %get3A_234 = arith.constant 32 : index
      %get3A_235 = tpu.vector_load %arg9[%get3A_233, %get3A_234] {strides = array<i32>} : memref<8x128xf32, #tpu.memory_space<vmem>>, vector<1x16xf32>,
      %get3A_236 = vector.shape_cast %get3A_235 : vector<1x16xf32> to vector<16xf32>
      %swap3A_237 = arith.constant 3 : i32
      %swap3A_238 = arith.index_cast %swap3A_237 : i32 to index
      %swap3A_239 = arith.constant 32 : index
      %swap3A_240 = tpu.vector_load %arg10[%swap3A_238, %swap3A_239] {strides = array<i32>} : memref<8x64xf32, #tpu.memory_space<vmem>>, vector<1x16xf32>,
      %swap3A_241 = vector.shape_cast %swap3A_240 : vector<1x16xf32> to vector<16xf32>
      %swap3A_242 = vector.shape_cast %get3A_236 : vector<16xf32> to vector<1x16xf32>
      tpu.vector_store %arg10[%swap3A_238, %swap3A_239], %swap3A_242 {strides = array<i32>} : memref<8x64xf32, #tpu.memory_space<vmem>>, vector<1x16xf32>,
      %get3A_243 = arith.constant 3 : i32
      %get3A_244 = arith.index_cast %get3A_243 : i32 to index
      %get3A_245 = arith.constant 48 : index
      %get3A_246 = tpu.vector_load %arg9[%get3A_244, %get3A_245] {strides = array<i32>} : memref<8x128xf32, #tpu.memory_space<vmem>>, vector<1x16xf32>,
      %get3A_247 = vector.shape_cast %get3A_246 : vector<1x16xf32> to vector<16xf32>
      %swap3A_248 = arith.constant 3 : i32
      %swap3A_249 = arith.index_cast %swap3A_248 : i32 to index
      %swap3A_250 = arith.constant 48 : index
      %swap3A_251 = tpu.vector_load %arg10[%swap3A_249, %swap3A_250] {strides = array<i32>} : memref<8x64xf32, #tpu.memory_space<vmem>>, vector<1x16xf32>,
      %swap3A_252 = vector.shape_cast %swap3A_251 : vector<1x16xf32> to vector<16xf32>
      %swap3A_253 = vector.shape_cast %get3A_247 : vector<16xf32> to vector<1x16xf32>
      tpu.vector_store %arg10[%swap3A_249, %swap3A_250], %swap3A_253 {strides = array<i32>} : memref<8x64xf32, #tpu.memory_space<vmem>>, vector<1x16xf32>,
      %get3A_254 = arith.constant 4 : i32
      %get3A_255 = arith.index_cast %get3A_254 : i32 to index
      %get3A_256 = arith.constant 0 : index
      %get3A_257 = tpu.vector_load %arg9[%get3A_255, %get3A_256] {strides = array<i32>} : memref<8x128xf32, #tpu.memory_space<vmem>>, vector<1x16xf32>,
      %get3A_258 = vector.shape_cast %get3A_257 : vector<1x16xf32> to vector<16xf32>
      %swap3A_259 = arith.constant 4 : i32
      %swap3A_260 = arith.index_cast %swap3A_259 : i32 to index
      %swap3A_261 = arith.constant 0 : index
      %swap3A_262 = tpu.vector_load %arg10[%swap3A_260, %swap3A_261] {strides = array<i32>} : memref<8x64xf32, #tpu.memory_space<vmem>>, vector<1x16xf32>,
      %swap3A_263 = vector.shape_cast %swap3A_262 : vector<1x16xf32> to vector<16xf32>
      %swap3A_264 = vector.shape_cast %get3A_258 : vector<16xf32> to vector<1x16xf32>
      tpu.vector_store %arg10[%swap3A_260, %swap3A_261], %swap3A_264 {strides = array<i32>} : memref<8x64xf32, #tpu.memory_space<vmem>>, vector<1x16xf32>,
      %get3A_265 = arith.constant 4 : i32
      %get3A_266 = arith.index_cast %get3A_265 : i32 to index
      %get3A_267 = arith.constant 16 : index
      %get3A_268 = tpu.vector_load %arg9[%get3A_266, %get3A_267] {strides = array<i32>} : memref<8x128xf32, #tpu.memory_space<vmem>>, vector<1x16xf32>,
      %get3A_269 = vector.shape_cast %get3A_268 : vector<1x16xf32> to vector<16xf32>
      %swap3A_270 = arith.constant 4 : i32
      %swap3A_271 = arith.index_cast %swap3A_270 : i32 to index
      %swap3A_272 = arith.constant 16 : index
      %swap3A_273 = tpu.vector_load %arg10[%swap3A_271, %swap3A_272] {strides = array<i32>} : memref<8x64xf32, #tpu.memory_space<vmem>>, vector<1x16xf32>,
      %swap3A_274 = vector.shape_cast %swap3A_273 : vector<1x16xf32> to vector<16xf32>
      %swap3A_275 = vector.shape_cast %get3A_269 : vector<16xf32> to vector<1x16xf32>
      tpu.vector_store %arg10[%swap3A_271, %swap3A_272], %swap3A_275 {strides = array<i32>} : memref<8x64xf32, #tpu.memory_space<vmem>>, vector<1x16xf32>,
      %get3A_276 = arith.constant 4 : i32
      %get3A_277 = arith.index_cast %get3A_276 : i32 to index
      %get3A_278 = arith.constant 32 : index
      %get3A_279 = tpu.vector_load %arg9[%get3A_277, %get3A_278] {strides = array<i32>} : memref<8x128xf32, #tpu.memory_space<vmem>>, vector<1x16xf32>,
      %get3A_280 = vector.shape_cast %get3A_279 : vector<1x16xf32> to vector<16xf32>
      %swap3A_281 = arith.constant 4 : i32
      %swap3A_282 = arith.index_cast %swap3A_281 : i32 to index
      %swap3A_283 = arith.constant 32 : index
      %swap3A_284 = tpu.vector_load %arg10[%swap3A_282, %swap3A_283] {strides = array<i32>} : memref<8x64xf32, #tpu.memory_space<vmem>>, vector<1x16xf32>,
      %swap3A_285 = vector.shape_cast %swap3A_284 : vector<1x16xf32> to vector<16xf32>
      %swap3A_286 = vector.shape_cast %get3A_280 : vector<16xf32> to vector<1x16xf32>
      tpu.vector_store %arg10[%swap3A_282, %swap3A_283], %swap3A_286 {strides = array<i32>} : memref<8x64xf32, #tpu.memory_space<vmem>>, vector<1x16xf32>,
      %get3A_287 = arith.constant 4 : i32
      %get3A_288 = arith.index_cast %get3A_287 : i32 to index
      %get3A_289 = arith.constant 48 : index
      %get3A_290 = tpu.vector_load %arg9[%get3A_288, %get3A_289] {strides = array<i32>} : memref<8x128xf32, #tpu.memory_space<vmem>>, vector<1x16xf32>,
      %get3A_291 = vector.shape_cast %get3A_290 : vector<1x16xf32> to vector<16xf32>
      %swap3A_292 = arith.constant 4 : i32
      %swap3A_293 = arith.index_cast %swap3A_292 : i32 to index
      %swap3A_294 = arith.constant 48 : index
      %swap3A_295 = tpu.vector_load %arg10[%swap3A_293, %swap3A_294] {strides = array<i32>} : memref<8x64xf32, #tpu.memory_space<vmem>>, vector<1x16xf32>,
      %swap3A_296 = vector.shape_cast %swap3A_295 : vector<1x16xf32> to vector<16xf32>
      %swap3A_297 = vector.shape_cast %get3A_291 : vector<16xf32> to vector<1x16xf32>
      tpu.vector_store %arg10[%swap3A_293, %swap3A_294], %swap3A_297 {strides = array<i32>} : memref<8x64xf32, #tpu.memory_space<vmem>>, vector<1x16xf32>,
      %get3A_298 = arith.constant 5 : i32
      %get3A_299 = arith.index_cast %get3A_298 : i32 to index
      %get3A_300 = arith.constant 0 : index
      %get3A_301 = tpu.vector_load %arg9[%get3A_299, %get3A_300] {strides = array<i32>} : memref<8x128xf32, #tpu.memory_space<vmem>>, vector<1x16xf32>,
      %get3A_302 = vector.shape_cast %get3A_301 : vector<1x16xf32> to vector<16xf32>
      %swap3A_303 = arith.constant 5 : i32
      %swap3A_304 = arith.index_cast %swap3A_303 : i32 to index
      %swap3A_305 = arith.constant 0 : index
      %swap3A_306 = tpu.vector_load %arg10[%swap3A_304, %swap3A_305] {strides = array<i32>} : memref<8x64xf32, #tpu.memory_space<vmem>>, vector<1x16xf32>,
      %swap3A_307 = vector.shape_cast %swap3A_306 : vector<1x16xf32> to vector<16xf32>
      %swap3A_308 = vector.shape_cast %get3A_302 : vector<16xf32> to vector<1x16xf32>
      tpu.vector_store %arg10[%swap3A_304, %swap3A_305], %swap3A_308 {strides = array<i32>} : memref<8x64xf32, #tpu.memory_space<vmem>>, vector<1x16xf32>,
      %get3A_309 = arith.constant 5 : i32
      %get3A_310 = arith.index_cast %get3A_309 : i32 to index
      %get3A_311 = arith.constant 16 : index
      %get3A_312 = tpu.vector_load %arg9[%get3A_310, %get3A_311] {strides = array<i32>} : memref<8x128xf32, #tpu.memory_space<vmem>>, vector<1x16xf32>,
      %get3A_313 = vector.shape_cast %get3A_312 : vector<1x16xf32> to vector<16xf32>
      %swap3A_314 = arith.constant 5 : i32
      %swap3A_315 = arith.index_cast %swap3A_314 : i32 to index
      %swap3A_316 = arith.constant 16 : index
      %swap3A_317 = tpu.vector_load %arg10[%swap3A_315, %swap3A_316] {strides = array<i32>} : memref<8x64xf32, #tpu.memory_space<vmem>>, vector<1x16xf32>,
      %swap3A_318 = vector.shape_cast %swap3A_317 : vector<1x16xf32> to vector<16xf32>
      %swap3A_319 = vector.shape_cast %get3A_313 : vector<16xf32> to vector<1x16xf32>
      tpu.vector_store %arg10[%swap3A_315, %swap3A_316], %swap3A_319 {strides = array<i32>} : memref<8x64xf32, #tpu.memory_space<vmem>>, vector<1x16xf32>,
      %get3A_320 = arith.constant 5 : i32
      %get3A_321 = arith.index_cast %get3A_320 : i32 to index
      %get3A_322 = arith.constant 32 : index
      %get3A_323 = tpu.vector_load %arg9[%get3A_321, %get3A_322] {strides = array<i32>} : memref<8x128xf32, #tpu.memory_space<vmem>>, vector<1x16xf32>,
      %get3A_324 = vector.shape_cast %get3A_323 : vector<1x16xf32> to vector<16xf32>
      %swap3A_325 = arith.constant 5 : i32
      %swap3A_326 = arith.index_cast %swap3A_325 : i32 to index
      %swap3A_327 = arith.constant 32 : index
      %swap3A_328 = tpu.vector_load %arg10[%swap3A_326, %swap3A_327] {strides = array<i32>} : memref<8x64xf32, #tpu.memory_space<vmem>>, vector<1x16xf32>,
      %swap3A_329 = vector.shape_cast %swap3A_328 : vector<1x16xf32> to vector<16xf32>
      %swap3A_330 = vector.shape_cast %get3A_324 : vector<16xf32> to vector<1x16xf32>
      tpu.vector_store %arg10[%swap3A_326, %swap3A_327], %swap3A_330 {strides = array<i32>} : memref<8x64xf32, #tpu.memory_space<vmem>>, vector<1x16xf32>,
      %get3A_331 = arith.constant 5 : i32
      %get3A_332 = arith.index_cast %get3A_331 : i32 to index
      %get3A_333 = arith.constant 48 : index
      %get3A_334 = tpu.vector_load %arg9[%get3A_332, %get3A_333] {strides = array<i32>} : memref<8x128xf32, #tpu.memory_space<vmem>>, vector<1x16xf32>,
      %get3A_335 = vector.shape_cast %get3A_334 : vector<1x16xf32> to vector<16xf32>
      %swap3A_336 = arith.constant 5 : i32
      %swap3A_337 = arith.index_cast %swap3A_336 : i32 to index
      %swap3A_338 = arith.constant 48 : index
      %swap3A_339 = tpu.vector_load %arg10[%swap3A_337, %swap3A_338] {strides = array<i32>} : memref<8x64xf32, #tpu.memory_space<vmem>>, vector<1x16xf32>,
      %swap3A_340 = vector.shape_cast %swap3A_339 : vector<1x16xf32> to vector<16xf32>
      %swap3A_341 = vector.shape_cast %get3A_335 : vector<16xf32> to vector<1x16xf32>
      tpu.vector_store %arg10[%swap3A_337, %swap3A_338], %swap3A_341 {strides = array<i32>} : memref<8x64xf32, #tpu.memory_space<vmem>>, vector<1x16xf32>,
      %get3A_342 = arith.constant 6 : i32
      %get3A_343 = arith.index_cast %get3A_342 : i32 to index
      %get3A_344 = arith.constant 0 : index
      %get3A_345 = tpu.vector_load %arg9[%get3A_343, %get3A_344] {strides = array<i32>} : memref<8x128xf32, #tpu.memory_space<vmem>>, vector<1x16xf32>,
      %get3A_346 = vector.shape_cast %get3A_345 : vector<1x16xf32> to vector<16xf32>
      %swap3A_347 = arith.constant 6 : i32
      %swap3A_348 = arith.index_cast %swap3A_347 : i32 to index
      %swap3A_349 = arith.constant 0 : index
      %swap3A_350 = tpu.vector_load %arg10[%swap3A_348, %swap3A_349] {strides = array<i32>} : memref<8x64xf32, #tpu.memory_space<vmem>>, vector<1x16xf32>,
      %swap3A_351 = vector.shape_cast %swap3A_350 : vector<1x16xf32> to vector<16xf32>
      %swap3A_352 = vector.shape_cast %get3A_346 : vector<16xf32> to vector<1x16xf32>
      tpu.vector_store %arg10[%swap3A_348, %swap3A_349], %swap3A_352 {strides = array<i32>} : memref<8x64xf32, #tpu.memory_space<vmem>>, vector<1x16xf32>,
      %get3A_353 = arith.constant 6 : i32
      %get3A_354 = arith.index_cast %get3A_353 : i32 to index
      %get3A_355 = arith.constant 16 : index
      %get3A_356 = tpu.vector_load %arg9[%get3A_354, %get3A_355] {strides = array<i32>} : memref<8x128xf32, #tpu.memory_space<vmem>>, vector<1x16xf32>,
      %get3A_357 = vector.shape_cast %get3A_356 : vector<1x16xf32> to vector<16xf32>
      %swap3A_358 = arith.constant 6 : i32
      %swap3A_359 = arith.index_cast %swap3A_358 : i32 to index
      %swap3A_360 = arith.constant 16 : index
      %swap3A_361 = tpu.vector_load %arg10[%swap3A_359, %swap3A_360] {strides = array<i32>} : memref<8x64xf32, #tpu.memory_space<vmem>>, vector<1x16xf32>,
      %swap3A_362 = vector.shape_cast %swap3A_361 : vector<1x16xf32> to vector<16xf32>
      %swap3A_363 = vector.shape_cast %get3A_357 : vector<16xf32> to vector<1x16xf32>
      tpu.vector_store %arg10[%swap3A_359, %swap3A_360], %swap3A_363 {strides = array<i32>} : memref<8x64xf32, #tpu.memory_space<vmem>>, vector<1x16xf32>,
      %get3A_364 = arith.constant 6 : i32
      %get3A_365 = arith.index_cast %get3A_364 : i32 to index
      %get3A_366 = arith.constant 32 : index
      %get3A_367 = tpu.vector_load %arg9[%get3A_365, %get3A_366] {strides = array<i32>} : memref<8x128xf32, #tpu.memory_space<vmem>>, vector<1x16xf32>,
      %get3A_368 = vector.shape_cast %get3A_367 : vector<1x16xf32> to vector<16xf32>
      %swap3A_369 = arith.constant 6 : i32
      %swap3A_370 = arith.index_cast %swap3A_369 : i32 to index
      %swap3A_371 = arith.constant 32 : index
      %swap3A_372 = tpu.vector_load %arg10[%swap3A_370, %swap3A_371] {strides = array<i32>} : memref<8x64xf32, #tpu.memory_space<vmem>>, vector<1x16xf32>,
      %swap3A_373 = vector.shape_cast %swap3A_372 : vector<1x16xf32> to vector<16xf32>
      %swap3A_374 = vector.shape_cast %get3A_368 : vector<16xf32> to vector<1x16xf32>
      tpu.vector_store %arg10[%swap3A_370, %swap3A_371], %swap3A_374 {strides = array<i32>} : memref<8x64xf32, #tpu.memory_space<vmem>>, vector<1x16xf32>,
      %get3A_375 = arith.constant 6 : i32
      %get3A_376 = arith.index_cast %get3A_375 : i32 to index
      %get3A_377 = arith.constant 48 : index
      %get3A_378 = tpu.vector_load %arg9[%get3A_376, %get3A_377] {strides = array<i32>} : memref<8x128xf32, #tpu.memory_space<vmem>>, vector<1x16xf32>,
      %get3A_379 = vector.shape_cast %get3A_378 : vector<1x16xf32> to vector<16xf32>
      %swap3A_380 = arith.constant 6 : i32
      %swap3A_381 = arith.index_cast %swap3A_380 : i32 to index
      %swap3A_382 = arith.constant 48 : index
      %swap3A_383 = tpu.vector_load %arg10[%swap3A_381, %swap3A_382] {strides = array<i32>} : memref<8x64xf32, #tpu.memory_space<vmem>>, vector<1x16xf32>,
      %swap3A_384 = vector.shape_cast %swap3A_383 : vector<1x16xf32> to vector<16xf32>
      %swap3A_385 = vector.shape_cast %get3A_379 : vector<16xf32> to vector<1x16xf32>
      tpu.vector_store %arg10[%swap3A_381, %swap3A_382], %swap3A_385 {strides = array<i32>} : memref<8x64xf32, #tpu.memory_space<vmem>>, vector<1x16xf32>,
      %get3A_386 = arith.constant 7 : i32
      %get3A_387 = arith.index_cast %get3A_386 : i32 to index
      %get3A_388 = arith.constant 0 : index
      %get3A_389 = tpu.vector_load %arg9[%get3A_387, %get3A_388] {strides = array<i32>} : memref<8x128xf32, #tpu.memory_space<vmem>>, vector<1x16xf32>,
      %get3A_390 = vector.shape_cast %get3A_389 : vector<1x16xf32> to vector<16xf32>
      %swap3A_391 = arith.constant 7 : i32
      %swap3A_392 = arith.index_cast %swap3A_391 : i32 to index
      %swap3A_393 = arith.constant 0 : index
      %swap3A_394 = tpu.vector_load %arg10[%swap3A_392, %swap3A_393] {strides = array<i32>} : memref<8x64xf32, #tpu.memory_space<vmem>>, vector<1x16xf32>,
      %swap3A_395 = vector.shape_cast %swap3A_394 : vector<1x16xf32> to vector<16xf32>
      %swap3A_396 = vector.shape_cast %get3A_390 : vector<16xf32> to vector<1x16xf32>
      tpu.vector_store %arg10[%swap3A_392, %swap3A_393], %swap3A_396 {strides = array<i32>} : memref<8x64xf32, #tpu.memory_space<vmem>>, vector<1x16xf32>,
      %get3A_397 = arith.constant 7 : i32
      %get3A_398 = arith.index_cast %get3A_397 : i32 to index
      %get3A_399 = arith.constant 16 : index
      %get3A_400 = tpu.vector_load %arg9[%get3A_398, %get3A_399] {strides = array<i32>} : memref<8x128xf32, #tpu.memory_space<vmem>>, vector<1x16xf32>,
      %get3A_401 = vector.shape_cast %get3A_400 : vector<1x16xf32> to vector<16xf32>
      %swap3A_402 = arith.constant 7 : i32
      %swap3A_403 = arith.index_cast %swap3A_402 : i32 to index
      %swap3A_404 = arith.constant 16 : index
      %swap3A_405 = tpu.vector_load %arg10[%swap3A_403, %swap3A_404] {strides = array<i32>} : memref<8x64xf32, #tpu.memory_space<vmem>>, vector<1x16xf32>,
      %swap3A_406 = vector.shape_cast %swap3A_405 : vector<1x16xf32> to vector<16xf32>
      %swap3A_407 = vector.shape_cast %get3A_401 : vector<16xf32> to vector<1x16xf32>
      tpu.vector_store %arg10[%swap3A_403, %swap3A_404], %swap3A_407 {strides = array<i32>} : memref<8x64xf32, #tpu.memory_space<vmem>>, vector<1x16xf32>,
      %get3A_408 = arith.constant 7 : i32
      %get3A_409 = arith.index_cast %get3A_408 : i32 to index
      %get3A_410 = arith.constant 32 : index
      %get3A_411 = tpu.vector_load %arg9[%get3A_409, %get3A_410] {strides = array<i32>} : memref<8x128xf32, #tpu.memory_space<vmem>>, vector<1x16xf32>,
      %get3A_412 = vector.shape_cast %get3A_411 : vector<1x16xf32> to vector<16xf32>
      %swap3A_413 = arith.constant 7 : i32
      %swap3A_414 = arith.index_cast %swap3A_413 : i32 to index
      %swap3A_415 = arith.constant 32 : index
      %swap3A_416 = tpu.vector_load %arg10[%swap3A_414, %swap3A_415] {strides = array<i32>} : memref<8x64xf32, #tpu.memory_space<vmem>>, vector<1x16xf32>,
      %swap3A_417 = vector.shape_cast %swap3A_416 : vector<1x16xf32> to vector<16xf32>
      %swap3A_418 = vector.shape_cast %get3A_412 : vector<16xf32> to vector<1x16xf32>
      tpu.vector_store %arg10[%swap3A_414, %swap3A_415], %swap3A_418 {strides = array<i32>} : memref<8x64xf32, #tpu.memory_space<vmem>>, vector<1x16xf32>,
      %get3A_419 = arith.constant 7 : i32
      %get3A_420 = arith.index_cast %get3A_419 : i32 to index
      %get3A_421 = arith.constant 48 : index
      %get3A_422 = tpu.vector_load %arg9[%get3A_420, %get3A_421] {strides = array<i32>} : memref<8x128xf32, #tpu.memory_space<vmem>>, vector<1x16xf32>,
      %get3A_423 = vector.shape_cast %get3A_422 : vector<1x16xf32> to vector<16xf32>
      %swap3A_424 = arith.constant 7 : i32
      %swap3A_425 = arith.index_cast %swap3A_424 : i32 to index
      %swap3A_426 = arith.constant 48 : index
      %swap3A_427 = tpu.vector_load %arg10[%swap3A_425, %swap3A_426] {strides = array<i32>} : memref<8x64xf32, #tpu.memory_space<vmem>>, vector<1x16xf32>,
      %swap3A_428 = vector.shape_cast %swap3A_427 : vector<1x16xf32> to vector<16xf32>
      %swap3A_429 = vector.shape_cast %get3A_423 : vector<16xf32> to vector<1x16xf32>
      tpu.vector_store %arg10[%swap3A_425, %swap3A_426], %swap3A_429 {strides = array<i32>} : memref<8x64xf32, #tpu.memory_space<vmem>>, vector<1x16xf32>,
      %add3A_430 = arith.addi %add3A_41, %add3A_79 : i32
      "tpu.region"() ({
        %run_scoped3A = tpu.sem_alloc : memref<!tpu.dma_semaphore, #tpu.memory_space<semaphore_mem>>
        %dma_start3A = arith.constant 0 : i32
        %dma_start3A_431 = tpu.memref_slice %arg5[%add3A_430, %dma_start3A] : memref<102400x64xf32, #tpu.memory_space<hbm>> -> memref<8x64xf32, #tpu.memory_space<hbm>>
        %dma_start3A_432 = arith.constant 0 : i32
        %dma_start3A_433 = tpu.memref_slice %arg5[%add3A_430, %dma_start3A_432] : memref<102400x64xf32, #tpu.memory_space<hbm>> -> memref<8x64xf32, #tpu.memory_space<hbm>>
        tpu.enqueue_dma source(%arg10 : memref<8x64xf32, #tpu.memory_space<vmem>>) target(%dma_start3A_433 : memref<8x64xf32, #tpu.memory_space<hbm>>) target_semaphore(%run_scoped3A : memref<!tpu.dma_semaphore, #tpu.memory_space<semaphore_mem>>)
        %dma_wait3A = arith.constant 0 : i32
        %dma_wait3A_434 = tpu.memref_slice %arg5[%add3A_430, %dma_wait3A] : memref<102400x64xf32, #tpu.memory_space<hbm>> -> memref<8x64xf32, #tpu.memory_space<hbm>>
        %dma_wait3A_435 = arith.constant 0 : i32
        %dma_wait3A_436 = tpu.memref_slice %arg5[%add3A_430, %dma_wait3A_435] : memref<102400x64xf32, #tpu.memory_space<hbm>> -> memref<8x64xf32, #tpu.memory_space<hbm>>
        tpu.wait_dma2 semaphore(%run_scoped3A : memref<!tpu.dma_semaphore, #tpu.memory_space<semaphore_mem>>) src(%arg10 : memref<8x64xf32, #tpu.memory_space<vmem>>) dst(%dma_wait3A_436 : memref<8x64xf32, #tpu.memory_space<hbm>>)
        tpu.yield
      }) : () -> ()
    }
    %scan3A_55 = arith.constant 100 : i32
    %barrier3A_56 = arith.constant 0 : index
    tpu.barrier barrier_id(%barrier3A_56)
    %mul3A_57 = arith.constant 51200 : i32
    %mul3A_58 = arith.muli %arg0, %mul3A_57 : i32
    %add3A_59 = arith.constant 38400 : i32
    %add3A_60 = arith.addi %mul3A_58, %add3A_59 : i32
    "tpu.region"() ({
      %run_scoped3A = tpu.sem_alloc : memref<!tpu.dma_semaphore, #tpu.memory_space<semaphore_mem>>
      %dma_start3A = arith.constant 0 : i32
      %dma_start3A_76 = tpu.memref_slice %arg13[%mul3A_0, %dma_start3A] : memref<12808x128xf32, #tpu.memory_space<vmem_shared>> -> memref<800x128xf32, #tpu.memory_space<vmem_shared>>
      %dma_start3A_77 = arith.constant 0 : i32
      %dma_start3A_78 = arith.constant 0 : i32
      %dma_start3A_79 = tpu.memref_slice %arg4[%dma_start3A_77, %dma_start3A_78] : memref<800x128xf32, #tpu.memory_space<hbm>> -> memref<800x128xf32, #tpu.memory_space<hbm>>
      tpu.enqueue_dma source(%dma_start3A_79 : memref<800x128xf32, #tpu.memory_space<hbm>>) target(%dma_start3A_76 : memref<800x128xf32, #tpu.memory_space<vmem_shared>>) target_semaphore(%run_scoped3A : memref<!tpu.dma_semaphore, #tpu.memory_space<semaphore_mem>>)
      %dma_wait3A = arith.constant 0 : i32
      %dma_wait3A_80 = tpu.memref_slice %arg13[%mul3A_0, %dma_wait3A] : memref<12808x128xf32, #tpu.memory_space<vmem_shared>> -> memref<800x128xf32, #tpu.memory_space<vmem_shared>>
      %dma_wait3A_81 = arith.constant 0 : i32
      %dma_wait3A_82 = arith.constant 0 : i32
      %dma_wait3A_83 = tpu.memref_slice %arg4[%dma_wait3A_81, %dma_wait3A_82] : memref<800x128xf32, #tpu.memory_space<hbm>> -> memref<800x128xf32, #tpu.memory_space<hbm>>
      tpu.wait_dma2 semaphore(%run_scoped3A : memref<!tpu.dma_semaphore, #tpu.memory_space<semaphore_mem>>) src(%dma_wait3A_83 : memref<800x128xf32, #tpu.memory_space<hbm>>) dst(%dma_wait3A_80 : memref<800x128xf32, #tpu.memory_space<vmem_shared>>)
      tpu.yield
    }) : () -> ()
    %barrier3A_61 = arith.constant 0 : index
    tpu.barrier barrier_id(%barrier3A_61)
    %scan3A_62 = arith.constant 0 : i32
    %scan3A_63 = arith.constant 0 : i32
    %scan3A_64 = arith.constant 8 : i32
    %scan3A_65 = arith.addi %scan3A_63, %scan3A_64 : i32
    %scan3A_66 = arith.constant 1 : i32
    scf.for %scan3A_76 = %scan3A_63 to %scan3A_65 step %scan3A_66  : i32 {
      %mul3A_77 = arith.constant 1600 : i32
      %mul3A_78 = arith.muli %scan3A_76, %mul3A_77 : i32
      %add3A_79 = arith.addi %mul3A_2, %mul3A_78 : i32
      "tpu.region"() ({
        %run_scoped3A = tpu.sem_alloc : memref<!tpu.dma_semaphore, #tpu.memory_space<semaphore_mem>>
        %dma_start3A_253 = tpu.memref_slice %arg3[%add3A_79] : memref<204800xi32, #tpu.memory_space<hbm>> -> memref<1600xi32, #tpu.memory_space<hbm>>
        %dma_start3A_254 = tpu.memref_slice %arg3[%add3A_79] : memref<204800xi32, #tpu.memory_space<hbm>> -> memref<1600xi32, #tpu.memory_space<hbm>>
        tpu.enqueue_dma source(%dma_start3A_254 : memref<1600xi32, #tpu.memory_space<hbm>>) target(%arg6 : memref<1600xi32, #tpu.memory_space<vmem>>) target_semaphore(%run_scoped3A : memref<!tpu.dma_semaphore, #tpu.memory_space<semaphore_mem>>)
        %dma_wait3A_255 = tpu.memref_slice %arg3[%add3A_79] : memref<204800xi32, #tpu.memory_space<hbm>> -> memref<1600xi32, #tpu.memory_space<hbm>>
        %dma_wait3A_256 = tpu.memref_slice %arg3[%add3A_79] : memref<204800xi32, #tpu.memory_space<hbm>> -> memref<1600xi32, #tpu.memory_space<hbm>>
        tpu.wait_dma2 semaphore(%run_scoped3A : memref<!tpu.dma_semaphore, #tpu.memory_space<semaphore_mem>>) src(%dma_wait3A_256 : memref<1600xi32, #tpu.memory_space<hbm>>) dst(%arg6 : memref<1600xi32, #tpu.memory_space<vmem>>)
        tpu.yield
      }) : () -> ()
      %get3A = arith.constant 0 : index
      %get3A_80 = tpu.vector_load %arg6[%get3A] {strides = array<i32>} : memref<1600xi32, #tpu.memory_space<vmem>>, vector<16xi32>,
      %get3A_81 = vector.shape_cast %get3A_80 : vector<16xi32> to vector<16xi32>
      %ne3A = arith.constant 0 : i32
      %ne3A_82 = vector.broadcast %ne3A : i32 to vector<16xi32>
      %ne3A_83 = arith.cmpi ne, %get3A_81, %ne3A_82 : vector<16xi32>
      %ge3A = vector.broadcast %add3A_60 : i32 to vector<16xi32>
      %ge3A_84 = arith.cmpi sge, %get3A_81, %ge3A : vector<16xi32>
      %add3A_85 = arith.constant 12800 : i32
      %add3A_86 = arith.addi %add3A_60, %add3A_85 : i32
      %lt3A = vector.broadcast %add3A_86 : i32 to vector<16xi32>
      %lt3A_87 = arith.cmpi slt, %get3A_81, %lt3A : vector<16xi32>
      %and3A = arith.andi %ge3A_84, %lt3A_87 : vector<16xi1>
      %and3A_88 = arith.andi %ne3A_83, %and3A : vector<16xi1>
      %sub3A = vector.broadcast %add3A_60 : i32 to vector<16xi32>
      %sub3A_89 = arith.subi %get3A_81, %sub3A : vector<16xi32>
      %jit3A = arith.constant 12800 : i32
      %broadcast_in_dim3A = vector.broadcast %jit3A : i32 to vector<16xi32>
      %select_n3A = arith.select %and3A_88, %sub3A_89, %broadcast_in_dim3A : vector<16xi1>, vector<16xi32>
      %swap3A = arith.constant 0 : i32
      %swap3A_90 = arith.index_cast %swap3A : i32 to index
      %swap3A_91 = arith.constant 0 : index
      %swap3A_92 = tpu.vector_load %arg7[%swap3A_90, %swap3A_91] {strides = array<i32>} : memref<2x32xi32, #tpu.memory_space<vmem>>, vector<1x16xi32>,
      %swap3A_93 = vector.shape_cast %swap3A_92 : vector<1x16xi32> to vector<16xi32>
      %swap3A_94 = vector.shape_cast %select_n3A : vector<16xi32> to vector<1x16xi32>
      tpu.vector_store %arg7[%swap3A_90, %swap3A_91], %swap3A_94 {strides = array<i32>} : memref<2x32xi32, #tpu.memory_space<vmem>>, vector<1x16xi32>,
      %get3A_95 = arith.constant 16 : index
      %get3A_96 = tpu.vector_load %arg6[%get3A_95] {strides = array<i32>} : memref<1600xi32, #tpu.memory_space<vmem>>, vector<16xi32>,
      %get3A_97 = vector.shape_cast %get3A_96 : vector<16xi32> to vector<16xi32>
      %ne3A_98 = arith.constant 0 : i32
      %ne3A_99 = vector.broadcast %ne3A_98 : i32 to vector<16xi32>
      %ne3A_100 = arith.cmpi ne, %get3A_97, %ne3A_99 : vector<16xi32>
      %ge3A_101 = vector.broadcast %add3A_60 : i32 to vector<16xi32>
      %ge3A_102 = arith.cmpi sge, %get3A_97, %ge3A_101 : vector<16xi32>
      %add3A_103 = arith.constant 12800 : i32
      %add3A_104 = arith.addi %add3A_60, %add3A_103 : i32
      %lt3A_105 = vector.broadcast %add3A_104 : i32 to vector<16xi32>
      %lt3A_106 = arith.cmpi slt, %get3A_97, %lt3A_105 : vector<16xi32>
      %and3A_107 = arith.andi %ge3A_102, %lt3A_106 : vector<16xi1>
      %and3A_108 = arith.andi %ne3A_100, %and3A_107 : vector<16xi1>
      %sub3A_109 = vector.broadcast %add3A_60 : i32 to vector<16xi32>
      %sub3A_110 = arith.subi %get3A_97, %sub3A_109 : vector<16xi32>
      %jit3A_111 = arith.constant 12800 : i32
      %broadcast_in_dim3A_112 = vector.broadcast %jit3A_111 : i32 to vector<16xi32>
      %select_n3A_113 = arith.select %and3A_108, %sub3A_110, %broadcast_in_dim3A_112 : vector<16xi1>, vector<16xi32>
      %swap3A_114 = arith.constant 0 : i32
      %swap3A_115 = arith.index_cast %swap3A_114 : i32 to index
      %swap3A_116 = arith.constant 16 : index
      %swap3A_117 = tpu.vector_load %arg7[%swap3A_115, %swap3A_116] {strides = array<i32>} : memref<2x32xi32, #tpu.memory_space<vmem>>, vector<1x16xi32>,
      %swap3A_118 = vector.shape_cast %swap3A_117 : vector<1x16xi32> to vector<16xi32>
      %swap3A_119 = vector.shape_cast %select_n3A_113 : vector<16xi32> to vector<1x16xi32>
      tpu.vector_store %arg7[%swap3A_115, %swap3A_116], %swap3A_119 {strides = array<i32>} : memref<2x32xi32, #tpu.memory_space<vmem>>, vector<1x16xi32>,
      %dma_start3A = arith.constant 0 : i32
      %dma_start3A_120 = arith.constant 0 : i32
      %dma_start3A_121 = arith.constant 0 : i32
      %dma_start3A_122 = tpu.memref_slice %arg8[%dma_start3A, %dma_start3A_120, %dma_start3A_121] : memref<2x32x128xf32, #tpu.memory_space<vmem>> -> memref<1x32x128xf32, #tpu.memory_space<vmem>>
      %dma_start3A_123 = tpu.memref_squeeze %dma_start3A_122 : memref<1x32x128xf32, #tpu.memory_space<vmem>> -> memref<32x128xf32, #tpu.memory_space<vmem>>
      %dma_start3A_124 = arith.constant 0 : i32
      %dma_start3A_125 = tpu.memref_slice %arg2[%add3A_79, %dma_start3A_124] : memref<204800x128xf32, #tpu.memory_space<hbm>> -> memref<32x128xf32, #tpu.memory_space<hbm>>
      %dma_start3A_126 = arith.constant 0 : i32
      %dma_start3A_127 = arith.constant 0 : i32
      %dma_start3A_128 = tpu.memref_slice %arg8[%dma_start3A, %dma_start3A_126, %dma_start3A_127] : memref<2x32x128xf32, #tpu.memory_space<vmem>> -> memref<1x32x128xf32, #tpu.memory_space<vmem>>
      %dma_start3A_129 = tpu.memref_squeeze %dma_start3A_128 : memref<1x32x128xf32, #tpu.memory_space<vmem>> -> memref<32x128xf32, #tpu.memory_space<vmem>>
      %dma_start3A_130 = arith.constant 0 : i32
      %dma_start3A_131 = tpu.memref_slice %arg2[%add3A_79, %dma_start3A_130] : memref<204800x128xf32, #tpu.memory_space<hbm>> -> memref<32x128xf32, #tpu.memory_space<hbm>>
      tpu.enqueue_dma source(%dma_start3A_131 : memref<32x128xf32, #tpu.memory_space<hbm>>) target(%dma_start3A_129 : memref<32x128xf32, #tpu.memory_space<vmem>>) target_semaphore(%arg12 : memref<!tpu.dma_semaphore, #tpu.memory_space<semaphore_mem>>)
      %dma_wait3A = arith.constant 0 : i32
      %dma_wait3A_132 = arith.constant 0 : i32
      %dma_wait3A_133 = arith.constant 0 : i32
      %dma_wait3A_134 = tpu.memref_slice %arg8[%dma_wait3A, %dma_wait3A_132, %dma_wait3A_133] : memref<2x32x128xf32, #tpu.memory_space<vmem>> -> memref<1x32x128xf32, #tpu.memory_space<vmem>>
      %dma_wait3A_135 = tpu.memref_squeeze %dma_wait3A_134 : memref<1x32x128xf32, #tpu.memory_space<vmem>> -> memref<32x128xf32, #tpu.memory_space<vmem>>
      %dma_wait3A_136 = arith.constant 0 : i32
      %dma_wait3A_137 = tpu.memref_slice %arg2[%add3A_79, %dma_wait3A_136] : memref<204800x128xf32, #tpu.memory_space<hbm>> -> memref<32x128xf32, #tpu.memory_space<hbm>>
      %dma_wait3A_138 = arith.constant 0 : i32
      %dma_wait3A_139 = arith.constant 0 : i32
      %dma_wait3A_140 = tpu.memref_slice %arg8[%dma_wait3A, %dma_wait3A_138, %dma_wait3A_139] : memref<2x32x128xf32, #tpu.memory_space<vmem>> -> memref<1x32x128xf32, #tpu.memory_space<vmem>>
      %dma_wait3A_141 = tpu.memref_squeeze %dma_wait3A_140 : memref<1x32x128xf32, #tpu.memory_space<vmem>> -> memref<32x128xf32, #tpu.memory_space<vmem>>
      %dma_wait3A_142 = arith.constant 0 : i32
      %dma_wait3A_143 = tpu.memref_slice %arg2[%add3A_79, %dma_wait3A_142] : memref<204800x128xf32, #tpu.memory_space<hbm>> -> memref<32x128xf32, #tpu.memory_space<hbm>>
      tpu.wait_dma2 semaphore(%arg12 : memref<!tpu.dma_semaphore, #tpu.memory_space<semaphore_mem>>) src(%dma_wait3A_143 : memref<32x128xf32, #tpu.memory_space<hbm>>) dst(%dma_wait3A_141 : memref<32x128xf32, #tpu.memory_space<vmem>>)
      %dma_start3A_144 = arith.constant 0 : i32
      %dma_start3A_145 = arith.constant 0 : i32
      %dma_start3A_146 = arith.constant 0 : i32
      %dma_start3A_147 = arith.constant 0 : i32
      %dma_start3A_148 = tpu.memref_slice %arg8[%dma_start3A_144, %dma_start3A_146, %dma_start3A_147] : memref<2x32x128xf32, #tpu.memory_space<vmem>> -> memref<1x32x128xf32, #tpu.memory_space<vmem>>
      %dma_start3A_149 = tpu.memref_squeeze %dma_start3A_148 : memref<1x32x128xf32, #tpu.memory_space<vmem>> -> memref<32x128xf32, #tpu.memory_space<vmem>>
      %dma_start3A_150 = arith.constant 0 : i32
      %dma_start3A_151 = tpu.memref_slice %arg7[%dma_start3A_145, %dma_start3A_150] : memref<2x32xi32, #tpu.memory_space<vmem>> -> memref<1x32xi32, #tpu.memory_space<vmem>>
      %dma_start3A_152 = tpu.memref_squeeze %dma_start3A_151 : memref<1x32xi32, #tpu.memory_space<vmem>> -> memref<32xi32, #tpu.memory_space<vmem>>
      %dma_start3A_153 = arith.constant 0 : i32
      %dma_start3A_154 = arith.constant 0 : i32
      %dma_start3A_155 = tpu.memref_slice %arg13[%dma_start3A_153, %dma_start3A_154] : memref<12808x128xf32, #tpu.memory_space<vmem_shared>> -> memref<12808x128xf32, #tpu.memory_space<vmem_shared>>
      tpu.enqueue_indirect_dma source(%dma_start3A_149 : memref<32x128xf32, #tpu.memory_space<vmem>>) target(%dma_start3A_155 : memref<12808x128xf32, #tpu.memory_space<vmem_shared>>) offsets(%dma_start3A_152 : memref<32xi32, #tpu.memory_space<vmem>>) semaphore(%arg11 : memref<!tpu.dma_semaphore, #tpu.memory_space<semaphore_mem>>) {add = true}
      %add3A_156 = arith.constant 32 : i32
      %add3A_157 = arith.addi %add3A_79, %add3A_156 : i32
      %dma_start3A_158 = arith.constant 1 : i32
      %dma_start3A_159 = arith.constant 0 : i32
      %dma_start3A_160 = arith.constant 0 : i32
      %dma_start3A_161 = tpu.memref_slice %arg8[%dma_start3A_158, %dma_start3A_159, %dma_start3A_160] : memref<2x32x128xf32, #tpu.memory_space<vmem>> -> memref<1x32x128xf32, #tpu.memory_space<vmem>>
      %dma_start3A_162 = tpu.memref_squeeze %dma_start3A_161 : memref<1x32x128xf32, #tpu.memory_space<vmem>> -> memref<32x128xf32, #tpu.memory_space<vmem>>
      %dma_start3A_163 = arith.constant 0 : i32
      %dma_start3A_164 = tpu.memref_slice %arg2[%add3A_157, %dma_start3A_163] : memref<204800x128xf32, #tpu.memory_space<hbm>> -> memref<32x128xf32, #tpu.memory_space<hbm>>
      %dma_start3A_165 = arith.constant 0 : i32
      %dma_start3A_166 = arith.constant 0 : i32
      %dma_start3A_167 = tpu.memref_slice %arg8[%dma_start3A_158, %dma_start3A_165, %dma_start3A_166] : memref<2x32x128xf32, #tpu.memory_space<vmem>> -> memref<1x32x128xf32, #tpu.memory_space<vmem>>
      %dma_start3A_168 = tpu.memref_squeeze %dma_start3A_167 : memref<1x32x128xf32, #tpu.memory_space<vmem>> -> memref<32x128xf32, #tpu.memory_space<vmem>>
      %dma_start3A_169 = arith.constant 0 : i32
      %dma_start3A_170 = tpu.memref_slice %arg2[%add3A_157, %dma_start3A_169] : memref<204800x128xf32, #tpu.memory_space<hbm>> -> memref<32x128xf32, #tpu.memory_space<hbm>>
      tpu.enqueue_dma source(%dma_start3A_170 : memref<32x128xf32, #tpu.memory_space<hbm>>) target(%dma_start3A_168 : memref<32x128xf32, #tpu.memory_space<vmem>>) target_semaphore(%arg12 : memref<!tpu.dma_semaphore, #tpu.memory_space<semaphore_mem>>)
      %get3A_171 = arith.constant 32 : index
      %get3A_172 = tpu.vector_load %arg6[%get3A_171] {strides = array<i32>} : memref<1600xi32, #tpu.memory_space<vmem>>, vector<16xi32>,
      %get3A_173 = vector.shape_cast %get3A_172 : vector<16xi32> to vector<16xi32>
      %ne3A_174 = arith.constant 0 : i32
      %ne3A_175 = vector.broadcast %ne3A_174 : i32 to vector<16xi32>
      %ne3A_176 = arith.cmpi ne, %get3A_173, %ne3A_175 : vector<16xi32>
      %ge3A_177 = vector.broadcast %add3A_60 : i32 to vector<16xi32>
      %ge3A_178 = arith.cmpi sge, %get3A_173, %ge3A_177 : vector<16xi32>
      %add3A_179 = arith.constant 12800 : i32
      %add3A_180 = arith.addi %add3A_60, %add3A_179 : i32
      %lt3A_181 = vector.broadcast %add3A_180 : i32 to vector<16xi32>
      %lt3A_182 = arith.cmpi slt, %get3A_173, %lt3A_181 : vector<16xi32>
      %and3A_183 = arith.andi %ge3A_178, %lt3A_182 : vector<16xi1>
      %and3A_184 = arith.andi %ne3A_176, %and3A_183 : vector<16xi1>
      %sub3A_185 = vector.broadcast %add3A_60 : i32 to vector<16xi32>
      %sub3A_186 = arith.subi %get3A_173, %sub3A_185 : vector<16xi32>
      %jit3A_187 = arith.constant 12800 : i32
      %broadcast_in_dim3A_188 = vector.broadcast %jit3A_187 : i32 to vector<16xi32>
      %select_n3A_189 = arith.select %and3A_184, %sub3A_186, %broadcast_in_dim3A_188 : vector<16xi1>, vector<16xi32>
      %swap3A_190 = arith.constant 1 : i32
      %swap3A_191 = arith.index_cast %swap3A_190 : i32 to index
      %swap3A_192 = arith.constant 0 : index
      %swap3A_193 = tpu.vector_load %arg7[%swap3A_191, %swap3A_192] {strides = array<i32>} : memref<2x32xi32, #tpu.memory_space<vmem>>, vector<1x16xi32>,
      %swap3A_194 = vector.shape_cast %swap3A_193 : vector<1x16xi32> to vector<16xi32>
      %swap3A_195 = vector.shape_cast %select_n3A_189 : vector<16xi32> to vector<1x16xi32>
      tpu.vector_store %arg7[%swap3A_191, %swap3A_192], %swap3A_195 {strides = array<i32>} : memref<2x32xi32, #tpu.memory_space<vmem>>, vector<1x16xi32>,
      %get3A_196 = arith.constant 48 : index
      %get3A_197 = tpu.vector_load %arg6[%get3A_196] {strides = array<i32>} : memref<1600xi32, #tpu.memory_space<vmem>>, vector<16xi32>,
      %get3A_198 = vector.shape_cast %get3A_197 : vector<16xi32> to vector<16xi32>
      %ne3A_199 = arith.constant 0 : i32
      %ne3A_200 = vector.broadcast %ne3A_199 : i32 to vector<16xi32>
      %ne3A_201 = arith.cmpi ne, %get3A_198, %ne3A_200 : vector<16xi32>
      %ge3A_202 = vector.broadcast %add3A_60 : i32 to vector<16xi32>
      %ge3A_203 = arith.cmpi sge, %get3A_198, %ge3A_202 : vector<16xi32>
      %add3A_204 = arith.constant 12800 : i32
      %add3A_205 = arith.addi %add3A_60, %add3A_204 : i32
      %lt3A_206 = vector.broadcast %add3A_205 : i32 to vector<16xi32>
      %lt3A_207 = arith.cmpi slt, %get3A_198, %lt3A_206 : vector<16xi32>
      %and3A_208 = arith.andi %ge3A_203, %lt3A_207 : vector<16xi1>
      %and3A_209 = arith.andi %ne3A_201, %and3A_208 : vector<16xi1>
      %sub3A_210 = vector.broadcast %add3A_60 : i32 to vector<16xi32>
      %sub3A_211 = arith.subi %get3A_198, %sub3A_210 : vector<16xi32>
      %jit3A_212 = arith.constant 12800 : i32
      %broadcast_in_dim3A_213 = vector.broadcast %jit3A_212 : i32 to vector<16xi32>
      %select_n3A_214 = arith.select %and3A_209, %sub3A_211, %broadcast_in_dim3A_213 : vector<16xi1>, vector<16xi32>
      %swap3A_215 = arith.constant 1 : i32
      %swap3A_216 = arith.index_cast %swap3A_215 : i32 to index
      %swap3A_217 = arith.constant 16 : index
      %swap3A_218 = tpu.vector_load %arg7[%swap3A_216, %swap3A_217] {strides = array<i32>} : memref<2x32xi32, #tpu.memory_space<vmem>>, vector<1x16xi32>,
      %swap3A_219 = vector.shape_cast %swap3A_218 : vector<1x16xi32> to vector<16xi32>
      %swap3A_220 = vector.shape_cast %select_n3A_214 : vector<16xi32> to vector<1x16xi32>
      tpu.vector_store %arg7[%swap3A_216, %swap3A_217], %swap3A_220 {strides = array<i32>} : memref<2x32xi32, #tpu.memory_space<vmem>>, vector<1x16xi32>,
      %scan3A_221 = arith.constant 0 : i32
      %scan3A_222 = arith.constant 1 : i32
      %scan3A_223 = arith.constant 49 : i32
      %scan3A_224 = arith.addi %scan3A_222, %scan3A_223 : i32
      %scan3A_225 = arith.constant 1 : i32
      scf.for %scan3A_253 = %scan3A_222 to %scan3A_224 step %scan3A_225  : i32 {
        %rem3A = arith.constant 2 : i32
        %rem3A_254 = arith.remsi %scan3A_253, %rem3A : i32
        %add3A_255 = arith.constant 1 : i32
        %add3A_256 = arith.addi %scan3A_253, %add3A_255 : i32
        %min3A = arith.constant 49 : i32
        %min3A_257 = arith.minsi %add3A_256, %min3A : i32
        %sub3A_258 = arith.constant 1 : i32
        %sub3A_259 = arith.subi %sub3A_258, %rem3A_254 : i32
        %dma_wait3A_260 = arith.constant 0 : i32
        %dma_wait3A_261 = arith.constant 0 : i32
        %dma_wait3A_262 = tpu.memref_slice %arg8[%sub3A_259, %dma_wait3A_260, %dma_wait3A_261] : memref<2x32x128xf32, #tpu.memory_space<vmem>> -> memref<1x32x128xf32, #tpu.memory_space<vmem>>
        %dma_wait3A_263 = tpu.memref_squeeze %dma_wait3A_262 : memref<1x32x128xf32, #tpu.memory_space<vmem>> -> memref<32x128xf32, #tpu.memory_space<vmem>>
        %dma_wait3A_264 = arith.constant 0 : i32
        %dma_wait3A_265 = tpu.memref_slice %arg2[%add3A_79, %dma_wait3A_264] : memref<204800x128xf32, #tpu.memory_space<hbm>> -> memref<32x128xf32, #tpu.memory_space<hbm>>
        %dma_wait3A_266 = arith.constant 0 : i32
        %dma_wait3A_267 = arith.constant 0 : i32
        %dma_wait3A_268 = tpu.memref_slice %arg8[%sub3A_259, %dma_wait3A_266, %dma_wait3A_267] : memref<2x32x128xf32, #tpu.memory_space<vmem>> -> memref<1x32x128xf32, #tpu.memory_space<vmem>>
        %dma_wait3A_269 = tpu.memref_squeeze %dma_wait3A_268 : memref<1x32x128xf32, #tpu.memory_space<vmem>> -> memref<32x128xf32, #tpu.memory_space<vmem>>
        %dma_wait3A_270 = arith.constant 0 : i32
        %dma_wait3A_271 = tpu.memref_slice %arg2[%add3A_79, %dma_wait3A_270] : memref<204800x128xf32, #tpu.memory_space<hbm>> -> memref<32x128xf32, #tpu.memory_space<hbm>>
        tpu.wait_dma2 semaphore(%arg11 : memref<!tpu.dma_semaphore, #tpu.memory_space<semaphore_mem>>) src(%dma_wait3A_271 : memref<32x128xf32, #tpu.memory_space<hbm>>) dst(%dma_wait3A_269 : memref<32x128xf32, #tpu.memory_space<vmem>>)
        %mul3A_272 = arith.constant 32 : i32
        %mul3A_273 = arith.muli %min3A_257, %mul3A_272 : i32
        %add3A_274 = arith.addi %add3A_79, %mul3A_273 : i32
        %sub3A_275 = arith.constant 1 : i32
        %sub3A_276 = arith.subi %sub3A_275, %rem3A_254 : i32
        %dma_start3A_277 = arith.constant 0 : i32
        %dma_start3A_278 = arith.constant 0 : i32
        %dma_start3A_279 = tpu.memref_slice %arg8[%sub3A_276, %dma_start3A_277, %dma_start3A_278] : memref<2x32x128xf32, #tpu.memory_space<vmem>> -> memref<1x32x128xf32, #tpu.memory_space<vmem>>
        %dma_start3A_280 = tpu.memref_squeeze %dma_start3A_279 : memref<1x32x128xf32, #tpu.memory_space<vmem>> -> memref<32x128xf32, #tpu.memory_space<vmem>>
        %dma_start3A_281 = arith.constant 0 : i32
        %dma_start3A_282 = tpu.memref_slice %arg2[%add3A_274, %dma_start3A_281] : memref<204800x128xf32, #tpu.memory_space<hbm>> -> memref<32x128xf32, #tpu.memory_space<hbm>>
        %dma_start3A_283 = arith.constant 0 : i32
        %dma_start3A_284 = arith.constant 0 : i32
        %dma_start3A_285 = tpu.memref_slice %arg8[%sub3A_276, %dma_start3A_283, %dma_start3A_284] : memref<2x32x128xf32, #tpu.memory_space<vmem>> -> memref<1x32x128xf32, #tpu.memory_space<vmem>>
        %dma_start3A_286 = tpu.memref_squeeze %dma_start3A_285 : memref<1x32x128xf32, #tpu.memory_space<vmem>> -> memref<32x128xf32, #tpu.memory_space<vmem>>
        %dma_start3A_287 = arith.constant 0 : i32
        %dma_start3A_288 = tpu.memref_slice %arg2[%add3A_274, %dma_start3A_287] : memref<204800x128xf32, #tpu.memory_space<hbm>> -> memref<32x128xf32, #tpu.memory_space<hbm>>
        tpu.enqueue_dma source(%dma_start3A_288 : memref<32x128xf32, #tpu.memory_space<hbm>>) target(%dma_start3A_286 : memref<32x128xf32, #tpu.memory_space<vmem>>) target_semaphore(%arg12 : memref<!tpu.dma_semaphore, #tpu.memory_space<semaphore_mem>>)
        %sub3A_289 = arith.constant 1 : i32
        %sub3A_290 = arith.subi %sub3A_289, %rem3A_254 : i32
        %mul3A_291 = arith.constant 32 : i32
        %mul3A_292 = arith.muli %min3A_257, %mul3A_291 : i32
        %add3A_293 = arith.constant 0 : i32
        %add3A_294 = arith.addi %mul3A_292, %add3A_293 : i32
        %get3A_295 = arith.index_cast %add3A_294 : i32 to index
        %get3A_296 = tpu.vector_load %arg6[%get3A_295] {strides = array<i32>} : memref<1600xi32, #tpu.memory_space<vmem>>, vector<16xi32>,
        %get3A_297 = vector.shape_cast %get3A_296 : vector<16xi32> to vector<16xi32>
        %ne3A_298 = arith.constant 0 : i32
        %ne3A_299 = vector.broadcast %ne3A_298 : i32 to vector<16xi32>
        %ne3A_300 = arith.cmpi ne, %get3A_297, %ne3A_299 : vector<16xi32>
        %ge3A_301 = vector.broadcast %add3A_60 : i32 to vector<16xi32>
        %ge3A_302 = arith.cmpi sge, %get3A_297, %ge3A_301 : vector<16xi32>
        %add3A_303 = arith.constant 12800 : i32
        %add3A_304 = arith.addi %add3A_60, %add3A_303 : i32
        %lt3A_305 = vector.broadcast %add3A_304 : i32 to vector<16xi32>
        %lt3A_306 = arith.cmpi slt, %get3A_297, %lt3A_305 : vector<16xi32>
        %and3A_307 = arith.andi %ge3A_302, %lt3A_306 : vector<16xi1>
        %and3A_308 = arith.andi %ne3A_300, %and3A_307 : vector<16xi1>
        %sub3A_309 = vector.broadcast %add3A_60 : i32 to vector<16xi32>
        %sub3A_310 = arith.subi %get3A_297, %sub3A_309 : vector<16xi32>
        %jit3A_311 = arith.constant 12800 : i32
        %broadcast_in_dim3A_312 = vector.broadcast %jit3A_311 : i32 to vector<16xi32>
        %select_n3A_313 = arith.select %and3A_308, %sub3A_310, %broadcast_in_dim3A_312 : vector<16xi1>, vector<16xi32>
        %swap3A_314 = arith.index_cast %sub3A_290 : i32 to index
        %swap3A_315 = arith.constant 0 : index
        %swap3A_316 = tpu.vector_load %arg7[%swap3A_314, %swap3A_315] {strides = array<i32>} : memref<2x32xi32, #tpu.memory_space<vmem>>, vector<1x16xi32>,
        %swap3A_317 = vector.shape_cast %swap3A_316 : vector<1x16xi32> to vector<16xi32>
        %swap3A_318 = vector.shape_cast %select_n3A_313 : vector<16xi32> to vector<1x16xi32>
        tpu.vector_store %arg7[%swap3A_314, %swap3A_315], %swap3A_318 {strides = array<i32>} : memref<2x32xi32, #tpu.memory_space<vmem>>, vector<1x16xi32>,
        %mul3A_319 = arith.constant 32 : i32
        %mul3A_320 = arith.muli %min3A_257, %mul3A_319 : i32
        %add3A_321 = arith.constant 16 : i32
        %add3A_322 = arith.addi %mul3A_320, %add3A_321 : i32
        %get3A_323 = arith.index_cast %add3A_322 : i32 to index
        %get3A_324 = tpu.vector_load %arg6[%get3A_323] {strides = array<i32>} : memref<1600xi32, #tpu.memory_space<vmem>>, vector<16xi32>,
        %get3A_325 = vector.shape_cast %get3A_324 : vector<16xi32> to vector<16xi32>
        %ne3A_326 = arith.constant 0 : i32
        %ne3A_327 = vector.broadcast %ne3A_326 : i32 to vector<16xi32>
        %ne3A_328 = arith.cmpi ne, %get3A_325, %ne3A_327 : vector<16xi32>
        %ge3A_329 = vector.broadcast %add3A_60 : i32 to vector<16xi32>
        %ge3A_330 = arith.cmpi sge, %get3A_325, %ge3A_329 : vector<16xi32>
        %add3A_331 = arith.constant 12800 : i32
        %add3A_332 = arith.addi %add3A_60, %add3A_331 : i32
        %lt3A_333 = vector.broadcast %add3A_332 : i32 to vector<16xi32>
        %lt3A_334 = arith.cmpi slt, %get3A_325, %lt3A_333 : vector<16xi32>
        %and3A_335 = arith.andi %ge3A_330, %lt3A_334 : vector<16xi1>
        %and3A_336 = arith.andi %ne3A_328, %and3A_335 : vector<16xi1>
        %sub3A_337 = vector.broadcast %add3A_60 : i32 to vector<16xi32>
        %sub3A_338 = arith.subi %get3A_325, %sub3A_337 : vector<16xi32>
        %jit3A_339 = arith.constant 12800 : i32
        %broadcast_in_dim3A_340 = vector.broadcast %jit3A_339 : i32 to vector<16xi32>
        %select_n3A_341 = arith.select %and3A_336, %sub3A_338, %broadcast_in_dim3A_340 : vector<16xi1>, vector<16xi32>
        %swap3A_342 = arith.index_cast %sub3A_290 : i32 to index
        %swap3A_343 = arith.constant 16 : index
        %swap3A_344 = tpu.vector_load %arg7[%swap3A_342, %swap3A_343] {strides = array<i32>} : memref<2x32xi32, #tpu.memory_space<vmem>>, vector<1x16xi32>,
        %swap3A_345 = vector.shape_cast %swap3A_344 : vector<1x16xi32> to vector<16xi32>
        %swap3A_346 = vector.shape_cast %select_n3A_341 : vector<16xi32> to vector<1x16xi32>
        tpu.vector_store %arg7[%swap3A_342, %swap3A_343], %swap3A_346 {strides = array<i32>} : memref<2x32xi32, #tpu.memory_space<vmem>>, vector<1x16xi32>,
        %dma_wait3A_347 = arith.constant 0 : i32
        %dma_wait3A_348 = arith.constant 0 : i32
        %dma_wait3A_349 = tpu.memref_slice %arg8[%rem3A_254, %dma_wait3A_347, %dma_wait3A_348] : memref<2x32x128xf32, #tpu.memory_space<vmem>> -> memref<1x32x128xf32, #tpu.memory_space<vmem>>
        %dma_wait3A_350 = tpu.memref_squeeze %dma_wait3A_349 : memref<1x32x128xf32, #tpu.memory_space<vmem>> -> memref<32x128xf32, #tpu.memory_space<vmem>>
        %dma_wait3A_351 = arith.constant 0 : i32
        %dma_wait3A_352 = tpu.memref_slice %arg2[%add3A_79, %dma_wait3A_351] : memref<204800x128xf32, #tpu.memory_space<hbm>> -> memref<32x128xf32, #tpu.memory_space<hbm>>
        %dma_wait3A_353 = arith.constant 0 : i32
        %dma_wait3A_354 = arith.constant 0 : i32
        %dma_wait3A_355 = tpu.memref_slice %arg8[%rem3A_254, %dma_wait3A_353, %dma_wait3A_354] : memref<2x32x128xf32, #tpu.memory_space<vmem>> -> memref<1x32x128xf32, #tpu.memory_space<vmem>>
        %dma_wait3A_356 = tpu.memref_squeeze %dma_wait3A_355 : memref<1x32x128xf32, #tpu.memory_space<vmem>> -> memref<32x128xf32, #tpu.memory_space<vmem>>
        %dma_wait3A_357 = arith.constant 0 : i32
        %dma_wait3A_358 = tpu.memref_slice %arg2[%add3A_79, %dma_wait3A_357] : memref<204800x128xf32, #tpu.memory_space<hbm>> -> memref<32x128xf32, #tpu.memory_space<hbm>>
        tpu.wait_dma2 semaphore(%arg12 : memref<!tpu.dma_semaphore, #tpu.memory_space<semaphore_mem>>) src(%dma_wait3A_358 : memref<32x128xf32, #tpu.memory_space<hbm>>) dst(%dma_wait3A_356 : memref<32x128xf32, #tpu.memory_space<vmem>>)
        %dma_start3A_359 = arith.constant 0 : i32
        %dma_start3A_360 = arith.constant 0 : i32
        %dma_start3A_361 = tpu.memref_slice %arg8[%rem3A_254, %dma_start3A_359, %dma_start3A_360] : memref<2x32x128xf32, #tpu.memory_space<vmem>> -> memref<1x32x128xf32, #tpu.memory_space<vmem>>
        %dma_start3A_362 = tpu.memref_squeeze %dma_start3A_361 : memref<1x32x128xf32, #tpu.memory_space<vmem>> -> memref<32x128xf32, #tpu.memory_space<vmem>>
        %dma_start3A_363 = arith.constant 0 : i32
        %dma_start3A_364 = tpu.memref_slice %arg7[%rem3A_254, %dma_start3A_363] : memref<2x32xi32, #tpu.memory_space<vmem>> -> memref<1x32xi32, #tpu.memory_space<vmem>>
        %dma_start3A_365 = tpu.memref_squeeze %dma_start3A_364 : memref<1x32xi32, #tpu.memory_space<vmem>> -> memref<32xi32, #tpu.memory_space<vmem>>
        %dma_start3A_366 = arith.constant 0 : i32
        %dma_start3A_367 = arith.constant 0 : i32
        %dma_start3A_368 = tpu.memref_slice %arg13[%dma_start3A_366, %dma_start3A_367] : memref<12808x128xf32, #tpu.memory_space<vmem_shared>> -> memref<12808x128xf32, #tpu.memory_space<vmem_shared>>
        tpu.enqueue_indirect_dma source(%dma_start3A_362 : memref<32x128xf32, #tpu.memory_space<vmem>>) target(%dma_start3A_368 : memref<12808x128xf32, #tpu.memory_space<vmem_shared>>) offsets(%dma_start3A_365 : memref<32xi32, #tpu.memory_space<vmem>>) semaphore(%arg11 : memref<!tpu.dma_semaphore, #tpu.memory_space<semaphore_mem>>) {add = true}
      }
      %scan3A_226 = arith.constant 49 : i32
      %dma_wait3A_227 = arith.constant 0 : i32
      %dma_wait3A_228 = arith.constant 0 : i32
      %dma_wait3A_229 = arith.constant 0 : i32
      %dma_wait3A_230 = tpu.memref_slice %arg8[%dma_wait3A_227, %dma_wait3A_228, %dma_wait3A_229] : memref<2x32x128xf32, #tpu.memory_space<vmem>> -> memref<1x32x128xf32, #tpu.memory_space<vmem>>
      %dma_wait3A_231 = tpu.memref_squeeze %dma_wait3A_230 : memref<1x32x128xf32, #tpu.memory_space<vmem>> -> memref<32x128xf32, #tpu.memory_space<vmem>>
      %dma_wait3A_232 = arith.constant 0 : i32
      %dma_wait3A_233 = tpu.memref_slice %arg2[%add3A_79, %dma_wait3A_232] : memref<204800x128xf32, #tpu.memory_space<hbm>> -> memref<32x128xf32, #tpu.memory_space<hbm>>
      %dma_wait3A_234 = arith.constant 0 : i32
      %dma_wait3A_235 = arith.constant 0 : i32
      %dma_wait3A_236 = tpu.memref_slice %arg8[%dma_wait3A_227, %dma_wait3A_234, %dma_wait3A_235] : memref<2x32x128xf32, #tpu.memory_space<vmem>> -> memref<1x32x128xf32, #tpu.memory_space<vmem>>
      %dma_wait3A_237 = tpu.memref_squeeze %dma_wait3A_236 : memref<1x32x128xf32, #tpu.memory_space<vmem>> -> memref<32x128xf32, #tpu.memory_space<vmem>>
      %dma_wait3A_238 = arith.constant 0 : i32
      %dma_wait3A_239 = tpu.memref_slice %arg2[%add3A_79, %dma_wait3A_238] : memref<204800x128xf32, #tpu.memory_space<hbm>> -> memref<32x128xf32, #tpu.memory_space<hbm>>
      tpu.wait_dma2 semaphore(%arg11 : memref<!tpu.dma_semaphore, #tpu.memory_space<semaphore_mem>>) src(%dma_wait3A_239 : memref<32x128xf32, #tpu.memory_space<hbm>>) dst(%dma_wait3A_237 : memref<32x128xf32, #tpu.memory_space<vmem>>)
      %dma_wait3A_240 = arith.constant 0 : i32
      %dma_wait3A_241 = arith.constant 0 : i32
      %dma_wait3A_242 = arith.constant 0 : i32
      %dma_wait3A_243 = tpu.memref_slice %arg8[%dma_wait3A_240, %dma_wait3A_241, %dma_wait3A_242] : memref<2x32x128xf32, #tpu.memory_space<vmem>> -> memref<1x32x128xf32, #tpu.memory_space<vmem>>
      %dma_wait3A_244 = tpu.memref_squeeze %dma_wait3A_243 : memref<1x32x128xf32, #tpu.memory_space<vmem>> -> memref<32x128xf32, #tpu.memory_space<vmem>>
      %dma_wait3A_245 = arith.constant 0 : i32
      %dma_wait3A_246 = tpu.memref_slice %arg2[%add3A_79, %dma_wait3A_245] : memref<204800x128xf32, #tpu.memory_space<hbm>> -> memref<32x128xf32, #tpu.memory_space<hbm>>
      %dma_wait3A_247 = arith.constant 0 : i32
      %dma_wait3A_248 = arith.constant 0 : i32
      %dma_wait3A_249 = tpu.memref_slice %arg8[%dma_wait3A_240, %dma_wait3A_247, %dma_wait3A_248] : memref<2x32x128xf32, #tpu.memory_space<vmem>> -> memref<1x32x128xf32, #tpu.memory_space<vmem>>
      %dma_wait3A_250 = tpu.memref_squeeze %dma_wait3A_249 : memref<1x32x128xf32, #tpu.memory_space<vmem>> -> memref<32x128xf32, #tpu.memory_space<vmem>>
      %dma_wait3A_251 = arith.constant 0 : i32
      %dma_wait3A_252 = tpu.memref_slice %arg2[%add3A_79, %dma_wait3A_251] : memref<204800x128xf32, #tpu.memory_space<hbm>> -> memref<32x128xf32, #tpu.memory_space<hbm>>
      tpu.wait_dma2 semaphore(%arg12 : memref<!tpu.dma_semaphore, #tpu.memory_space<semaphore_mem>>) src(%dma_wait3A_252 : memref<32x128xf32, #tpu.memory_space<hbm>>) dst(%dma_wait3A_250 : memref<32x128xf32, #tpu.memory_space<vmem>>)
    }
    %scan3A_67 = arith.constant 8 : i32
    %barrier3A_68 = arith.constant 0 : index
    tpu.barrier barrier_id(%barrier3A_68)
    %scan3A_69 = arith.constant 0 : i32
    %scan3A_70 = arith.constant 0 : i32
    %scan3A_71 = arith.constant 100 : i32
    %scan3A_72 = arith.addi %scan3A_70, %scan3A_71 : i32
    %scan3A_73 = arith.constant 1 : i32
    scf.for %scan3A_76 = %scan3A_70 to %scan3A_72 step %scan3A_73  : i32 {
      %mul3A_77 = arith.constant 8 : i32
      %mul3A_78 = arith.muli %scan3A_76, %mul3A_77 : i32
      %add3A_79 = arith.addi %mul3A_0, %mul3A_78 : i32
      "tpu.region"() ({
        %run_scoped3A = tpu.sem_alloc : memref<!tpu.dma_semaphore, #tpu.memory_space<semaphore_mem>>
        %dma_start3A = arith.constant 0 : i32
        %dma_start3A_431 = tpu.memref_slice %arg13[%add3A_79, %dma_start3A] : memref<12808x128xf32, #tpu.memory_space<vmem_shared>> -> memref<8x128xf32, #tpu.memory_space<vmem_shared>>
        %dma_start3A_432 = arith.constant 0 : i32
        %dma_start3A_433 = tpu.memref_slice %arg13[%add3A_79, %dma_start3A_432] : memref<12808x128xf32, #tpu.memory_space<vmem_shared>> -> memref<8x128xf32, #tpu.memory_space<vmem_shared>>
        tpu.enqueue_dma source(%dma_start3A_433 : memref<8x128xf32, #tpu.memory_space<vmem_shared>>) target(%arg9 : memref<8x128xf32, #tpu.memory_space<vmem>>) target_semaphore(%run_scoped3A : memref<!tpu.dma_semaphore, #tpu.memory_space<semaphore_mem>>)
        %dma_wait3A = arith.constant 0 : i32
        %dma_wait3A_434 = tpu.memref_slice %arg13[%add3A_79, %dma_wait3A] : memref<12808x128xf32, #tpu.memory_space<vmem_shared>> -> memref<8x128xf32, #tpu.memory_space<vmem_shared>>
        %dma_wait3A_435 = arith.constant 0 : i32
        %dma_wait3A_436 = tpu.memref_slice %arg13[%add3A_79, %dma_wait3A_435] : memref<12808x128xf32, #tpu.memory_space<vmem_shared>> -> memref<8x128xf32, #tpu.memory_space<vmem_shared>>
        tpu.wait_dma2 semaphore(%run_scoped3A : memref<!tpu.dma_semaphore, #tpu.memory_space<semaphore_mem>>) src(%dma_wait3A_436 : memref<8x128xf32, #tpu.memory_space<vmem_shared>>) dst(%arg9 : memref<8x128xf32, #tpu.memory_space<vmem>>)
        tpu.yield
      }) : () -> ()
      %get3A = arith.constant 0 : i32
      %get3A_80 = arith.index_cast %get3A : i32 to index
      %get3A_81 = arith.constant 0 : index
      %get3A_82 = tpu.vector_load %arg9[%get3A_80, %get3A_81] {strides = array<i32>} : memref<8x128xf32, #tpu.memory_space<vmem>>, vector<1x16xf32>,
      %get3A_83 = vector.shape_cast %get3A_82 : vector<1x16xf32> to vector<16xf32>
      %swap3A = arith.constant 0 : i32
      %swap3A_84 = arith.index_cast %swap3A : i32 to index
      %swap3A_85 = arith.constant 0 : index
      %swap3A_86 = tpu.vector_load %arg10[%swap3A_84, %swap3A_85] {strides = array<i32>} : memref<8x64xf32, #tpu.memory_space<vmem>>, vector<1x16xf32>,
      %swap3A_87 = vector.shape_cast %swap3A_86 : vector<1x16xf32> to vector<16xf32>
      %swap3A_88 = vector.shape_cast %get3A_83 : vector<16xf32> to vector<1x16xf32>
      tpu.vector_store %arg10[%swap3A_84, %swap3A_85], %swap3A_88 {strides = array<i32>} : memref<8x64xf32, #tpu.memory_space<vmem>>, vector<1x16xf32>,
      %get3A_89 = arith.constant 0 : i32
      %get3A_90 = arith.index_cast %get3A_89 : i32 to index
      %get3A_91 = arith.constant 16 : index
      %get3A_92 = tpu.vector_load %arg9[%get3A_90, %get3A_91] {strides = array<i32>} : memref<8x128xf32, #tpu.memory_space<vmem>>, vector<1x16xf32>,
      %get3A_93 = vector.shape_cast %get3A_92 : vector<1x16xf32> to vector<16xf32>
      %swap3A_94 = arith.constant 0 : i32
      %swap3A_95 = arith.index_cast %swap3A_94 : i32 to index
      %swap3A_96 = arith.constant 16 : index
      %swap3A_97 = tpu.vector_load %arg10[%swap3A_95, %swap3A_96] {strides = array<i32>} : memref<8x64xf32, #tpu.memory_space<vmem>>, vector<1x16xf32>,
      %swap3A_98 = vector.shape_cast %swap3A_97 : vector<1x16xf32> to vector<16xf32>
      %swap3A_99 = vector.shape_cast %get3A_93 : vector<16xf32> to vector<1x16xf32>
      tpu.vector_store %arg10[%swap3A_95, %swap3A_96], %swap3A_99 {strides = array<i32>} : memref<8x64xf32, #tpu.memory_space<vmem>>, vector<1x16xf32>,
      %get3A_100 = arith.constant 0 : i32
      %get3A_101 = arith.index_cast %get3A_100 : i32 to index
      %get3A_102 = arith.constant 32 : index
      %get3A_103 = tpu.vector_load %arg9[%get3A_101, %get3A_102] {strides = array<i32>} : memref<8x128xf32, #tpu.memory_space<vmem>>, vector<1x16xf32>,
      %get3A_104 = vector.shape_cast %get3A_103 : vector<1x16xf32> to vector<16xf32>
      %swap3A_105 = arith.constant 0 : i32
      %swap3A_106 = arith.index_cast %swap3A_105 : i32 to index
      %swap3A_107 = arith.constant 32 : index
      %swap3A_108 = tpu.vector_load %arg10[%swap3A_106, %swap3A_107] {strides = array<i32>} : memref<8x64xf32, #tpu.memory_space<vmem>>, vector<1x16xf32>,
      %swap3A_109 = vector.shape_cast %swap3A_108 : vector<1x16xf32> to vector<16xf32>
      %swap3A_110 = vector.shape_cast %get3A_104 : vector<16xf32> to vector<1x16xf32>
      tpu.vector_store %arg10[%swap3A_106, %swap3A_107], %swap3A_110 {strides = array<i32>} : memref<8x64xf32, #tpu.memory_space<vmem>>, vector<1x16xf32>,
      %get3A_111 = arith.constant 0 : i32
      %get3A_112 = arith.index_cast %get3A_111 : i32 to index
      %get3A_113 = arith.constant 48 : index
      %get3A_114 = tpu.vector_load %arg9[%get3A_112, %get3A_113] {strides = array<i32>} : memref<8x128xf32, #tpu.memory_space<vmem>>, vector<1x16xf32>,
      %get3A_115 = vector.shape_cast %get3A_114 : vector<1x16xf32> to vector<16xf32>
      %swap3A_116 = arith.constant 0 : i32
      %swap3A_117 = arith.index_cast %swap3A_116 : i32 to index
      %swap3A_118 = arith.constant 48 : index
      %swap3A_119 = tpu.vector_load %arg10[%swap3A_117, %swap3A_118] {strides = array<i32>} : memref<8x64xf32, #tpu.memory_space<vmem>>, vector<1x16xf32>,
      %swap3A_120 = vector.shape_cast %swap3A_119 : vector<1x16xf32> to vector<16xf32>
      %swap3A_121 = vector.shape_cast %get3A_115 : vector<16xf32> to vector<1x16xf32>
      tpu.vector_store %arg10[%swap3A_117, %swap3A_118], %swap3A_121 {strides = array<i32>} : memref<8x64xf32, #tpu.memory_space<vmem>>, vector<1x16xf32>,
      %get3A_122 = arith.constant 1 : i32
      %get3A_123 = arith.index_cast %get3A_122 : i32 to index
      %get3A_124 = arith.constant 0 : index
      %get3A_125 = tpu.vector_load %arg9[%get3A_123, %get3A_124] {strides = array<i32>} : memref<8x128xf32, #tpu.memory_space<vmem>>, vector<1x16xf32>,
      %get3A_126 = vector.shape_cast %get3A_125 : vector<1x16xf32> to vector<16xf32>
      %swap3A_127 = arith.constant 1 : i32
      %swap3A_128 = arith.index_cast %swap3A_127 : i32 to index
      %swap3A_129 = arith.constant 0 : index
      %swap3A_130 = tpu.vector_load %arg10[%swap3A_128, %swap3A_129] {strides = array<i32>} : memref<8x64xf32, #tpu.memory_space<vmem>>, vector<1x16xf32>,
      %swap3A_131 = vector.shape_cast %swap3A_130 : vector<1x16xf32> to vector<16xf32>
      %swap3A_132 = vector.shape_cast %get3A_126 : vector<16xf32> to vector<1x16xf32>
      tpu.vector_store %arg10[%swap3A_128, %swap3A_129], %swap3A_132 {strides = array<i32>} : memref<8x64xf32, #tpu.memory_space<vmem>>, vector<1x16xf32>,
      %get3A_133 = arith.constant 1 : i32
      %get3A_134 = arith.index_cast %get3A_133 : i32 to index
      %get3A_135 = arith.constant 16 : index
      %get3A_136 = tpu.vector_load %arg9[%get3A_134, %get3A_135] {strides = array<i32>} : memref<8x128xf32, #tpu.memory_space<vmem>>, vector<1x16xf32>,
      %get3A_137 = vector.shape_cast %get3A_136 : vector<1x16xf32> to vector<16xf32>
      %swap3A_138 = arith.constant 1 : i32
      %swap3A_139 = arith.index_cast %swap3A_138 : i32 to index
      %swap3A_140 = arith.constant 16 : index
      %swap3A_141 = tpu.vector_load %arg10[%swap3A_139, %swap3A_140] {strides = array<i32>} : memref<8x64xf32, #tpu.memory_space<vmem>>, vector<1x16xf32>,
      %swap3A_142 = vector.shape_cast %swap3A_141 : vector<1x16xf32> to vector<16xf32>
      %swap3A_143 = vector.shape_cast %get3A_137 : vector<16xf32> to vector<1x16xf32>
      tpu.vector_store %arg10[%swap3A_139, %swap3A_140], %swap3A_143 {strides = array<i32>} : memref<8x64xf32, #tpu.memory_space<vmem>>, vector<1x16xf32>,
      %get3A_144 = arith.constant 1 : i32
      %get3A_145 = arith.index_cast %get3A_144 : i32 to index
      %get3A_146 = arith.constant 32 : index
      %get3A_147 = tpu.vector_load %arg9[%get3A_145, %get3A_146] {strides = array<i32>} : memref<8x128xf32, #tpu.memory_space<vmem>>, vector<1x16xf32>,
      %get3A_148 = vector.shape_cast %get3A_147 : vector<1x16xf32> to vector<16xf32>
      %swap3A_149 = arith.constant 1 : i32
      %swap3A_150 = arith.index_cast %swap3A_149 : i32 to index
      %swap3A_151 = arith.constant 32 : index
      %swap3A_152 = tpu.vector_load %arg10[%swap3A_150, %swap3A_151] {strides = array<i32>} : memref<8x64xf32, #tpu.memory_space<vmem>>, vector<1x16xf32>,
      %swap3A_153 = vector.shape_cast %swap3A_152 : vector<1x16xf32> to vector<16xf32>
      %swap3A_154 = vector.shape_cast %get3A_148 : vector<16xf32> to vector<1x16xf32>
      tpu.vector_store %arg10[%swap3A_150, %swap3A_151], %swap3A_154 {strides = array<i32>} : memref<8x64xf32, #tpu.memory_space<vmem>>, vector<1x16xf32>,
      %get3A_155 = arith.constant 1 : i32
      %get3A_156 = arith.index_cast %get3A_155 : i32 to index
      %get3A_157 = arith.constant 48 : index
      %get3A_158 = tpu.vector_load %arg9[%get3A_156, %get3A_157] {strides = array<i32>} : memref<8x128xf32, #tpu.memory_space<vmem>>, vector<1x16xf32>,
      %get3A_159 = vector.shape_cast %get3A_158 : vector<1x16xf32> to vector<16xf32>
      %swap3A_160 = arith.constant 1 : i32
      %swap3A_161 = arith.index_cast %swap3A_160 : i32 to index
      %swap3A_162 = arith.constant 48 : index
      %swap3A_163 = tpu.vector_load %arg10[%swap3A_161, %swap3A_162] {strides = array<i32>} : memref<8x64xf32, #tpu.memory_space<vmem>>, vector<1x16xf32>,
      %swap3A_164 = vector.shape_cast %swap3A_163 : vector<1x16xf32> to vector<16xf32>
      %swap3A_165 = vector.shape_cast %get3A_159 : vector<16xf32> to vector<1x16xf32>
      tpu.vector_store %arg10[%swap3A_161, %swap3A_162], %swap3A_165 {strides = array<i32>} : memref<8x64xf32, #tpu.memory_space<vmem>>, vector<1x16xf32>,
      %get3A_166 = arith.constant 2 : i32
      %get3A_167 = arith.index_cast %get3A_166 : i32 to index
      %get3A_168 = arith.constant 0 : index
      %get3A_169 = tpu.vector_load %arg9[%get3A_167, %get3A_168] {strides = array<i32>} : memref<8x128xf32, #tpu.memory_space<vmem>>, vector<1x16xf32>,
      %get3A_170 = vector.shape_cast %get3A_169 : vector<1x16xf32> to vector<16xf32>
      %swap3A_171 = arith.constant 2 : i32
      %swap3A_172 = arith.index_cast %swap3A_171 : i32 to index
      %swap3A_173 = arith.constant 0 : index
      %swap3A_174 = tpu.vector_load %arg10[%swap3A_172, %swap3A_173] {strides = array<i32>} : memref<8x64xf32, #tpu.memory_space<vmem>>, vector<1x16xf32>,
      %swap3A_175 = vector.shape_cast %swap3A_174 : vector<1x16xf32> to vector<16xf32>
      %swap3A_176 = vector.shape_cast %get3A_170 : vector<16xf32> to vector<1x16xf32>
      tpu.vector_store %arg10[%swap3A_172, %swap3A_173], %swap3A_176 {strides = array<i32>} : memref<8x64xf32, #tpu.memory_space<vmem>>, vector<1x16xf32>,
      %get3A_177 = arith.constant 2 : i32
      %get3A_178 = arith.index_cast %get3A_177 : i32 to index
      %get3A_179 = arith.constant 16 : index
      %get3A_180 = tpu.vector_load %arg9[%get3A_178, %get3A_179] {strides = array<i32>} : memref<8x128xf32, #tpu.memory_space<vmem>>, vector<1x16xf32>,
      %get3A_181 = vector.shape_cast %get3A_180 : vector<1x16xf32> to vector<16xf32>
      %swap3A_182 = arith.constant 2 : i32
      %swap3A_183 = arith.index_cast %swap3A_182 : i32 to index
      %swap3A_184 = arith.constant 16 : index
      %swap3A_185 = tpu.vector_load %arg10[%swap3A_183, %swap3A_184] {strides = array<i32>} : memref<8x64xf32, #tpu.memory_space<vmem>>, vector<1x16xf32>,
      %swap3A_186 = vector.shape_cast %swap3A_185 : vector<1x16xf32> to vector<16xf32>
      %swap3A_187 = vector.shape_cast %get3A_181 : vector<16xf32> to vector<1x16xf32>
      tpu.vector_store %arg10[%swap3A_183, %swap3A_184], %swap3A_187 {strides = array<i32>} : memref<8x64xf32, #tpu.memory_space<vmem>>, vector<1x16xf32>,
      %get3A_188 = arith.constant 2 : i32
      %get3A_189 = arith.index_cast %get3A_188 : i32 to index
      %get3A_190 = arith.constant 32 : index
      %get3A_191 = tpu.vector_load %arg9[%get3A_189, %get3A_190] {strides = array<i32>} : memref<8x128xf32, #tpu.memory_space<vmem>>, vector<1x16xf32>,
      %get3A_192 = vector.shape_cast %get3A_191 : vector<1x16xf32> to vector<16xf32>
      %swap3A_193 = arith.constant 2 : i32
      %swap3A_194 = arith.index_cast %swap3A_193 : i32 to index
      %swap3A_195 = arith.constant 32 : index
      %swap3A_196 = tpu.vector_load %arg10[%swap3A_194, %swap3A_195] {strides = array<i32>} : memref<8x64xf32, #tpu.memory_space<vmem>>, vector<1x16xf32>,
      %swap3A_197 = vector.shape_cast %swap3A_196 : vector<1x16xf32> to vector<16xf32>
      %swap3A_198 = vector.shape_cast %get3A_192 : vector<16xf32> to vector<1x16xf32>
      tpu.vector_store %arg10[%swap3A_194, %swap3A_195], %swap3A_198 {strides = array<i32>} : memref<8x64xf32, #tpu.memory_space<vmem>>, vector<1x16xf32>,
      %get3A_199 = arith.constant 2 : i32
      %get3A_200 = arith.index_cast %get3A_199 : i32 to index
      %get3A_201 = arith.constant 48 : index
      %get3A_202 = tpu.vector_load %arg9[%get3A_200, %get3A_201] {strides = array<i32>} : memref<8x128xf32, #tpu.memory_space<vmem>>, vector<1x16xf32>,
      %get3A_203 = vector.shape_cast %get3A_202 : vector<1x16xf32> to vector<16xf32>
      %swap3A_204 = arith.constant 2 : i32
      %swap3A_205 = arith.index_cast %swap3A_204 : i32 to index
      %swap3A_206 = arith.constant 48 : index
      %swap3A_207 = tpu.vector_load %arg10[%swap3A_205, %swap3A_206] {strides = array<i32>} : memref<8x64xf32, #tpu.memory_space<vmem>>, vector<1x16xf32>,
      %swap3A_208 = vector.shape_cast %swap3A_207 : vector<1x16xf32> to vector<16xf32>
      %swap3A_209 = vector.shape_cast %get3A_203 : vector<16xf32> to vector<1x16xf32>
      tpu.vector_store %arg10[%swap3A_205, %swap3A_206], %swap3A_209 {strides = array<i32>} : memref<8x64xf32, #tpu.memory_space<vmem>>, vector<1x16xf32>,
      %get3A_210 = arith.constant 3 : i32
      %get3A_211 = arith.index_cast %get3A_210 : i32 to index
      %get3A_212 = arith.constant 0 : index
      %get3A_213 = tpu.vector_load %arg9[%get3A_211, %get3A_212] {strides = array<i32>} : memref<8x128xf32, #tpu.memory_space<vmem>>, vector<1x16xf32>,
      %get3A_214 = vector.shape_cast %get3A_213 : vector<1x16xf32> to vector<16xf32>
      %swap3A_215 = arith.constant 3 : i32
      %swap3A_216 = arith.index_cast %swap3A_215 : i32 to index
      %swap3A_217 = arith.constant 0 : index
      %swap3A_218 = tpu.vector_load %arg10[%swap3A_216, %swap3A_217] {strides = array<i32>} : memref<8x64xf32, #tpu.memory_space<vmem>>, vector<1x16xf32>,
      %swap3A_219 = vector.shape_cast %swap3A_218 : vector<1x16xf32> to vector<16xf32>
      %swap3A_220 = vector.shape_cast %get3A_214 : vector<16xf32> to vector<1x16xf32>
      tpu.vector_store %arg10[%swap3A_216, %swap3A_217], %swap3A_220 {strides = array<i32>} : memref<8x64xf32, #tpu.memory_space<vmem>>, vector<1x16xf32>,
      %get3A_221 = arith.constant 3 : i32
      %get3A_222 = arith.index_cast %get3A_221 : i32 to index
      %get3A_223 = arith.constant 16 : index
      %get3A_224 = tpu.vector_load %arg9[%get3A_222, %get3A_223] {strides = array<i32>} : memref<8x128xf32, #tpu.memory_space<vmem>>, vector<1x16xf32>,
      %get3A_225 = vector.shape_cast %get3A_224 : vector<1x16xf32> to vector<16xf32>
      %swap3A_226 = arith.constant 3 : i32
      %swap3A_227 = arith.index_cast %swap3A_226 : i32 to index
      %swap3A_228 = arith.constant 16 : index
      %swap3A_229 = tpu.vector_load %arg10[%swap3A_227, %swap3A_228] {strides = array<i32>} : memref<8x64xf32, #tpu.memory_space<vmem>>, vector<1x16xf32>,
      %swap3A_230 = vector.shape_cast %swap3A_229 : vector<1x16xf32> to vector<16xf32>
      %swap3A_231 = vector.shape_cast %get3A_225 : vector<16xf32> to vector<1x16xf32>
      tpu.vector_store %arg10[%swap3A_227, %swap3A_228], %swap3A_231 {strides = array<i32>} : memref<8x64xf32, #tpu.memory_space<vmem>>, vector<1x16xf32>,
      %get3A_232 = arith.constant 3 : i32
      %get3A_233 = arith.index_cast %get3A_232 : i32 to index
      %get3A_234 = arith.constant 32 : index
      %get3A_235 = tpu.vector_load %arg9[%get3A_233, %get3A_234] {strides = array<i32>} : memref<8x128xf32, #tpu.memory_space<vmem>>, vector<1x16xf32>,
      %get3A_236 = vector.shape_cast %get3A_235 : vector<1x16xf32> to vector<16xf32>
      %swap3A_237 = arith.constant 3 : i32
      %swap3A_238 = arith.index_cast %swap3A_237 : i32 to index
      %swap3A_239 = arith.constant 32 : index
      %swap3A_240 = tpu.vector_load %arg10[%swap3A_238, %swap3A_239] {strides = array<i32>} : memref<8x64xf32, #tpu.memory_space<vmem>>, vector<1x16xf32>,
      %swap3A_241 = vector.shape_cast %swap3A_240 : vector<1x16xf32> to vector<16xf32>
      %swap3A_242 = vector.shape_cast %get3A_236 : vector<16xf32> to vector<1x16xf32>
      tpu.vector_store %arg10[%swap3A_238, %swap3A_239], %swap3A_242 {strides = array<i32>} : memref<8x64xf32, #tpu.memory_space<vmem>>, vector<1x16xf32>,
      %get3A_243 = arith.constant 3 : i32
      %get3A_244 = arith.index_cast %get3A_243 : i32 to index
      %get3A_245 = arith.constant 48 : index
      %get3A_246 = tpu.vector_load %arg9[%get3A_244, %get3A_245] {strides = array<i32>} : memref<8x128xf32, #tpu.memory_space<vmem>>, vector<1x16xf32>,
      %get3A_247 = vector.shape_cast %get3A_246 : vector<1x16xf32> to vector<16xf32>
      %swap3A_248 = arith.constant 3 : i32
      %swap3A_249 = arith.index_cast %swap3A_248 : i32 to index
      %swap3A_250 = arith.constant 48 : index
      %swap3A_251 = tpu.vector_load %arg10[%swap3A_249, %swap3A_250] {strides = array<i32>} : memref<8x64xf32, #tpu.memory_space<vmem>>, vector<1x16xf32>,
      %swap3A_252 = vector.shape_cast %swap3A_251 : vector<1x16xf32> to vector<16xf32>
      %swap3A_253 = vector.shape_cast %get3A_247 : vector<16xf32> to vector<1x16xf32>
      tpu.vector_store %arg10[%swap3A_249, %swap3A_250], %swap3A_253 {strides = array<i32>} : memref<8x64xf32, #tpu.memory_space<vmem>>, vector<1x16xf32>,
      %get3A_254 = arith.constant 4 : i32
      %get3A_255 = arith.index_cast %get3A_254 : i32 to index
      %get3A_256 = arith.constant 0 : index
      %get3A_257 = tpu.vector_load %arg9[%get3A_255, %get3A_256] {strides = array<i32>} : memref<8x128xf32, #tpu.memory_space<vmem>>, vector<1x16xf32>,
      %get3A_258 = vector.shape_cast %get3A_257 : vector<1x16xf32> to vector<16xf32>
      %swap3A_259 = arith.constant 4 : i32
      %swap3A_260 = arith.index_cast %swap3A_259 : i32 to index
      %swap3A_261 = arith.constant 0 : index
      %swap3A_262 = tpu.vector_load %arg10[%swap3A_260, %swap3A_261] {strides = array<i32>} : memref<8x64xf32, #tpu.memory_space<vmem>>, vector<1x16xf32>,
      %swap3A_263 = vector.shape_cast %swap3A_262 : vector<1x16xf32> to vector<16xf32>
      %swap3A_264 = vector.shape_cast %get3A_258 : vector<16xf32> to vector<1x16xf32>
      tpu.vector_store %arg10[%swap3A_260, %swap3A_261], %swap3A_264 {strides = array<i32>} : memref<8x64xf32, #tpu.memory_space<vmem>>, vector<1x16xf32>,
      %get3A_265 = arith.constant 4 : i32
      %get3A_266 = arith.index_cast %get3A_265 : i32 to index
      %get3A_267 = arith.constant 16 : index
      %get3A_268 = tpu.vector_load %arg9[%get3A_266, %get3A_267] {strides = array<i32>} : memref<8x128xf32, #tpu.memory_space<vmem>>, vector<1x16xf32>,
      %get3A_269 = vector.shape_cast %get3A_268 : vector<1x16xf32> to vector<16xf32>
      %swap3A_270 = arith.constant 4 : i32
      %swap3A_271 = arith.index_cast %swap3A_270 : i32 to index
      %swap3A_272 = arith.constant 16 : index
      %swap3A_273 = tpu.vector_load %arg10[%swap3A_271, %swap3A_272] {strides = array<i32>} : memref<8x64xf32, #tpu.memory_space<vmem>>, vector<1x16xf32>,
      %swap3A_274 = vector.shape_cast %swap3A_273 : vector<1x16xf32> to vector<16xf32>
      %swap3A_275 = vector.shape_cast %get3A_269 : vector<16xf32> to vector<1x16xf32>
      tpu.vector_store %arg10[%swap3A_271, %swap3A_272], %swap3A_275 {strides = array<i32>} : memref<8x64xf32, #tpu.memory_space<vmem>>, vector<1x16xf32>,
      %get3A_276 = arith.constant 4 : i32
      %get3A_277 = arith.index_cast %get3A_276 : i32 to index
      %get3A_278 = arith.constant 32 : index
      %get3A_279 = tpu.vector_load %arg9[%get3A_277, %get3A_278] {strides = array<i32>} : memref<8x128xf32, #tpu.memory_space<vmem>>, vector<1x16xf32>,
      %get3A_280 = vector.shape_cast %get3A_279 : vector<1x16xf32> to vector<16xf32>
      %swap3A_281 = arith.constant 4 : i32
      %swap3A_282 = arith.index_cast %swap3A_281 : i32 to index
      %swap3A_283 = arith.constant 32 : index
      %swap3A_284 = tpu.vector_load %arg10[%swap3A_282, %swap3A_283] {strides = array<i32>} : memref<8x64xf32, #tpu.memory_space<vmem>>, vector<1x16xf32>,
      %swap3A_285 = vector.shape_cast %swap3A_284 : vector<1x16xf32> to vector<16xf32>
      %swap3A_286 = vector.shape_cast %get3A_280 : vector<16xf32> to vector<1x16xf32>
      tpu.vector_store %arg10[%swap3A_282, %swap3A_283], %swap3A_286 {strides = array<i32>} : memref<8x64xf32, #tpu.memory_space<vmem>>, vector<1x16xf32>,
      %get3A_287 = arith.constant 4 : i32
      %get3A_288 = arith.index_cast %get3A_287 : i32 to index
      %get3A_289 = arith.constant 48 : index
      %get3A_290 = tpu.vector_load %arg9[%get3A_288, %get3A_289] {strides = array<i32>} : memref<8x128xf32, #tpu.memory_space<vmem>>, vector<1x16xf32>,
      %get3A_291 = vector.shape_cast %get3A_290 : vector<1x16xf32> to vector<16xf32>
      %swap3A_292 = arith.constant 4 : i32
      %swap3A_293 = arith.index_cast %swap3A_292 : i32 to index
      %swap3A_294 = arith.constant 48 : index
      %swap3A_295 = tpu.vector_load %arg10[%swap3A_293, %swap3A_294] {strides = array<i32>} : memref<8x64xf32, #tpu.memory_space<vmem>>, vector<1x16xf32>,
      %swap3A_296 = vector.shape_cast %swap3A_295 : vector<1x16xf32> to vector<16xf32>
      %swap3A_297 = vector.shape_cast %get3A_291 : vector<16xf32> to vector<1x16xf32>
      tpu.vector_store %arg10[%swap3A_293, %swap3A_294], %swap3A_297 {strides = array<i32>} : memref<8x64xf32, #tpu.memory_space<vmem>>, vector<1x16xf32>,
      %get3A_298 = arith.constant 5 : i32
      %get3A_299 = arith.index_cast %get3A_298 : i32 to index
      %get3A_300 = arith.constant 0 : index
      %get3A_301 = tpu.vector_load %arg9[%get3A_299, %get3A_300] {strides = array<i32>} : memref<8x128xf32, #tpu.memory_space<vmem>>, vector<1x16xf32>,
      %get3A_302 = vector.shape_cast %get3A_301 : vector<1x16xf32> to vector<16xf32>
      %swap3A_303 = arith.constant 5 : i32
      %swap3A_304 = arith.index_cast %swap3A_303 : i32 to index
      %swap3A_305 = arith.constant 0 : index
      %swap3A_306 = tpu.vector_load %arg10[%swap3A_304, %swap3A_305] {strides = array<i32>} : memref<8x64xf32, #tpu.memory_space<vmem>>, vector<1x16xf32>,
      %swap3A_307 = vector.shape_cast %swap3A_306 : vector<1x16xf32> to vector<16xf32>
      %swap3A_308 = vector.shape_cast %get3A_302 : vector<16xf32> to vector<1x16xf32>
      tpu.vector_store %arg10[%swap3A_304, %swap3A_305], %swap3A_308 {strides = array<i32>} : memref<8x64xf32, #tpu.memory_space<vmem>>, vector<1x16xf32>,
      %get3A_309 = arith.constant 5 : i32
      %get3A_310 = arith.index_cast %get3A_309 : i32 to index
      %get3A_311 = arith.constant 16 : index
      %get3A_312 = tpu.vector_load %arg9[%get3A_310, %get3A_311] {strides = array<i32>} : memref<8x128xf32, #tpu.memory_space<vmem>>, vector<1x16xf32>,
      %get3A_313 = vector.shape_cast %get3A_312 : vector<1x16xf32> to vector<16xf32>
      %swap3A_314 = arith.constant 5 : i32
      %swap3A_315 = arith.index_cast %swap3A_314 : i32 to index
      %swap3A_316 = arith.constant 16 : index
      %swap3A_317 = tpu.vector_load %arg10[%swap3A_315, %swap3A_316] {strides = array<i32>} : memref<8x64xf32, #tpu.memory_space<vmem>>, vector<1x16xf32>,
      %swap3A_318 = vector.shape_cast %swap3A_317 : vector<1x16xf32> to vector<16xf32>
      %swap3A_319 = vector.shape_cast %get3A_313 : vector<16xf32> to vector<1x16xf32>
      tpu.vector_store %arg10[%swap3A_315, %swap3A_316], %swap3A_319 {strides = array<i32>} : memref<8x64xf32, #tpu.memory_space<vmem>>, vector<1x16xf32>,
      %get3A_320 = arith.constant 5 : i32
      %get3A_321 = arith.index_cast %get3A_320 : i32 to index
      %get3A_322 = arith.constant 32 : index
      %get3A_323 = tpu.vector_load %arg9[%get3A_321, %get3A_322] {strides = array<i32>} : memref<8x128xf32, #tpu.memory_space<vmem>>, vector<1x16xf32>,
      %get3A_324 = vector.shape_cast %get3A_323 : vector<1x16xf32> to vector<16xf32>
      %swap3A_325 = arith.constant 5 : i32
      %swap3A_326 = arith.index_cast %swap3A_325 : i32 to index
      %swap3A_327 = arith.constant 32 : index
      %swap3A_328 = tpu.vector_load %arg10[%swap3A_326, %swap3A_327] {strides = array<i32>} : memref<8x64xf32, #tpu.memory_space<vmem>>, vector<1x16xf32>,
      %swap3A_329 = vector.shape_cast %swap3A_328 : vector<1x16xf32> to vector<16xf32>
      %swap3A_330 = vector.shape_cast %get3A_324 : vector<16xf32> to vector<1x16xf32>
      tpu.vector_store %arg10[%swap3A_326, %swap3A_327], %swap3A_330 {strides = array<i32>} : memref<8x64xf32, #tpu.memory_space<vmem>>, vector<1x16xf32>,
      %get3A_331 = arith.constant 5 : i32
      %get3A_332 = arith.index_cast %get3A_331 : i32 to index
      %get3A_333 = arith.constant 48 : index
      %get3A_334 = tpu.vector_load %arg9[%get3A_332, %get3A_333] {strides = array<i32>} : memref<8x128xf32, #tpu.memory_space<vmem>>, vector<1x16xf32>,
      %get3A_335 = vector.shape_cast %get3A_334 : vector<1x16xf32> to vector<16xf32>
      %swap3A_336 = arith.constant 5 : i32
      %swap3A_337 = arith.index_cast %swap3A_336 : i32 to index
      %swap3A_338 = arith.constant 48 : index
      %swap3A_339 = tpu.vector_load %arg10[%swap3A_337, %swap3A_338] {strides = array<i32>} : memref<8x64xf32, #tpu.memory_space<vmem>>, vector<1x16xf32>,
      %swap3A_340 = vector.shape_cast %swap3A_339 : vector<1x16xf32> to vector<16xf32>
      %swap3A_341 = vector.shape_cast %get3A_335 : vector<16xf32> to vector<1x16xf32>
      tpu.vector_store %arg10[%swap3A_337, %swap3A_338], %swap3A_341 {strides = array<i32>} : memref<8x64xf32, #tpu.memory_space<vmem>>, vector<1x16xf32>,
      %get3A_342 = arith.constant 6 : i32
      %get3A_343 = arith.index_cast %get3A_342 : i32 to index
      %get3A_344 = arith.constant 0 : index
      %get3A_345 = tpu.vector_load %arg9[%get3A_343, %get3A_344] {strides = array<i32>} : memref<8x128xf32, #tpu.memory_space<vmem>>, vector<1x16xf32>,
      %get3A_346 = vector.shape_cast %get3A_345 : vector<1x16xf32> to vector<16xf32>
      %swap3A_347 = arith.constant 6 : i32
      %swap3A_348 = arith.index_cast %swap3A_347 : i32 to index
      %swap3A_349 = arith.constant 0 : index
      %swap3A_350 = tpu.vector_load %arg10[%swap3A_348, %swap3A_349] {strides = array<i32>} : memref<8x64xf32, #tpu.memory_space<vmem>>, vector<1x16xf32>,
      %swap3A_351 = vector.shape_cast %swap3A_350 : vector<1x16xf32> to vector<16xf32>
      %swap3A_352 = vector.shape_cast %get3A_346 : vector<16xf32> to vector<1x16xf32>
      tpu.vector_store %arg10[%swap3A_348, %swap3A_349], %swap3A_352 {strides = array<i32>} : memref<8x64xf32, #tpu.memory_space<vmem>>, vector<1x16xf32>,
      %get3A_353 = arith.constant 6 : i32
      %get3A_354 = arith.index_cast %get3A_353 : i32 to index
      %get3A_355 = arith.constant 16 : index
      %get3A_356 = tpu.vector_load %arg9[%get3A_354, %get3A_355] {strides = array<i32>} : memref<8x128xf32, #tpu.memory_space<vmem>>, vector<1x16xf32>,
      %get3A_357 = vector.shape_cast %get3A_356 : vector<1x16xf32> to vector<16xf32>
      %swap3A_358 = arith.constant 6 : i32
      %swap3A_359 = arith.index_cast %swap3A_358 : i32 to index
      %swap3A_360 = arith.constant 16 : index
      %swap3A_361 = tpu.vector_load %arg10[%swap3A_359, %swap3A_360] {strides = array<i32>} : memref<8x64xf32, #tpu.memory_space<vmem>>, vector<1x16xf32>,
      %swap3A_362 = vector.shape_cast %swap3A_361 : vector<1x16xf32> to vector<16xf32>
      %swap3A_363 = vector.shape_cast %get3A_357 : vector<16xf32> to vector<1x16xf32>
      tpu.vector_store %arg10[%swap3A_359, %swap3A_360], %swap3A_363 {strides = array<i32>} : memref<8x64xf32, #tpu.memory_space<vmem>>, vector<1x16xf32>,
      %get3A_364 = arith.constant 6 : i32
      %get3A_365 = arith.index_cast %get3A_364 : i32 to index
      %get3A_366 = arith.constant 32 : index
      %get3A_367 = tpu.vector_load %arg9[%get3A_365, %get3A_366] {strides = array<i32>} : memref<8x128xf32, #tpu.memory_space<vmem>>, vector<1x16xf32>,
      %get3A_368 = vector.shape_cast %get3A_367 : vector<1x16xf32> to vector<16xf32>
      %swap3A_369 = arith.constant 6 : i32
      %swap3A_370 = arith.index_cast %swap3A_369 : i32 to index
      %swap3A_371 = arith.constant 32 : index
      %swap3A_372 = tpu.vector_load %arg10[%swap3A_370, %swap3A_371] {strides = array<i32>} : memref<8x64xf32, #tpu.memory_space<vmem>>, vector<1x16xf32>,
      %swap3A_373 = vector.shape_cast %swap3A_372 : vector<1x16xf32> to vector<16xf32>
      %swap3A_374 = vector.shape_cast %get3A_368 : vector<16xf32> to vector<1x16xf32>
      tpu.vector_store %arg10[%swap3A_370, %swap3A_371], %swap3A_374 {strides = array<i32>} : memref<8x64xf32, #tpu.memory_space<vmem>>, vector<1x16xf32>,
      %get3A_375 = arith.constant 6 : i32
      %get3A_376 = arith.index_cast %get3A_375 : i32 to index
      %get3A_377 = arith.constant 48 : index
      %get3A_378 = tpu.vector_load %arg9[%get3A_376, %get3A_377] {strides = array<i32>} : memref<8x128xf32, #tpu.memory_space<vmem>>, vector<1x16xf32>,
      %get3A_379 = vector.shape_cast %get3A_378 : vector<1x16xf32> to vector<16xf32>
      %swap3A_380 = arith.constant 6 : i32
      %swap3A_381 = arith.index_cast %swap3A_380 : i32 to index
      %swap3A_382 = arith.constant 48 : index
      %swap3A_383 = tpu.vector_load %arg10[%swap3A_381, %swap3A_382] {strides = array<i32>} : memref<8x64xf32, #tpu.memory_space<vmem>>, vector<1x16xf32>,
      %swap3A_384 = vector.shape_cast %swap3A_383 : vector<1x16xf32> to vector<16xf32>
      %swap3A_385 = vector.shape_cast %get3A_379 : vector<16xf32> to vector<1x16xf32>
      tpu.vector_store %arg10[%swap3A_381, %swap3A_382], %swap3A_385 {strides = array<i32>} : memref<8x64xf32, #tpu.memory_space<vmem>>, vector<1x16xf32>,
      %get3A_386 = arith.constant 7 : i32
      %get3A_387 = arith.index_cast %get3A_386 : i32 to index
      %get3A_388 = arith.constant 0 : index
      %get3A_389 = tpu.vector_load %arg9[%get3A_387, %get3A_388] {strides = array<i32>} : memref<8x128xf32, #tpu.memory_space<vmem>>, vector<1x16xf32>,
      %get3A_390 = vector.shape_cast %get3A_389 : vector<1x16xf32> to vector<16xf32>
      %swap3A_391 = arith.constant 7 : i32
      %swap3A_392 = arith.index_cast %swap3A_391 : i32 to index
      %swap3A_393 = arith.constant 0 : index
      %swap3A_394 = tpu.vector_load %arg10[%swap3A_392, %swap3A_393] {strides = array<i32>} : memref<8x64xf32, #tpu.memory_space<vmem>>, vector<1x16xf32>,
      %swap3A_395 = vector.shape_cast %swap3A_394 : vector<1x16xf32> to vector<16xf32>
      %swap3A_396 = vector.shape_cast %get3A_390 : vector<16xf32> to vector<1x16xf32>
      tpu.vector_store %arg10[%swap3A_392, %swap3A_393], %swap3A_396 {strides = array<i32>} : memref<8x64xf32, #tpu.memory_space<vmem>>, vector<1x16xf32>,
      %get3A_397 = arith.constant 7 : i32
      %get3A_398 = arith.index_cast %get3A_397 : i32 to index
      %get3A_399 = arith.constant 16 : index
      %get3A_400 = tpu.vector_load %arg9[%get3A_398, %get3A_399] {strides = array<i32>} : memref<8x128xf32, #tpu.memory_space<vmem>>, vector<1x16xf32>,
      %get3A_401 = vector.shape_cast %get3A_400 : vector<1x16xf32> to vector<16xf32>
      %swap3A_402 = arith.constant 7 : i32
      %swap3A_403 = arith.index_cast %swap3A_402 : i32 to index
      %swap3A_404 = arith.constant 16 : index
      %swap3A_405 = tpu.vector_load %arg10[%swap3A_403, %swap3A_404] {strides = array<i32>} : memref<8x64xf32, #tpu.memory_space<vmem>>, vector<1x16xf32>,
      %swap3A_406 = vector.shape_cast %swap3A_405 : vector<1x16xf32> to vector<16xf32>
      %swap3A_407 = vector.shape_cast %get3A_401 : vector<16xf32> to vector<1x16xf32>
      tpu.vector_store %arg10[%swap3A_403, %swap3A_404], %swap3A_407 {strides = array<i32>} : memref<8x64xf32, #tpu.memory_space<vmem>>, vector<1x16xf32>,
      %get3A_408 = arith.constant 7 : i32
      %get3A_409 = arith.index_cast %get3A_408 : i32 to index
      %get3A_410 = arith.constant 32 : index
      %get3A_411 = tpu.vector_load %arg9[%get3A_409, %get3A_410] {strides = array<i32>} : memref<8x128xf32, #tpu.memory_space<vmem>>, vector<1x16xf32>,
      %get3A_412 = vector.shape_cast %get3A_411 : vector<1x16xf32> to vector<16xf32>
      %swap3A_413 = arith.constant 7 : i32
      %swap3A_414 = arith.index_cast %swap3A_413 : i32 to index
      %swap3A_415 = arith.constant 32 : index
      %swap3A_416 = tpu.vector_load %arg10[%swap3A_414, %swap3A_415] {strides = array<i32>} : memref<8x64xf32, #tpu.memory_space<vmem>>, vector<1x16xf32>,
      %swap3A_417 = vector.shape_cast %swap3A_416 : vector<1x16xf32> to vector<16xf32>
      %swap3A_418 = vector.shape_cast %get3A_412 : vector<16xf32> to vector<1x16xf32>
      tpu.vector_store %arg10[%swap3A_414, %swap3A_415], %swap3A_418 {strides = array<i32>} : memref<8x64xf32, #tpu.memory_space<vmem>>, vector<1x16xf32>,
      %get3A_419 = arith.constant 7 : i32
      %get3A_420 = arith.index_cast %get3A_419 : i32 to index
      %get3A_421 = arith.constant 48 : index
      %get3A_422 = tpu.vector_load %arg9[%get3A_420, %get3A_421] {strides = array<i32>} : memref<8x128xf32, #tpu.memory_space<vmem>>, vector<1x16xf32>,
      %get3A_423 = vector.shape_cast %get3A_422 : vector<1x16xf32> to vector<16xf32>
      %swap3A_424 = arith.constant 7 : i32
      %swap3A_425 = arith.index_cast %swap3A_424 : i32 to index
      %swap3A_426 = arith.constant 48 : index
      %swap3A_427 = tpu.vector_load %arg10[%swap3A_425, %swap3A_426] {strides = array<i32>} : memref<8x64xf32, #tpu.memory_space<vmem>>, vector<1x16xf32>,
      %swap3A_428 = vector.shape_cast %swap3A_427 : vector<1x16xf32> to vector<16xf32>
      %swap3A_429 = vector.shape_cast %get3A_423 : vector<16xf32> to vector<1x16xf32>
      tpu.vector_store %arg10[%swap3A_425, %swap3A_426], %swap3A_429 {strides = array<i32>} : memref<8x64xf32, #tpu.memory_space<vmem>>, vector<1x16xf32>,
      %add3A_430 = arith.addi %add3A_60, %add3A_79 : i32
      "tpu.region"() ({
        %run_scoped3A = tpu.sem_alloc : memref<!tpu.dma_semaphore, #tpu.memory_space<semaphore_mem>>
        %dma_start3A = arith.constant 0 : i32
        %dma_start3A_431 = tpu.memref_slice %arg5[%add3A_430, %dma_start3A] : memref<102400x64xf32, #tpu.memory_space<hbm>> -> memref<8x64xf32, #tpu.memory_space<hbm>>
        %dma_start3A_432 = arith.constant 0 : i32
        %dma_start3A_433 = tpu.memref_slice %arg5[%add3A_430, %dma_start3A_432] : memref<102400x64xf32, #tpu.memory_space<hbm>> -> memref<8x64xf32, #tpu.memory_space<hbm>>
        tpu.enqueue_dma source(%arg10 : memref<8x64xf32, #tpu.memory_space<vmem>>) target(%dma_start3A_433 : memref<8x64xf32, #tpu.memory_space<hbm>>) target_semaphore(%run_scoped3A : memref<!tpu.dma_semaphore, #tpu.memory_space<semaphore_mem>>)
        %dma_wait3A = arith.constant 0 : i32
        %dma_wait3A_434 = tpu.memref_slice %arg5[%add3A_430, %dma_wait3A] : memref<102400x64xf32, #tpu.memory_space<hbm>> -> memref<8x64xf32, #tpu.memory_space<hbm>>
        %dma_wait3A_435 = arith.constant 0 : i32
        %dma_wait3A_436 = tpu.memref_slice %arg5[%add3A_430, %dma_wait3A_435] : memref<102400x64xf32, #tpu.memory_space<hbm>> -> memref<8x64xf32, #tpu.memory_space<hbm>>
        tpu.wait_dma2 semaphore(%run_scoped3A : memref<!tpu.dma_semaphore, #tpu.memory_space<semaphore_mem>>) src(%arg10 : memref<8x64xf32, #tpu.memory_space<vmem>>) dst(%dma_wait3A_436 : memref<8x64xf32, #tpu.memory_space<hbm>>)
        tpu.yield
      }) : () -> ()
    }
    %scan3A_74 = arith.constant 100 : i32
    %barrier3A_75 = arith.constant 0 : index
    tpu.barrier barrier_id(%barrier3A_75)
    return
  }
}

</mosaic_0001>

<sc_bundles>
// kernel: _run.3.cloned.1.call-start
scs
__scs_entry_jumppad:
0x0: {  	(pc) =	sbr.rel $0x88, $3  }
0x1: {  	(tag) =	ssettag $0x0;
	lr =	simm.s32 $0x1  }
0x2: {  	[smem:$0x3F9F] =	sst lr;
	_ =	strace $0xD0000000  }
0x3: {  	_ = 	snop  }
0x4: {  	_ = 	snop  }
0x5: {  	_ = 	snop  }
0x6: {  	_ = 	snop  }
0x7: {  	_ = 	snop  }
__scs_overlays_trampoline_lowered:
0x8: {  	[smem:$0x3FAE] =	sst s0  }
0x9: {  	[smem:$0x3FAF] =	sst s1  }
0xa: {  	[smem:$0x3FB0] =	sst s2  }
0xb: {  	[smem:$0x3FB1] =	sst s3  }
0xc: {  	[smem:$0x3FB2] =	sst s4  }
0xd: {  	[smem:$0x3FB3] =	sst s5  }
0xe: {  	[smem:$0x3FB4] =	sst s6  }
0xf: {  	[smem:$0x3FB5] =	sst s7  }
0x10: {  	[smem:$0x3FB6] =	sst s8  }
0x11: {  	[smem:$0x3FB7] =	sst s9;
	s0 =	simm.s32 @!p0 $0x0  }
0x12: {  	s1 =	sld [smem:$0x3F9D];
	s0 =	simm.s32 @p0 $0x1  }
0x13: {  	[smem:$0x3FB8] =	sst s0;
	s0 =	simm.s32 @!p1 $0x0  }
0x14: {  	s2 =	sld [smem:$0x3F9C];
	s0 =	simm.s32 @p1 $0x1  }
0x15: {  	[smem:$0x3FB9] =	sst s0;
	s0 =	simm.s32 @!p2 $0x0  }
0x16: {  	s3 =	sld [smem:$0x3FDB];
	s0 =	simm.s32 @p2 $0x1  }
0x17: {  	s4 =	simm.s32 $0x1BF5;
	[smem:$0x3FBB] =	sst s0  }
0x18: {  	s0 =	sld [smem:$0x3F9E];
	_ =	swait.ge [sflag:s4], $0x0  }
0x19: {  	s7 =	sld [smem:$0x3F9F]  }
0x1a: {  	s8 =	sadd.s32 $0xFFFFE003, lr  }
0x1b: {  	s9 =	sadd.s32 $0xFFFFFEF7, lr;
	s5 =	simm.s32 $0xFFFFFFFF;
	p2 =	slt.u32 s8, $0xFFFFF086  }
0x1c: {  	p1 =	slt.u32 s9, $0xF7A;
	s5 =	simm.s32 @!p2 $0x0  }
0x1d: {  	s5 =	simm.s32 @p1 $0x1;
	p0 =	seq.s32 s7, s2  }
0x1e: {  	s7 =	smul.u32 @!p0 $0xF7A, s2;
	p2 =	seq.s32 @!p0 s5, $0x0  }
0x1f: {  	s9 =	smul.u32 $0xF7A, s1;
	s8 =	simm.s32 @!p0 $0x1BF5;
	p2 =	por !p2, p0  }
0x20: {  	[sflag:s8] =	ssyncset.s32 @!p0 $0xFFFFF086;
	s6 =	sadd.s32 @!p0 s3, s7;
	s7 =	simm.s32 @!p0 $0x108  }
0x21: {  	s3 =	sadd.s32 s3, s9;
	s6 =	sadd.s32 @!p0 $0x88, s6;
	s7 =	simm.s32 @p2 $0x1082  }
0x22: {  	[simem:s7], [sflag:s8] =	dma.local @!p0 [hbm:s6], $0xF7A  }
0x23: {  	s9 =	sor.u32 $0xD0000000, s2;
	s6 =	simm.s32 $0x108;
	_ =	swait.ge @!p0 [sflag:s8], $0x0  }
0x24: {  	s3 =	sadd.s32 $0x88, s3;
	s6 =	simm.s32 @!p1 $0x1082;
	[sflag:s4] =	ssyncset.s32 $0xFFFFF086  }
0x25: {  	[simem:s6], [sflag:s4] =	dma.local [hbm:s3], $0xF7A  }
0x26: {  	[smem:$0x3F9F] =	sst s1;
	(tag) =	ssettag s2;
	_ =	strace s9  }
0x27: {  	s1 =	sld [smem:$0x3FAF]  }
0x28: {  	s2 =	sld [smem:$0x3FB0]  }
0x29: {  	s4 =	sld [smem:$0x3FB2]  }
0x2a: {  	p0 =	seq.s32 s5, $0x0;
	s5 =	sld [smem:$0x3FB3]  }
0x2b: {  	s6 =	sld [smem:$0x3FB4]  }
0x2c: {  	s7 =	sld [smem:$0x3FB5]  }
0x2d: {  	s3 =	simm.s32 $0x108;
	s8 =	sld [smem:$0x3FB6]  }
0x2e: {  	s3 =	simm.s32 @!p0 $0x1082;
	s9 =	sld [smem:$0x3FB7]  }
0x2f: {  	lr =	sadd.s32 s0, s3;
	s0 =	sld [smem:$0x3FAE]  }
0x30: {  	s3 =	sld [smem:$0x3FB1]  }
0x31: {  	[smem:$0x3FBA] =	sst s10  }
0x32: {  	s10 =	sld [smem:$0x3FB8];
	_ =	sdelay $0x3  }
0x33: {  	p0 =	seq.s32 s10, $0x1;
	s10 =	sld [smem:$0x3FBA];
	_ =	sdelay $0x3  }
0x34: {  	[smem:$0x3FBA] =	sst s10  }
0x35: {  	s10 =	sld [smem:$0x3FB9];
	_ =	sdelay $0x3  }
0x36: {  	p1 =	seq.s32 s10, $0x1;
	s10 =	sld [smem:$0x3FBA];
	_ =	sdelay $0x3  }
0x37: {  	[smem:$0x3FBA] =	sst s10  }
0x38: {  	s10 =	sld [smem:$0x3FBB]  }
0x39: {  	_ = 	snop;
	(pc) =	sbr.ind lr, $3  }
0x3a: {  	_ = 	snop  }
0x3b: {  	_ = 	snop  }
0x3c: {  	p2 =	seq.s32 s10, $0x1;
	s10 =	sld [smem:$0x3FBA]  }
0x3d: {  	_ =	shalt  }
0x3e: {  	_ =	shalt  }
0x3f: {  	_ =	shalt  }
0x40: {  	_ =	shalt  }
0x41: {  	_ =	shalt  }
0x42: {  	_ =	shalt  }
0x43: {  	_ =	shalt  }
0x44: {  	_ =	shalt  }
0x45: {  	_ =	shalt  }
0x46: {  	_ =	shalt  }
0x47: {  	_ =	shalt  }
0x48: {  	_ =	shalt  }
0x49: {  	_ =	shalt  }
0x4a: {  	_ =	shalt  }
0x4b: {  	_ =	shalt  }
0x4c: {  	_ =	shalt  }
0x4d: {  	_ =	shalt  }
0x4e: {  	_ =	shalt  }
0x4f: {  	_ =	shalt  }
0x50: {  	_ =	shalt  }
0x51: {  	_ =	shalt  }
0x52: {  	_ =	shalt  }
0x53: {  	_ =	shalt  }
0x54: {  	_ =	shalt  }
0x55: {  	_ =	shalt  }
0x56: {  	_ =	shalt  }
0x57: {  	_ =	shalt  }
0x58: {  	_ =	shalt  }
0x59: {  	_ =	shalt  }
0x5a: {  	_ =	shalt  }
0x5b: {  	_ =	shalt  }
0x5c: {  	_ =	shalt  }
0x5d: {  	_ =	shalt  }
0x5e: {  	_ =	shalt  }
0x5f: {  	_ =	shalt  }
0x60: {  	_ =	shalt  }
0x61: {  	_ =	shalt  }
0x62: {  	_ =	shalt  }
0x63: {  	_ =	shalt  }
0x64: {  	_ =	shalt  }
0x65: {  	_ =	shalt  }
0x66: {  	_ =	shalt  }
0x67: {  	_ =	shalt  }
0x68: {  	_ =	shalt  }
0x69: {  	_ =	shalt  }
0x6a: {  	_ =	shalt  }
0x6b: {  	_ =	shalt  }
0x6c: {  	_ =	shalt  }
0x6d: {  	_ =	shalt  }
0x6e: {  	_ =	shalt  }
0x6f: {  	_ =	shalt  }
0x70: {  	_ =	shalt  }
0x71: {  	_ =	shalt  }
0x72: {  	_ =	shalt  }
0x73: {  	_ =	shalt  }
0x74: {  	_ =	shalt  }
0x75: {  	_ =	shalt  }
0x76: {  	_ =	shalt  }
0x77: {  	_ =	shalt  }
0x78: {  	_ =	shalt  }
0x79: {  	_ =	shalt  }
0x7a: {  	_ =	shalt  }
0x7b: {  	_ =	shalt  }
0x7c: {  	_ =	shalt  }
0x7d: {  	_ =	shalt  }
0x7e: {  	_ =	shalt  }
0x7f: {  	_ =	shalt  }
0x80: {  	_ =	shalt  }
0x81: {  	_ =	shalt  }
0x82: {  	_ =	shalt  }
0x83: {  	_ =	shalt  }
0x84: {  	_ =	shalt  }
0x85: {  	_ =	shalt  }
0x86: {  	_ =	shalt  }
0x87: {  	_ =	shalt  }
.Lfunc_end0:
.L_simem_size_0:
called_computation_lowered:
.L_overlay_start_0:
0x88: {  	s2 =	sld [smem:$0x3FD9]  }
0x89: {  	s3 =	sld [smem:$0x3FFE];
	_ =	sdelay $0x1  }
0x8a: {  	s1 =	srdreg.scid  }
0x8b: {  	s0 =	sand.u32 $0x1, s1  }
0x8c: {  	s17 =	sshll.u32 s0, $0xA;
	s2 =	sadd.s32 s3, s2  }
0x8d: {  	s2 =	sadd.s32 s2, s17  }
0x8e: {  	[smem:$0x3FC6] =	sst s2  }
0x8f: {  	_ = 	snop  }
0x90: {  	s2 =	sld [smem:$0x3FC9]  }
0x91: {  	s18 =	sld [smem:$0x3FC8]  }
0x92: {  	s4 =	sld [smem:$0x3FD0];
	(tm) =	ssettm $0x1  }
0x93: {  	s5 =	sld [smem:$0x3FFB];
	_ =	sdelay $0x3  }
0x94: {  	_ =	strace s5  }
0x95: {  	s5 =	sld [smem:$0x3FFC];
	_ =	sdelay $0x3  }
0x96: {  	_ =	strace s5  }
0x97: {  	s5 =	sld [smem:$0x3FFD];
	_ =	sdelay $0x3  }
0x98: {  	_ =	strace s5  }
0x99: {  	_ =	strace $0x8FFFFFFF  }
0x9a: {  	s19 =	sld [smem:$0x3FDB];
	_ =	sdelay $0x1  }
0x9b: {  	s6 =	simm.s32 $_scs_section_size  }
0x9c: {  	s7 =	simm.s32 $_size__tile_overlayer_lowered;
	s8 =	simm.s32 $_tile_overlayer_lowered  }
0x9d: {  	s22 =	simm.s32 $0x1BFF;
	s21 =	sshll.u32 s8, $0x1;
	s5 =	sadd.s32 s6, s19  }
0x9e: {  	s9 =	simm.s32 $0x0;
	s20 =	sshll.u32 s7, $0x1;
	s7 =	sadd.s32 s21, s5  }
0x9f: {  	[timem:s9], [sflag:s22] =	dma.local [hbm:s7], s20  }
0xa0: {  	_ =	swait.ge [sflag:s22], s20  }
0xa1: {  	s6 =	ssub.s32 $0x0, s20;
	[sflag:s22] =	ssyncset.done $0x0  }
0xa2: {  	[sflag:s22] =	ssyncadd.s32 s6;
	_ =	sdelay $0x1  }
0xa3: {  	s23 =	simm.s32 $0x1B8B  }
0xa4: {  	_ =	swait.ge [sflag:s23], $0x1  }
0xa5: {  	[sflag:s23] =	ssyncset.done $0x0  }
0xa6: {  	s25 =	simm.s32 $0x1B8E;
	s24 =	sld [smem:$0x3FFE];
	[sflag:s23] =	ssyncadd.s32 $0xFFFFFFFF  }
0xa7: {  	s26 =	simm.s32 $execute0_lowered;
	[smem:$0x3FD2] =	sst s25  }
0xa8: {  	s7 =	sshll.u32 s26, $0x1;
	_ =	strace $0x80000046;
	[dreg:$0x1] =	wrdreg $0xFFFFFFFF  }
0xa9: {  	s28 =	simm.s32 $_size_execute0_lowered;
	s5 =	sadd.s32 s5, s7;
	[dreg:$0x0] =	wrdreg $0x0  }
0xaa: {  	s7 =	sshll.u32 s28, $0x1;
	[dreg:$0x2] =	wrdreg s5  }
0xab: {  	[dreg:$0x3] =	wrdreg s7  }
0xac: {  	[dreg:$0x4] =	wrdreg $0xC0  }
0xad: {  	_ =	task [dreg:s9], $0x5FFFF  }
0xae: {  	[dreg:$0x1] =	wrdreg $0xFFFFFFFF  }
0xaf: {  	[dreg:$0x0] =	wrdreg $0x60  }
0xb0: {  	[dreg:$0x2] =	wrdreg s2  }
0xb1: {  	[dreg:$0x3] =	wrdreg s18  }
0xb2: {  	[dreg:$0x4] =	wrdreg s4  }
0xb3: {  	[dreg:$0x5] =	wrdreg s24  }
0xb4: {  	[dreg:$0x6] =	wrdreg $0x2F800  }
0xb5: {  	[dreg:$0x7] =	wrdreg $0x9  }
0xb6: {  	_ =	task.clear_ibuf [dreg:s9], $0x8FFFF;
	_ =	strace $0x90000046  }
0xb7: {  	s29 =	simm.s32 $0x9;
	_ =	strace $0x80000048  }
0xb8: {  	_ =	swait.ge [sflag:s29], $0x1  }
0xb9: {  	[sflag:s29] =	ssyncadd.s32 $0xFFFFFFFF  }
0xba: {  	_ =	strace $0x90000048  }
0xbb: {  	_ =	sfence  }
0xbc: {  	s30 =	sld [smem:$0x0];
	_ =	sdelay $0x2  }
0xbd: {  	s31 =	sshll.u32 s1, $0xD;
	s1 =	sshrl.u32 s1, $0x2  }
0xbe: {  	s3 =	sand.u32 $0x4000, s31;
	s1 =	sadd.s32 s1, s30  }
0xbf: {  	s0 =	sor.u32 s3, s0;
	s1 =	sshll.u32 s1, $0x11  }
0xc0: {  	s0 =	sor.u32 s1, s0  }
0xc1: {  	s0 =	sadd.s32 $0x8F2B, s0  }
0xc2: {  	[sflag:s0] =	ssyncadd.remote.s32 $0x1  }
0xc3: {  	_ =	sfence.sel $0xFFFF  }
0xc4: {  	[dreg:$0x0] =	wrdreg $0xFFFFFFFF;
	(pc) =	sbr.abs _section_cstart, $3  }
0xc5: {  	[dreg:$0x1] =	wrdreg $0xFFFFFFFF  }
0xc6: {  	_ =	task.clear_ibuf [dreg:s9], $0x2FFFF;
	_ =	strace $0x9FFFFFFF  }
0xc7: {  	(tm) =	ssettm $0x7FFFFFFF  }
tec
execute0_lowered:
.L_overlay_start_1:
0x0: {  	(tag) =	ssettag $0x1  }
0x1: {  	s1 =	rddreg [dreg:$0x0]  }
0x2: {  	s0 =	rddreg [dreg:$0x3]  }
0x3: {  	s4 =	rddreg [dreg:$0x4];
	s5 =	simm.s32 $0x0;
	s3 =	srdreg.scid  }
0x4: {  	s2 =	stileid.u32;
	s17 =	simm.s32 $0x3;
	s18 =	simm.s32 $0x780  }
0x5: {  	s19 =	simm.s32 $0x20;
	s20 =	simm.s32 $0x680;
	s21 =	simm.s32 $0x1780  }
0x6: {  	s22 =	simm.s32 $0x1;
	[smem:$0x7FF] =	sst s5;
	s3 =	sand.u32 $0x1, s3  }
0x7: {  	s9 =	smul.u32 $0x64000, s2;
	s28 =	sshll.u32 s2, $0x6;
	s10 =	sadd.s32 $0x200, s1  }
0x8: {  	s6 =	smul.u32 $0xC8000, s3;
	s7 =	ssub.s32 $0x2, s3;
	_ =	strace $0x80000047  }
0x9: {  	s3 =	smul.u32 $0xC800, s3;
	s30 =	sor.u32 $0x1C03, s28;
	s8 =	sshrl.u32 s7, $0x1  }
0xa: {  	s26 =	sshrl.u32 s9, $0x2;
	[dreg:$0x7] =	wrdreg s30;
	s0 =	sadd.s32 s6, s0  }
0xb: {  	s23 =	ssub.s32 s7, s8;
	s7 =	smul.u32 $0x3200, s2;
	s29 =	sadd.s32 s26, s4  }
0xc: {  	s11 =	sadd.s32 $0x3200, s3;
	s24 =	sadd.s32 $0x6400, s3;
	s25 =	sadd.s32 $0x9600, s3  }
0xd: {  	s26 =	sadd.s32 $0xC800, s3;
	s2 =	simm.s32 $0x0;
	s6 =	smax.u32 s23, $0x1  }
0xe: {  	[dreg:$0x6] =	wrdreg s29;
	s31 =	sshrl.u32 s29, $0x3;
	s23 =	simm.s32 $0x2  }
0xf: {  	v2 =	vmov s24;
	s24 =	simm.s32 $0x2780;
	[dreg:$0x8] =	wrdreg s6;
	s0 =	sadd.s32 s7, s0  }
0x10: {  	v3 =	vmov s25;
	s25 =	simm.s32 $0x2B80;
	[dreg:$0x9] =	wrdreg s31;
	s12 =	sadd.s32 $0x400, s0  }
0x11: {  	v0 =	vmov s3;
	v1 =	vmov s11;
	v4 =	vmov s26;
	s13 =	sadd.s32 $0x32400, s0;
	s14 =	sadd.s32 $0x64400, s0;
	s15 =	sadd.s32 $0x96400, s0  }
.LBB2_1:
0x12: {  	[dreg:$0xa] =	wrdreg s2  }
0x13: {  	s0 =	rddreg [dreg:$0x2]  }
0x14: {  	s31 =	rddreg [dreg:$0x7]  }
0x15: {  	s3 =	rddreg [dreg:$0x9]  }
0x16: {  	[spmem:s3], [sflag:s31] =	dma.local [hbm:s0], $0x3200  }
0x17: {  	_ =	swait.ge [sflag:s17], $0x3200  }
0x18: {  	[sflag:s17] =	ssyncset.done $0x0  }
0x19: {  	[sflag:s17] =	ssyncadd.s32 $0xFFFFCE00  }
0x1a: {  	s28 =	simm.s32 $0x0;
	[bflag:$0x0] =	sbarrier.arrive $0xFFFF  }
.LBB2_2:
0x1b: {  	s0 =	smul.u32 $0x640, s28;
	_ =	sdelay $0x1  }
0x1c: {  	s29 =	sadd.s32 s7, s0  }
0x1d: {  	s2 =	rddreg [dreg:$0x1];
	s0 =	sshrl.u32 s29, $0x3  }
0x1e: {  	s0 =	sadd.s32 s2, s0  }
0x1f: {  	[tilespmem:s5], [sflag:$0x3] =	stream.linear.gather [hbm4b:s0+s5], $0x640, $0x38;
	[tilespmem:$0x1BFC0] =	vst v63  }
0x20: {  	_ =	swait.ge [sflag:s17], $0x640  }
0x21: {  	[sflag:s17] =	ssyncset.done $0x0  }
0x22: {  	[sflag:s17] =	ssyncadd.s32 $0xFFFFF9C0  }
0x23: {  	v5 =	vld [tilespmem:$0x0];
	_ =	sdelay $0x1  }
0x24: {  	v6 =	vld [tilespmem:$0x10];
	_ =	sdelay $0x2  }
0x25: {  	vm0 =	vge.s32 v5, v0;
	vm1 =	vlt.s32 v5, v1  }
0x26: {  	vm2 =	vne.s32 v5, $0x0;
	vm0 =	vmand vm0, vm1  }
0x27: {  	vm1 =	vge.s32 v6, v0;
	vm0 =	vmand vm2, vm0;
	vm2 =	vlt.s32 v6, v1  }
0x28: {  	v5 =	vsub.s32 v5, v0;
	vm1 =	vmand vm1, vm2;
	vm2 =	vne.s32 v6, $0x0  }
0x29: {  	v5 =	vnsel vm0, $0x3200, v5;
	v6 =	vsub.s32 v6, v0;
	vm0 =	vmand vm2, vm1  }
0x2a: {  	s9 =	sshll.u32 s29, $0x4;
	[tilespmem:$0x680] =	vst v5;
	v5 =	vnsel vm0, $0x3200, v6  }
0x2b: {  	s11 =	simm.s32 $0x2;
	s3 =	sadd.s32 s1, s9;
	[tilespmem:$0x690] =	vst v5  }
0x2c: {  	[tilespmem:s18], [sflag:$0x2] =	stream.linear.gather [hbm4b:s3+s5], $0x1000, $0x38;
	[tilespmem:$0x1BFC0] =	vst v63  }
0x2d: {  	_ =	swait.ge [sflag:s11], $0x1000  }
0x2e: {  	[sflag:s11] =	ssyncset.done $0x0  }
0x2f: {  	[sflag:s11] =	ssyncadd.s32 $0xFFFFF000  }
0x30: {  	[spmem:s4] =	stream.indirect.scatter.add.f32 [tilespmem:s18], [sflag:$0x1], $0x80, s20, s19, $0xb8;
	[tilespmem:$0x1BFC0] =	vst v63  }
0x31: {  	s0 =	sadd.s32 s9, s10  }
0x32: {  	[tilespmem:s21], [sflag:$0x2] =	stream.linear.gather [hbm4b:s0+s5], $0x1000, $0x38;
	[tilespmem:$0x1BFC0] =	vst v63  }
0x33: {  	v5 =	vld [tilespmem:$0x20];
	_ =	sdelay $0x1  }
0x34: {  	v6 =	vld [tilespmem:$0x30];
	_ =	sdelay $0x2  }
0x35: {  	vm0 =	vge.s32 v5, v0;
	vm1 =	vlt.s32 v5, v1  }
0x36: {  	vm2 =	vne.s32 v5, $0x0;
	vm0 =	vmand vm0, vm1  }
0x37: {  	vm1 =	vge.s32 v6, v0;
	vm0 =	vmand vm2, vm0;
	vm2 =	vlt.s32 v6, v1  }
0x38: {  	v5 =	vsub.s32 v5, v0;
	vm1 =	vmand vm1, vm2;
	vm2 =	vne.s32 v6, $0x0  }
0x39: {  	v5 =	vnsel vm0, $0x3200, v5;
	v6 =	vsub.s32 v6, v0;
	vm0 =	vmand vm2, vm1  }
0x3a: {  	s26 =	simm.s32 $0x1;
	s16 =	smin.u32 s11, $0x31;
	[tilespmem:$0x700] =	vst v5;
	v5 =	vnsel vm0, $0x3200, v6  }
0x3b: {  	s3 =	sand.u32 $0x1, s26;
	s0 =	sshll.u32 s16, $0x5;
	[tilespmem:$0x710] =	vst v5  }
0x3c: {  	s11 =	sxor.u32 $0x1, s3;
	s6 =	sadd.s32 s29, s0;
	_ =	swait.ge [sflag:s22], $0x1000  }
0x3d: {  	s30 =	sshll.u32 s11, $0xC;
	s6 =	sshll.u32 s6, $0x4;
	[sflag:s22] =	ssyncset.done $0x0  }
0x3e: {  	s30 =	sor.u32 $0x780, s30;
	s6 =	sadd.s32 s1, s6;
	[sflag:s22] =	ssyncadd.s32 $0xFFFFF000  }
0x3f: {  	[tilespmem:s30], [sflag:$0x2] =	stream.linear.gather [hbm4b:s6+s5], $0x1000, $0x38;
	[tilespmem:$0x1BFC0] =	vst v63  }
0x40: {  	v5 =	vld [tilespmem:s0+$0x0];
	_ =	sdelay $0x4  }
0x41: {  	vm0 =	vge.s32 v5, v0;
	vm1 =	vlt.s32 v5, v1  }
0x42: {  	vm2 =	vne.s32 v5, $0x0;
	vm0 =	vmand vm0, vm1  }
0x43: {  	v5 =	vsub.s32 v5, v0;
	vm0 =	vmand vm2, vm0  }
0x44: {  	s11 =	sshll.u32 s11, $0x7;
	v5 =	vnsel vm0, $0x3200, v5  }
0x45: {  	[tilespmem:s11+$0x680] =	vst v5  }
0x46: {  	v6 =	vld [tilespmem:s0+$0x10];
	_ =	sdelay $0x4  }
0x47: {  	s31 =	sshll.u32 s3, $0x7;
	s6 =	simm.s32 $0x3;
	vm1 =	vge.s32 v6, v0;
	vm2 =	vlt.s32 v6, v1  }
0x48: {  	s30 =	simm.s32 $0x4;
	s0 =	sshll.u32 s3, $0xC;
	s3 =	smin.u32 s6, $0x31;
	v5 =	vsub.s32 v6, v0;
	vm0 =	vne.s32 v6, $0x0;
	vm1 =	vmand vm1, vm2  }
.LBB2_3:
0x49: {  	p0 =	sne.s32 s30, $0x32  }
0x4a: {  	s3 =	sshll.u32 s3, $0x5;
	vm0 =	vmand vm0, vm1;
	s9 =	smov.u32 s30;
	s30 =	sadd.s32 $0x1, s30  }
0x4b: {  	s16 =	sadd.s32 s29, s3;
	v5 =	vnsel vm0, $0x3200, v5  }
0x4c: {  	s6 =	sadd.s32 $0xFFFFFFFF, s6;
	s16 =	sshll.u32 s16, $0x4;
	[tilespmem:s11+$0x690] =	vst v5;
	s11 =	sor.u32 $0x780, s0  }
0x4d: {  	s26 =	sadd.s32 $0x680, s31;
	s6 =	sand.u32 $0x1, s6;
	_ =	swait.ge [sflag:s23], $0x1000  }
0x4e: {  	s8 =	sxor.u32 $0x1, s6;
	s0 =	sshll.u32 s6, $0xC;
	[sflag:s23] =	ssyncset.done $0x0  }
0x4f: {  	s31 =	sshll.u32 s6, $0x7;
	s2 =	sshll.u32 s8, $0xC;
	[sflag:s23] =	ssyncadd.s32 $0xFFFFF000  }
0x50: {  	[spmem:s4] =	stream.indirect.scatter.add.f32 [tilespmem:s11], [sflag:$0x1], $0x80, s26, s19, $0xb8;
	[tilespmem:$0x1BFC0] =	vst v63  }
0x51: {  	s6 =	smov.u32 s9;
	_ =	swait.ge [sflag:s22], $0x1000  }
0x52: {  	[sflag:s22] =	ssyncset.done $0x0  }
0x53: {  	s9 =	sadd.s32 s1, s16;
	s2 =	sor.u32 $0x780, s2;
	[sflag:s22] =	ssyncadd.s32 $0xFFFFF000  }
0x54: {  	[tilespmem:s2], [sflag:$0x2] =	stream.linear.gather [hbm4b:s9+s5], $0x1000, $0x38;
	[tilespmem:$0x1BFC0] =	vst v63  }
0x55: {  	v5 =	vld [tilespmem:s3+$0x0];
	_ =	sdelay $0x4  }
0x56: {  	vm0 =	vge.s32 v5, v0;
	vm1 =	vlt.s32 v5, v1  }
0x57: {  	vm2 =	vne.s32 v5, $0x0;
	vm0 =	vmand vm0, vm1  }
0x58: {  	v5 =	vsub.s32 v5, v0;
	vm0 =	vmand vm2, vm0  }
0x59: {  	s11 =	sshll.u32 s8, $0x7;
	v5 =	vnsel vm0, $0x3200, v5  }
0x5a: {  	[tilespmem:s11+$0x680] =	vst v5  }
0x5b: {  	v6 =	vld [tilespmem:s3+$0x10];
	_ =	sdelay $0x1  }
.Ltmp0:
0x5c: {  	(pc) =	sbr.rel @p0 .LBB2_3-.Ltmp0, $3  }
0x5d: {  	_ =	sdelay $0x1  }
0x5e: {  	vm1 =	vge.s32 v6, v0;
	vm2 =	vlt.s32 v6, v1;
	v5 =	vsub.s32 v6, v0  }
0x5f: {  	s3 =	smin.u32 s6, $0x31;
	vm0 =	vne.s32 v6, $0x0;
	vm1 =	vmand vm1, vm2  }
0x60: {  	vm0 =	vmand vm0, vm1  }
0x61: {  	v5 =	vnsel vm0, $0x3200, v5  }
0x62: {  	[tilespmem:s11+$0x690] =	vst v5  }
0x63: {  	s2 =	sshll.u32 s3, $0x5;
	_ =	swait.ge [sflag:s23], $0x1000  }
0x64: {  	s9 =	sadd.s32 $0xFFFFFFFF, s6;
	s0 =	sor.u32 $0x780, s0;
	[sflag:s23] =	ssyncset.done $0x0  }
0x65: {  	s3 =	sand.u32 $0x1, s9;
	s11 =	sadd.s32 $0x680, s31;
	[sflag:s23] =	ssyncadd.s32 $0xFFFFF000  }
0x66: {  	[spmem:s4] =	stream.indirect.scatter.add.f32 [tilespmem:s0], [sflag:$0x1], $0x80, s11, s19, $0xb8;
	[tilespmem:$0x1BFC0] =	vst v63  }
0x67: {  	s16 =	sadd.s32 s29, s2;
	s26 =	sxor.u32 $0x1, s3;
	_ =	swait.ge [sflag:s22], $0x1000  }
0x68: {  	s8 =	sshll.u32 s26, $0xC;
	s0 =	sshll.u32 s16, $0x4;
	[sflag:s22] =	ssyncset.done $0x0  }
0x69: {  	s8 =	sor.u32 $0x780, s8;
	s0 =	sadd.s32 s1, s0;
	[sflag:s22] =	ssyncadd.s32 $0xFFFFF000  }
0x6a: {  	[tilespmem:s8], [sflag:$0x2] =	stream.linear.gather [hbm4b:s0+s5], $0x1000, $0x38;
	[tilespmem:$0x1BFC0] =	vst v63  }
0x6b: {  	v5 =	vld [tilespmem:s2+$0x0];
	_ =	sdelay $0x4  }
0x6c: {  	vm11 =	vge.s32 v5, v0;
	vm12 =	vlt.s32 v5, v1  }
0x6d: {  	vm2 =	vne.s32 v5, $0x0;
	vm0 =	vmand vm11, vm12  }
0x6e: {  	v5 =	vsub.s32 v5, v0;
	vm0 =	vmand vm2, vm0  }
0x6f: {  	s29 =	sshll.u32 s26, $0x7;
	v5 =	vnsel vm0, $0x3200, v5  }
0x70: {  	[tilespmem:s29+$0x680] =	vst v5  }
0x71: {  	v5 =	vld [tilespmem:s2+$0x10];
	_ =	sdelay $0x4  }
0x72: {  	vm13 =	vge.s32 v5, v0;
	vm14 =	vlt.s32 v5, v1  }
0x73: {  	vm15 =	vne.s32 v5, $0x0;
	vm0 =	vmand vm13, vm14  }
0x74: {  	v5 =	vsub.s32 v5, v0;
	vm0 =	vmand vm15, vm0  }
0x75: {  	v5 =	vnsel vm0, $0x3200, v5  }
0x76: {  	[tilespmem:s29+$0x690] =	vst v5  }
0x77: {  	s28 =	sadd.s32 $0x1, s28;
	_ =	swait.ge [sflag:s23], $0x1000  }
0x78: {  	s30 =	sshll.u32 s3, $0xC;
	s31 =	sshll.u32 s3, $0x7;
	[sflag:s23] =	ssyncset.done $0x0  }
0x79: {  	s0 =	sor.u32 $0x780, s30;
	s2 =	sadd.s32 $0x680, s31;
	[sflag:s23] =	ssyncadd.s32 $0xFFFFF000  }
0x7a: {  	[spmem:s4] =	stream.indirect.scatter.add.f32 [tilespmem:s0], [sflag:$0x1], $0x80, s2, s19, $0xb8;
	[tilespmem:$0x1BFC0] =	vst v63  }
0x7b: {  	p0 =	sne.s32 s28, $0x8;
	_ =	swait.ge [sflag:s22], $0x1000  }
.Ltmp1:
0x7c: {  	[sflag:s22] =	ssyncset.done $0x0;
	(pc) =	sbr.rel @p0 .LBB2_2-.Ltmp1, $4  }
0x7d: {  	[sflag:s22] =	ssyncadd.s32 $0xFFFFF000  }
0x7e: {  	_ =	swait.ge [sflag:s23], $0x1000  }
0x7f: {  	[sflag:s23] =	ssyncset.done $0x0  }
0x80: {  	[sflag:s23] =	ssyncadd.s32 $0xFFFFF000  }
0x81: {  	[bflag:$0x0] =	sbarrier.arrive $0xFFFF  }
0x82: {  	s30 =	rddreg [dreg:$0x6]  }
0x83: {  	[tilespmem:s24], [sflag:$0x3] =	stream.linear.gather [spmem:s30], $0x400, $0x38;
	[tilespmem:$0x1BFC0] =	vst v63  }
0x84: {  	_ =	swait.ge [sflag:s17], $0x400  }
0x85: {  	[sflag:s17] =	ssyncset.done $0x0  }
0x86: {  	[sflag:s17] =	ssyncadd.s32 $0xFFFFFC00  }
0x87: {  	v6 =	vld [tilespmem:$0x2B30]  }
0x88: {  	v7 =	vld [tilespmem:$0x2B10]  }
0x89: {  	v8 =	vld [tilespmem:$0x2B20]  }
0x8a: {  	v10 =	vld [tilespmem:$0x2AB0]  }
0x8b: {  	v9 =	vld [tilespmem:$0x2B00]  }
0x8c: {  	v5 =	vld [tilespmem:$0x2A90];
	[tilespmem:$0x2F30] =	vst v6  }
0x8d: {  	v6 =	vld [tilespmem:$0x2AA0];
	[tilespmem:$0x2F10] =	vst v7  }
0x8e: {  	v7 =	vld [tilespmem:$0x2A30];
	[tilespmem:$0x2F20] =	vst v8  }
0x8f: {  	s28 =	simm.s32 $0x0;
	s29 =	simm.s32 $0x80;
	v8 =	vld [tilespmem:$0x2A80];
	[tilespmem:$0x2EB0] =	vst v10  }
.LBB2_6:
0x90: {  	p0 =	sne.s32 s29, $0x3180  }
0x91: {  	v10 =	vld [tilespmem:$0x2A10];
	[tilespmem:$0x2F00] =	vst v9;
	s30 =	sadd.s32 $0x400, s30;
	s0 =	smov.u32 s29;
	s29 =	sadd.s32 $0x80, s29  }
0x92: {  	v9 =	vld [tilespmem:$0x2A20];
	[tilespmem:$0x2E90] =	vst v5  }
0x93: {  	v5 =	vld [tilespmem:$0x29B0];
	[tilespmem:$0x2EA0] =	vst v6  }
0x94: {  	v6 =	vld [tilespmem:$0x2A00];
	[tilespmem:$0x2E30] =	vst v7  }
0x95: {  	v7 =	vld [tilespmem:$0x2990];
	[tilespmem:$0x2E80] =	vst v8  }
0x96: {  	v8 =	vld [tilespmem:$0x29A0];
	[tilespmem:$0x2E10] =	vst v10  }
0x97: {  	v10 =	vld [tilespmem:$0x2930];
	[tilespmem:$0x2E20] =	vst v9  }
0x98: {  	v9 =	vld [tilespmem:$0x2980];
	[tilespmem:$0x2DB0] =	vst v5  }
0x99: {  	v5 =	vld [tilespmem:$0x2920];
	[tilespmem:$0x2E00] =	vst v6  }
0x9a: {  	v6 =	vld [tilespmem:$0x2910];
	[tilespmem:$0x2D90] =	vst v7  }
0x9b: {  	v7 =	vld [tilespmem:$0x2900];
	[tilespmem:$0x2DA0] =	vst v8  }
0x9c: {  	v8 =	vld [tilespmem:$0x28B0];
	[tilespmem:$0x2D30] =	vst v10  }
0x9d: {  	v10 =	vld [tilespmem:$0x28A0];
	[tilespmem:$0x2D80] =	vst v9  }
0x9e: {  	v9 =	vld [tilespmem:$0x2890];
	[tilespmem:$0x2D20] =	vst v5  }
0x9f: {  	v5 =	vld [tilespmem:$0x2880];
	[tilespmem:$0x2D10] =	vst v6  }
0xa0: {  	v6 =	vld [tilespmem:$0x2830];
	[tilespmem:$0x2D00] =	vst v7  }
0xa1: {  	v7 =	vld [tilespmem:$0x2820];
	[tilespmem:$0x2CB0] =	vst v8  }
0xa2: {  	v8 =	vld [tilespmem:$0x2810];
	[tilespmem:$0x2CA0] =	vst v10  }
0xa3: {  	v10 =	vld [tilespmem:$0x27B0];
	[tilespmem:$0x2C90] =	vst v9  }
0xa4: {  	v9 =	vld [tilespmem:$0x2800];
	[tilespmem:$0x2C80] =	vst v5  }
0xa5: {  	v5 =	vld [tilespmem:$0x2780];
	[tilespmem:$0x2C30] =	vst v6  }
0xa6: {  	v6 =	vld [tilespmem:$0x27A0];
	[tilespmem:$0x2C20] =	vst v7  }
0xa7: {  	v7 =	vld [tilespmem:$0x2790];
	[tilespmem:$0x2C10] =	vst v8  }
0xa8: {  	[tilespmem:$0x2BB0] =	vst v10  }
0xa9: {  	[tilespmem:$0x2C00] =	vst v9  }
0xaa: {  	[tilespmem:$0x2B80] =	vst v5  }
0xab: {  	s2 =	sadd.s32 s28, s12;
	s28 =	smov.u32 s0;
	[tilespmem:$0x2BA0] =	vst v6  }
0xac: {  	[tilespmem:$0x2B90] =	vst v7  }
0xad: {  	[hbm4b:s2+s5] =	stream.linear.scatter [tilespmem:s25], [sflag:$0x3], $0x400, $0x38;
	[tilespmem:$0x1BFC0] =	vst v63  }
0xae: {  	_ =	swait.ge [sflag:s17], $0x400  }
0xaf: {  	[sflag:s17] =	ssyncset.done $0x0  }
0xb0: {  	[sflag:s17] =	ssyncadd.s32 $0xFFFFFC00  }
0xb1: {  	[tilespmem:s24], [sflag:$0x3] =	stream.linear.gather [spmem:s30], $0x400, $0x38;
	[tilespmem:$0x1BFC0] =	vst v63  }
0xb2: {  	_ =	swait.ge [sflag:s17], $0x400  }
0xb3: {  	[sflag:s17] =	ssyncset.done $0x0  }
0xb4: {  	[sflag:s17] =	ssyncadd.s32 $0xFFFFFC00  }
0xb5: {  	v6 =	vld [tilespmem:$0x2B30]  }
0xb6: {  	v7 =	vld [tilespmem:$0x2B10]  }
0xb7: {  	v8 =	vld [tilespmem:$0x2B20]  }
0xb8: {  	v10 =	vld [tilespmem:$0x2AB0]  }
.Ltmp2:
0xb9: {  	v9 =	vld [tilespmem:$0x2B00];
	(pc) =	sbr.rel @p0 .LBB2_6-.Ltmp2, $4  }
0xba: {  	v5 =	vld [tilespmem:$0x2A90];
	[tilespmem:$0x2F30] =	vst v6  }
0xbb: {  	v6 =	vld [tilespmem:$0x2AA0];
	[tilespmem:$0x2F10] =	vst v7  }
0xbc: {  	v7 =	vld [tilespmem:$0x2A30];
	[tilespmem:$0x2F20] =	vst v8  }
0xbd: {  	v8 =	vld [tilespmem:$0x2A80];
	[tilespmem:$0x2EB0] =	vst v10  }
0xbe: {  	v10 =	vld [tilespmem:$0x2A10];
	[tilespmem:$0x2F00] =	vst v9  }
0xbf: {  	v54 =	vld [tilespmem:$0x2A20];
	[tilespmem:$0x2E90] =	vst v5  }
0xc0: {  	v55 =	vld [tilespmem:$0x29A0];
	[tilespmem:$0x2EA0] =	vst v6  }
0xc1: {  	v56 =	vld [tilespmem:$0x2930];
	[tilespmem:$0x2E30] =	vst v7  }
0xc2: {  	v57 =	vld [tilespmem:$0x2980];
	[tilespmem:$0x2E80] =	vst v8  }
0xc3: {  	v5 =	vld [tilespmem:$0x29B0];
	[tilespmem:$0x2E10] =	vst v10  }
0xc4: {  	v6 =	vld [tilespmem:$0x2A00];
	[tilespmem:$0x2E20] =	vst v54  }
0xc5: {  	v7 =	vld [tilespmem:$0x2990];
	[tilespmem:$0x2DA0] =	vst v55  }
0xc6: {  	v58 =	vld [tilespmem:$0x28B0];
	[tilespmem:$0x2D30] =	vst v56  }
0xc7: {  	v59 =	vld [tilespmem:$0x28A0];
	[tilespmem:$0x2D80] =	vst v57  }
0xc8: {  	[tilespmem:$0x2DB0] =	vst v5;
	v5 =	vld [tilespmem:$0x2920]  }
0xc9: {  	[tilespmem:$0x2E00] =	vst v6;
	v6 =	vld [tilespmem:$0x2910]  }
0xca: {  	[tilespmem:$0x2D90] =	vst v7;
	v7 =	vld [tilespmem:$0x2900]  }
0xcb: {  	v60 =	vld [tilespmem:$0x2890];
	[tilespmem:$0x2CB0] =	vst v58  }
0xcc: {  	v61 =	vld [tilespmem:$0x2810];
	[tilespmem:$0x2CA0] =	vst v59  }
0xcd: {  	[tilespmem:$0x2D20] =	vst v5;
	v5 =	vld [tilespmem:$0x2880]  }
0xce: {  	[tilespmem:$0x2D10] =	vst v6;
	v6 =	vld [tilespmem:$0x2830]  }
0xcf: {  	[tilespmem:$0x2D00] =	vst v7;
	v7 =	vld [tilespmem:$0x2820]  }
0xd0: {  	v62 =	vld [tilespmem:$0x27B0];
	[tilespmem:$0x2C90] =	vst v60  }
0xd1: {  	v63 =	vld [tilespmem:$0x2800];
	[tilespmem:$0x2C10] =	vst v61  }
0xd2: {  	[tilespmem:$0x2C80] =	vst v5;
	v5 =	vld [tilespmem:$0x2780]  }
0xd3: {  	[tilespmem:$0x2C30] =	vst v6;
	v6 =	vld [tilespmem:$0x27A0]  }
0xd4: {  	[tilespmem:$0x2C20] =	vst v7;
	v7 =	vld [tilespmem:$0x2790]  }
0xd5: {  	[tilespmem:$0x2BB0] =	vst v62  }
0xd6: {  	[tilespmem:$0x2C00] =	vst v63  }
0xd7: {  	[tilespmem:$0x2B80] =	vst v5  }
0xd8: {  	[tilespmem:$0x2BA0] =	vst v6  }
0xd9: {  	s0 =	sadd.s32 s28, s12;
	[tilespmem:$0x2B90] =	vst v7  }
0xda: {  	[hbm4b:s0+s5] =	stream.linear.scatter [tilespmem:s25], [sflag:$0x3], $0x400, $0x38;
	[tilespmem:$0x1BFC0] =	vst v63  }
0xdb: {  	_ =	swait.ge [sflag:s17], $0x400  }
0xdc: {  	[sflag:s17] =	ssyncset.done $0x0  }
0xdd: {  	[sflag:s17] =	ssyncadd.s32 $0xFFFFFC00  }
0xde: {  	[bflag:$0x0] =	sbarrier.arrive $0xFFFF  }
0xdf: {  	s31 =	rddreg [dreg:$0x2]  }
0xe0: {  	s2 =	rddreg [dreg:$0x7]  }
0xe1: {  	s3 =	rddreg [dreg:$0x9]  }
0xe2: {  	[spmem:s3], [sflag:s2] =	dma.local [hbm:s31], $0x3200  }
0xe3: {  	_ =	swait.ge [sflag:s17], $0x3200  }
0xe4: {  	[sflag:s17] =	ssyncset.done $0x0  }
0xe5: {  	[sflag:s17] =	ssyncadd.s32 $0xFFFFCE00  }
0xe6: {  	s28 =	simm.s32 $0x0;
	[bflag:$0x0] =	sbarrier.arrive $0xFFFF  }
.LBB2_8:
0xe7: {  	s0 =	smul.u32 $0x640, s28;
	_ =	sdelay $0x1  }
0xe8: {  	s29 =	sadd.s32 s7, s0  }
0xe9: {  	s2 =	rddreg [dreg:$0x1];
	s0 =	sshrl.u32 s29, $0x3  }
0xea: {  	s0 =	sadd.s32 s2, s0  }
0xeb: {  	[tilespmem:s5], [sflag:$0x3] =	stream.linear.gather [hbm4b:s0+s5], $0x640, $0x38;
	[tilespmem:$0x1BFC0] =	vst v63  }
0xec: {  	_ =	swait.ge [sflag:s17], $0x640  }
0xed: {  	[sflag:s17] =	ssyncset.done $0x0  }
0xee: {  	[sflag:s17] =	ssyncadd.s32 $0xFFFFF9C0  }
0xef: {  	v5 =	vld [tilespmem:$0x0]  }
0xf0: {  	v6 =	vld [tilespmem:$0x10];
	_ =	sdelay $0x3  }
0xf1: {  	vm0 =	vge.s32 v5, v1;
	vm1 =	vlt.s32 v5, v2;
	v5 =	vsub.s32 v5, v1  }
0xf2: {  	vm2 =	vlt.s32 v6, v2;
	vm0 =	vmand vm0, vm1;
	vm1 =	vge.s32 v6, v1  }
0xf3: {  	v6 =	vsub.s32 v6, v1;
	v5 =	vnsel vm0, $0x3200, v5;
	vm0 =	vmand vm1, vm2  }
0xf4: {  	s8 =	sshll.u32 s29, $0x4;
	[tilespmem:$0x680] =	vst v5;
	v5 =	vnsel vm0, $0x3200, v6  }
0xf5: {  	s11 =	simm.s32 $0x2;
	s9 =	sadd.s32 s1, s8;
	[tilespmem:$0x690] =	vst v5  }
0xf6: {  	[tilespmem:s18], [sflag:$0x2] =	stream.linear.gather [hbm4b:s9+s5], $0x1000, $0x38;
	[tilespmem:$0x1BFC0] =	vst v63  }
0xf7: {  	_ =	swait.ge [sflag:s11], $0x1000  }
0xf8: {  	[sflag:s11] =	ssyncset.done $0x0  }
0xf9: {  	[sflag:s11] =	ssyncadd.s32 $0xFFFFF000  }
0xfa: {  	[spmem:s4] =	stream.indirect.scatter.add.f32 [tilespmem:s18], [sflag:$0x1], $0x80, s20, s19, $0xb8;
	[tilespmem:$0x1BFC0] =	vst v63  }
0xfb: {  	s0 =	sadd.s32 s8, s10  }
0xfc: {  	[tilespmem:s21], [sflag:$0x2] =	stream.linear.gather [hbm4b:s0+s5], $0x1000, $0x38;
	[tilespmem:$0x1BFC0] =	vst v63  }
0xfd: {  	v5 =	vld [tilespmem:$0x20]  }
0xfe: {  	v6 =	vld [tilespmem:$0x30];
	_ =	sdelay $0x3  }
0xff: {  	vm0 =	vge.s32 v5, v1;
	vm1 =	vlt.s32 v5, v2;
	v5 =	vsub.s32 v5, v1  }
0x100: {  	vm2 =	vlt.s32 v6, v2;
	vm0 =	vmand vm0, vm1;
	vm1 =	vge.s32 v6, v1  }
0x101: {  	v6 =	vsub.s32 v6, v1;
	v5 =	vnsel vm0, $0x3200, v5;
	vm0 =	vmand vm1, vm2  }
0x102: {  	s26 =	simm.s32 $0x1;
	s16 =	smin.u32 s11, $0x31;
	[tilespmem:$0x700] =	vst v5;
	v5 =	vnsel vm0, $0x3200, v6  }
0x103: {  	s2 =	sand.u32 $0x1, s26;
	s0 =	sshll.u32 s16, $0x5;
	[tilespmem:$0x710] =	vst v5  }
0x104: {  	s6 =	sxor.u32 $0x1, s2;
	s3 =	sadd.s32 s29, s0;
	_ =	swait.ge [sflag:s22], $0x1000  }
0x105: {  	s8 =	sshll.u32 s6, $0xC;
	s3 =	sshll.u32 s3, $0x4;
	[sflag:s22] =	ssyncset.done $0x0  }
0x106: {  	s8 =	sor.u32 $0x780, s8;
	s3 =	sadd.s32 s1, s3;
	[sflag:s22] =	ssyncadd.s32 $0xFFFFF000  }
0x107: {  	[tilespmem:s8], [sflag:$0x2] =	stream.linear.gather [hbm4b:s3+s5], $0x1000, $0x38;
	[tilespmem:$0x1BFC0] =	vst v63  }
0x108: {  	v5 =	vld [tilespmem:s0+$0x0];
	_ =	sdelay $0x4  }
0x109: {  	vm0 =	vge.s32 v5, v1;
	vm1 =	vlt.s32 v5, v2  }
0x10a: {  	v5 =	vsub.s32 v5, v1;
	vm0 =	vmand vm0, vm1  }
0x10b: {  	s11 =	sshll.u32 s6, $0x7;
	v5 =	vnsel vm0, $0x3200, v5  }
0x10c: {  	[tilespmem:s11+$0x680] =	vst v5  }
0x10d: {  	v5 =	vld [tilespmem:s0+$0x10];
	_ =	sdelay $0x3  }
0x10e: {  	s30 =	simm.s32 $0x4;
	s6 =	simm.s32 $0x3  }
0x10f: {  	s31 =	sshll.u32 s2, $0xC;
	s3 =	smin.u32 s6, $0x31;
	s0 =	sshll.u32 s2, $0x7;
	vm0 =	vge.s32 v5, v1;
	vm1 =	vlt.s32 v5, v2;
	v5 =	vsub.s32 v5, v1  }
.LBB2_9:
0x110: {  	p0 =	sne.s32 s30, $0x32  }
0x111: {  	s2 =	sshll.u32 s3, $0x5;
	vm0 =	vmand vm0, vm1;
	s3 =	smov.u32 s30;
	s30 =	sadd.s32 $0x1, s30  }
0x112: {  	s8 =	sadd.s32 s29, s2;
	v5 =	vnsel vm0, $0x3200, v5  }
0x113: {  	s6 =	sadd.s32 $0xFFFFFFFF, s6;
	s9 =	sor.u32 $0x780, s31;
	s8 =	sshll.u32 s8, $0x4;
	[tilespmem:s11+$0x690] =	vst v5  }
0x114: {  	s6 =	sand.u32 $0x1, s6;
	s11 =	sadd.s32 $0x680, s0;
	_ =	swait.ge [sflag:s23], $0x1000  }
0x115: {  	s16 =	sxor.u32 $0x1, s6;
	s31 =	sshll.u32 s6, $0xC;
	[sflag:s23] =	ssyncset.done $0x0  }
0x116: {  	s0 =	sshll.u32 s6, $0x7;
	s26 =	sshll.u32 s16, $0xC;
	[sflag:s23] =	ssyncadd.s32 $0xFFFFF000  }
0x117: {  	[spmem:s4] =	stream.indirect.scatter.add.f32 [tilespmem:s9], [sflag:$0x1], $0x80, s11, s19, $0xb8;
	[tilespmem:$0x1BFC0] =	vst v63  }
0x118: {  	s6 =	smov.u32 s3;
	_ =	swait.ge [sflag:s22], $0x1000  }
0x119: {  	[sflag:s22] =	ssyncset.done $0x0  }
0x11a: {  	s8 =	sadd.s32 s1, s8;
	s3 =	sor.u32 $0x780, s26;
	[sflag:s22] =	ssyncadd.s32 $0xFFFFF000  }
0x11b: {  	[tilespmem:s3], [sflag:$0x2] =	stream.linear.gather [hbm4b:s8+s5], $0x1000, $0x38;
	[tilespmem:$0x1BFC0] =	vst v63  }
0x11c: {  	v5 =	vld [tilespmem:s2+$0x0];
	_ =	sdelay $0x4  }
0x11d: {  	vm0 =	vge.s32 v5, v1;
	vm1 =	vlt.s32 v5, v2  }
0x11e: {  	v5 =	vsub.s32 v5, v1;
	vm0 =	vmand vm0, vm1  }
0x11f: {  	s11 =	sshll.u32 s16, $0x7;
	v5 =	vnsel vm0, $0x3200, v5  }
0x120: {  	[tilespmem:s11+$0x680] =	vst v5  }
0x121: {  	v5 =	vld [tilespmem:s2+$0x10]  }
.Ltmp3:
0x122: {  	(pc) =	sbr.rel @p0 .LBB2_9-.Ltmp3, $2  }
0x123: {  	_ =	sdelay $0x2  }
0x124: {  	s3 =	smin.u32 s6, $0x31;
	vm0 =	vge.s32 v5, v1;
	vm1 =	vlt.s32 v5, v2;
	v5 =	vsub.s32 v5, v1  }
0x125: {  	vm0 =	vmand vm0, vm1  }
0x126: {  	v5 =	vnsel vm0, $0x3200, v5  }
0x127: {  	[tilespmem:s11+$0x690] =	vst v5  }
0x128: {  	s2 =	sshll.u32 s3, $0x5;
	_ =	swait.ge [sflag:s23], $0x1000  }
0x129: {  	s9 =	sadd.s32 $0xFFFFFFFF, s6;
	s0 =	sadd.s32 $0x680, s0;
	[sflag:s23] =	ssyncset.done $0x0  }
0x12a: {  	s3 =	sand.u32 $0x1, s9;
	s11 =	sor.u32 $0x780, s31;
	[sflag:s23] =	ssyncadd.s32 $0xFFFFF000  }
0x12b: {  	[spmem:s4] =	stream.indirect.scatter.add.f32 [tilespmem:s11], [sflag:$0x1], $0x80, s0, s19, $0xb8;
	[tilespmem:$0x1BFC0] =	vst v63  }
0x12c: {  	s16 =	sadd.s32 s29, s2;
	s26 =	sxor.u32 $0x1, s3;
	_ =	swait.ge [sflag:s22], $0x1000  }
0x12d: {  	s8 =	sshll.u32 s26, $0xC;
	s0 =	sshll.u32 s16, $0x4;
	[sflag:s22] =	ssyncset.done $0x0  }
0x12e: {  	s8 =	sor.u32 $0x780, s8;
	s0 =	sadd.s32 s1, s0;
	[sflag:s22] =	ssyncadd.s32 $0xFFFFF000  }
0x12f: {  	[tilespmem:s8], [sflag:$0x2] =	stream.linear.gather [hbm4b:s0+s5], $0x1000, $0x38;
	[tilespmem:$0x1BFC0] =	vst v63  }
0x130: {  	v5 =	vld [tilespmem:s2+$0x0];
	_ =	sdelay $0x4  }
0x131: {  	vm12 =	vge.s32 v5, v1;
	vm13 =	vlt.s32 v5, v2  }
0x132: {  	v5 =	vsub.s32 v5, v1;
	vm0 =	vmand vm12, vm13  }
0x133: {  	s29 =	sshll.u32 s26, $0x7;
	v5 =	vnsel vm0, $0x3200, v5  }
0x134: {  	[tilespmem:s29+$0x680] =	vst v5  }
0x135: {  	v5 =	vld [tilespmem:s2+$0x10];
	_ =	sdelay $0x4  }
0x136: {  	vm14 =	vge.s32 v5, v1;
	vm15 =	vlt.s32 v5, v2  }
0x137: {  	v5 =	vsub.s32 v5, v1;
	vm0 =	vmand vm14, vm15  }
0x138: {  	v5 =	vnsel vm0, $0x3200, v5  }
0x139: {  	[tilespmem:s29+$0x690] =	vst v5  }
0x13a: {  	s28 =	sadd.s32 $0x1, s28;
	_ =	swait.ge [sflag:s23], $0x1000  }
0x13b: {  	s30 =	sshll.u32 s3, $0xC;
	s31 =	sshll.u32 s3, $0x7;
	[sflag:s23] =	ssyncset.done $0x0  }
0x13c: {  	s0 =	sor.u32 $0x780, s30;
	s2 =	sadd.s32 $0x680, s31;
	[sflag:s23] =	ssyncadd.s32 $0xFFFFF000  }
0x13d: {  	[spmem:s4] =	stream.indirect.scatter.add.f32 [tilespmem:s0], [sflag:$0x1], $0x80, s2, s19, $0xb8;
	[tilespmem:$0x1BFC0] =	vst v63  }
0x13e: {  	p0 =	sne.s32 s28, $0x8;
	_ =	swait.ge [sflag:s22], $0x1000  }
.Ltmp4:
0x13f: {  	[sflag:s22] =	ssyncset.done $0x0;
	(pc) =	sbr.rel @p0 .LBB2_8-.Ltmp4, $4  }
0x140: {  	[sflag:s22] =	ssyncadd.s32 $0xFFFFF000  }
0x141: {  	_ =	swait.ge [sflag:s23], $0x1000  }
0x142: {  	[sflag:s23] =	ssyncset.done $0x0  }
0x143: {  	[sflag:s23] =	ssyncadd.s32 $0xFFFFF000  }
0x144: {  	[bflag:$0x0] =	sbarrier.arrive $0xFFFF  }
0x145: {  	s30 =	rddreg [dreg:$0x6]  }
0x146: {  	[tilespmem:s24], [sflag:$0x3] =	stream.linear.gather [spmem:s30], $0x400, $0x38;
	[tilespmem:$0x1BFC0] =	vst v63  }
0x147: {  	_ =	swait.ge [sflag:s17], $0x400  }
0x148: {  	[sflag:s17] =	ssyncset.done $0x0  }
0x149: {  	[sflag:s17] =	ssyncadd.s32 $0xFFFFFC00  }
0x14a: {  	v6 =	vld [tilespmem:$0x2B30]  }
0x14b: {  	v7 =	vld [tilespmem:$0x2B10]  }
0x14c: {  	v8 =	vld [tilespmem:$0x2B20]  }
0x14d: {  	v10 =	vld [tilespmem:$0x2AB0]  }
0x14e: {  	v9 =	vld [tilespmem:$0x2B00]  }
0x14f: {  	v5 =	vld [tilespmem:$0x2A90];
	[tilespmem:$0x2F30] =	vst v6  }
0x150: {  	v6 =	vld [tilespmem:$0x2AA0];
	[tilespmem:$0x2F10] =	vst v7  }
0x151: {  	v7 =	vld [tilespmem:$0x2A30];
	[tilespmem:$0x2F20] =	vst v8  }
0x152: {  	s28 =	simm.s32 $0x0;
	s29 =	simm.s32 $0x80;
	v8 =	vld [tilespmem:$0x2A80];
	[tilespmem:$0x2EB0] =	vst v10  }
.LBB2_12:
0x153: {  	p0 =	sne.s32 s29, $0x3180  }
0x154: {  	v10 =	vld [tilespmem:$0x2A10];
	[tilespmem:$0x2F00] =	vst v9;
	s30 =	sadd.s32 $0x400, s30;
	s0 =	smov.u32 s29;
	s29 =	sadd.s32 $0x80, s29  }
0x155: {  	v9 =	vld [tilespmem:$0x2A20];
	[tilespmem:$0x2E90] =	vst v5  }
0x156: {  	v5 =	vld [tilespmem:$0x29B0];
	[tilespmem:$0x2EA0] =	vst v6  }
0x157: {  	v6 =	vld [tilespmem:$0x2A00];
	[tilespmem:$0x2E30] =	vst v7  }
0x158: {  	v7 =	vld [tilespmem:$0x2990];
	[tilespmem:$0x2E80] =	vst v8  }
0x159: {  	v8 =	vld [tilespmem:$0x29A0];
	[tilespmem:$0x2E10] =	vst v10  }
0x15a: {  	v10 =	vld [tilespmem:$0x2930];
	[tilespmem:$0x2E20] =	vst v9  }
0x15b: {  	v9 =	vld [tilespmem:$0x2980];
	[tilespmem:$0x2DB0] =	vst v5  }
0x15c: {  	v5 =	vld [tilespmem:$0x2920];
	[tilespmem:$0x2E00] =	vst v6  }
0x15d: {  	v6 =	vld [tilespmem:$0x2910];
	[tilespmem:$0x2D90] =	vst v7  }
0x15e: {  	v7 =	vld [tilespmem:$0x2900];
	[tilespmem:$0x2DA0] =	vst v8  }
0x15f: {  	v8 =	vld [tilespmem:$0x28B0];
	[tilespmem:$0x2D30] =	vst v10  }
0x160: {  	v10 =	vld [tilespmem:$0x28A0];
	[tilespmem:$0x2D80] =	vst v9  }
0x161: {  	v9 =	vld [tilespmem:$0x2890];
	[tilespmem:$0x2D20] =	vst v5  }
0x162: {  	v5 =	vld [tilespmem:$0x2880];
	[tilespmem:$0x2D10] =	vst v6  }
0x163: {  	v6 =	vld [tilespmem:$0x2830];
	[tilespmem:$0x2D00] =	vst v7  }
0x164: {  	v7 =	vld [tilespmem:$0x2820];
	[tilespmem:$0x2CB0] =	vst v8  }
0x165: {  	v8 =	vld [tilespmem:$0x2810];
	[tilespmem:$0x2CA0] =	vst v10  }
0x166: {  	v10 =	vld [tilespmem:$0x27B0];
	[tilespmem:$0x2C90] =	vst v9  }
0x167: {  	v9 =	vld [tilespmem:$0x2800];
	[tilespmem:$0x2C80] =	vst v5  }
0x168: {  	v5 =	vld [tilespmem:$0x2780];
	[tilespmem:$0x2C30] =	vst v6  }
0x169: {  	v6 =	vld [tilespmem:$0x27A0];
	[tilespmem:$0x2C20] =	vst v7  }
0x16a: {  	v7 =	vld [tilespmem:$0x2790];
	[tilespmem:$0x2C10] =	vst v8  }
0x16b: {  	[tilespmem:$0x2BB0] =	vst v10  }
0x16c: {  	[tilespmem:$0x2C00] =	vst v9  }
0x16d: {  	[tilespmem:$0x2B80] =	vst v5  }
0x16e: {  	s2 =	sadd.s32 s28, s13;
	s28 =	smov.u32 s0;
	[tilespmem:$0x2BA0] =	vst v6  }
0x16f: {  	[tilespmem:$0x2B90] =	vst v7  }
0x170: {  	[hbm4b:s2+s5] =	stream.linear.scatter [tilespmem:s25], [sflag:$0x3], $0x400, $0x38;
	[tilespmem:$0x1BFC0] =	vst v63  }
0x171: {  	_ =	swait.ge [sflag:s17], $0x400  }
0x172: {  	[sflag:s17] =	ssyncset.done $0x0  }
0x173: {  	[sflag:s17] =	ssyncadd.s32 $0xFFFFFC00  }
0x174: {  	[tilespmem:s24], [sflag:$0x3] =	stream.linear.gather [spmem:s30], $0x400, $0x38;
	[tilespmem:$0x1BFC0] =	vst v63  }
0x175: {  	_ =	swait.ge [sflag:s17], $0x400  }
0x176: {  	[sflag:s17] =	ssyncset.done $0x0  }
0x177: {  	[sflag:s17] =	ssyncadd.s32 $0xFFFFFC00  }
0x178: {  	v6 =	vld [tilespmem:$0x2B30]  }
0x179: {  	v7 =	vld [tilespmem:$0x2B10]  }
0x17a: {  	v8 =	vld [tilespmem:$0x2B20]  }
0x17b: {  	v10 =	vld [tilespmem:$0x2AB0]  }
.Ltmp5:
0x17c: {  	v9 =	vld [tilespmem:$0x2B00];
	(pc) =	sbr.rel @p0 .LBB2_12-.Ltmp5, $4  }
0x17d: {  	v5 =	vld [tilespmem:$0x2A90];
	[tilespmem:$0x2F30] =	vst v6  }
0x17e: {  	v6 =	vld [tilespmem:$0x2AA0];
	[tilespmem:$0x2F10] =	vst v7  }
0x17f: {  	v7 =	vld [tilespmem:$0x2A30];
	[tilespmem:$0x2F20] =	vst v8  }
0x180: {  	v8 =	vld [tilespmem:$0x2A80];
	[tilespmem:$0x2EB0] =	vst v10  }
0x181: {  	v10 =	vld [tilespmem:$0x2A10];
	[tilespmem:$0x2F00] =	vst v9  }
0x182: {  	v54 =	vld [tilespmem:$0x2A20];
	[tilespmem:$0x2E90] =	vst v5  }
0x183: {  	v55 =	vld [tilespmem:$0x29A0];
	[tilespmem:$0x2EA0] =	vst v6  }
0x184: {  	v56 =	vld [tilespmem:$0x2930];
	[tilespmem:$0x2E30] =	vst v7  }
0x185: {  	v57 =	vld [tilespmem:$0x2980];
	[tilespmem:$0x2E80] =	vst v8  }
0x186: {  	v5 =	vld [tilespmem:$0x29B0];
	[tilespmem:$0x2E10] =	vst v10  }
0x187: {  	v6 =	vld [tilespmem:$0x2A00];
	[tilespmem:$0x2E20] =	vst v54  }
0x188: {  	v7 =	vld [tilespmem:$0x2990];
	[tilespmem:$0x2DA0] =	vst v55  }
0x189: {  	v58 =	vld [tilespmem:$0x28B0];
	[tilespmem:$0x2D30] =	vst v56  }
0x18a: {  	v59 =	vld [tilespmem:$0x28A0];
	[tilespmem:$0x2D80] =	vst v57  }
0x18b: {  	[tilespmem:$0x2DB0] =	vst v5;
	v5 =	vld [tilespmem:$0x2920]  }
0x18c: {  	[tilespmem:$0x2E00] =	vst v6;
	v6 =	vld [tilespmem:$0x2910]  }
0x18d: {  	[tilespmem:$0x2D90] =	vst v7;
	v7 =	vld [tilespmem:$0x2900]  }
0x18e: {  	v60 =	vld [tilespmem:$0x2890];
	[tilespmem:$0x2CB0] =	vst v58  }
0x18f: {  	v61 =	vld [tilespmem:$0x2810];
	[tilespmem:$0x2CA0] =	vst v59  }
0x190: {  	[tilespmem:$0x2D20] =	vst v5;
	v5 =	vld [tilespmem:$0x2880]  }
0x191: {  	[tilespmem:$0x2D10] =	vst v6;
	v6 =	vld [tilespmem:$0x2830]  }
0x192: {  	[tilespmem:$0x2D00] =	vst v7;
	v7 =	vld [tilespmem:$0x2820]  }
0x193: {  	v62 =	vld [tilespmem:$0x27B0];
	[tilespmem:$0x2C90] =	vst v60  }
0x194: {  	v63 =	vld [tilespmem:$0x2800];
	[tilespmem:$0x2C10] =	vst v61  }
0x195: {  	[tilespmem:$0x2C80] =	vst v5;
	v5 =	vld [tilespmem:$0x2780]  }
0x196: {  	[tilespmem:$0x2C30] =	vst v6;
	v6 =	vld [tilespmem:$0x27A0]  }
0x197: {  	[tilespmem:$0x2C20] =	vst v7;
	v7 =	vld [tilespmem:$0x2790]  }
0x198: {  	[tilespmem:$0x2BB0] =	vst v62  }
0x199: {  	[tilespmem:$0x2C00] =	vst v63  }
0x19a: {  	[tilespmem:$0x2B80] =	vst v5  }
0x19b: {  	[tilespmem:$0x2BA0] =	vst v6  }
0x19c: {  	s0 =	sadd.s32 s28, s13;
	[tilespmem:$0x2B90] =	vst v7  }
0x19d: {  	[hbm4b:s0+s5] =	stream.linear.scatter [tilespmem:s25], [sflag:$0x3], $0x400, $0x38;
	[tilespmem:$0x1BFC0] =	vst v63  }
0x19e: {  	_ =	swait.ge [sflag:s17], $0x400  }
0x19f: {  	[sflag:s17] =	ssyncset.done $0x0  }
0x1a0: {  	[sflag:s17] =	ssyncadd.s32 $0xFFFFFC00  }
0x1a1: {  	[bflag:$0x0] =	sbarrier.arrive $0xFFFF  }
0x1a2: {  	s31 =	rddreg [dreg:$0x2]  }
0x1a3: {  	s2 =	rddreg [dreg:$0x7]  }
0x1a4: {  	s3 =	rddreg [dreg:$0x9]  }
0x1a5: {  	[spmem:s3], [sflag:s2] =	dma.local [hbm:s31], $0x3200  }
0x1a6: {  	_ =	swait.ge [sflag:s17], $0x3200  }
0x1a7: {  	[sflag:s17] =	ssyncset.done $0x0  }
0x1a8: {  	[sflag:s17] =	ssyncadd.s32 $0xFFFFCE00  }
0x1a9: {  	s28 =	simm.s32 $0x0;
	[bflag:$0x0] =	sbarrier.arrive $0xFFFF  }
.LBB2_14:
0x1aa: {  	s0 =	smul.u32 $0x640, s28;
	_ =	sdelay $0x1  }
0x1ab: {  	s29 =	sadd.s32 s7, s0  }
0x1ac: {  	s2 =	rddreg [dreg:$0x1];
	s0 =	sshrl.u32 s29, $0x3  }
0x1ad: {  	s0 =	sadd.s32 s2, s0  }
0x1ae: {  	[tilespmem:s5], [sflag:$0x3] =	stream.linear.gather [hbm4b:s0+s5], $0x640, $0x38;
	[tilespmem:$0x1BFC0] =	vst v63  }
0x1af: {  	_ =	swait.ge [sflag:s17], $0x640  }
0x1b0: {  	[sflag:s17] =	ssyncset.done $0x0  }
0x1b1: {  	[sflag:s17] =	ssyncadd.s32 $0xFFFFF9C0  }
0x1b2: {  	v5 =	vld [tilespmem:$0x0]  }
0x1b3: {  	v6 =	vld [tilespmem:$0x10];
	_ =	sdelay $0x3  }
0x1b4: {  	vm0 =	vge.s32 v5, v2;
	vm1 =	vlt.s32 v5, v3;
	v5 =	vsub.s32 v5, v2  }
0x1b5: {  	vm2 =	vlt.s32 v6, v3;
	vm0 =	vmand vm0, vm1;
	vm1 =	vge.s32 v6, v2  }
0x1b6: {  	v6 =	vsub.s32 v6, v2;
	v5 =	vnsel vm0, $0x3200, v5;
	vm0 =	vmand vm1, vm2  }
0x1b7: {  	s8 =	sshll.u32 s29, $0x4;
	[tilespmem:$0x680] =	vst v5;
	v5 =	vnsel vm0, $0x3200, v6  }
0x1b8: {  	s11 =	simm.s32 $0x2;
	s9 =	sadd.s32 s1, s8;
	[tilespmem:$0x690] =	vst v5  }
0x1b9: {  	[tilespmem:s18], [sflag:$0x2] =	stream.linear.gather [hbm4b:s9+s5], $0x1000, $0x38;
	[tilespmem:$0x1BFC0] =	vst v63  }
0x1ba: {  	_ =	swait.ge [sflag:s11], $0x1000  }
0x1bb: {  	[sflag:s11] =	ssyncset.done $0x0  }
0x1bc: {  	[sflag:s11] =	ssyncadd.s32 $0xFFFFF000  }
0x1bd: {  	[spmem:s4] =	stream.indirect.scatter.add.f32 [tilespmem:s18], [sflag:$0x1], $0x80, s20, s19, $0xb8;
	[tilespmem:$0x1BFC0] =	vst v63  }
0x1be: {  	s0 =	sadd.s32 s8, s10  }
0x1bf: {  	[tilespmem:s21], [sflag:$0x2] =	stream.linear.gather [hbm4b:s0+s5], $0x1000, $0x38;
	[tilespmem:$0x1BFC0] =	vst v63  }
0x1c0: {  	v5 =	vld [tilespmem:$0x20]  }
0x1c1: {  	v6 =	vld [tilespmem:$0x30];
	_ =	sdelay $0x3  }
0x1c2: {  	vm0 =	vge.s32 v5, v2;
	vm1 =	vlt.s32 v5, v3;
	v5 =	vsub.s32 v5, v2  }
0x1c3: {  	vm2 =	vlt.s32 v6, v3;
	vm0 =	vmand vm0, vm1;
	vm1 =	vge.s32 v6, v2  }
0x1c4: {  	v6 =	vsub.s32 v6, v2;
	v5 =	vnsel vm0, $0x3200, v5;
	vm0 =	vmand vm1, vm2  }
0x1c5: {  	s26 =	simm.s32 $0x1;
	s16 =	smin.u32 s11, $0x31;
	[tilespmem:$0x700] =	vst v5;
	v5 =	vnsel vm0, $0x3200, v6  }
0x1c6: {  	s2 =	sand.u32 $0x1, s26;
	s0 =	sshll.u32 s16, $0x5;
	[tilespmem:$0x710] =	vst v5  }
0x1c7: {  	s6 =	sxor.u32 $0x1, s2;
	s3 =	sadd.s32 s29, s0;
	_ =	swait.ge [sflag:s22], $0x1000  }
0x1c8: {  	s8 =	sshll.u32 s6, $0xC;
	s3 =	sshll.u32 s3, $0x4;
	[sflag:s22] =	ssyncset.done $0x0  }
0x1c9: {  	s8 =	sor.u32 $0x780, s8;
	s3 =	sadd.s32 s1, s3;
	[sflag:s22] =	ssyncadd.s32 $0xFFFFF000  }
0x1ca: {  	[tilespmem:s8], [sflag:$0x2] =	stream.linear.gather [hbm4b:s3+s5], $0x1000, $0x38;
	[tilespmem:$0x1BFC0] =	vst v63  }
0x1cb: {  	v5 =	vld [tilespmem:s0+$0x0];
	_ =	sdelay $0x4  }
0x1cc: {  	vm0 =	vge.s32 v5, v2;
	vm1 =	vlt.s32 v5, v3  }
0x1cd: {  	v5 =	vsub.s32 v5, v2;
	vm0 =	vmand vm0, vm1  }
0x1ce: {  	s11 =	sshll.u32 s6, $0x7;
	v5 =	vnsel vm0, $0x3200, v5  }
0x1cf: {  	[tilespmem:s11+$0x680] =	vst v5  }
0x1d0: {  	v5 =	vld [tilespmem:s0+$0x10];
	_ =	sdelay $0x3  }
0x1d1: {  	s30 =	simm.s32 $0x4;
	s6 =	simm.s32 $0x3  }
0x1d2: {  	s31 =	sshll.u32 s2, $0xC;
	s3 =	smin.u32 s6, $0x31;
	s0 =	sshll.u32 s2, $0x7;
	vm0 =	vge.s32 v5, v2;
	vm1 =	vlt.s32 v5, v3;
	v5 =	vsub.s32 v5, v2  }
.LBB2_15:
0x1d3: {  	p0 =	sne.s32 s30, $0x32  }
0x1d4: {  	s2 =	sshll.u32 s3, $0x5;
	vm0 =	vmand vm0, vm1;
	s3 =	smov.u32 s30;
	s30 =	sadd.s32 $0x1, s30  }
0x1d5: {  	s8 =	sadd.s32 s29, s2;
	v5 =	vnsel vm0, $0x3200, v5  }
0x1d6: {  	s6 =	sadd.s32 $0xFFFFFFFF, s6;
	s9 =	sor.u32 $0x780, s31;
	s8 =	sshll.u32 s8, $0x4;
	[tilespmem:s11+$0x690] =	vst v5  }
0x1d7: {  	s6 =	sand.u32 $0x1, s6;
	s11 =	sadd.s32 $0x680, s0;
	_ =	swait.ge [sflag:s23], $0x1000  }
0x1d8: {  	s16 =	sxor.u32 $0x1, s6;
	s31 =	sshll.u32 s6, $0xC;
	[sflag:s23] =	ssyncset.done $0x0  }
0x1d9: {  	s0 =	sshll.u32 s6, $0x7;
	s26 =	sshll.u32 s16, $0xC;
	[sflag:s23] =	ssyncadd.s32 $0xFFFFF000  }
0x1da: {  	[spmem:s4] =	stream.indirect.scatter.add.f32 [tilespmem:s9], [sflag:$0x1], $0x80, s11, s19, $0xb8;
	[tilespmem:$0x1BFC0] =	vst v63  }
0x1db: {  	s6 =	smov.u32 s3;
	_ =	swait.ge [sflag:s22], $0x1000  }
0x1dc: {  	[sflag:s22] =	ssyncset.done $0x0  }
0x1dd: {  	s8 =	sadd.s32 s1, s8;
	s3 =	sor.u32 $0x780, s26;
	[sflag:s22] =	ssyncadd.s32 $0xFFFFF000  }
0x1de: {  	[tilespmem:s3], [sflag:$0x2] =	stream.linear.gather [hbm4b:s8+s5], $0x1000, $0x38;
	[tilespmem:$0x1BFC0] =	vst v63  }
0x1df: {  	v5 =	vld [tilespmem:s2+$0x0];
	_ =	sdelay $0x4  }
0x1e0: {  	vm0 =	vge.s32 v5, v2;
	vm1 =	vlt.s32 v5, v3  }
0x1e1: {  	v5 =	vsub.s32 v5, v2;
	vm0 =	vmand vm0, vm1  }
0x1e2: {  	s11 =	sshll.u32 s16, $0x7;
	v5 =	vnsel vm0, $0x3200, v5  }
0x1e3: {  	[tilespmem:s11+$0x680] =	vst v5  }
0x1e4: {  	v5 =	vld [tilespmem:s2+$0x10]  }
.Ltmp6:
0x1e5: {  	(pc) =	sbr.rel @p0 .LBB2_15-.Ltmp6, $2  }
0x1e6: {  	_ =	sdelay $0x2  }
0x1e7: {  	s3 =	smin.u32 s6, $0x31;
	vm0 =	vge.s32 v5, v2;
	vm1 =	vlt.s32 v5, v3;
	v5 =	vsub.s32 v5, v2  }
0x1e8: {  	vm0 =	vmand vm0, vm1  }
0x1e9: {  	v5 =	vnsel vm0, $0x3200, v5  }
0x1ea: {  	[tilespmem:s11+$0x690] =	vst v5  }
0x1eb: {  	s2 =	sshll.u32 s3, $0x5;
	_ =	swait.ge [sflag:s23], $0x1000  }
0x1ec: {  	s9 =	sadd.s32 $0xFFFFFFFF, s6;
	s0 =	sadd.s32 $0x680, s0;
	[sflag:s23] =	ssyncset.done $0x0  }
0x1ed: {  	s3 =	sand.u32 $0x1, s9;
	s11 =	sor.u32 $0x780, s31;
	[sflag:s23] =	ssyncadd.s32 $0xFFFFF000  }
0x1ee: {  	[spmem:s4] =	stream.indirect.scatter.add.f32 [tilespmem:s11], [sflag:$0x1], $0x80, s0, s19, $0xb8;
	[tilespmem:$0x1BFC0] =	vst v63  }
0x1ef: {  	s16 =	sadd.s32 s29, s2;
	s26 =	sxor.u32 $0x1, s3;
	_ =	swait.ge [sflag:s22], $0x1000  }
0x1f0: {  	s8 =	sshll.u32 s26, $0xC;
	s0 =	sshll.u32 s16, $0x4;
	[sflag:s22] =	ssyncset.done $0x0  }
0x1f1: {  	s8 =	sor.u32 $0x780, s8;
	s0 =	sadd.s32 s1, s0;
	[sflag:s22] =	ssyncadd.s32 $0xFFFFF000  }
0x1f2: {  	[tilespmem:s8], [sflag:$0x2] =	stream.linear.gather [hbm4b:s0+s5], $0x1000, $0x38;
	[tilespmem:$0x1BFC0] =	vst v63  }
0x1f3: {  	v5 =	vld [tilespmem:s2+$0x0];
	_ =	sdelay $0x4  }
0x1f4: {  	vm12 =	vge.s32 v5, v2;
	vm13 =	vlt.s32 v5, v3  }
0x1f5: {  	v5 =	vsub.s32 v5, v2;
	vm0 =	vmand vm12, vm13  }
0x1f6: {  	s29 =	sshll.u32 s26, $0x7;
	v5 =	vnsel vm0, $0x3200, v5  }
0x1f7: {  	[tilespmem:s29+$0x680] =	vst v5  }
0x1f8: {  	v5 =	vld [tilespmem:s2+$0x10];
	_ =	sdelay $0x4  }
0x1f9: {  	vm14 =	vge.s32 v5, v2;
	vm15 =	vlt.s32 v5, v3  }
0x1fa: {  	v5 =	vsub.s32 v5, v2;
	vm0 =	vmand vm14, vm15  }
0x1fb: {  	v5 =	vnsel vm0, $0x3200, v5  }
0x1fc: {  	[tilespmem:s29+$0x690] =	vst v5  }
0x1fd: {  	s28 =	sadd.s32 $0x1, s28;
	_ =	swait.ge [sflag:s23], $0x1000  }
0x1fe: {  	s30 =	sshll.u32 s3, $0xC;
	s31 =	sshll.u32 s3, $0x7;
	[sflag:s23] =	ssyncset.done $0x0  }
0x1ff: {  	s0 =	sor.u32 $0x780, s30;
	s2 =	sadd.s32 $0x680, s31;
	[sflag:s23] =	ssyncadd.s32 $0xFFFFF000  }
0x200: {  	[spmem:s4] =	stream.indirect.scatter.add.f32 [tilespmem:s0], [sflag:$0x1], $0x80, s2, s19, $0xb8;
	[tilespmem:$0x1BFC0] =	vst v63  }
0x201: {  	p0 =	sne.s32 s28, $0x8;
	_ =	swait.ge [sflag:s22], $0x1000  }
.Ltmp7:
0x202: {  	[sflag:s22] =	ssyncset.done $0x0;
	(pc) =	sbr.rel @p0 .LBB2_14-.Ltmp7, $4  }
0x203: {  	[sflag:s22] =	ssyncadd.s32 $0xFFFFF000  }
0x204: {  	_ =	swait.ge [sflag:s23], $0x1000  }
0x205: {  	[sflag:s23] =	ssyncset.done $0x0  }
0x206: {  	[sflag:s23] =	ssyncadd.s32 $0xFFFFF000  }
0x207: {  	[bflag:$0x0] =	sbarrier.arrive $0xFFFF  }
0x208: {  	s30 =	rddreg [dreg:$0x6]  }
0x209: {  	[tilespmem:s24], [sflag:$0x3] =	stream.linear.gather [spmem:s30], $0x400, $0x38;
	[tilespmem:$0x1BFC0] =	vst v63  }
0x20a: {  	_ =	swait.ge [sflag:s17], $0x400  }
0x20b: {  	[sflag:s17] =	ssyncset.done $0x0  }
0x20c: {  	[sflag:s17] =	ssyncadd.s32 $0xFFFFFC00  }
0x20d: {  	v6 =	vld [tilespmem:$0x2B30]  }
0x20e: {  	v7 =	vld [tilespmem:$0x2B10]  }
0x20f: {  	v8 =	vld [tilespmem:$0x2B20]  }
0x210: {  	v10 =	vld [tilespmem:$0x2AB0]  }
0x211: {  	v9 =	vld [tilespmem:$0x2B00]  }
0x212: {  	v5 =	vld [tilespmem:$0x2A90];
	[tilespmem:$0x2F30] =	vst v6  }
0x213: {  	v6 =	vld [tilespmem:$0x2AA0];
	[tilespmem:$0x2F10] =	vst v7  }
0x214: {  	v7 =	vld [tilespmem:$0x2A30];
	[tilespmem:$0x2F20] =	vst v8  }
0x215: {  	s28 =	simm.s32 $0x0;
	s29 =	simm.s32 $0x80;
	v8 =	vld [tilespmem:$0x2A80];
	[tilespmem:$0x2EB0] =	vst v10  }
.LBB2_18:
0x216: {  	p0 =	sne.s32 s29, $0x3180  }
0x217: {  	v10 =	vld [tilespmem:$0x2A10];
	[tilespmem:$0x2F00] =	vst v9;
	s30 =	sadd.s32 $0x400, s30;
	s0 =	smov.u32 s29;
	s29 =	sadd.s32 $0x80, s29  }
0x218: {  	v9 =	vld [tilespmem:$0x2A20];
	[tilespmem:$0x2E90] =	vst v5  }
0x219: {  	v5 =	vld [tilespmem:$0x29B0];
	[tilespmem:$0x2EA0] =	vst v6  }
0x21a: {  	v6 =	vld [tilespmem:$0x2A00];
	[tilespmem:$0x2E30] =	vst v7  }
0x21b: {  	v7 =	vld [tilespmem:$0x2990];
	[tilespmem:$0x2E80] =	vst v8  }
0x21c: {  	v8 =	vld [tilespmem:$0x29A0];
	[tilespmem:$0x2E10] =	vst v10  }
0x21d: {  	v10 =	vld [tilespmem:$0x2930];
	[tilespmem:$0x2E20] =	vst v9  }
0x21e: {  	v9 =	vld [tilespmem:$0x2980];
	[tilespmem:$0x2DB0] =	vst v5  }
0x21f: {  	v5 =	vld [tilespmem:$0x2920];
	[tilespmem:$0x2E00] =	vst v6  }
0x220: {  	v6 =	vld [tilespmem:$0x2910];
	[tilespmem:$0x2D90] =	vst v7  }
0x221: {  	v7 =	vld [tilespmem:$0x2900];
	[tilespmem:$0x2DA0] =	vst v8  }
0x222: {  	v8 =	vld [tilespmem:$0x28B0];
	[tilespmem:$0x2D30] =	vst v10  }
0x223: {  	v10 =	vld [tilespmem:$0x28A0];
	[tilespmem:$0x2D80] =	vst v9  }
0x224: {  	v9 =	vld [tilespmem:$0x2890];
	[tilespmem:$0x2D20] =	vst v5  }
0x225: {  	v5 =	vld [tilespmem:$0x2880];
	[tilespmem:$0x2D10] =	vst v6  }
0x226: {  	v6 =	vld [tilespmem:$0x2830];
	[tilespmem:$0x2D00] =	vst v7  }
0x227: {  	v7 =	vld [tilespmem:$0x2820];
	[tilespmem:$0x2CB0] =	vst v8  }
0x228: {  	v8 =	vld [tilespmem:$0x2810];
	[tilespmem:$0x2CA0] =	vst v10  }
0x229: {  	v10 =	vld [tilespmem:$0x27B0];
	[tilespmem:$0x2C90] =	vst v9  }
0x22a: {  	v9 =	vld [tilespmem:$0x2800];
	[tilespmem:$0x2C80] =	vst v5  }
0x22b: {  	v5 =	vld [tilespmem:$0x2780];
	[tilespmem:$0x2C30] =	vst v6  }
0x22c: {  	v6 =	vld [tilespmem:$0x27A0];
	[tilespmem:$0x2C20] =	vst v7  }
0x22d: {  	v7 =	vld [tilespmem:$0x2790];
	[tilespmem:$0x2C10] =	vst v8  }
0x22e: {  	[tilespmem:$0x2BB0] =	vst v10  }
0x22f: {  	[tilespmem:$0x2C00] =	vst v9  }
0x230: {  	[tilespmem:$0x2B80] =	vst v5  }
0x231: {  	s2 =	sadd.s32 s28, s14;
	s28 =	smov.u32 s0;
	[tilespmem:$0x2BA0] =	vst v6  }
0x232: {  	[tilespmem:$0x2B90] =	vst v7  }
0x233: {  	[hbm4b:s2+s5] =	stream.linear.scatter [tilespmem:s25], [sflag:$0x3], $0x400, $0x38;
	[tilespmem:$0x1BFC0] =	vst v63  }
0x234: {  	_ =	swait.ge [sflag:s17], $0x400  }
0x235: {  	[sflag:s17] =	ssyncset.done $0x0  }
0x236: {  	[sflag:s17] =	ssyncadd.s32 $0xFFFFFC00  }
0x237: {  	[tilespmem:s24], [sflag:$0x3] =	stream.linear.gather [spmem:s30], $0x400, $0x38;
	[tilespmem:$0x1BFC0] =	vst v63  }
0x238: {  	_ =	swait.ge [sflag:s17], $0x400  }
0x239: {  	[sflag:s17] =	ssyncset.done $0x0  }
0x23a: {  	[sflag:s17] =	ssyncadd.s32 $0xFFFFFC00  }
0x23b: {  	v6 =	vld [tilespmem:$0x2B30]  }
0x23c: {  	v7 =	vld [tilespmem:$0x2B10]  }
0x23d: {  	v8 =	vld [tilespmem:$0x2B20]  }
0x23e: {  	v10 =	vld [tilespmem:$0x2AB0]  }
.Ltmp8:
0x23f: {  	v9 =	vld [tilespmem:$0x2B00];
	(pc) =	sbr.rel @p0 .LBB2_18-.Ltmp8, $4  }
0x240: {  	v5 =	vld [tilespmem:$0x2A90];
	[tilespmem:$0x2F30] =	vst v6  }
0x241: {  	v6 =	vld [tilespmem:$0x2AA0];
	[tilespmem:$0x2F10] =	vst v7  }
0x242: {  	v7 =	vld [tilespmem:$0x2A30];
	[tilespmem:$0x2F20] =	vst v8  }
0x243: {  	v8 =	vld [tilespmem:$0x2A80];
	[tilespmem:$0x2EB0] =	vst v10  }
0x244: {  	v10 =	vld [tilespmem:$0x2A10];
	[tilespmem:$0x2F00] =	vst v9  }
0x245: {  	v54 =	vld [tilespmem:$0x2A20];
	[tilespmem:$0x2E90] =	vst v5  }
0x246: {  	v55 =	vld [tilespmem:$0x29A0];
	[tilespmem:$0x2EA0] =	vst v6  }
0x247: {  	v56 =	vld [tilespmem:$0x2930];
	[tilespmem:$0x2E30] =	vst v7  }
0x248: {  	v57 =	vld [tilespmem:$0x2980];
	[tilespmem:$0x2E80] =	vst v8  }
0x249: {  	v5 =	vld [tilespmem:$0x29B0];
	[tilespmem:$0x2E10] =	vst v10  }
0x24a: {  	v6 =	vld [tilespmem:$0x2A00];
	[tilespmem:$0x2E20] =	vst v54  }
0x24b: {  	v7 =	vld [tilespmem:$0x2990];
	[tilespmem:$0x2DA0] =	vst v55  }
0x24c: {  	v58 =	vld [tilespmem:$0x28B0];
	[tilespmem:$0x2D30] =	vst v56  }
0x24d: {  	v59 =	vld [tilespmem:$0x28A0];
	[tilespmem:$0x2D80] =	vst v57  }
0x24e: {  	[tilespmem:$0x2DB0] =	vst v5;
	v5 =	vld [tilespmem:$0x2920]  }
0x24f: {  	[tilespmem:$0x2E00] =	vst v6;
	v6 =	vld [tilespmem:$0x2910]  }
0x250: {  	[tilespmem:$0x2D90] =	vst v7;
	v7 =	vld [tilespmem:$0x2900]  }
0x251: {  	v60 =	vld [tilespmem:$0x2890];
	[tilespmem:$0x2CB0] =	vst v58  }
0x252: {  	v61 =	vld [tilespmem:$0x2810];
	[tilespmem:$0x2CA0] =	vst v59  }
0x253: {  	[tilespmem:$0x2D20] =	vst v5;
	v5 =	vld [tilespmem:$0x2880]  }
0x254: {  	[tilespmem:$0x2D10] =	vst v6;
	v6 =	vld [tilespmem:$0x2830]  }
0x255: {  	[tilespmem:$0x2D00] =	vst v7;
	v7 =	vld [tilespmem:$0x2820]  }
0x256: {  	v62 =	vld [tilespmem:$0x27B0];
	[tilespmem:$0x2C90] =	vst v60  }
0x257: {  	v63 =	vld [tilespmem:$0x2800];
	[tilespmem:$0x2C10] =	vst v61  }
0x258: {  	[tilespmem:$0x2C80] =	vst v5;
	v5 =	vld [tilespmem:$0x2780]  }
0x259: {  	[tilespmem:$0x2C30] =	vst v6;
	v6 =	vld [tilespmem:$0x27A0]  }
0x25a: {  	[tilespmem:$0x2C20] =	vst v7;
	v7 =	vld [tilespmem:$0x2790]  }
0x25b: {  	[tilespmem:$0x2BB0] =	vst v62  }
0x25c: {  	[tilespmem:$0x2C00] =	vst v63  }
0x25d: {  	[tilespmem:$0x2B80] =	vst v5  }
0x25e: {  	[tilespmem:$0x2BA0] =	vst v6  }
0x25f: {  	s0 =	sadd.s32 s28, s14;
	[tilespmem:$0x2B90] =	vst v7  }
0x260: {  	[hbm4b:s0+s5] =	stream.linear.scatter [tilespmem:s25], [sflag:$0x3], $0x400, $0x38;
	[tilespmem:$0x1BFC0] =	vst v63  }
0x261: {  	_ =	swait.ge [sflag:s17], $0x400  }
0x262: {  	[sflag:s17] =	ssyncset.done $0x0  }
0x263: {  	[sflag:s17] =	ssyncadd.s32 $0xFFFFFC00  }
0x264: {  	[bflag:$0x0] =	sbarrier.arrive $0xFFFF  }
0x265: {  	s31 =	rddreg [dreg:$0x2]  }
0x266: {  	s2 =	rddreg [dreg:$0x7]  }
0x267: {  	s3 =	rddreg [dreg:$0x9]  }
0x268: {  	[spmem:s3], [sflag:s2] =	dma.local [hbm:s31], $0x3200  }
0x269: {  	_ =	swait.ge [sflag:s17], $0x3200  }
0x26a: {  	[sflag:s17] =	ssyncset.done $0x0  }
0x26b: {  	[sflag:s17] =	ssyncadd.s32 $0xFFFFCE00  }
0x26c: {  	s28 =	simm.s32 $0x0;
	[bflag:$0x0] =	sbarrier.arrive $0xFFFF  }
.LBB2_20:
0x26d: {  	s0 =	smul.u32 $0x640, s28;
	_ =	sdelay $0x1  }
0x26e: {  	s29 =	sadd.s32 s7, s0  }
0x26f: {  	s2 =	rddreg [dreg:$0x1];
	s0 =	sshrl.u32 s29, $0x3  }
0x270: {  	s0 =	sadd.s32 s2, s0  }
0x271: {  	[tilespmem:s5], [sflag:$0x3] =	stream.linear.gather [hbm4b:s0+s5], $0x640, $0x38;
	[tilespmem:$0x1BFC0] =	vst v63  }
0x272: {  	_ =	swait.ge [sflag:s17], $0x640  }
0x273: {  	[sflag:s17] =	ssyncset.done $0x0  }
0x274: {  	[sflag:s17] =	ssyncadd.s32 $0xFFFFF9C0  }
0x275: {  	v5 =	vld [tilespmem:$0x0]  }
0x276: {  	v6 =	vld [tilespmem:$0x10];
	_ =	sdelay $0x3  }
0x277: {  	vm0 =	vge.s32 v5, v3;
	vm1 =	vlt.s32 v5, v4;
	v5 =	vsub.s32 v5, v3  }
0x278: {  	vm2 =	vlt.s32 v6, v4;
	vm0 =	vmand vm0, vm1;
	vm1 =	vge.s32 v6, v3  }
0x279: {  	v6 =	vsub.s32 v6, v3;
	v5 =	vnsel vm0, $0x3200, v5;
	vm0 =	vmand vm1, vm2  }
0x27a: {  	s8 =	sshll.u32 s29, $0x4;
	[tilespmem:$0x680] =	vst v5;
	v5 =	vnsel vm0, $0x3200, v6  }
0x27b: {  	s11 =	simm.s32 $0x2;
	s9 =	sadd.s32 s1, s8;
	[tilespmem:$0x690] =	vst v5  }
0x27c: {  	[tilespmem:s18], [sflag:$0x2] =	stream.linear.gather [hbm4b:s9+s5], $0x1000, $0x38;
	[tilespmem:$0x1BFC0] =	vst v63  }
0x27d: {  	_ =	swait.ge [sflag:s11], $0x1000  }
0x27e: {  	[sflag:s11] =	ssyncset.done $0x0  }
0x27f: {  	[sflag:s11] =	ssyncadd.s32 $0xFFFFF000  }
0x280: {  	[spmem:s4] =	stream.indirect.scatter.add.f32 [tilespmem:s18], [sflag:$0x1], $0x80, s20, s19, $0xb8;
	[tilespmem:$0x1BFC0] =	vst v63  }
0x281: {  	s0 =	sadd.s32 s8, s10  }
0x282: {  	[tilespmem:s21], [sflag:$0x2] =	stream.linear.gather [hbm4b:s0+s5], $0x1000, $0x38;
	[tilespmem:$0x1BFC0] =	vst v63  }
0x283: {  	v5 =	vld [tilespmem:$0x20]  }
0x284: {  	v6 =	vld [tilespmem:$0x30];
	_ =	sdelay $0x3  }
0x285: {  	vm0 =	vge.s32 v5, v3;
	vm1 =	vlt.s32 v5, v4;
	v5 =	vsub.s32 v5, v3  }
0x286: {  	vm2 =	vlt.s32 v6, v4;
	vm0 =	vmand vm0, vm1;
	vm1 =	vge.s32 v6, v3  }
0x287: {  	v6 =	vsub.s32 v6, v3;
	v5 =	vnsel vm0, $0x3200, v5;
	vm0 =	vmand vm1, vm2  }
0x288: {  	s26 =	simm.s32 $0x1;
	s16 =	smin.u32 s11, $0x31;
	[tilespmem:$0x700] =	vst v5;
	v5 =	vnsel vm0, $0x3200, v6  }
0x289: {  	s2 =	sand.u32 $0x1, s26;
	s0 =	sshll.u32 s16, $0x5;
	[tilespmem:$0x710] =	vst v5  }
0x28a: {  	s6 =	sxor.u32 $0x1, s2;
	s3 =	sadd.s32 s29, s0;
	_ =	swait.ge [sflag:s22], $0x1000  }
0x28b: {  	s8 =	sshll.u32 s6, $0xC;
	s3 =	sshll.u32 s3, $0x4;
	[sflag:s22] =	ssyncset.done $0x0  }
0x28c: {  	s8 =	sor.u32 $0x780, s8;
	s3 =	sadd.s32 s1, s3;
	[sflag:s22] =	ssyncadd.s32 $0xFFFFF000  }
0x28d: {  	[tilespmem:s8], [sflag:$0x2] =	stream.linear.gather [hbm4b:s3+s5], $0x1000, $0x38;
	[tilespmem:$0x1BFC0] =	vst v63  }
0x28e: {  	v5 =	vld [tilespmem:s0+$0x0];
	_ =	sdelay $0x4  }
0x28f: {  	vm0 =	vge.s32 v5, v3;
	vm1 =	vlt.s32 v5, v4  }
0x290: {  	v5 =	vsub.s32 v5, v3;
	vm0 =	vmand vm0, vm1  }
0x291: {  	s11 =	sshll.u32 s6, $0x7;
	v5 =	vnsel vm0, $0x3200, v5  }
0x292: {  	[tilespmem:s11+$0x680] =	vst v5  }
0x293: {  	v5 =	vld [tilespmem:s0+$0x10];
	_ =	sdelay $0x3  }
0x294: {  	s30 =	simm.s32 $0x4;
	s6 =	simm.s32 $0x3  }
0x295: {  	s31 =	sshll.u32 s2, $0xC;
	s3 =	smin.u32 s6, $0x31;
	s0 =	sshll.u32 s2, $0x7;
	vm0 =	vge.s32 v5, v3;
	vm1 =	vlt.s32 v5, v4;
	v5 =	vsub.s32 v5, v3  }
.LBB2_21:
0x296: {  	p0 =	sne.s32 s30, $0x32  }
0x297: {  	s2 =	sshll.u32 s3, $0x5;
	vm0 =	vmand vm0, vm1;
	s3 =	smov.u32 s30;
	s30 =	sadd.s32 $0x1, s30  }
0x298: {  	s8 =	sadd.s32 s29, s2;
	v5 =	vnsel vm0, $0x3200, v5  }
0x299: {  	s6 =	sadd.s32 $0xFFFFFFFF, s6;
	s9 =	sor.u32 $0x780, s31;
	s8 =	sshll.u32 s8, $0x4;
	[tilespmem:s11+$0x690] =	vst v5  }
0x29a: {  	s6 =	sand.u32 $0x1, s6;
	s11 =	sadd.s32 $0x680, s0;
	_ =	swait.ge [sflag:s23], $0x1000  }
0x29b: {  	s16 =	sxor.u32 $0x1, s6;
	s31 =	sshll.u32 s6, $0xC;
	[sflag:s23] =	ssyncset.done $0x0  }
0x29c: {  	s0 =	sshll.u32 s6, $0x7;
	s26 =	sshll.u32 s16, $0xC;
	[sflag:s23] =	ssyncadd.s32 $0xFFFFF000  }
0x29d: {  	[spmem:s4] =	stream.indirect.scatter.add.f32 [tilespmem:s9], [sflag:$0x1], $0x80, s11, s19, $0xb8;
	[tilespmem:$0x1BFC0] =	vst v63  }
0x29e: {  	s6 =	smov.u32 s3;
	_ =	swait.ge [sflag:s22], $0x1000  }
0x29f: {  	[sflag:s22] =	ssyncset.done $0x0  }
0x2a0: {  	s8 =	sadd.s32 s1, s8;
	s3 =	sor.u32 $0x780, s26;
	[sflag:s22] =	ssyncadd.s32 $0xFFFFF000  }
0x2a1: {  	[tilespmem:s3], [sflag:$0x2] =	stream.linear.gather [hbm4b:s8+s5], $0x1000, $0x38;
	[tilespmem:$0x1BFC0] =	vst v63  }
0x2a2: {  	v5 =	vld [tilespmem:s2+$0x0];
	_ =	sdelay $0x4  }
0x2a3: {  	vm0 =	vge.s32 v5, v3;
	vm1 =	vlt.s32 v5, v4  }
0x2a4: {  	v5 =	vsub.s32 v5, v3;
	vm0 =	vmand vm0, vm1  }
0x2a5: {  	s11 =	sshll.u32 s16, $0x7;
	v5 =	vnsel vm0, $0x3200, v5  }
0x2a6: {  	[tilespmem:s11+$0x680] =	vst v5  }
0x2a7: {  	v5 =	vld [tilespmem:s2+$0x10]  }
.Ltmp9:
0x2a8: {  	(pc) =	sbr.rel @p0 .LBB2_21-.Ltmp9, $2  }
0x2a9: {  	_ =	sdelay $0x2  }
0x2aa: {  	s3 =	smin.u32 s6, $0x31;
	vm0 =	vge.s32 v5, v3;
	vm1 =	vlt.s32 v5, v4;
	v5 =	vsub.s32 v5, v3  }
0x2ab: {  	vm0 =	vmand vm0, vm1  }
0x2ac: {  	v5 =	vnsel vm0, $0x3200, v5  }
0x2ad: {  	[tilespmem:s11+$0x690] =	vst v5  }
0x2ae: {  	s2 =	sshll.u32 s3, $0x5;
	_ =	swait.ge [sflag:s23], $0x1000  }
0x2af: {  	s9 =	sadd.s32 $0xFFFFFFFF, s6;
	s0 =	sadd.s32 $0x680, s0;
	[sflag:s23] =	ssyncset.done $0x0  }
0x2b0: {  	s3 =	sand.u32 $0x1, s9;
	s11 =	sor.u32 $0x780, s31;
	[sflag:s23] =	ssyncadd.s32 $0xFFFFF000  }
0x2b1: {  	[spmem:s4] =	stream.indirect.scatter.add.f32 [tilespmem:s11], [sflag:$0x1], $0x80, s0, s19, $0xb8;
	[tilespmem:$0x1BFC0] =	vst v63  }
0x2b2: {  	s16 =	sadd.s32 s29, s2;
	s26 =	sxor.u32 $0x1, s3;
	_ =	swait.ge [sflag:s22], $0x1000  }
0x2b3: {  	s8 =	sshll.u32 s26, $0xC;
	s0 =	sshll.u32 s16, $0x4;
	[sflag:s22] =	ssyncset.done $0x0  }
0x2b4: {  	s8 =	sor.u32 $0x780, s8;
	s0 =	sadd.s32 s1, s0;
	[sflag:s22] =	ssyncadd.s32 $0xFFFFF000  }
0x2b5: {  	[tilespmem:s8], [sflag:$0x2] =	stream.linear.gather [hbm4b:s0+s5], $0x1000, $0x38;
	[tilespmem:$0x1BFC0] =	vst v63  }
0x2b6: {  	v5 =	vld [tilespmem:s2+$0x0];
	_ =	sdelay $0x4  }
0x2b7: {  	vm12 =	vge.s32 v5, v3;
	vm13 =	vlt.s32 v5, v4  }
0x2b8: {  	v5 =	vsub.s32 v5, v3;
	vm0 =	vmand vm12, vm13  }
0x2b9: {  	s29 =	sshll.u32 s26, $0x7;
	v5 =	vnsel vm0, $0x3200, v5  }
0x2ba: {  	[tilespmem:s29+$0x680] =	vst v5  }
0x2bb: {  	v5 =	vld [tilespmem:s2+$0x10];
	_ =	sdelay $0x4  }
0x2bc: {  	vm14 =	vge.s32 v5, v3;
	vm15 =	vlt.s32 v5, v4  }
0x2bd: {  	v5 =	vsub.s32 v5, v3;
	vm0 =	vmand vm14, vm15  }
0x2be: {  	v5 =	vnsel vm0, $0x3200, v5  }
0x2bf: {  	[tilespmem:s29+$0x690] =	vst v5  }
0x2c0: {  	s28 =	sadd.s32 $0x1, s28;
	_ =	swait.ge [sflag:s23], $0x1000  }
0x2c1: {  	s30 =	sshll.u32 s3, $0xC;
	s31 =	sshll.u32 s3, $0x7;
	[sflag:s23] =	ssyncset.done $0x0  }
0x2c2: {  	s0 =	sor.u32 $0x780, s30;
	s2 =	sadd.s32 $0x680, s31;
	[sflag:s23] =	ssyncadd.s32 $0xFFFFF000  }
0x2c3: {  	[spmem:s4] =	stream.indirect.scatter.add.f32 [tilespmem:s0], [sflag:$0x1], $0x80, s2, s19, $0xb8;
	[tilespmem:$0x1BFC0] =	vst v63  }
0x2c4: {  	p0 =	sne.s32 s28, $0x8;
	_ =	swait.ge [sflag:s22], $0x1000  }
.Ltmp10:
0x2c5: {  	[sflag:s22] =	ssyncset.done $0x0;
	(pc) =	sbr.rel @p0 .LBB2_20-.Ltmp10, $4  }
0x2c6: {  	[sflag:s22] =	ssyncadd.s32 $0xFFFFF000  }
0x2c7: {  	_ =	swait.ge [sflag:s23], $0x1000  }
0x2c8: {  	[sflag:s23] =	ssyncset.done $0x0  }
0x2c9: {  	[sflag:s23] =	ssyncadd.s32 $0xFFFFF000  }
0x2ca: {  	[bflag:$0x0] =	sbarrier.arrive $0xFFFF  }
0x2cb: {  	s30 =	rddreg [dreg:$0x6]  }
0x2cc: {  	[tilespmem:s24], [sflag:$0x3] =	stream.linear.gather [spmem:s30], $0x400, $0x38;
	[tilespmem:$0x1BFC0] =	vst v63  }
0x2cd: {  	_ =	swait.ge [sflag:s17], $0x400  }
0x2ce: {  	[sflag:s17] =	ssyncset.done $0x0  }
0x2cf: {  	[sflag:s17] =	ssyncadd.s32 $0xFFFFFC00  }
0x2d0: {  	v6 =	vld [tilespmem:$0x2B30]  }
0x2d1: {  	v7 =	vld [tilespmem:$0x2B10]  }
0x2d2: {  	v8 =	vld [tilespmem:$0x2B20]  }
0x2d3: {  	v10 =	vld [tilespmem:$0x2AB0]  }
0x2d4: {  	v9 =	vld [tilespmem:$0x2B00]  }
0x2d5: {  	v5 =	vld [tilespmem:$0x2A90];
	[tilespmem:$0x2F30] =	vst v6  }
0x2d6: {  	v6 =	vld [tilespmem:$0x2AA0];
	[tilespmem:$0x2F10] =	vst v7  }
0x2d7: {  	v7 =	vld [tilespmem:$0x2A30];
	[tilespmem:$0x2F20] =	vst v8  }
0x2d8: {  	s28 =	simm.s32 $0x0;
	s29 =	simm.s32 $0x80;
	v8 =	vld [tilespmem:$0x2A80];
	[tilespmem:$0x2EB0] =	vst v10  }
.LBB2_24:
0x2d9: {  	p0 =	sne.s32 s29, $0x3180  }
0x2da: {  	v10 =	vld [tilespmem:$0x2A10];
	[tilespmem:$0x2F00] =	vst v9;
	s30 =	sadd.s32 $0x400, s30;
	s0 =	smov.u32 s29;
	s29 =	sadd.s32 $0x80, s29  }
0x2db: {  	v9 =	vld [tilespmem:$0x2A20];
	[tilespmem:$0x2E90] =	vst v5  }
0x2dc: {  	v5 =	vld [tilespmem:$0x29B0];
	[tilespmem:$0x2EA0] =	vst v6  }
0x2dd: {  	v6 =	vld [tilespmem:$0x2A00];
	[tilespmem:$0x2E30] =	vst v7  }
0x2de: {  	v7 =	vld [tilespmem:$0x2990];
	[tilespmem:$0x2E80] =	vst v8  }
0x2df: {  	v8 =	vld [tilespmem:$0x29A0];
	[tilespmem:$0x2E10] =	vst v10  }
0x2e0: {  	v10 =	vld [tilespmem:$0x2930];
	[tilespmem:$0x2E20] =	vst v9  }
0x2e1: {  	v9 =	vld [tilespmem:$0x2980];
	[tilespmem:$0x2DB0] =	vst v5  }
0x2e2: {  	v5 =	vld [tilespmem:$0x2920];
	[tilespmem:$0x2E00] =	vst v6  }
0x2e3: {  	v6 =	vld [tilespmem:$0x2910];
	[tilespmem:$0x2D90] =	vst v7  }
0x2e4: {  	v7 =	vld [tilespmem:$0x2900];
	[tilespmem:$0x2DA0] =	vst v8  }
0x2e5: {  	v8 =	vld [tilespmem:$0x28B0];
	[tilespmem:$0x2D30] =	vst v10  }
0x2e6: {  	v10 =	vld [tilespmem:$0x28A0];
	[tilespmem:$0x2D80] =	vst v9  }
0x2e7: {  	v9 =	vld [tilespmem:$0x2890];
	[tilespmem:$0x2D20] =	vst v5  }
0x2e8: {  	v5 =	vld [tilespmem:$0x2880];
	[tilespmem:$0x2D10] =	vst v6  }
0x2e9: {  	v6 =	vld [tilespmem:$0x2830];
	[tilespmem:$0x2D00] =	vst v7  }
0x2ea: {  	v7 =	vld [tilespmem:$0x2820];
	[tilespmem:$0x2CB0] =	vst v8  }
0x2eb: {  	v8 =	vld [tilespmem:$0x2810];
	[tilespmem:$0x2CA0] =	vst v10  }
0x2ec: {  	v10 =	vld [tilespmem:$0x27B0];
	[tilespmem:$0x2C90] =	vst v9  }
0x2ed: {  	v9 =	vld [tilespmem:$0x2800];
	[tilespmem:$0x2C80] =	vst v5  }
0x2ee: {  	v5 =	vld [tilespmem:$0x2780];
	[tilespmem:$0x2C30] =	vst v6  }
0x2ef: {  	v6 =	vld [tilespmem:$0x27A0];
	[tilespmem:$0x2C20] =	vst v7  }
0x2f0: {  	v7 =	vld [tilespmem:$0x2790];
	[tilespmem:$0x2C10] =	vst v8  }
0x2f1: {  	[tilespmem:$0x2BB0] =	vst v10  }
0x2f2: {  	[tilespmem:$0x2C00] =	vst v9  }
0x2f3: {  	[tilespmem:$0x2B80] =	vst v5  }
0x2f4: {  	s2 =	sadd.s32 s28, s15;
	s28 =	smov.u32 s0;
	[tilespmem:$0x2BA0] =	vst v6  }
0x2f5: {  	[tilespmem:$0x2B90] =	vst v7  }
0x2f6: {  	[hbm4b:s2+s5] =	stream.linear.scatter [tilespmem:s25], [sflag:$0x3], $0x400, $0x38;
	[tilespmem:$0x1BFC0] =	vst v63  }
0x2f7: {  	_ =	swait.ge [sflag:s17], $0x400  }
0x2f8: {  	[sflag:s17] =	ssyncset.done $0x0  }
0x2f9: {  	[sflag:s17] =	ssyncadd.s32 $0xFFFFFC00  }
0x2fa: {  	[tilespmem:s24], [sflag:$0x3] =	stream.linear.gather [spmem:s30], $0x400, $0x38;
	[tilespmem:$0x1BFC0] =	vst v63  }
0x2fb: {  	_ =	swait.ge [sflag:s17], $0x400  }
0x2fc: {  	[sflag:s17] =	ssyncset.done $0x0  }
0x2fd: {  	[sflag:s17] =	ssyncadd.s32 $0xFFFFFC00  }
0x2fe: {  	v6 =	vld [tilespmem:$0x2B30]  }
0x2ff: {  	v7 =	vld [tilespmem:$0x2B10]  }
0x300: {  	v8 =	vld [tilespmem:$0x2B20]  }
0x301: {  	v10 =	vld [tilespmem:$0x2AB0]  }
.Ltmp11:
0x302: {  	v9 =	vld [tilespmem:$0x2B00];
	(pc) =	sbr.rel @p0 .LBB2_24-.Ltmp11, $4  }
0x303: {  	v5 =	vld [tilespmem:$0x2A90];
	[tilespmem:$0x2F30] =	vst v6  }
0x304: {  	v6 =	vld [tilespmem:$0x2AA0];
	[tilespmem:$0x2F10] =	vst v7  }
0x305: {  	v7 =	vld [tilespmem:$0x2A30];
	[tilespmem:$0x2F20] =	vst v8  }
0x306: {  	v8 =	vld [tilespmem:$0x2A80];
	[tilespmem:$0x2EB0] =	vst v10  }
0x307: {  	v10 =	vld [tilespmem:$0x2A10];
	[tilespmem:$0x2F00] =	vst v9  }
0x308: {  	v54 =	vld [tilespmem:$0x2A20];
	[tilespmem:$0x2E90] =	vst v5  }
0x309: {  	v55 =	vld [tilespmem:$0x29A0];
	[tilespmem:$0x2EA0] =	vst v6  }
0x30a: {  	v56 =	vld [tilespmem:$0x2930];
	[tilespmem:$0x2E30] =	vst v7  }
0x30b: {  	v57 =	vld [tilespmem:$0x2980];
	[tilespmem:$0x2E80] =	vst v8  }
0x30c: {  	v5 =	vld [tilespmem:$0x29B0];
	[tilespmem:$0x2E10] =	vst v10  }
0x30d: {  	v6 =	vld [tilespmem:$0x2A00];
	[tilespmem:$0x2E20] =	vst v54  }
0x30e: {  	v7 =	vld [tilespmem:$0x2990];
	[tilespmem:$0x2DA0] =	vst v55  }
0x30f: {  	v58 =	vld [tilespmem:$0x28B0];
	[tilespmem:$0x2D30] =	vst v56  }
0x310: {  	v59 =	vld [tilespmem:$0x28A0];
	[tilespmem:$0x2D80] =	vst v57  }
0x311: {  	[tilespmem:$0x2DB0] =	vst v5;
	v5 =	vld [tilespmem:$0x2920]  }
0x312: {  	[tilespmem:$0x2E00] =	vst v6;
	v6 =	vld [tilespmem:$0x2910]  }
0x313: {  	[tilespmem:$0x2D90] =	vst v7;
	v7 =	vld [tilespmem:$0x2900]  }
0x314: {  	v60 =	vld [tilespmem:$0x2890];
	[tilespmem:$0x2CB0] =	vst v58  }
0x315: {  	v61 =	vld [tilespmem:$0x2810];
	[tilespmem:$0x2CA0] =	vst v59  }
0x316: {  	[tilespmem:$0x2D20] =	vst v5;
	v5 =	vld [tilespmem:$0x2880]  }
0x317: {  	[tilespmem:$0x2D10] =	vst v6;
	v6 =	vld [tilespmem:$0x2830]  }
0x318: {  	[tilespmem:$0x2D00] =	vst v7;
	v7 =	vld [tilespmem:$0x2820]  }
0x319: {  	v62 =	vld [tilespmem:$0x27B0];
	[tilespmem:$0x2C90] =	vst v60  }
0x31a: {  	v63 =	vld [tilespmem:$0x2800];
	[tilespmem:$0x2C10] =	vst v61  }
0x31b: {  	[tilespmem:$0x2C80] =	vst v5;
	v5 =	vld [tilespmem:$0x2780]  }
0x31c: {  	[tilespmem:$0x2C30] =	vst v6;
	v6 =	vld [tilespmem:$0x27A0]  }
0x31d: {  	[tilespmem:$0x2C20] =	vst v7;
	v7 =	vld [tilespmem:$0x2790]  }
0x31e: {  	[tilespmem:$0x2BB0] =	vst v62  }
0x31f: {  	[tilespmem:$0x2C00] =	vst v63  }
0x320: {  	[tilespmem:$0x2B80] =	vst v5  }
0x321: {  	[tilespmem:$0x2BA0] =	vst v6  }
0x322: {  	s0 =	sadd.s32 s28, s15;
	[tilespmem:$0x2B90] =	vst v7  }
0x323: {  	[hbm4b:s0+s5] =	stream.linear.scatter [tilespmem:s25], [sflag:$0x3], $0x400, $0x38;
	[tilespmem:$0x1BFC0] =	vst v63  }
0x324: {  	_ =	swait.ge [sflag:s17], $0x400  }
0x325: {  	s2 =	rddreg [dreg:$0xa]  }
0x326: {  	s31 =	rddreg [dreg:$0x8];
	s2 =	sadd.s32 $0x1, s2  }
0x327: {  	p0 =	sne.s32 s2, s31  }
.Ltmp12:
0x328: {  	_ = 	snop;
	(pc) =	sbr.rel @p0 .LBB2_1-.Ltmp12, $3  }
0x329: {  	[sflag:s17] =	ssyncset.done $0x0  }
0x32a: {  	[sflag:s17] =	ssyncadd.s32 $0xFFFFFC00  }
0x32b: {  	[bflag:$0x0] =	sbarrier.arrive $0xFFFF;
	_ =	sdelay $0x1  }
0x32c: {  	_ =	sfence.sel $0x180000  }
0x32d: {  	[bflag:$0x0] =	sbarrier.arrive $0xFFFF  }
0x32e: {  	_ =	strace $0x90000047  }
0x32f: {  	s0 =	stileid.u32;
	[bflag:$0x2] =	sbarrier.arrive $0xFFFF  }
0x330: {  	p0 =	sne.s32 s0, $0x0;
	s0 =	rddreg [dreg:$0x5]  }
0x331: {  	s0 =	sadd.s32 @!p0 $0x100000, s0  }
0x332: {  	[sflag:s0] =	ssyncadd.tile.s32 @!p0 $0x1;
	_ =	shalt  }
.Lfunc_end2:
_tile_overlayer_lowered:
.L_overlay_start_2:
0x333: {  	(tag) =	ssettag $0x2  }
0x334: {  	s0 =	rddreg [dreg:$0x0];
	s2 =	stileid.u32  }
0x335: {  	s1 =	rddreg [dreg:$0x1];
	p0 =	sne.s32 s2, $0x0  }
0x336: {  	s3 =	rddreg [dreg:$0x2];
	[bflag:$0x3] =	sbarrier.arrive $0xFFFF;
	s2 =	simm.s32 @!p0 $0x1C03  }
0x337: {  	[timem:s3], [sflag:s2] =	dma.local @!p0 [hbm:s0], s1  }
0x338: {  	s0 =	simm.s32 @!p0 $0x3  }
0x339: {  	_ =	swait.ge @!p0 [sflag:s0], s1  }
0x33a: {  	s1 =	ssub.s32 @!p0 $0x0, s1;
	[sflag:s0] =	ssyncset.done @!p0 $0x0  }
0x33b: {  	[sflag:s0] =	ssyncadd.s32 @!p0 s1  }
0x33c: {  	[bflag:$0x3] =	sbarrier.arrive $0xFFFF  }
0x33d: {  	_ =	shalt  }

</sc_bundles>
